<compile_context>
chip_gen: v7x
topology: tpu7x:2x2x1
jax: 0.10.2.dev20260603
libtpu: 0.0.44.dev20260713+nightly
codegen_flags: <defaults>
</compile_context>

<pallas_src>
import jax
import jax.numpy as jnp
from jax import lax
from jax.experimental import pallas as pl
from jax.experimental.pallas import tpu as pltpu
from jax.experimental.pallas import tpu_sc as plsc

N = 5000
PADN = 5120
W = 16
C = PADN // W
SLICES = C // 16
SCORE_TH = 0.05
NMS_TH = 0.5
MAX_DET = 100
NEG_INF = float("-inf")

_GATHER_DNUMS = lax.GatherDimensionNumbers(
    offset_dims=(), collapsed_slice_dims=(0,), start_index_map=(0,))


def _shuffle16(x, idx):
    return lax.gather(x, idx[:, None], _GATHER_DNUMS, (1,),
                      mode=lax.GatherScatterMode.PROMISE_IN_BOUNDS)


def _lex_gt(xv, xi, yv, yi):
    return (xv > yv) | ((xv == yv) & (xi < yi))


def _merge2(a1v, a1i, a2v, a2i, b1v, b1i, b2v, b2i):
    takeb = _lex_gt(b1v, b1i, a1v, a1i)
    n1v = jnp.where(takeb, b1v, a1v)
    n1i = jnp.where(takeb, b1i, a1i)
    l1v = jnp.where(takeb, a1v, b1v)
    l1i = jnp.where(takeb, a1i, b1i)
    w2v = jnp.where(takeb, b2v, a2v)
    w2i = jnp.where(takeb, b2i, a2i)
    take2 = _lex_gt(w2v, w2i, l1v, l1i)
    n2v = jnp.where(take2, w2v, l1v)
    n2i = jnp.where(take2, w2i, l1i)
    return n1v, n1i, n2v, n2i


def _body(x1_hbm, y1_hbm, x2_hbm, y2_hbm, s_hbm, out_hbm,
          x1f, y1f, x2f, y2f,
          x1c, y1c, x2c, y2c, sc_, areac,
          pub, lpub, win_l, outbuf,
          sh_pub, sh_win):
    cid = lax.axis_index("c")
    wid = lax.axis_index("s")

    @pl.when(cid == 0)
    def _run():
        base = wid * C
        lane = lax.broadcasted_iota(jnp.int32, (16,), 0)

        pltpu.sync_copy(x1_hbm, x1f)
        pltpu.sync_copy(y1_hbm, y1f)
        pltpu.sync_copy(x2_hbm, x2f)
        pltpu.sync_copy(y2_hbm, y2f)
        pltpu.sync_copy(x1_hbm.at[pl.ds(base, C)], x1c)
        pltpu.sync_copy(y1_hbm.at[pl.ds(base, C)], y1c)
        pltpu.sync_copy(x2_hbm.at[pl.ds(base, C)], x2c)
        pltpu.sync_copy(y2_hbm.at[pl.ds(base, C)], y2c)
        pltpu.sync_copy(s_hbm.at[pl.ds(base, C)], sc_)

        for j in range(SLICES):
            sl = pl.ds(j * 16, 16)
            v = sc_[sl]
            sc_[sl] = jnp.where(v > SCORE_TH, v, NEG_INF)
            areac[sl] = (x2c[sl] - x1c[sl]) * (y2c[sl] - y1c[sl])

        def round_body(carry):
            i_out, r = carry
            b1 = jnp.full((16,), NEG_INF, jnp.float32)
            j1 = jnp.zeros((16,), jnp.int32)
            b2 = jnp.full((16,), NEG_INF, jnp.float32)
            j2 = jnp.zeros((16,), jnp.int32)
            for j in range(SLICES):
                v = sc_[pl.ds(j * 16, 16)]
                m1 = v > b1
                m2 = v > b2
                b2n = jnp.where(m1, b1, jnp.where(m2, v, b2))
                j2n = jnp.where(m1, j1, jnp.where(m2, j, j2))
                b1 = jnp.where(m1, v, b1)
                j1 = jnp.where(m1, j, j1)
                b2, j2 = b2n, j2n
            k1 = j1 * 16 + lane + base
            k2 = j2 * 16 + lane + base
            for st in (8, 4, 2, 1):
                perm = lane ^ st
                o1v = _shuffle16(b1, perm)
                o1i = _shuffle16(k1, perm)
                o2v = _shuffle16(b2, perm)
                o2i = _shuffle16(k2, perm)
                b1, k1, b2, k2 = _merge2(b1, k1, b2, k2, o1v, o1i, o2v, o2i)

            pub[pl.ds(0, 16)] = b1
            pub[pl.ds(16, 16)] = plsc.bitcast(k1, jnp.float32)
            pub[pl.ds(32, 16)] = b2
            pub[pl.ds(48, 16)] = plsc.bitcast(k2, jnp.float32)
            pltpu.sync_copy(pub, sh_pub.at[pl.ds(wid * 64, 64)])
            plsc.subcore_barrier()

            @pl.when(wid == 0)
            def _reduce():
                pltpu.sync_copy(sh_pub, lpub)
                g1v = lpub[pl.ds(0, 16)]
                g1i = plsc.bitcast(lpub[pl.ds(16, 16)], jnp.int32)
                g2v = lpub[pl.ds(32, 16)]
                g2i = plsc.bitcast(lpub[pl.ds(48, 16)], jnp.int32)
                for j in range(1, W):
                    o1v = lpub[pl.ds(j * 64, 16)]
                    o1i = plsc.bitcast(lpub[pl.ds(j * 64 + 16, 16)], jnp.int32)
                    o2v = lpub[pl.ds(j * 64 + 32, 16)]
                    o2i = plsc.bitcast(lpub[pl.ds(j * 64 + 48, 16)], jnp.int32)
                    g1v, g1i, g2v, g2i = _merge2(
                        g1v, g1i, g2v, g2i, o1v, o1i, o2v, o2i)
                pub[pl.ds(0, 16)] = g1v
                pub[pl.ds(16, 16)] = plsc.bitcast(g1i, jnp.float32)
                pub[pl.ds(32, 16)] = g2v
                pub[pl.ds(48, 16)] = plsc.bitcast(g2i, jnp.float32)
                pltpu.sync_copy(pub, sh_win)

            plsc.subcore_barrier()
            pltpu.sync_copy(sh_win, win_l)
            wv1 = win_l[pl.ds(0, 16)]
            wg1 = plsc.bitcast(win_l[pl.ds(16, 16)], jnp.int32)
            wv2 = win_l[pl.ds(32, 16)]
            wg2 = plsc.bitcast(win_l[pl.ds(48, 16)], jnp.int32)

            ax1 = plsc.load_gather(x1f, [wg1])
            ay1 = plsc.load_gather(y1f, [wg1])
            ax2 = plsc.load_gather(x2f, [wg1])
            ay2 = plsc.load_gather(y2f, [wg1])
            bx1 = plsc.load_gather(x1f, [wg2])
            by1 = plsc.load_gather(y1f, [wg2])
            bx2 = plsc.load_gather(x2f, [wg2])
            by2 = plsc.load_gather(y2f, [wg2])
            a1area = (ax2 - ax1) * (ay2 - ay1)
            b1area = (bx2 - bx1) * (by2 - by1)
            px1 = jnp.maximum(ax1, bx1)
            py1 = jnp.maximum(ay1, by1)
            px2 = jnp.minimum(ax2, bx2)
            py2 = jnp.minimum(ay2, by2)
            pinter = (jnp.maximum(px2 - px1, 0.0)
                      * jnp.maximum(py2 - py1, 0.0))
            piou = pinter / (a1area + b1area - pinter + 1e-9)
            acc2v = ~(piou > NMS_TH)
            acc2 = acc2v.astype(jnp.int32)[0] > 0

            for j in range(SLICES):
                sl = pl.ds(j * 16, 16)
                cx1 = x1c[sl]
                cy1 = y1c[sl]
                cx2 = x2c[sl]
                cy2 = y2c[sl]
                car = areac[sl]
                gvec = jnp.full((16,), base + j * 16) + lane
                i1x = (jnp.maximum(jnp.minimum(ax2, cx2)
                                   - jnp.maximum(ax1, cx1), 0.0)
                       * jnp.maximum(jnp.minimum(ay2, cy2)
                                     - jnp.maximum(ay1, cy1), 0.0))
                iou1 = i1x / (a1area + car - i1x + 1e-9)
                sup = (iou1 > NMS_TH) | (gvec == wg1)
                i2x = (jnp.maximum(jnp.minimum(bx2, cx2)
                                   - jnp.maximum(bx1, cx1), 0.0)
                       * jnp.maximum(jnp.minimum(by2, cy2)
                                     - jnp.maximum(by1, cy1), 0.0))
                iou2 = i2x / (b1area + car - i2x + 1e-9)
                sup2 = ((iou2 > NMS_TH) | (gvec == wg2)) & acc2v
                sv = sc_[sl]
                sc_[sl] = jnp.where(sup | sup2, NEG_INF, sv)

            @pl.when(wid == 0)
            def _emit():
                lane_ = lane
                v1ok = wv1 > NEG_INF
                row1 = jnp.where(lane_ == 0, ax1,
                       jnp.where(lane_ == 1, ay1,
                       jnp.where(lane_ == 2, ax2,
                       jnp.where(lane_ == 3, ay2,
                       jnp.where(lane_ == 4, wv1, 0.0)))))
                row1 = jnp.where(v1ok, row1, 0.0)
                outbuf[...] = row1
                pltpu.sync_copy(outbuf, out_hbm.at[i_out])

                @pl.when(acc2 & (i_out + 1 < MAX_DET))
                def _emit2():
                    v2ok = wv2 > NEG_INF
                    row2 = jnp.where(lane_ == 0, bx1,
                           jnp.where(lane_ == 1, by1,
                           jnp.where(lane_ == 2, bx2,
                           jnp.where(lane_ == 3, by2,
                           jnp.where(lane_ == 4, wv2, 0.0)))))
                    row2 = jnp.where(v2ok, row2, 0.0)
                    outbuf[...] = row2
                    pltpu.sync_copy(outbuf, out_hbm.at[i_out + 1])

            i_next = i_out + jnp.where(acc2, 2, 1)
            return (i_next, r + 1)

        def cond(carry):
            i_out, r = carry
            return (i_out < MAX_DET) & (r < MAX_DET)

        lax.while_loop(cond, round_body, (jnp.int32(0), jnp.int32(0)))


def kernel(boxes, scores):
    pad = PADN - N
    bpad = jnp.pad(boxes, ((0, pad), (0, 0)))
    x1 = bpad[:, 0]
    y1 = bpad[:, 1]
    x2 = bpad[:, 2]
    y2 = bpad[:, 3]
    sp = jnp.pad(scores, (0, pad))
    mesh = plsc.VectorSubcoreMesh(core_axis_name="c", subcore_axis_name="s",
                                  num_cores=2, num_subcores=16)
    f = pl.kernel(
        _body,
        out_type=jax.ShapeDtypeStruct((MAX_DET, 16), jnp.float32),
        mesh=mesh,
        compiler_params=pltpu.CompilerParams(needs_layout_passes=False),
        scratch_types=[
            pltpu.VMEM((PADN,), jnp.float32),
            pltpu.VMEM((PADN,), jnp.float32),
            pltpu.VMEM((PADN,), jnp.float32),
            pltpu.VMEM((PADN,), jnp.float32),
            pltpu.VMEM((C,), jnp.float32),
            pltpu.VMEM((C,), jnp.float32),
            pltpu.VMEM((C,), jnp.float32),
            pltpu.VMEM((C,), jnp.float32),
            pltpu.VMEM((C,), jnp.float32),
            pltpu.VMEM((C,), jnp.float32),
            pltpu.VMEM((64,), jnp.float32),
            pltpu.VMEM((W * 64,), jnp.float32),
            pltpu.VMEM((64,), jnp.float32),
            pltpu.VMEM((16,), jnp.float32),
            pltpu.VMEM_SHARED((W * 64,), jnp.float32),
            pltpu.VMEM_SHARED((64,), jnp.float32),
        ],
    )
    out = f(x1, y1, x2, y2, sp)
    return out[:, :5]

# --- scband reference (transcript-rebuilt; emitter-appended) ---
"""Pipeline reference for scband-ro-iheads-40321152975411 (READ-ONLY COPY).

The authoritative reference and input builder live on the scoring server;
editing this copy changes nothing except your own understanding.
"""

import jax, jax.numpy as jnp
import numpy as np

N = 5000
SCORE_TH = 0.05
NMS_TH = 0.5
MAX_DET = 100


def setup_inputs(seed: int = 0) -> dict:
    key = jax.random.key(seed)
    k1, k2, k3 = jax.random.split(key, 3)
    xy = jax.random.uniform(k1, (N, 2), dtype=jnp.float32) * 1000.0
    wh = jax.random.uniform(k2, (N, 2), dtype=jnp.float32) * 100.0 + 1.0
    boxes = jnp.concatenate([xy, xy + wh], axis=1)
    scores = jax.random.uniform(k3, (N,), dtype=jnp.float32)
    return {"boxes": boxes, "scores": scores}


def _iou_one(box, boxes):
    x1 = jnp.maximum(box[0], boxes[:, 0])
    y1 = jnp.maximum(box[1], boxes[:, 1])
    x2 = jnp.minimum(box[2], boxes[:, 2])
    y2 = jnp.minimum(box[3], boxes[:, 3])
    inter = jnp.maximum(x2 - x1, 0.0) * jnp.maximum(y2 - y1, 0.0)
    a1 = (box[2] - box[0]) * (box[3] - box[1])
    a2 = (boxes[:, 2] - boxes[:, 0]) * (boxes[:, 3] - boxes[:, 1])
    return inter / (a1 + a2 - inter + 1e-9)


def reference(boxes, scores):
    # score thresholding (RoIHeads.postprocess_detections style) followed by greedy NMS
    boxes_sg = jax.lax.stop_gradient(boxes)
    s0 = jnp.where(jax.lax.stop_gradient(scores) > SCORE_TH,
                   jax.lax.stop_gradient(scores), -jnp.inf)

    def body(i, carry):
        s, keep_idx, keep_val = carry
        idx = jnp.argmax(s)
        val = s[idx]
        keep_idx = keep_idx.at[i].set(idx.astype(jnp.int32))
        keep_val = keep_val.at[i].set(val)
        box = boxes_sg[idx]
        ious = _iou_one(box, boxes_sg)
        s = jnp.where(ious > NMS_TH, -jnp.inf, s)
        s = s.at[idx].set(-jnp.inf)
        return (s, keep_idx, keep_val)

    keep_idx0 = jnp.zeros((MAX_DET,), dtype=jnp.int32)
    keep_val0 = jnp.full((MAX_DET,), -jnp.inf, dtype=jnp.float32)
    _, keep_idx, keep_val = jax.lax.fori_loop(0, MAX_DET, body, (s0, keep_idx0, keep_val0))

    valid = jnp.isfinite(keep_val)
    det_boxes = jnp.where(valid[:, None], boxes[keep_idx], 0.0)
    det_scores = jnp.where(valid, scores[keep_idx], 0.0)
    out = jnp.concatenate([det_boxes, det_scores[:, None]], axis=1)
    return out

if __name__ == "__main__":
    import jax
    _d = setup_inputs()
    print(jax.jit(kernel)(*tuple(_d.values())))

</pallas_src>

<mosaic_0001>
#map = affine_map<(d0, d1) -> (0)>
#map1 = affine_map<(d0, d1) -> (0, 0)>
module attributes {stable_mosaic.version = 14 : i64} {
  func.func @_body(%arg0: i32, %arg1: i32, %arg2: memref<5120xf32, #tpu.memory_space<hbm>>, %arg3: memref<5120xf32, #tpu.memory_space<hbm>>, %arg4: memref<5120xf32, #tpu.memory_space<hbm>>, %arg5: memref<5120xf32, #tpu.memory_space<hbm>>, %arg6: memref<5120xf32, #tpu.memory_space<hbm>>, %arg7: memref<100x16xf32, #tpu.memory_space<hbm>>, %arg8: memref<5120xf32, #tpu.memory_space<vmem>>, %arg9: memref<5120xf32, #tpu.memory_space<vmem>>, %arg10: memref<5120xf32, #tpu.memory_space<vmem>>, %arg11: memref<5120xf32, #tpu.memory_space<vmem>>, %arg12: memref<320xf32, #tpu.memory_space<vmem>>, %arg13: memref<320xf32, #tpu.memory_space<vmem>>, %arg14: memref<320xf32, #tpu.memory_space<vmem>>, %arg15: memref<320xf32, #tpu.memory_space<vmem>>, %arg16: memref<320xf32, #tpu.memory_space<vmem>>, %arg17: memref<320xf32, #tpu.memory_space<vmem>>, %arg18: memref<64xf32, #tpu.memory_space<vmem>>, %arg19: memref<1024xf32, #tpu.memory_space<vmem>>, %arg20: memref<64xf32, #tpu.memory_space<vmem>>, %arg21: memref<16xf32, #tpu.memory_space<vmem>>, %arg22: memref<1024xf32, #tpu.memory_space<vmem_shared>>, %arg23: memref<64xf32, #tpu.memory_space<vmem_shared>>) attributes {dimension_semantics = [#tpu.dimension_semantics<core_parallel>, #tpu.dimension_semantics<subcore_parallel>], iteration_bounds = array<i64: 2, 16>, scalar_prefetch = 0 : i64, scratch_operands = 16 : i64, tpu.core_type = #tpu.core_type<sc_vector_subcore>, window_params = [{transform_indices = #map}, {transform_indices = #map}, {transform_indices = #map}, {transform_indices = #map}, {transform_indices = #map}, {transform_indices = #map1}]} {
    %eq3A = arith.constant 0 : i32
    %eq3A_0 = arith.cmpi eq, %arg0, %eq3A : i32
    %convert_element_type3A = arith.extui %eq3A_0 : i1 to i32
    %cond3A = arith.constant 0 : i32
    %cond3A_1 = arith.cmpi ne, %convert_element_type3A, %cond3A : i32
    scf.if %cond3A_1 {
      %mul3A = arith.constant 320 : i32
      %mul3A_2 = arith.muli %arg1, %mul3A : i32
      %iota3A = tpu.iota {dimensions = array<i32: 0>} : vector<16xi32>
      "tpu.region"() ({
        %run_scoped3A = tpu.sem_alloc : memref<!tpu.dma_semaphore, #tpu.memory_space<semaphore_mem>>
        tpu.enqueue_dma source(%arg2 : memref<5120xf32, #tpu.memory_space<hbm>>) target(%arg8 : memref<5120xf32, #tpu.memory_space<vmem>>) target_semaphore(%run_scoped3A : memref<!tpu.dma_semaphore, #tpu.memory_space<semaphore_mem>>)
        tpu.wait_dma2 semaphore(%run_scoped3A : memref<!tpu.dma_semaphore, #tpu.memory_space<semaphore_mem>>) src(%arg2 : memref<5120xf32, #tpu.memory_space<hbm>>) dst(%arg8 : memref<5120xf32, #tpu.memory_space<vmem>>)
        tpu.yield
      }) : () -> ()
      "tpu.region"() ({
        %run_scoped3A = tpu.sem_alloc : memref<!tpu.dma_semaphore, #tpu.memory_space<semaphore_mem>>
        tpu.enqueue_dma source(%arg3 : memref<5120xf32, #tpu.memory_space<hbm>>) target(%arg9 : memref<5120xf32, #tpu.memory_space<vmem>>) target_semaphore(%run_scoped3A : memref<!tpu.dma_semaphore, #tpu.memory_space<semaphore_mem>>)
        tpu.wait_dma2 semaphore(%run_scoped3A : memref<!tpu.dma_semaphore, #tpu.memory_space<semaphore_mem>>) src(%arg3 : memref<5120xf32, #tpu.memory_space<hbm>>) dst(%arg9 : memref<5120xf32, #tpu.memory_space<vmem>>)
        tpu.yield
      }) : () -> ()
      "tpu.region"() ({
        %run_scoped3A = tpu.sem_alloc : memref<!tpu.dma_semaphore, #tpu.memory_space<semaphore_mem>>
        tpu.enqueue_dma source(%arg4 : memref<5120xf32, #tpu.memory_space<hbm>>) target(%arg10 : memref<5120xf32, #tpu.memory_space<vmem>>) target_semaphore(%run_scoped3A : memref<!tpu.dma_semaphore, #tpu.memory_space<semaphore_mem>>)
        tpu.wait_dma2 semaphore(%run_scoped3A : memref<!tpu.dma_semaphore, #tpu.memory_space<semaphore_mem>>) src(%arg4 : memref<5120xf32, #tpu.memory_space<hbm>>) dst(%arg10 : memref<5120xf32, #tpu.memory_space<vmem>>)
        tpu.yield
      }) : () -> ()
      "tpu.region"() ({
        %run_scoped3A = tpu.sem_alloc : memref<!tpu.dma_semaphore, #tpu.memory_space<semaphore_mem>>
        tpu.enqueue_dma source(%arg5 : memref<5120xf32, #tpu.memory_space<hbm>>) target(%arg11 : memref<5120xf32, #tpu.memory_space<vmem>>) target_semaphore(%run_scoped3A : memref<!tpu.dma_semaphore, #tpu.memory_space<semaphore_mem>>)
        tpu.wait_dma2 semaphore(%run_scoped3A : memref<!tpu.dma_semaphore, #tpu.memory_space<semaphore_mem>>) src(%arg5 : memref<5120xf32, #tpu.memory_space<hbm>>) dst(%arg11 : memref<5120xf32, #tpu.memory_space<vmem>>)
        tpu.yield
      }) : () -> ()
      "tpu.region"() ({
        %run_scoped3A = tpu.sem_alloc : memref<!tpu.dma_semaphore, #tpu.memory_space<semaphore_mem>>
        %dma_start3A = tpu.memref_slice %arg2[%mul3A_2] : memref<5120xf32, #tpu.memory_space<hbm>> -> memref<320xf32, #tpu.memory_space<hbm>>
        %dma_start3A_458 = tpu.memref_slice %arg2[%mul3A_2] : memref<5120xf32, #tpu.memory_space<hbm>> -> memref<320xf32, #tpu.memory_space<hbm>>
        tpu.enqueue_dma source(%dma_start3A_458 : memref<320xf32, #tpu.memory_space<hbm>>) target(%arg12 : memref<320xf32, #tpu.memory_space<vmem>>) target_semaphore(%run_scoped3A : memref<!tpu.dma_semaphore, #tpu.memory_space<semaphore_mem>>)
        %dma_wait3A = tpu.memref_slice %arg2[%mul3A_2] : memref<5120xf32, #tpu.memory_space<hbm>> -> memref<320xf32, #tpu.memory_space<hbm>>
        %dma_wait3A_459 = tpu.memref_slice %arg2[%mul3A_2] : memref<5120xf32, #tpu.memory_space<hbm>> -> memref<320xf32, #tpu.memory_space<hbm>>
        tpu.wait_dma2 semaphore(%run_scoped3A : memref<!tpu.dma_semaphore, #tpu.memory_space<semaphore_mem>>) src(%dma_wait3A_459 : memref<320xf32, #tpu.memory_space<hbm>>) dst(%arg12 : memref<320xf32, #tpu.memory_space<vmem>>)
        tpu.yield
      }) : () -> ()
      "tpu.region"() ({
        %run_scoped3A = tpu.sem_alloc : memref<!tpu.dma_semaphore, #tpu.memory_space<semaphore_mem>>
        %dma_start3A = tpu.memref_slice %arg3[%mul3A_2] : memref<5120xf32, #tpu.memory_space<hbm>> -> memref<320xf32, #tpu.memory_space<hbm>>
        %dma_start3A_458 = tpu.memref_slice %arg3[%mul3A_2] : memref<5120xf32, #tpu.memory_space<hbm>> -> memref<320xf32, #tpu.memory_space<hbm>>
        tpu.enqueue_dma source(%dma_start3A_458 : memref<320xf32, #tpu.memory_space<hbm>>) target(%arg13 : memref<320xf32, #tpu.memory_space<vmem>>) target_semaphore(%run_scoped3A : memref<!tpu.dma_semaphore, #tpu.memory_space<semaphore_mem>>)
        %dma_wait3A = tpu.memref_slice %arg3[%mul3A_2] : memref<5120xf32, #tpu.memory_space<hbm>> -> memref<320xf32, #tpu.memory_space<hbm>>
        %dma_wait3A_459 = tpu.memref_slice %arg3[%mul3A_2] : memref<5120xf32, #tpu.memory_space<hbm>> -> memref<320xf32, #tpu.memory_space<hbm>>
        tpu.wait_dma2 semaphore(%run_scoped3A : memref<!tpu.dma_semaphore, #tpu.memory_space<semaphore_mem>>) src(%dma_wait3A_459 : memref<320xf32, #tpu.memory_space<hbm>>) dst(%arg13 : memref<320xf32, #tpu.memory_space<vmem>>)
        tpu.yield
      }) : () -> ()
      "tpu.region"() ({
        %run_scoped3A = tpu.sem_alloc : memref<!tpu.dma_semaphore, #tpu.memory_space<semaphore_mem>>
        %dma_start3A = tpu.memref_slice %arg4[%mul3A_2] : memref<5120xf32, #tpu.memory_space<hbm>> -> memref<320xf32, #tpu.memory_space<hbm>>
        %dma_start3A_458 = tpu.memref_slice %arg4[%mul3A_2] : memref<5120xf32, #tpu.memory_space<hbm>> -> memref<320xf32, #tpu.memory_space<hbm>>
        tpu.enqueue_dma source(%dma_start3A_458 : memref<320xf32, #tpu.memory_space<hbm>>) target(%arg14 : memref<320xf32, #tpu.memory_space<vmem>>) target_semaphore(%run_scoped3A : memref<!tpu.dma_semaphore, #tpu.memory_space<semaphore_mem>>)
        %dma_wait3A = tpu.memref_slice %arg4[%mul3A_2] : memref<5120xf32, #tpu.memory_space<hbm>> -> memref<320xf32, #tpu.memory_space<hbm>>
        %dma_wait3A_459 = tpu.memref_slice %arg4[%mul3A_2] : memref<5120xf32, #tpu.memory_space<hbm>> -> memref<320xf32, #tpu.memory_space<hbm>>
        tpu.wait_dma2 semaphore(%run_scoped3A : memref<!tpu.dma_semaphore, #tpu.memory_space<semaphore_mem>>) src(%dma_wait3A_459 : memref<320xf32, #tpu.memory_space<hbm>>) dst(%arg14 : memref<320xf32, #tpu.memory_space<vmem>>)
        tpu.yield
      }) : () -> ()
      "tpu.region"() ({
        %run_scoped3A = tpu.sem_alloc : memref<!tpu.dma_semaphore, #tpu.memory_space<semaphore_mem>>
        %dma_start3A = tpu.memref_slice %arg5[%mul3A_2] : memref<5120xf32, #tpu.memory_space<hbm>> -> memref<320xf32, #tpu.memory_space<hbm>>
        %dma_start3A_458 = tpu.memref_slice %arg5[%mul3A_2] : memref<5120xf32, #tpu.memory_space<hbm>> -> memref<320xf32, #tpu.memory_space<hbm>>
        tpu.enqueue_dma source(%dma_start3A_458 : memref<320xf32, #tpu.memory_space<hbm>>) target(%arg15 : memref<320xf32, #tpu.memory_space<vmem>>) target_semaphore(%run_scoped3A : memref<!tpu.dma_semaphore, #tpu.memory_space<semaphore_mem>>)
        %dma_wait3A = tpu.memref_slice %arg5[%mul3A_2] : memref<5120xf32, #tpu.memory_space<hbm>> -> memref<320xf32, #tpu.memory_space<hbm>>
        %dma_wait3A_459 = tpu.memref_slice %arg5[%mul3A_2] : memref<5120xf32, #tpu.memory_space<hbm>> -> memref<320xf32, #tpu.memory_space<hbm>>
        tpu.wait_dma2 semaphore(%run_scoped3A : memref<!tpu.dma_semaphore, #tpu.memory_space<semaphore_mem>>) src(%dma_wait3A_459 : memref<320xf32, #tpu.memory_space<hbm>>) dst(%arg15 : memref<320xf32, #tpu.memory_space<vmem>>)
        tpu.yield
      }) : () -> ()
      "tpu.region"() ({
        %run_scoped3A = tpu.sem_alloc : memref<!tpu.dma_semaphore, #tpu.memory_space<semaphore_mem>>
        %dma_start3A = tpu.memref_slice %arg6[%mul3A_2] : memref<5120xf32, #tpu.memory_space<hbm>> -> memref<320xf32, #tpu.memory_space<hbm>>
        %dma_start3A_458 = tpu.memref_slice %arg6[%mul3A_2] : memref<5120xf32, #tpu.memory_space<hbm>> -> memref<320xf32, #tpu.memory_space<hbm>>
        tpu.enqueue_dma source(%dma_start3A_458 : memref<320xf32, #tpu.memory_space<hbm>>) target(%arg16 : memref<320xf32, #tpu.memory_space<vmem>>) target_semaphore(%run_scoped3A : memref<!tpu.dma_semaphore, #tpu.memory_space<semaphore_mem>>)
        %dma_wait3A = tpu.memref_slice %arg6[%mul3A_2] : memref<5120xf32, #tpu.memory_space<hbm>> -> memref<320xf32, #tpu.memory_space<hbm>>
        %dma_wait3A_459 = tpu.memref_slice %arg6[%mul3A_2] : memref<5120xf32, #tpu.memory_space<hbm>> -> memref<320xf32, #tpu.memory_space<hbm>>
        tpu.wait_dma2 semaphore(%run_scoped3A : memref<!tpu.dma_semaphore, #tpu.memory_space<semaphore_mem>>) src(%dma_wait3A_459 : memref<320xf32, #tpu.memory_space<hbm>>) dst(%arg16 : memref<320xf32, #tpu.memory_space<vmem>>)
        tpu.yield
      }) : () -> ()
      %get3A = arith.constant 0 : index
      %get3A_3 = tpu.vector_load %arg16[%get3A] {strides = array<i32>} : memref<320xf32, #tpu.memory_space<vmem>>, vector<16xf32>,
      %gt3A = arith.constant 5.000000e-02 : f32
      %gt3A_4 = vector.broadcast %gt3A : f32 to vector<16xf32>
      %gt3A_5 = arith.cmpf ogt, %get3A_3, %gt3A_4 : vector<16xf32>
      %jit3A = arith.constant 0xFF800000 : f32
      %broadcast_in_dim3A = vector.broadcast %jit3A : f32 to vector<16xf32>
      %select_n3A = arith.select %gt3A_5, %get3A_3, %broadcast_in_dim3A : vector<16xi1>, vector<16xf32>
      %swap3A = arith.constant 0 : index
      %swap3A_6 = tpu.vector_load %arg16[%swap3A] {strides = array<i32>} : memref<320xf32, #tpu.memory_space<vmem>>, vector<16xf32>,
      tpu.vector_store %arg16[%swap3A], %select_n3A {strides = array<i32>} : memref<320xf32, #tpu.memory_space<vmem>>, vector<16xf32>,
      %get3A_7 = arith.constant 0 : index
      %get3A_8 = tpu.vector_load %arg14[%get3A_7] {strides = array<i32>} : memref<320xf32, #tpu.memory_space<vmem>>, vector<16xf32>,
      %get3A_9 = arith.constant 0 : index
      %get3A_10 = tpu.vector_load %arg12[%get3A_9] {strides = array<i32>} : memref<320xf32, #tpu.memory_space<vmem>>, vector<16xf32>,
      %sub3A = arith.subf %get3A_8, %get3A_10 : vector<16xf32>
      %get3A_11 = arith.constant 0 : index
      %get3A_12 = tpu.vector_load %arg15[%get3A_11] {strides = array<i32>} : memref<320xf32, #tpu.memory_space<vmem>>, vector<16xf32>,
      %get3A_13 = arith.constant 0 : index
      %get3A_14 = tpu.vector_load %arg13[%get3A_13] {strides = array<i32>} : memref<320xf32, #tpu.memory_space<vmem>>, vector<16xf32>,
      %sub3A_15 = arith.subf %get3A_12, %get3A_14 : vector<16xf32>
      %mul3A_16 = arith.mulf %sub3A, %sub3A_15 : vector<16xf32>
      %swap3A_17 = arith.constant 0 : index
      %swap3A_18 = tpu.vector_load %arg17[%swap3A_17] {strides = array<i32>} : memref<320xf32, #tpu.memory_space<vmem>>, vector<16xf32>,
      tpu.vector_store %arg17[%swap3A_17], %mul3A_16 {strides = array<i32>} : memref<320xf32, #tpu.memory_space<vmem>>, vector<16xf32>,
      %get3A_19 = arith.constant 16 : index
      %get3A_20 = tpu.vector_load %arg16[%get3A_19] {strides = array<i32>} : memref<320xf32, #tpu.memory_space<vmem>>, vector<16xf32>,
      %gt3A_21 = arith.constant 5.000000e-02 : f32
      %gt3A_22 = vector.broadcast %gt3A_21 : f32 to vector<16xf32>
      %gt3A_23 = arith.cmpf ogt, %get3A_20, %gt3A_22 : vector<16xf32>
      %jit3A_24 = arith.constant 0xFF800000 : f32
      %broadcast_in_dim3A_25 = vector.broadcast %jit3A_24 : f32 to vector<16xf32>
      %select_n3A_26 = arith.select %gt3A_23, %get3A_20, %broadcast_in_dim3A_25 : vector<16xi1>, vector<16xf32>
      %swap3A_27 = arith.constant 16 : index
      %swap3A_28 = tpu.vector_load %arg16[%swap3A_27] {strides = array<i32>} : memref<320xf32, #tpu.memory_space<vmem>>, vector<16xf32>,
      tpu.vector_store %arg16[%swap3A_27], %select_n3A_26 {strides = array<i32>} : memref<320xf32, #tpu.memory_space<vmem>>, vector<16xf32>,
      %get3A_29 = arith.constant 16 : index
      %get3A_30 = tpu.vector_load %arg14[%get3A_29] {strides = array<i32>} : memref<320xf32, #tpu.memory_space<vmem>>, vector<16xf32>,
      %get3A_31 = arith.constant 16 : index
      %get3A_32 = tpu.vector_load %arg12[%get3A_31] {strides = array<i32>} : memref<320xf32, #tpu.memory_space<vmem>>, vector<16xf32>,
      %sub3A_33 = arith.subf %get3A_30, %get3A_32 : vector<16xf32>
      %get3A_34 = arith.constant 16 : index
      %get3A_35 = tpu.vector_load %arg15[%get3A_34] {strides = array<i32>} : memref<320xf32, #tpu.memory_space<vmem>>, vector<16xf32>,
      %get3A_36 = arith.constant 16 : index
      %get3A_37 = tpu.vector_load %arg13[%get3A_36] {strides = array<i32>} : memref<320xf32, #tpu.memory_space<vmem>>, vector<16xf32>,
      %sub3A_38 = arith.subf %get3A_35, %get3A_37 : vector<16xf32>
      %mul3A_39 = arith.mulf %sub3A_33, %sub3A_38 : vector<16xf32>
      %swap3A_40 = arith.constant 16 : index
      %swap3A_41 = tpu.vector_load %arg17[%swap3A_40] {strides = array<i32>} : memref<320xf32, #tpu.memory_space<vmem>>, vector<16xf32>,
      tpu.vector_store %arg17[%swap3A_40], %mul3A_39 {strides = array<i32>} : memref<320xf32, #tpu.memory_space<vmem>>, vector<16xf32>,
      %get3A_42 = arith.constant 32 : index
      %get3A_43 = tpu.vector_load %arg16[%get3A_42] {strides = array<i32>} : memref<320xf32, #tpu.memory_space<vmem>>, vector<16xf32>,
      %gt3A_44 = arith.constant 5.000000e-02 : f32
      %gt3A_45 = vector.broadcast %gt3A_44 : f32 to vector<16xf32>
      %gt3A_46 = arith.cmpf ogt, %get3A_43, %gt3A_45 : vector<16xf32>
      %jit3A_47 = arith.constant 0xFF800000 : f32
      %broadcast_in_dim3A_48 = vector.broadcast %jit3A_47 : f32 to vector<16xf32>
      %select_n3A_49 = arith.select %gt3A_46, %get3A_43, %broadcast_in_dim3A_48 : vector<16xi1>, vector<16xf32>
      %swap3A_50 = arith.constant 32 : index
      %swap3A_51 = tpu.vector_load %arg16[%swap3A_50] {strides = array<i32>} : memref<320xf32, #tpu.memory_space<vmem>>, vector<16xf32>,
      tpu.vector_store %arg16[%swap3A_50], %select_n3A_49 {strides = array<i32>} : memref<320xf32, #tpu.memory_space<vmem>>, vector<16xf32>,
      %get3A_52 = arith.constant 32 : index
      %get3A_53 = tpu.vector_load %arg14[%get3A_52] {strides = array<i32>} : memref<320xf32, #tpu.memory_space<vmem>>, vector<16xf32>,
      %get3A_54 = arith.constant 32 : index
      %get3A_55 = tpu.vector_load %arg12[%get3A_54] {strides = array<i32>} : memref<320xf32, #tpu.memory_space<vmem>>, vector<16xf32>,
      %sub3A_56 = arith.subf %get3A_53, %get3A_55 : vector<16xf32>
      %get3A_57 = arith.constant 32 : index
      %get3A_58 = tpu.vector_load %arg15[%get3A_57] {strides = array<i32>} : memref<320xf32, #tpu.memory_space<vmem>>, vector<16xf32>,
      %get3A_59 = arith.constant 32 : index
      %get3A_60 = tpu.vector_load %arg13[%get3A_59] {strides = array<i32>} : memref<320xf32, #tpu.memory_space<vmem>>, vector<16xf32>,
      %sub3A_61 = arith.subf %get3A_58, %get3A_60 : vector<16xf32>
      %mul3A_62 = arith.mulf %sub3A_56, %sub3A_61 : vector<16xf32>
      %swap3A_63 = arith.constant 32 : index
      %swap3A_64 = tpu.vector_load %arg17[%swap3A_63] {strides = array<i32>} : memref<320xf32, #tpu.memory_space<vmem>>, vector<16xf32>,
      tpu.vector_store %arg17[%swap3A_63], %mul3A_62 {strides = array<i32>} : memref<320xf32, #tpu.memory_space<vmem>>, vector<16xf32>,
      %get3A_65 = arith.constant 48 : index
      %get3A_66 = tpu.vector_load %arg16[%get3A_65] {strides = array<i32>} : memref<320xf32, #tpu.memory_space<vmem>>, vector<16xf32>,
      %gt3A_67 = arith.constant 5.000000e-02 : f32
      %gt3A_68 = vector.broadcast %gt3A_67 : f32 to vector<16xf32>
      %gt3A_69 = arith.cmpf ogt, %get3A_66, %gt3A_68 : vector<16xf32>
      %jit3A_70 = arith.constant 0xFF800000 : f32
      %broadcast_in_dim3A_71 = vector.broadcast %jit3A_70 : f32 to vector<16xf32>
      %select_n3A_72 = arith.select %gt3A_69, %get3A_66, %broadcast_in_dim3A_71 : vector<16xi1>, vector<16xf32>
      %swap3A_73 = arith.constant 48 : index
      %swap3A_74 = tpu.vector_load %arg16[%swap3A_73] {strides = array<i32>} : memref<320xf32, #tpu.memory_space<vmem>>, vector<16xf32>,
      tpu.vector_store %arg16[%swap3A_73], %select_n3A_72 {strides = array<i32>} : memref<320xf32, #tpu.memory_space<vmem>>, vector<16xf32>,
      %get3A_75 = arith.constant 48 : index
      %get3A_76 = tpu.vector_load %arg14[%get3A_75] {strides = array<i32>} : memref<320xf32, #tpu.memory_space<vmem>>, vector<16xf32>,
      %get3A_77 = arith.constant 48 : index
      %get3A_78 = tpu.vector_load %arg12[%get3A_77] {strides = array<i32>} : memref<320xf32, #tpu.memory_space<vmem>>, vector<16xf32>,
      %sub3A_79 = arith.subf %get3A_76, %get3A_78 : vector<16xf32>
      %get3A_80 = arith.constant 48 : index
      %get3A_81 = tpu.vector_load %arg15[%get3A_80] {strides = array<i32>} : memref<320xf32, #tpu.memory_space<vmem>>, vector<16xf32>,
      %get3A_82 = arith.constant 48 : index
      %get3A_83 = tpu.vector_load %arg13[%get3A_82] {strides = array<i32>} : memref<320xf32, #tpu.memory_space<vmem>>, vector<16xf32>,
      %sub3A_84 = arith.subf %get3A_81, %get3A_83 : vector<16xf32>
      %mul3A_85 = arith.mulf %sub3A_79, %sub3A_84 : vector<16xf32>
      %swap3A_86 = arith.constant 48 : index
      %swap3A_87 = tpu.vector_load %arg17[%swap3A_86] {strides = array<i32>} : memref<320xf32, #tpu.memory_space<vmem>>, vector<16xf32>,
      tpu.vector_store %arg17[%swap3A_86], %mul3A_85 {strides = array<i32>} : memref<320xf32, #tpu.memory_space<vmem>>, vector<16xf32>,
      %get3A_88 = arith.constant 64 : index
      %get3A_89 = tpu.vector_load %arg16[%get3A_88] {strides = array<i32>} : memref<320xf32, #tpu.memory_space<vmem>>, vector<16xf32>,
      %gt3A_90 = arith.constant 5.000000e-02 : f32
      %gt3A_91 = vector.broadcast %gt3A_90 : f32 to vector<16xf32>
      %gt3A_92 = arith.cmpf ogt, %get3A_89, %gt3A_91 : vector<16xf32>
      %jit3A_93 = arith.constant 0xFF800000 : f32
      %broadcast_in_dim3A_94 = vector.broadcast %jit3A_93 : f32 to vector<16xf32>
      %select_n3A_95 = arith.select %gt3A_92, %get3A_89, %broadcast_in_dim3A_94 : vector<16xi1>, vector<16xf32>
      %swap3A_96 = arith.constant 64 : index
      %swap3A_97 = tpu.vector_load %arg16[%swap3A_96] {strides = array<i32>} : memref<320xf32, #tpu.memory_space<vmem>>, vector<16xf32>,
      tpu.vector_store %arg16[%swap3A_96], %select_n3A_95 {strides = array<i32>} : memref<320xf32, #tpu.memory_space<vmem>>, vector<16xf32>,
      %get3A_98 = arith.constant 64 : index
      %get3A_99 = tpu.vector_load %arg14[%get3A_98] {strides = array<i32>} : memref<320xf32, #tpu.memory_space<vmem>>, vector<16xf32>,
      %get3A_100 = arith.constant 64 : index
      %get3A_101 = tpu.vector_load %arg12[%get3A_100] {strides = array<i32>} : memref<320xf32, #tpu.memory_space<vmem>>, vector<16xf32>,
      %sub3A_102 = arith.subf %get3A_99, %get3A_101 : vector<16xf32>
      %get3A_103 = arith.constant 64 : index
      %get3A_104 = tpu.vector_load %arg15[%get3A_103] {strides = array<i32>} : memref<320xf32, #tpu.memory_space<vmem>>, vector<16xf32>,
      %get3A_105 = arith.constant 64 : index
      %get3A_106 = tpu.vector_load %arg13[%get3A_105] {strides = array<i32>} : memref<320xf32, #tpu.memory_space<vmem>>, vector<16xf32>,
      %sub3A_107 = arith.subf %get3A_104, %get3A_106 : vector<16xf32>
      %mul3A_108 = arith.mulf %sub3A_102, %sub3A_107 : vector<16xf32>
      %swap3A_109 = arith.constant 64 : index
      %swap3A_110 = tpu.vector_load %arg17[%swap3A_109] {strides = array<i32>} : memref<320xf32, #tpu.memory_space<vmem>>, vector<16xf32>,
      tpu.vector_store %arg17[%swap3A_109], %mul3A_108 {strides = array<i32>} : memref<320xf32, #tpu.memory_space<vmem>>, vector<16xf32>,
      %get3A_111 = arith.constant 80 : index
      %get3A_112 = tpu.vector_load %arg16[%get3A_111] {strides = array<i32>} : memref<320xf32, #tpu.memory_space<vmem>>, vector<16xf32>,
      %gt3A_113 = arith.constant 5.000000e-02 : f32
      %gt3A_114 = vector.broadcast %gt3A_113 : f32 to vector<16xf32>
      %gt3A_115 = arith.cmpf ogt, %get3A_112, %gt3A_114 : vector<16xf32>
      %jit3A_116 = arith.constant 0xFF800000 : f32
      %broadcast_in_dim3A_117 = vector.broadcast %jit3A_116 : f32 to vector<16xf32>
      %select_n3A_118 = arith.select %gt3A_115, %get3A_112, %broadcast_in_dim3A_117 : vector<16xi1>, vector<16xf32>
      %swap3A_119 = arith.constant 80 : index
      %swap3A_120 = tpu.vector_load %arg16[%swap3A_119] {strides = array<i32>} : memref<320xf32, #tpu.memory_space<vmem>>, vector<16xf32>,
      tpu.vector_store %arg16[%swap3A_119], %select_n3A_118 {strides = array<i32>} : memref<320xf32, #tpu.memory_space<vmem>>, vector<16xf32>,
      %get3A_121 = arith.constant 80 : index
      %get3A_122 = tpu.vector_load %arg14[%get3A_121] {strides = array<i32>} : memref<320xf32, #tpu.memory_space<vmem>>, vector<16xf32>,
      %get3A_123 = arith.constant 80 : index
      %get3A_124 = tpu.vector_load %arg12[%get3A_123] {strides = array<i32>} : memref<320xf32, #tpu.memory_space<vmem>>, vector<16xf32>,
      %sub3A_125 = arith.subf %get3A_122, %get3A_124 : vector<16xf32>
      %get3A_126 = arith.constant 80 : index
      %get3A_127 = tpu.vector_load %arg15[%get3A_126] {strides = array<i32>} : memref<320xf32, #tpu.memory_space<vmem>>, vector<16xf32>,
      %get3A_128 = arith.constant 80 : index
      %get3A_129 = tpu.vector_load %arg13[%get3A_128] {strides = array<i32>} : memref<320xf32, #tpu.memory_space<vmem>>, vector<16xf32>,
      %sub3A_130 = arith.subf %get3A_127, %get3A_129 : vector<16xf32>
      %mul3A_131 = arith.mulf %sub3A_125, %sub3A_130 : vector<16xf32>
      %swap3A_132 = arith.constant 80 : index
      %swap3A_133 = tpu.vector_load %arg17[%swap3A_132] {strides = array<i32>} : memref<320xf32, #tpu.memory_space<vmem>>, vector<16xf32>,
      tpu.vector_store %arg17[%swap3A_132], %mul3A_131 {strides = array<i32>} : memref<320xf32, #tpu.memory_space<vmem>>, vector<16xf32>,
      %get3A_134 = arith.constant 96 : index
      %get3A_135 = tpu.vector_load %arg16[%get3A_134] {strides = array<i32>} : memref<320xf32, #tpu.memory_space<vmem>>, vector<16xf32>,
      %gt3A_136 = arith.constant 5.000000e-02 : f32
      %gt3A_137 = vector.broadcast %gt3A_136 : f32 to vector<16xf32>
      %gt3A_138 = arith.cmpf ogt, %get3A_135, %gt3A_137 : vector<16xf32>
      %jit3A_139 = arith.constant 0xFF800000 : f32
      %broadcast_in_dim3A_140 = vector.broadcast %jit3A_139 : f32 to vector<16xf32>
      %select_n3A_141 = arith.select %gt3A_138, %get3A_135, %broadcast_in_dim3A_140 : vector<16xi1>, vector<16xf32>
      %swap3A_142 = arith.constant 96 : index
      %swap3A_143 = tpu.vector_load %arg16[%swap3A_142] {strides = array<i32>} : memref<320xf32, #tpu.memory_space<vmem>>, vector<16xf32>,
      tpu.vector_store %arg16[%swap3A_142], %select_n3A_141 {strides = array<i32>} : memref<320xf32, #tpu.memory_space<vmem>>, vector<16xf32>,
      %get3A_144 = arith.constant 96 : index
      %get3A_145 = tpu.vector_load %arg14[%get3A_144] {strides = array<i32>} : memref<320xf32, #tpu.memory_space<vmem>>, vector<16xf32>,
      %get3A_146 = arith.constant 96 : index
      %get3A_147 = tpu.vector_load %arg12[%get3A_146] {strides = array<i32>} : memref<320xf32, #tpu.memory_space<vmem>>, vector<16xf32>,
      %sub3A_148 = arith.subf %get3A_145, %get3A_147 : vector<16xf32>
      %get3A_149 = arith.constant 96 : index
      %get3A_150 = tpu.vector_load %arg15[%get3A_149] {strides = array<i32>} : memref<320xf32, #tpu.memory_space<vmem>>, vector<16xf32>,
      %get3A_151 = arith.constant 96 : index
      %get3A_152 = tpu.vector_load %arg13[%get3A_151] {strides = array<i32>} : memref<320xf32, #tpu.memory_space<vmem>>, vector<16xf32>,
      %sub3A_153 = arith.subf %get3A_150, %get3A_152 : vector<16xf32>
      %mul3A_154 = arith.mulf %sub3A_148, %sub3A_153 : vector<16xf32>
      %swap3A_155 = arith.constant 96 : index
      %swap3A_156 = tpu.vector_load %arg17[%swap3A_155] {strides = array<i32>} : memref<320xf32, #tpu.memory_space<vmem>>, vector<16xf32>,
      tpu.vector_store %arg17[%swap3A_155], %mul3A_154 {strides = array<i32>} : memref<320xf32, #tpu.memory_space<vmem>>, vector<16xf32>,
      %get3A_157 = arith.constant 112 : index
      %get3A_158 = tpu.vector_load %arg16[%get3A_157] {strides = array<i32>} : memref<320xf32, #tpu.memory_space<vmem>>, vector<16xf32>,
      %gt3A_159 = arith.constant 5.000000e-02 : f32
      %gt3A_160 = vector.broadcast %gt3A_159 : f32 to vector<16xf32>
      %gt3A_161 = arith.cmpf ogt, %get3A_158, %gt3A_160 : vector<16xf32>
      %jit3A_162 = arith.constant 0xFF800000 : f32
      %broadcast_in_dim3A_163 = vector.broadcast %jit3A_162 : f32 to vector<16xf32>
      %select_n3A_164 = arith.select %gt3A_161, %get3A_158, %broadcast_in_dim3A_163 : vector<16xi1>, vector<16xf32>
      %swap3A_165 = arith.constant 112 : index
      %swap3A_166 = tpu.vector_load %arg16[%swap3A_165] {strides = array<i32>} : memref<320xf32, #tpu.memory_space<vmem>>, vector<16xf32>,
      tpu.vector_store %arg16[%swap3A_165], %select_n3A_164 {strides = array<i32>} : memref<320xf32, #tpu.memory_space<vmem>>, vector<16xf32>,
      %get3A_167 = arith.constant 112 : index
      %get3A_168 = tpu.vector_load %arg14[%get3A_167] {strides = array<i32>} : memref<320xf32, #tpu.memory_space<vmem>>, vector<16xf32>,
      %get3A_169 = arith.constant 112 : index
      %get3A_170 = tpu.vector_load %arg12[%get3A_169] {strides = array<i32>} : memref<320xf32, #tpu.memory_space<vmem>>, vector<16xf32>,
      %sub3A_171 = arith.subf %get3A_168, %get3A_170 : vector<16xf32>
      %get3A_172 = arith.constant 112 : index
      %get3A_173 = tpu.vector_load %arg15[%get3A_172] {strides = array<i32>} : memref<320xf32, #tpu.memory_space<vmem>>, vector<16xf32>,
      %get3A_174 = arith.constant 112 : index
      %get3A_175 = tpu.vector_load %arg13[%get3A_174] {strides = array<i32>} : memref<320xf32, #tpu.memory_space<vmem>>, vector<16xf32>,
      %sub3A_176 = arith.subf %get3A_173, %get3A_175 : vector<16xf32>
      %mul3A_177 = arith.mulf %sub3A_171, %sub3A_176 : vector<16xf32>
      %swap3A_178 = arith.constant 112 : index
      %swap3A_179 = tpu.vector_load %arg17[%swap3A_178] {strides = array<i32>} : memref<320xf32, #tpu.memory_space<vmem>>, vector<16xf32>,
      tpu.vector_store %arg17[%swap3A_178], %mul3A_177 {strides = array<i32>} : memref<320xf32, #tpu.memory_space<vmem>>, vector<16xf32>,
      %get3A_180 = arith.constant 128 : index
      %get3A_181 = tpu.vector_load %arg16[%get3A_180] {strides = array<i32>} : memref<320xf32, #tpu.memory_space<vmem>>, vector<16xf32>,
      %gt3A_182 = arith.constant 5.000000e-02 : f32
      %gt3A_183 = vector.broadcast %gt3A_182 : f32 to vector<16xf32>
      %gt3A_184 = arith.cmpf ogt, %get3A_181, %gt3A_183 : vector<16xf32>
      %jit3A_185 = arith.constant 0xFF800000 : f32
      %broadcast_in_dim3A_186 = vector.broadcast %jit3A_185 : f32 to vector<16xf32>
      %select_n3A_187 = arith.select %gt3A_184, %get3A_181, %broadcast_in_dim3A_186 : vector<16xi1>, vector<16xf32>
      %swap3A_188 = arith.constant 128 : index
      %swap3A_189 = tpu.vector_load %arg16[%swap3A_188] {strides = array<i32>} : memref<320xf32, #tpu.memory_space<vmem>>, vector<16xf32>,
      tpu.vector_store %arg16[%swap3A_188], %select_n3A_187 {strides = array<i32>} : memref<320xf32, #tpu.memory_space<vmem>>, vector<16xf32>,
      %get3A_190 = arith.constant 128 : index
      %get3A_191 = tpu.vector_load %arg14[%get3A_190] {strides = array<i32>} : memref<320xf32, #tpu.memory_space<vmem>>, vector<16xf32>,
      %get3A_192 = arith.constant 128 : index
      %get3A_193 = tpu.vector_load %arg12[%get3A_192] {strides = array<i32>} : memref<320xf32, #tpu.memory_space<vmem>>, vector<16xf32>,
      %sub3A_194 = arith.subf %get3A_191, %get3A_193 : vector<16xf32>
      %get3A_195 = arith.constant 128 : index
      %get3A_196 = tpu.vector_load %arg15[%get3A_195] {strides = array<i32>} : memref<320xf32, #tpu.memory_space<vmem>>, vector<16xf32>,
      %get3A_197 = arith.constant 128 : index
      %get3A_198 = tpu.vector_load %arg13[%get3A_197] {strides = array<i32>} : memref<320xf32, #tpu.memory_space<vmem>>, vector<16xf32>,
      %sub3A_199 = arith.subf %get3A_196, %get3A_198 : vector<16xf32>
      %mul3A_200 = arith.mulf %sub3A_194, %sub3A_199 : vector<16xf32>
      %swap3A_201 = arith.constant 128 : index
      %swap3A_202 = tpu.vector_load %arg17[%swap3A_201] {strides = array<i32>} : memref<320xf32, #tpu.memory_space<vmem>>, vector<16xf32>,
      tpu.vector_store %arg17[%swap3A_201], %mul3A_200 {strides = array<i32>} : memref<320xf32, #tpu.memory_space<vmem>>, vector<16xf32>,
      %get3A_203 = arith.constant 144 : index
      %get3A_204 = tpu.vector_load %arg16[%get3A_203] {strides = array<i32>} : memref<320xf32, #tpu.memory_space<vmem>>, vector<16xf32>,
      %gt3A_205 = arith.constant 5.000000e-02 : f32
      %gt3A_206 = vector.broadcast %gt3A_205 : f32 to vector<16xf32>
      %gt3A_207 = arith.cmpf ogt, %get3A_204, %gt3A_206 : vector<16xf32>
      %jit3A_208 = arith.constant 0xFF800000 : f32
      %broadcast_in_dim3A_209 = vector.broadcast %jit3A_208 : f32 to vector<16xf32>
      %select_n3A_210 = arith.select %gt3A_207, %get3A_204, %broadcast_in_dim3A_209 : vector<16xi1>, vector<16xf32>
      %swap3A_211 = arith.constant 144 : index
      %swap3A_212 = tpu.vector_load %arg16[%swap3A_211] {strides = array<i32>} : memref<320xf32, #tpu.memory_space<vmem>>, vector<16xf32>,
      tpu.vector_store %arg16[%swap3A_211], %select_n3A_210 {strides = array<i32>} : memref<320xf32, #tpu.memory_space<vmem>>, vector<16xf32>,
      %get3A_213 = arith.constant 144 : index
      %get3A_214 = tpu.vector_load %arg14[%get3A_213] {strides = array<i32>} : memref<320xf32, #tpu.memory_space<vmem>>, vector<16xf32>,
      %get3A_215 = arith.constant 144 : index
      %get3A_216 = tpu.vector_load %arg12[%get3A_215] {strides = array<i32>} : memref<320xf32, #tpu.memory_space<vmem>>, vector<16xf32>,
      %sub3A_217 = arith.subf %get3A_214, %get3A_216 : vector<16xf32>
      %get3A_218 = arith.constant 144 : index
      %get3A_219 = tpu.vector_load %arg15[%get3A_218] {strides = array<i32>} : memref<320xf32, #tpu.memory_space<vmem>>, vector<16xf32>,
      %get3A_220 = arith.constant 144 : index
      %get3A_221 = tpu.vector_load %arg13[%get3A_220] {strides = array<i32>} : memref<320xf32, #tpu.memory_space<vmem>>, vector<16xf32>,
      %sub3A_222 = arith.subf %get3A_219, %get3A_221 : vector<16xf32>
      %mul3A_223 = arith.mulf %sub3A_217, %sub3A_222 : vector<16xf32>
      %swap3A_224 = arith.constant 144 : index
      %swap3A_225 = tpu.vector_load %arg17[%swap3A_224] {strides = array<i32>} : memref<320xf32, #tpu.memory_space<vmem>>, vector<16xf32>,
      tpu.vector_store %arg17[%swap3A_224], %mul3A_223 {strides = array<i32>} : memref<320xf32, #tpu.memory_space<vmem>>, vector<16xf32>,
      %get3A_226 = arith.constant 160 : index
      %get3A_227 = tpu.vector_load %arg16[%get3A_226] {strides = array<i32>} : memref<320xf32, #tpu.memory_space<vmem>>, vector<16xf32>,
      %gt3A_228 = arith.constant 5.000000e-02 : f32
      %gt3A_229 = vector.broadcast %gt3A_228 : f32 to vector<16xf32>
      %gt3A_230 = arith.cmpf ogt, %get3A_227, %gt3A_229 : vector<16xf32>
      %jit3A_231 = arith.constant 0xFF800000 : f32
      %broadcast_in_dim3A_232 = vector.broadcast %jit3A_231 : f32 to vector<16xf32>
      %select_n3A_233 = arith.select %gt3A_230, %get3A_227, %broadcast_in_dim3A_232 : vector<16xi1>, vector<16xf32>
      %swap3A_234 = arith.constant 160 : index
      %swap3A_235 = tpu.vector_load %arg16[%swap3A_234] {strides = array<i32>} : memref<320xf32, #tpu.memory_space<vmem>>, vector<16xf32>,
      tpu.vector_store %arg16[%swap3A_234], %select_n3A_233 {strides = array<i32>} : memref<320xf32, #tpu.memory_space<vmem>>, vector<16xf32>,
      %get3A_236 = arith.constant 160 : index
      %get3A_237 = tpu.vector_load %arg14[%get3A_236] {strides = array<i32>} : memref<320xf32, #tpu.memory_space<vmem>>, vector<16xf32>,
      %get3A_238 = arith.constant 160 : index
      %get3A_239 = tpu.vector_load %arg12[%get3A_238] {strides = array<i32>} : memref<320xf32, #tpu.memory_space<vmem>>, vector<16xf32>,
      %sub3A_240 = arith.subf %get3A_237, %get3A_239 : vector<16xf32>
      %get3A_241 = arith.constant 160 : index
      %get3A_242 = tpu.vector_load %arg15[%get3A_241] {strides = array<i32>} : memref<320xf32, #tpu.memory_space<vmem>>, vector<16xf32>,
      %get3A_243 = arith.constant 160 : index
      %get3A_244 = tpu.vector_load %arg13[%get3A_243] {strides = array<i32>} : memref<320xf32, #tpu.memory_space<vmem>>, vector<16xf32>,
      %sub3A_245 = arith.subf %get3A_242, %get3A_244 : vector<16xf32>
      %mul3A_246 = arith.mulf %sub3A_240, %sub3A_245 : vector<16xf32>
      %swap3A_247 = arith.constant 160 : index
      %swap3A_248 = tpu.vector_load %arg17[%swap3A_247] {strides = array<i32>} : memref<320xf32, #tpu.memory_space<vmem>>, vector<16xf32>,
      tpu.vector_store %arg17[%swap3A_247], %mul3A_246 {strides = array<i32>} : memref<320xf32, #tpu.memory_space<vmem>>, vector<16xf32>,
      %get3A_249 = arith.constant 176 : index
      %get3A_250 = tpu.vector_load %arg16[%get3A_249] {strides = array<i32>} : memref<320xf32, #tpu.memory_space<vmem>>, vector<16xf32>,
      %gt3A_251 = arith.constant 5.000000e-02 : f32
      %gt3A_252 = vector.broadcast %gt3A_251 : f32 to vector<16xf32>
      %gt3A_253 = arith.cmpf ogt, %get3A_250, %gt3A_252 : vector<16xf32>
      %jit3A_254 = arith.constant 0xFF800000 : f32
      %broadcast_in_dim3A_255 = vector.broadcast %jit3A_254 : f32 to vector<16xf32>
      %select_n3A_256 = arith.select %gt3A_253, %get3A_250, %broadcast_in_dim3A_255 : vector<16xi1>, vector<16xf32>
      %swap3A_257 = arith.constant 176 : index
      %swap3A_258 = tpu.vector_load %arg16[%swap3A_257] {strides = array<i32>} : memref<320xf32, #tpu.memory_space<vmem>>, vector<16xf32>,
      tpu.vector_store %arg16[%swap3A_257], %select_n3A_256 {strides = array<i32>} : memref<320xf32, #tpu.memory_space<vmem>>, vector<16xf32>,
      %get3A_259 = arith.constant 176 : index
      %get3A_260 = tpu.vector_load %arg14[%get3A_259] {strides = array<i32>} : memref<320xf32, #tpu.memory_space<vmem>>, vector<16xf32>,
      %get3A_261 = arith.constant 176 : index
      %get3A_262 = tpu.vector_load %arg12[%get3A_261] {strides = array<i32>} : memref<320xf32, #tpu.memory_space<vmem>>, vector<16xf32>,
      %sub3A_263 = arith.subf %get3A_260, %get3A_262 : vector<16xf32>
      %get3A_264 = arith.constant 176 : index
      %get3A_265 = tpu.vector_load %arg15[%get3A_264] {strides = array<i32>} : memref<320xf32, #tpu.memory_space<vmem>>, vector<16xf32>,
      %get3A_266 = arith.constant 176 : index
      %get3A_267 = tpu.vector_load %arg13[%get3A_266] {strides = array<i32>} : memref<320xf32, #tpu.memory_space<vmem>>, vector<16xf32>,
      %sub3A_268 = arith.subf %get3A_265, %get3A_267 : vector<16xf32>
      %mul3A_269 = arith.mulf %sub3A_263, %sub3A_268 : vector<16xf32>
      %swap3A_270 = arith.constant 176 : index
      %swap3A_271 = tpu.vector_load %arg17[%swap3A_270] {strides = array<i32>} : memref<320xf32, #tpu.memory_space<vmem>>, vector<16xf32>,
      tpu.vector_store %arg17[%swap3A_270], %mul3A_269 {strides = array<i32>} : memref<320xf32, #tpu.memory_space<vmem>>, vector<16xf32>,
      %get3A_272 = arith.constant 192 : index
      %get3A_273 = tpu.vector_load %arg16[%get3A_272] {strides = array<i32>} : memref<320xf32, #tpu.memory_space<vmem>>, vector<16xf32>,
      %gt3A_274 = arith.constant 5.000000e-02 : f32
      %gt3A_275 = vector.broadcast %gt3A_274 : f32 to vector<16xf32>
      %gt3A_276 = arith.cmpf ogt, %get3A_273, %gt3A_275 : vector<16xf32>
      %jit3A_277 = arith.constant 0xFF800000 : f32
      %broadcast_in_dim3A_278 = vector.broadcast %jit3A_277 : f32 to vector<16xf32>
      %select_n3A_279 = arith.select %gt3A_276, %get3A_273, %broadcast_in_dim3A_278 : vector<16xi1>, vector<16xf32>
      %swap3A_280 = arith.constant 192 : index
      %swap3A_281 = tpu.vector_load %arg16[%swap3A_280] {strides = array<i32>} : memref<320xf32, #tpu.memory_space<vmem>>, vector<16xf32>,
      tpu.vector_store %arg16[%swap3A_280], %select_n3A_279 {strides = array<i32>} : memref<320xf32, #tpu.memory_space<vmem>>, vector<16xf32>,
      %get3A_282 = arith.constant 192 : index
      %get3A_283 = tpu.vector_load %arg14[%get3A_282] {strides = array<i32>} : memref<320xf32, #tpu.memory_space<vmem>>, vector<16xf32>,
      %get3A_284 = arith.constant 192 : index
      %get3A_285 = tpu.vector_load %arg12[%get3A_284] {strides = array<i32>} : memref<320xf32, #tpu.memory_space<vmem>>, vector<16xf32>,
      %sub3A_286 = arith.subf %get3A_283, %get3A_285 : vector<16xf32>
      %get3A_287 = arith.constant 192 : index
      %get3A_288 = tpu.vector_load %arg15[%get3A_287] {strides = array<i32>} : memref<320xf32, #tpu.memory_space<vmem>>, vector<16xf32>,
      %get3A_289 = arith.constant 192 : index
      %get3A_290 = tpu.vector_load %arg13[%get3A_289] {strides = array<i32>} : memref<320xf32, #tpu.memory_space<vmem>>, vector<16xf32>,
      %sub3A_291 = arith.subf %get3A_288, %get3A_290 : vector<16xf32>
      %mul3A_292 = arith.mulf %sub3A_286, %sub3A_291 : vector<16xf32>
      %swap3A_293 = arith.constant 192 : index
      %swap3A_294 = tpu.vector_load %arg17[%swap3A_293] {strides = array<i32>} : memref<320xf32, #tpu.memory_space<vmem>>, vector<16xf32>,
      tpu.vector_store %arg17[%swap3A_293], %mul3A_292 {strides = array<i32>} : memref<320xf32, #tpu.memory_space<vmem>>, vector<16xf32>,
      %get3A_295 = arith.constant 208 : index
      %get3A_296 = tpu.vector_load %arg16[%get3A_295] {strides = array<i32>} : memref<320xf32, #tpu.memory_space<vmem>>, vector<16xf32>,
      %gt3A_297 = arith.constant 5.000000e-02 : f32
      %gt3A_298 = vector.broadcast %gt3A_297 : f32 to vector<16xf32>
      %gt3A_299 = arith.cmpf ogt, %get3A_296, %gt3A_298 : vector<16xf32>
      %jit3A_300 = arith.constant 0xFF800000 : f32
      %broadcast_in_dim3A_301 = vector.broadcast %jit3A_300 : f32 to vector<16xf32>
      %select_n3A_302 = arith.select %gt3A_299, %get3A_296, %broadcast_in_dim3A_301 : vector<16xi1>, vector<16xf32>
      %swap3A_303 = arith.constant 208 : index
      %swap3A_304 = tpu.vector_load %arg16[%swap3A_303] {strides = array<i32>} : memref<320xf32, #tpu.memory_space<vmem>>, vector<16xf32>,
      tpu.vector_store %arg16[%swap3A_303], %select_n3A_302 {strides = array<i32>} : memref<320xf32, #tpu.memory_space<vmem>>, vector<16xf32>,
      %get3A_305 = arith.constant 208 : index
      %get3A_306 = tpu.vector_load %arg14[%get3A_305] {strides = array<i32>} : memref<320xf32, #tpu.memory_space<vmem>>, vector<16xf32>,
      %get3A_307 = arith.constant 208 : index
      %get3A_308 = tpu.vector_load %arg12[%get3A_307] {strides = array<i32>} : memref<320xf32, #tpu.memory_space<vmem>>, vector<16xf32>,
      %sub3A_309 = arith.subf %get3A_306, %get3A_308 : vector<16xf32>
      %get3A_310 = arith.constant 208 : index
      %get3A_311 = tpu.vector_load %arg15[%get3A_310] {strides = array<i32>} : memref<320xf32, #tpu.memory_space<vmem>>, vector<16xf32>,
      %get3A_312 = arith.constant 208 : index
      %get3A_313 = tpu.vector_load %arg13[%get3A_312] {strides = array<i32>} : memref<320xf32, #tpu.memory_space<vmem>>, vector<16xf32>,
      %sub3A_314 = arith.subf %get3A_311, %get3A_313 : vector<16xf32>
      %mul3A_315 = arith.mulf %sub3A_309, %sub3A_314 : vector<16xf32>
      %swap3A_316 = arith.constant 208 : index
      %swap3A_317 = tpu.vector_load %arg17[%swap3A_316] {strides = array<i32>} : memref<320xf32, #tpu.memory_space<vmem>>, vector<16xf32>,
      tpu.vector_store %arg17[%swap3A_316], %mul3A_315 {strides = array<i32>} : memref<320xf32, #tpu.memory_space<vmem>>, vector<16xf32>,
      %get3A_318 = arith.constant 224 : index
      %get3A_319 = tpu.vector_load %arg16[%get3A_318] {strides = array<i32>} : memref<320xf32, #tpu.memory_space<vmem>>, vector<16xf32>,
      %gt3A_320 = arith.constant 5.000000e-02 : f32
      %gt3A_321 = vector.broadcast %gt3A_320 : f32 to vector<16xf32>
      %gt3A_322 = arith.cmpf ogt, %get3A_319, %gt3A_321 : vector<16xf32>
      %jit3A_323 = arith.constant 0xFF800000 : f32
      %broadcast_in_dim3A_324 = vector.broadcast %jit3A_323 : f32 to vector<16xf32>
      %select_n3A_325 = arith.select %gt3A_322, %get3A_319, %broadcast_in_dim3A_324 : vector<16xi1>, vector<16xf32>
      %swap3A_326 = arith.constant 224 : index
      %swap3A_327 = tpu.vector_load %arg16[%swap3A_326] {strides = array<i32>} : memref<320xf32, #tpu.memory_space<vmem>>, vector<16xf32>,
      tpu.vector_store %arg16[%swap3A_326], %select_n3A_325 {strides = array<i32>} : memref<320xf32, #tpu.memory_space<vmem>>, vector<16xf32>,
      %get3A_328 = arith.constant 224 : index
      %get3A_329 = tpu.vector_load %arg14[%get3A_328] {strides = array<i32>} : memref<320xf32, #tpu.memory_space<vmem>>, vector<16xf32>,
      %get3A_330 = arith.constant 224 : index
      %get3A_331 = tpu.vector_load %arg12[%get3A_330] {strides = array<i32>} : memref<320xf32, #tpu.memory_space<vmem>>, vector<16xf32>,
      %sub3A_332 = arith.subf %get3A_329, %get3A_331 : vector<16xf32>
      %get3A_333 = arith.constant 224 : index
      %get3A_334 = tpu.vector_load %arg15[%get3A_333] {strides = array<i32>} : memref<320xf32, #tpu.memory_space<vmem>>, vector<16xf32>,
      %get3A_335 = arith.constant 224 : index
      %get3A_336 = tpu.vector_load %arg13[%get3A_335] {strides = array<i32>} : memref<320xf32, #tpu.memory_space<vmem>>, vector<16xf32>,
      %sub3A_337 = arith.subf %get3A_334, %get3A_336 : vector<16xf32>
      %mul3A_338 = arith.mulf %sub3A_332, %sub3A_337 : vector<16xf32>
      %swap3A_339 = arith.constant 224 : index
      %swap3A_340 = tpu.vector_load %arg17[%swap3A_339] {strides = array<i32>} : memref<320xf32, #tpu.memory_space<vmem>>, vector<16xf32>,
      tpu.vector_store %arg17[%swap3A_339], %mul3A_338 {strides = array<i32>} : memref<320xf32, #tpu.memory_space<vmem>>, vector<16xf32>,
      %get3A_341 = arith.constant 240 : index
      %get3A_342 = tpu.vector_load %arg16[%get3A_341] {strides = array<i32>} : memref<320xf32, #tpu.memory_space<vmem>>, vector<16xf32>,
      %gt3A_343 = arith.constant 5.000000e-02 : f32
      %gt3A_344 = vector.broadcast %gt3A_343 : f32 to vector<16xf32>
      %gt3A_345 = arith.cmpf ogt, %get3A_342, %gt3A_344 : vector<16xf32>
      %jit3A_346 = arith.constant 0xFF800000 : f32
      %broadcast_in_dim3A_347 = vector.broadcast %jit3A_346 : f32 to vector<16xf32>
      %select_n3A_348 = arith.select %gt3A_345, %get3A_342, %broadcast_in_dim3A_347 : vector<16xi1>, vector<16xf32>
      %swap3A_349 = arith.constant 240 : index
      %swap3A_350 = tpu.vector_load %arg16[%swap3A_349] {strides = array<i32>} : memref<320xf32, #tpu.memory_space<vmem>>, vector<16xf32>,
      tpu.vector_store %arg16[%swap3A_349], %select_n3A_348 {strides = array<i32>} : memref<320xf32, #tpu.memory_space<vmem>>, vector<16xf32>,
      %get3A_351 = arith.constant 240 : index
      %get3A_352 = tpu.vector_load %arg14[%get3A_351] {strides = array<i32>} : memref<320xf32, #tpu.memory_space<vmem>>, vector<16xf32>,
      %get3A_353 = arith.constant 240 : index
      %get3A_354 = tpu.vector_load %arg12[%get3A_353] {strides = array<i32>} : memref<320xf32, #tpu.memory_space<vmem>>, vector<16xf32>,
      %sub3A_355 = arith.subf %get3A_352, %get3A_354 : vector<16xf32>
      %get3A_356 = arith.constant 240 : index
      %get3A_357 = tpu.vector_load %arg15[%get3A_356] {strides = array<i32>} : memref<320xf32, #tpu.memory_space<vmem>>, vector<16xf32>,
      %get3A_358 = arith.constant 240 : index
      %get3A_359 = tpu.vector_load %arg13[%get3A_358] {strides = array<i32>} : memref<320xf32, #tpu.memory_space<vmem>>, vector<16xf32>,
      %sub3A_360 = arith.subf %get3A_357, %get3A_359 : vector<16xf32>
      %mul3A_361 = arith.mulf %sub3A_355, %sub3A_360 : vector<16xf32>
      %swap3A_362 = arith.constant 240 : index
      %swap3A_363 = tpu.vector_load %arg17[%swap3A_362] {strides = array<i32>} : memref<320xf32, #tpu.memory_space<vmem>>, vector<16xf32>,
      tpu.vector_store %arg17[%swap3A_362], %mul3A_361 {strides = array<i32>} : memref<320xf32, #tpu.memory_space<vmem>>, vector<16xf32>,
      %get3A_364 = arith.constant 256 : index
      %get3A_365 = tpu.vector_load %arg16[%get3A_364] {strides = array<i32>} : memref<320xf32, #tpu.memory_space<vmem>>, vector<16xf32>,
      %gt3A_366 = arith.constant 5.000000e-02 : f32
      %gt3A_367 = vector.broadcast %gt3A_366 : f32 to vector<16xf32>
      %gt3A_368 = arith.cmpf ogt, %get3A_365, %gt3A_367 : vector<16xf32>
      %jit3A_369 = arith.constant 0xFF800000 : f32
      %broadcast_in_dim3A_370 = vector.broadcast %jit3A_369 : f32 to vector<16xf32>
      %select_n3A_371 = arith.select %gt3A_368, %get3A_365, %broadcast_in_dim3A_370 : vector<16xi1>, vector<16xf32>
      %swap3A_372 = arith.constant 256 : index
      %swap3A_373 = tpu.vector_load %arg16[%swap3A_372] {strides = array<i32>} : memref<320xf32, #tpu.memory_space<vmem>>, vector<16xf32>,
      tpu.vector_store %arg16[%swap3A_372], %select_n3A_371 {strides = array<i32>} : memref<320xf32, #tpu.memory_space<vmem>>, vector<16xf32>,
      %get3A_374 = arith.constant 256 : index
      %get3A_375 = tpu.vector_load %arg14[%get3A_374] {strides = array<i32>} : memref<320xf32, #tpu.memory_space<vmem>>, vector<16xf32>,
      %get3A_376 = arith.constant 256 : index
      %get3A_377 = tpu.vector_load %arg12[%get3A_376] {strides = array<i32>} : memref<320xf32, #tpu.memory_space<vmem>>, vector<16xf32>,
      %sub3A_378 = arith.subf %get3A_375, %get3A_377 : vector<16xf32>
      %get3A_379 = arith.constant 256 : index
      %get3A_380 = tpu.vector_load %arg15[%get3A_379] {strides = array<i32>} : memref<320xf32, #tpu.memory_space<vmem>>, vector<16xf32>,
      %get3A_381 = arith.constant 256 : index
      %get3A_382 = tpu.vector_load %arg13[%get3A_381] {strides = array<i32>} : memref<320xf32, #tpu.memory_space<vmem>>, vector<16xf32>,
      %sub3A_383 = arith.subf %get3A_380, %get3A_382 : vector<16xf32>
      %mul3A_384 = arith.mulf %sub3A_378, %sub3A_383 : vector<16xf32>
      %swap3A_385 = arith.constant 256 : index
      %swap3A_386 = tpu.vector_load %arg17[%swap3A_385] {strides = array<i32>} : memref<320xf32, #tpu.memory_space<vmem>>, vector<16xf32>,
      tpu.vector_store %arg17[%swap3A_385], %mul3A_384 {strides = array<i32>} : memref<320xf32, #tpu.memory_space<vmem>>, vector<16xf32>,
      %get3A_387 = arith.constant 272 : index
      %get3A_388 = tpu.vector_load %arg16[%get3A_387] {strides = array<i32>} : memref<320xf32, #tpu.memory_space<vmem>>, vector<16xf32>,
      %gt3A_389 = arith.constant 5.000000e-02 : f32
      %gt3A_390 = vector.broadcast %gt3A_389 : f32 to vector<16xf32>
      %gt3A_391 = arith.cmpf ogt, %get3A_388, %gt3A_390 : vector<16xf32>
      %jit3A_392 = arith.constant 0xFF800000 : f32
      %broadcast_in_dim3A_393 = vector.broadcast %jit3A_392 : f32 to vector<16xf32>
      %select_n3A_394 = arith.select %gt3A_391, %get3A_388, %broadcast_in_dim3A_393 : vector<16xi1>, vector<16xf32>
      %swap3A_395 = arith.constant 272 : index
      %swap3A_396 = tpu.vector_load %arg16[%swap3A_395] {strides = array<i32>} : memref<320xf32, #tpu.memory_space<vmem>>, vector<16xf32>,
      tpu.vector_store %arg16[%swap3A_395], %select_n3A_394 {strides = array<i32>} : memref<320xf32, #tpu.memory_space<vmem>>, vector<16xf32>,
      %get3A_397 = arith.constant 272 : index
      %get3A_398 = tpu.vector_load %arg14[%get3A_397] {strides = array<i32>} : memref<320xf32, #tpu.memory_space<vmem>>, vector<16xf32>,
      %get3A_399 = arith.constant 272 : index
      %get3A_400 = tpu.vector_load %arg12[%get3A_399] {strides = array<i32>} : memref<320xf32, #tpu.memory_space<vmem>>, vector<16xf32>,
      %sub3A_401 = arith.subf %get3A_398, %get3A_400 : vector<16xf32>
      %get3A_402 = arith.constant 272 : index
      %get3A_403 = tpu.vector_load %arg15[%get3A_402] {strides = array<i32>} : memref<320xf32, #tpu.memory_space<vmem>>, vector<16xf32>,
      %get3A_404 = arith.constant 272 : index
      %get3A_405 = tpu.vector_load %arg13[%get3A_404] {strides = array<i32>} : memref<320xf32, #tpu.memory_space<vmem>>, vector<16xf32>,
      %sub3A_406 = arith.subf %get3A_403, %get3A_405 : vector<16xf32>
      %mul3A_407 = arith.mulf %sub3A_401, %sub3A_406 : vector<16xf32>
      %swap3A_408 = arith.constant 272 : index
      %swap3A_409 = tpu.vector_load %arg17[%swap3A_408] {strides = array<i32>} : memref<320xf32, #tpu.memory_space<vmem>>, vector<16xf32>,
      tpu.vector_store %arg17[%swap3A_408], %mul3A_407 {strides = array<i32>} : memref<320xf32, #tpu.memory_space<vmem>>, vector<16xf32>,
      %get3A_410 = arith.constant 288 : index
      %get3A_411 = tpu.vector_load %arg16[%get3A_410] {strides = array<i32>} : memref<320xf32, #tpu.memory_space<vmem>>, vector<16xf32>,
      %gt3A_412 = arith.constant 5.000000e-02 : f32
      %gt3A_413 = vector.broadcast %gt3A_412 : f32 to vector<16xf32>
      %gt3A_414 = arith.cmpf ogt, %get3A_411, %gt3A_413 : vector<16xf32>
      %jit3A_415 = arith.constant 0xFF800000 : f32
      %broadcast_in_dim3A_416 = vector.broadcast %jit3A_415 : f32 to vector<16xf32>
      %select_n3A_417 = arith.select %gt3A_414, %get3A_411, %broadcast_in_dim3A_416 : vector<16xi1>, vector<16xf32>
      %swap3A_418 = arith.constant 288 : index
      %swap3A_419 = tpu.vector_load %arg16[%swap3A_418] {strides = array<i32>} : memref<320xf32, #tpu.memory_space<vmem>>, vector<16xf32>,
      tpu.vector_store %arg16[%swap3A_418], %select_n3A_417 {strides = array<i32>} : memref<320xf32, #tpu.memory_space<vmem>>, vector<16xf32>,
      %get3A_420 = arith.constant 288 : index
      %get3A_421 = tpu.vector_load %arg14[%get3A_420] {strides = array<i32>} : memref<320xf32, #tpu.memory_space<vmem>>, vector<16xf32>,
      %get3A_422 = arith.constant 288 : index
      %get3A_423 = tpu.vector_load %arg12[%get3A_422] {strides = array<i32>} : memref<320xf32, #tpu.memory_space<vmem>>, vector<16xf32>,
      %sub3A_424 = arith.subf %get3A_421, %get3A_423 : vector<16xf32>
      %get3A_425 = arith.constant 288 : index
      %get3A_426 = tpu.vector_load %arg15[%get3A_425] {strides = array<i32>} : memref<320xf32, #tpu.memory_space<vmem>>, vector<16xf32>,
      %get3A_427 = arith.constant 288 : index
      %get3A_428 = tpu.vector_load %arg13[%get3A_427] {strides = array<i32>} : memref<320xf32, #tpu.memory_space<vmem>>, vector<16xf32>,
      %sub3A_429 = arith.subf %get3A_426, %get3A_428 : vector<16xf32>
      %mul3A_430 = arith.mulf %sub3A_424, %sub3A_429 : vector<16xf32>
      %swap3A_431 = arith.constant 288 : index
      %swap3A_432 = tpu.vector_load %arg17[%swap3A_431] {strides = array<i32>} : memref<320xf32, #tpu.memory_space<vmem>>, vector<16xf32>,
      tpu.vector_store %arg17[%swap3A_431], %mul3A_430 {strides = array<i32>} : memref<320xf32, #tpu.memory_space<vmem>>, vector<16xf32>,
      %get3A_433 = arith.constant 304 : index
      %get3A_434 = tpu.vector_load %arg16[%get3A_433] {strides = array<i32>} : memref<320xf32, #tpu.memory_space<vmem>>, vector<16xf32>,
      %gt3A_435 = arith.constant 5.000000e-02 : f32
      %gt3A_436 = vector.broadcast %gt3A_435 : f32 to vector<16xf32>
      %gt3A_437 = arith.cmpf ogt, %get3A_434, %gt3A_436 : vector<16xf32>
      %jit3A_438 = arith.constant 0xFF800000 : f32
      %broadcast_in_dim3A_439 = vector.broadcast %jit3A_438 : f32 to vector<16xf32>
      %select_n3A_440 = arith.select %gt3A_437, %get3A_434, %broadcast_in_dim3A_439 : vector<16xi1>, vector<16xf32>
      %swap3A_441 = arith.constant 304 : index
      %swap3A_442 = tpu.vector_load %arg16[%swap3A_441] {strides = array<i32>} : memref<320xf32, #tpu.memory_space<vmem>>, vector<16xf32>,
      tpu.vector_store %arg16[%swap3A_441], %select_n3A_440 {strides = array<i32>} : memref<320xf32, #tpu.memory_space<vmem>>, vector<16xf32>,
      %get3A_443 = arith.constant 304 : index
      %get3A_444 = tpu.vector_load %arg14[%get3A_443] {strides = array<i32>} : memref<320xf32, #tpu.memory_space<vmem>>, vector<16xf32>,
      %get3A_445 = arith.constant 304 : index
      %get3A_446 = tpu.vector_load %arg12[%get3A_445] {strides = array<i32>} : memref<320xf32, #tpu.memory_space<vmem>>, vector<16xf32>,
      %sub3A_447 = arith.subf %get3A_444, %get3A_446 : vector<16xf32>
      %get3A_448 = arith.constant 304 : index
      %get3A_449 = tpu.vector_load %arg15[%get3A_448] {strides = array<i32>} : memref<320xf32, #tpu.memory_space<vmem>>, vector<16xf32>,
      %get3A_450 = arith.constant 304 : index
      %get3A_451 = tpu.vector_load %arg13[%get3A_450] {strides = array<i32>} : memref<320xf32, #tpu.memory_space<vmem>>, vector<16xf32>,
      %sub3A_452 = arith.subf %get3A_449, %get3A_451 : vector<16xf32>
      %mul3A_453 = arith.mulf %sub3A_447, %sub3A_452 : vector<16xf32>
      %swap3A_454 = arith.constant 304 : index
      %swap3A_455 = tpu.vector_load %arg17[%swap3A_454] {strides = array<i32>} : memref<320xf32, #tpu.memory_space<vmem>>, vector<16xf32>,
      tpu.vector_store %arg17[%swap3A_454], %mul3A_453 {strides = array<i32>} : memref<320xf32, #tpu.memory_space<vmem>>, vector<16xf32>,
      %while3A = arith.constant 0 : i32
      %while3A_456 = arith.constant 0 : i32
      %while3A_457:2 = scf.while (%while3A_458 = %while3A, %while3A_459 = %while3A_456) : (i32, i32) -> (i32, i32) {
        %lt3A = arith.constant 100 : i32
        %lt3A_460 = arith.cmpi slt, %while3A_458, %lt3A : i32
        %lt3A_461 = arith.constant 100 : i32
        %lt3A_462 = arith.cmpi slt, %while3A_459, %lt3A_461 : i32
        %and3A = arith.andi %lt3A_460, %lt3A_462 : i1
        scf.condition(%and3A) %while3A_458, %while3A_459 : i32, i32
      } do {
      ^bb0(%while3A_458: i32, %while3A_459: i32):
        %broadcast_in_dim3A_460 = arith.constant 0xFF800000 : f32
        %broadcast_in_dim3A_461 = vector.broadcast %broadcast_in_dim3A_460 : f32 to vector<16xf32>
        %broadcast_in_dim3A_462 = arith.constant 0 : i32
        %broadcast_in_dim3A_463 = vector.broadcast %broadcast_in_dim3A_462 : i32 to vector<16xi32>
        %broadcast_in_dim3A_464 = arith.constant 0xFF800000 : f32
        %broadcast_in_dim3A_465 = vector.broadcast %broadcast_in_dim3A_464 : f32 to vector<16xf32>
        %broadcast_in_dim3A_466 = arith.constant 0 : i32
        %broadcast_in_dim3A_467 = vector.broadcast %broadcast_in_dim3A_466 : i32 to vector<16xi32>
        %get3A_468 = arith.constant 0 : index
        %get3A_469 = tpu.vector_load %arg16[%get3A_468] {strides = array<i32>} : memref<320xf32, #tpu.memory_space<vmem>>, vector<16xf32>,
        %gt3A_470 = arith.cmpf ogt, %get3A_469, %broadcast_in_dim3A_461 : vector<16xf32>
        %gt3A_471 = arith.cmpf ogt, %get3A_469, %broadcast_in_dim3A_465 : vector<16xf32>
        %select_n3A_472 = arith.select %gt3A_471, %get3A_469, %broadcast_in_dim3A_465 : vector<16xi1>, vector<16xf32>
        %select_n3A_473 = arith.select %gt3A_470, %broadcast_in_dim3A_461, %select_n3A_472 : vector<16xi1>, vector<16xf32>
        %jit3A_474 = arith.constant 0 : i32
        %broadcast_in_dim3A_475 = vector.broadcast %jit3A_474 : i32 to vector<16xi32>
        %select_n3A_476 = arith.select %gt3A_471, %broadcast_in_dim3A_475, %broadcast_in_dim3A_467 : vector<16xi1>, vector<16xi32>
        %select_n3A_477 = arith.select %gt3A_470, %broadcast_in_dim3A_463, %select_n3A_476 : vector<16xi1>, vector<16xi32>
        %select_n3A_478 = arith.select %gt3A_470, %get3A_469, %broadcast_in_dim3A_461 : vector<16xi1>, vector<16xf32>
        %jit3A_479 = arith.constant 0 : i32
        %broadcast_in_dim3A_480 = vector.broadcast %jit3A_479 : i32 to vector<16xi32>
        %select_n3A_481 = arith.select %gt3A_470, %broadcast_in_dim3A_480, %broadcast_in_dim3A_463 : vector<16xi1>, vector<16xi32>
        %get3A_482 = arith.constant 16 : index
        %get3A_483 = tpu.vector_load %arg16[%get3A_482] {strides = array<i32>} : memref<320xf32, #tpu.memory_space<vmem>>, vector<16xf32>,
        %gt3A_484 = arith.cmpf ogt, %get3A_483, %select_n3A_478 : vector<16xf32>
        %gt3A_485 = arith.cmpf ogt, %get3A_483, %select_n3A_473 : vector<16xf32>
        %select_n3A_486 = arith.select %gt3A_485, %get3A_483, %select_n3A_473 : vector<16xi1>, vector<16xf32>
        %select_n3A_487 = arith.select %gt3A_484, %select_n3A_478, %select_n3A_486 : vector<16xi1>, vector<16xf32>
        %jit3A_488 = arith.constant 1 : i32
        %broadcast_in_dim3A_489 = vector.broadcast %jit3A_488 : i32 to vector<16xi32>
        %select_n3A_490 = arith.select %gt3A_485, %broadcast_in_dim3A_489, %select_n3A_477 : vector<16xi1>, vector<16xi32>
        %select_n3A_491 = arith.select %gt3A_484, %select_n3A_481, %select_n3A_490 : vector<16xi1>, vector<16xi32>
        %select_n3A_492 = arith.select %gt3A_484, %get3A_483, %select_n3A_478 : vector<16xi1>, vector<16xf32>
        %jit3A_493 = arith.constant 1 : i32
        %broadcast_in_dim3A_494 = vector.broadcast %jit3A_493 : i32 to vector<16xi32>
        %select_n3A_495 = arith.select %gt3A_484, %broadcast_in_dim3A_494, %select_n3A_481 : vector<16xi1>, vector<16xi32>
        %get3A_496 = arith.constant 32 : index
        %get3A_497 = tpu.vector_load %arg16[%get3A_496] {strides = array<i32>} : memref<320xf32, #tpu.memory_space<vmem>>, vector<16xf32>,
        %gt3A_498 = arith.cmpf ogt, %get3A_497, %select_n3A_492 : vector<16xf32>
        %gt3A_499 = arith.cmpf ogt, %get3A_497, %select_n3A_487 : vector<16xf32>
        %select_n3A_500 = arith.select %gt3A_499, %get3A_497, %select_n3A_487 : vector<16xi1>, vector<16xf32>
        %select_n3A_501 = arith.select %gt3A_498, %select_n3A_492, %select_n3A_500 : vector<16xi1>, vector<16xf32>
        %jit3A_502 = arith.constant 2 : i32
        %broadcast_in_dim3A_503 = vector.broadcast %jit3A_502 : i32 to vector<16xi32>
        %select_n3A_504 = arith.select %gt3A_499, %broadcast_in_dim3A_503, %select_n3A_491 : vector<16xi1>, vector<16xi32>
        %select_n3A_505 = arith.select %gt3A_498, %select_n3A_495, %select_n3A_504 : vector<16xi1>, vector<16xi32>
        %select_n3A_506 = arith.select %gt3A_498, %get3A_497, %select_n3A_492 : vector<16xi1>, vector<16xf32>
        %jit3A_507 = arith.constant 2 : i32
        %broadcast_in_dim3A_508 = vector.broadcast %jit3A_507 : i32 to vector<16xi32>
        %select_n3A_509 = arith.select %gt3A_498, %broadcast_in_dim3A_508, %select_n3A_495 : vector<16xi1>, vector<16xi32>
        %get3A_510 = arith.constant 48 : index
        %get3A_511 = tpu.vector_load %arg16[%get3A_510] {strides = array<i32>} : memref<320xf32, #tpu.memory_space<vmem>>, vector<16xf32>,
        %gt3A_512 = arith.cmpf ogt, %get3A_511, %select_n3A_506 : vector<16xf32>
        %gt3A_513 = arith.cmpf ogt, %get3A_511, %select_n3A_501 : vector<16xf32>
        %select_n3A_514 = arith.select %gt3A_513, %get3A_511, %select_n3A_501 : vector<16xi1>, vector<16xf32>
        %select_n3A_515 = arith.select %gt3A_512, %select_n3A_506, %select_n3A_514 : vector<16xi1>, vector<16xf32>
        %jit3A_516 = arith.constant 3 : i32
        %broadcast_in_dim3A_517 = vector.broadcast %jit3A_516 : i32 to vector<16xi32>
        %select_n3A_518 = arith.select %gt3A_513, %broadcast_in_dim3A_517, %select_n3A_505 : vector<16xi1>, vector<16xi32>
        %select_n3A_519 = arith.select %gt3A_512, %select_n3A_509, %select_n3A_518 : vector<16xi1>, vector<16xi32>
        %select_n3A_520 = arith.select %gt3A_512, %get3A_511, %select_n3A_506 : vector<16xi1>, vector<16xf32>
        %jit3A_521 = arith.constant 3 : i32
        %broadcast_in_dim3A_522 = vector.broadcast %jit3A_521 : i32 to vector<16xi32>
        %select_n3A_523 = arith.select %gt3A_512, %broadcast_in_dim3A_522, %select_n3A_509 : vector<16xi1>, vector<16xi32>
        %get3A_524 = arith.constant 64 : index
        %get3A_525 = tpu.vector_load %arg16[%get3A_524] {strides = array<i32>} : memref<320xf32, #tpu.memory_space<vmem>>, vector<16xf32>,
        %gt3A_526 = arith.cmpf ogt, %get3A_525, %select_n3A_520 : vector<16xf32>
        %gt3A_527 = arith.cmpf ogt, %get3A_525, %select_n3A_515 : vector<16xf32>
        %select_n3A_528 = arith.select %gt3A_527, %get3A_525, %select_n3A_515 : vector<16xi1>, vector<16xf32>
        %select_n3A_529 = arith.select %gt3A_526, %select_n3A_520, %select_n3A_528 : vector<16xi1>, vector<16xf32>
        %jit3A_530 = arith.constant 4 : i32
        %broadcast_in_dim3A_531 = vector.broadcast %jit3A_530 : i32 to vector<16xi32>
        %select_n3A_532 = arith.select %gt3A_527, %broadcast_in_dim3A_531, %select_n3A_519 : vector<16xi1>, vector<16xi32>
        %select_n3A_533 = arith.select %gt3A_526, %select_n3A_523, %select_n3A_532 : vector<16xi1>, vector<16xi32>
        %select_n3A_534 = arith.select %gt3A_526, %get3A_525, %select_n3A_520 : vector<16xi1>, vector<16xf32>
        %jit3A_535 = arith.constant 4 : i32
        %broadcast_in_dim3A_536 = vector.broadcast %jit3A_535 : i32 to vector<16xi32>
        %select_n3A_537 = arith.select %gt3A_526, %broadcast_in_dim3A_536, %select_n3A_523 : vector<16xi1>, vector<16xi32>
        %get3A_538 = arith.constant 80 : index
        %get3A_539 = tpu.vector_load %arg16[%get3A_538] {strides = array<i32>} : memref<320xf32, #tpu.memory_space<vmem>>, vector<16xf32>,
        %gt3A_540 = arith.cmpf ogt, %get3A_539, %select_n3A_534 : vector<16xf32>
        %gt3A_541 = arith.cmpf ogt, %get3A_539, %select_n3A_529 : vector<16xf32>
        %select_n3A_542 = arith.select %gt3A_541, %get3A_539, %select_n3A_529 : vector<16xi1>, vector<16xf32>
        %select_n3A_543 = arith.select %gt3A_540, %select_n3A_534, %select_n3A_542 : vector<16xi1>, vector<16xf32>
        %jit3A_544 = arith.constant 5 : i32
        %broadcast_in_dim3A_545 = vector.broadcast %jit3A_544 : i32 to vector<16xi32>
        %select_n3A_546 = arith.select %gt3A_541, %broadcast_in_dim3A_545, %select_n3A_533 : vector<16xi1>, vector<16xi32>
        %select_n3A_547 = arith.select %gt3A_540, %select_n3A_537, %select_n3A_546 : vector<16xi1>, vector<16xi32>
        %select_n3A_548 = arith.select %gt3A_540, %get3A_539, %select_n3A_534 : vector<16xi1>, vector<16xf32>
        %jit3A_549 = arith.constant 5 : i32
        %broadcast_in_dim3A_550 = vector.broadcast %jit3A_549 : i32 to vector<16xi32>
        %select_n3A_551 = arith.select %gt3A_540, %broadcast_in_dim3A_550, %select_n3A_537 : vector<16xi1>, vector<16xi32>
        %get3A_552 = arith.constant 96 : index
        %get3A_553 = tpu.vector_load %arg16[%get3A_552] {strides = array<i32>} : memref<320xf32, #tpu.memory_space<vmem>>, vector<16xf32>,
        %gt3A_554 = arith.cmpf ogt, %get3A_553, %select_n3A_548 : vector<16xf32>
        %gt3A_555 = arith.cmpf ogt, %get3A_553, %select_n3A_543 : vector<16xf32>
        %select_n3A_556 = arith.select %gt3A_555, %get3A_553, %select_n3A_543 : vector<16xi1>, vector<16xf32>
        %select_n3A_557 = arith.select %gt3A_554, %select_n3A_548, %select_n3A_556 : vector<16xi1>, vector<16xf32>
        %jit3A_558 = arith.constant 6 : i32
        %broadcast_in_dim3A_559 = vector.broadcast %jit3A_558 : i32 to vector<16xi32>
        %select_n3A_560 = arith.select %gt3A_555, %broadcast_in_dim3A_559, %select_n3A_547 : vector<16xi1>, vector<16xi32>
        %select_n3A_561 = arith.select %gt3A_554, %select_n3A_551, %select_n3A_560 : vector<16xi1>, vector<16xi32>
        %select_n3A_562 = arith.select %gt3A_554, %get3A_553, %select_n3A_548 : vector<16xi1>, vector<16xf32>
        %jit3A_563 = arith.constant 6 : i32
        %broadcast_in_dim3A_564 = vector.broadcast %jit3A_563 : i32 to vector<16xi32>
        %select_n3A_565 = arith.select %gt3A_554, %broadcast_in_dim3A_564, %select_n3A_551 : vector<16xi1>, vector<16xi32>
        %get3A_566 = arith.constant 112 : index
        %get3A_567 = tpu.vector_load %arg16[%get3A_566] {strides = array<i32>} : memref<320xf32, #tpu.memory_space<vmem>>, vector<16xf32>,
        %gt3A_568 = arith.cmpf ogt, %get3A_567, %select_n3A_562 : vector<16xf32>
        %gt3A_569 = arith.cmpf ogt, %get3A_567, %select_n3A_557 : vector<16xf32>
        %select_n3A_570 = arith.select %gt3A_569, %get3A_567, %select_n3A_557 : vector<16xi1>, vector<16xf32>
        %select_n3A_571 = arith.select %gt3A_568, %select_n3A_562, %select_n3A_570 : vector<16xi1>, vector<16xf32>
        %jit3A_572 = arith.constant 7 : i32
        %broadcast_in_dim3A_573 = vector.broadcast %jit3A_572 : i32 to vector<16xi32>
        %select_n3A_574 = arith.select %gt3A_569, %broadcast_in_dim3A_573, %select_n3A_561 : vector<16xi1>, vector<16xi32>
        %select_n3A_575 = arith.select %gt3A_568, %select_n3A_565, %select_n3A_574 : vector<16xi1>, vector<16xi32>
        %select_n3A_576 = arith.select %gt3A_568, %get3A_567, %select_n3A_562 : vector<16xi1>, vector<16xf32>
        %jit3A_577 = arith.constant 7 : i32
        %broadcast_in_dim3A_578 = vector.broadcast %jit3A_577 : i32 to vector<16xi32>
        %select_n3A_579 = arith.select %gt3A_568, %broadcast_in_dim3A_578, %select_n3A_565 : vector<16xi1>, vector<16xi32>
        %get3A_580 = arith.constant 128 : index
        %get3A_581 = tpu.vector_load %arg16[%get3A_580] {strides = array<i32>} : memref<320xf32, #tpu.memory_space<vmem>>, vector<16xf32>,
        %gt3A_582 = arith.cmpf ogt, %get3A_581, %select_n3A_576 : vector<16xf32>
        %gt3A_583 = arith.cmpf ogt, %get3A_581, %select_n3A_571 : vector<16xf32>
        %select_n3A_584 = arith.select %gt3A_583, %get3A_581, %select_n3A_571 : vector<16xi1>, vector<16xf32>
        %select_n3A_585 = arith.select %gt3A_582, %select_n3A_576, %select_n3A_584 : vector<16xi1>, vector<16xf32>
        %jit3A_586 = arith.constant 8 : i32
        %broadcast_in_dim3A_587 = vector.broadcast %jit3A_586 : i32 to vector<16xi32>
        %select_n3A_588 = arith.select %gt3A_583, %broadcast_in_dim3A_587, %select_n3A_575 : vector<16xi1>, vector<16xi32>
        %select_n3A_589 = arith.select %gt3A_582, %select_n3A_579, %select_n3A_588 : vector<16xi1>, vector<16xi32>
        %select_n3A_590 = arith.select %gt3A_582, %get3A_581, %select_n3A_576 : vector<16xi1>, vector<16xf32>
        %jit3A_591 = arith.constant 8 : i32
        %broadcast_in_dim3A_592 = vector.broadcast %jit3A_591 : i32 to vector<16xi32>
        %select_n3A_593 = arith.select %gt3A_582, %broadcast_in_dim3A_592, %select_n3A_579 : vector<16xi1>, vector<16xi32>
        %get3A_594 = arith.constant 144 : index
        %get3A_595 = tpu.vector_load %arg16[%get3A_594] {strides = array<i32>} : memref<320xf32, #tpu.memory_space<vmem>>, vector<16xf32>,
        %gt3A_596 = arith.cmpf ogt, %get3A_595, %select_n3A_590 : vector<16xf32>
        %gt3A_597 = arith.cmpf ogt, %get3A_595, %select_n3A_585 : vector<16xf32>
        %select_n3A_598 = arith.select %gt3A_597, %get3A_595, %select_n3A_585 : vector<16xi1>, vector<16xf32>
        %select_n3A_599 = arith.select %gt3A_596, %select_n3A_590, %select_n3A_598 : vector<16xi1>, vector<16xf32>
        %jit3A_600 = arith.constant 9 : i32
        %broadcast_in_dim3A_601 = vector.broadcast %jit3A_600 : i32 to vector<16xi32>
        %select_n3A_602 = arith.select %gt3A_597, %broadcast_in_dim3A_601, %select_n3A_589 : vector<16xi1>, vector<16xi32>
        %select_n3A_603 = arith.select %gt3A_596, %select_n3A_593, %select_n3A_602 : vector<16xi1>, vector<16xi32>
        %select_n3A_604 = arith.select %gt3A_596, %get3A_595, %select_n3A_590 : vector<16xi1>, vector<16xf32>
        %jit3A_605 = arith.constant 9 : i32
        %broadcast_in_dim3A_606 = vector.broadcast %jit3A_605 : i32 to vector<16xi32>
        %select_n3A_607 = arith.select %gt3A_596, %broadcast_in_dim3A_606, %select_n3A_593 : vector<16xi1>, vector<16xi32>
        %get3A_608 = arith.constant 160 : index
        %get3A_609 = tpu.vector_load %arg16[%get3A_608] {strides = array<i32>} : memref<320xf32, #tpu.memory_space<vmem>>, vector<16xf32>,
        %gt3A_610 = arith.cmpf ogt, %get3A_609, %select_n3A_604 : vector<16xf32>
        %gt3A_611 = arith.cmpf ogt, %get3A_609, %select_n3A_599 : vector<16xf32>
        %select_n3A_612 = arith.select %gt3A_611, %get3A_609, %select_n3A_599 : vector<16xi1>, vector<16xf32>
        %select_n3A_613 = arith.select %gt3A_610, %select_n3A_604, %select_n3A_612 : vector<16xi1>, vector<16xf32>
        %jit3A_614 = arith.constant 10 : i32
        %broadcast_in_dim3A_615 = vector.broadcast %jit3A_614 : i32 to vector<16xi32>
        %select_n3A_616 = arith.select %gt3A_611, %broadcast_in_dim3A_615, %select_n3A_603 : vector<16xi1>, vector<16xi32>
        %select_n3A_617 = arith.select %gt3A_610, %select_n3A_607, %select_n3A_616 : vector<16xi1>, vector<16xi32>
        %select_n3A_618 = arith.select %gt3A_610, %get3A_609, %select_n3A_604 : vector<16xi1>, vector<16xf32>
        %jit3A_619 = arith.constant 10 : i32
        %broadcast_in_dim3A_620 = vector.broadcast %jit3A_619 : i32 to vector<16xi32>
        %select_n3A_621 = arith.select %gt3A_610, %broadcast_in_dim3A_620, %select_n3A_607 : vector<16xi1>, vector<16xi32>
        %get3A_622 = arith.constant 176 : index
        %get3A_623 = tpu.vector_load %arg16[%get3A_622] {strides = array<i32>} : memref<320xf32, #tpu.memory_space<vmem>>, vector<16xf32>,
        %gt3A_624 = arith.cmpf ogt, %get3A_623, %select_n3A_618 : vector<16xf32>
        %gt3A_625 = arith.cmpf ogt, %get3A_623, %select_n3A_613 : vector<16xf32>
        %select_n3A_626 = arith.select %gt3A_625, %get3A_623, %select_n3A_613 : vector<16xi1>, vector<16xf32>
        %select_n3A_627 = arith.select %gt3A_624, %select_n3A_618, %select_n3A_626 : vector<16xi1>, vector<16xf32>
        %jit3A_628 = arith.constant 11 : i32
        %broadcast_in_dim3A_629 = vector.broadcast %jit3A_628 : i32 to vector<16xi32>
        %select_n3A_630 = arith.select %gt3A_625, %broadcast_in_dim3A_629, %select_n3A_617 : vector<16xi1>, vector<16xi32>
        %select_n3A_631 = arith.select %gt3A_624, %select_n3A_621, %select_n3A_630 : vector<16xi1>, vector<16xi32>
        %select_n3A_632 = arith.select %gt3A_624, %get3A_623, %select_n3A_618 : vector<16xi1>, vector<16xf32>
        %jit3A_633 = arith.constant 11 : i32
        %broadcast_in_dim3A_634 = vector.broadcast %jit3A_633 : i32 to vector<16xi32>
        %select_n3A_635 = arith.select %gt3A_624, %broadcast_in_dim3A_634, %select_n3A_621 : vector<16xi1>, vector<16xi32>
        %get3A_636 = arith.constant 192 : index
        %get3A_637 = tpu.vector_load %arg16[%get3A_636] {strides = array<i32>} : memref<320xf32, #tpu.memory_space<vmem>>, vector<16xf32>,
        %gt3A_638 = arith.cmpf ogt, %get3A_637, %select_n3A_632 : vector<16xf32>
        %gt3A_639 = arith.cmpf ogt, %get3A_637, %select_n3A_627 : vector<16xf32>
        %select_n3A_640 = arith.select %gt3A_639, %get3A_637, %select_n3A_627 : vector<16xi1>, vector<16xf32>
        %select_n3A_641 = arith.select %gt3A_638, %select_n3A_632, %select_n3A_640 : vector<16xi1>, vector<16xf32>
        %jit3A_642 = arith.constant 12 : i32
        %broadcast_in_dim3A_643 = vector.broadcast %jit3A_642 : i32 to vector<16xi32>
        %select_n3A_644 = arith.select %gt3A_639, %broadcast_in_dim3A_643, %select_n3A_631 : vector<16xi1>, vector<16xi32>
        %select_n3A_645 = arith.select %gt3A_638, %select_n3A_635, %select_n3A_644 : vector<16xi1>, vector<16xi32>
        %select_n3A_646 = arith.select %gt3A_638, %get3A_637, %select_n3A_632 : vector<16xi1>, vector<16xf32>
        %jit3A_647 = arith.constant 12 : i32
        %broadcast_in_dim3A_648 = vector.broadcast %jit3A_647 : i32 to vector<16xi32>
        %select_n3A_649 = arith.select %gt3A_638, %broadcast_in_dim3A_648, %select_n3A_635 : vector<16xi1>, vector<16xi32>
        %get3A_650 = arith.constant 208 : index
        %get3A_651 = tpu.vector_load %arg16[%get3A_650] {strides = array<i32>} : memref<320xf32, #tpu.memory_space<vmem>>, vector<16xf32>,
        %gt3A_652 = arith.cmpf ogt, %get3A_651, %select_n3A_646 : vector<16xf32>
        %gt3A_653 = arith.cmpf ogt, %get3A_651, %select_n3A_641 : vector<16xf32>
        %select_n3A_654 = arith.select %gt3A_653, %get3A_651, %select_n3A_641 : vector<16xi1>, vector<16xf32>
        %select_n3A_655 = arith.select %gt3A_652, %select_n3A_646, %select_n3A_654 : vector<16xi1>, vector<16xf32>
        %jit3A_656 = arith.constant 13 : i32
        %broadcast_in_dim3A_657 = vector.broadcast %jit3A_656 : i32 to vector<16xi32>
        %select_n3A_658 = arith.select %gt3A_653, %broadcast_in_dim3A_657, %select_n3A_645 : vector<16xi1>, vector<16xi32>
        %select_n3A_659 = arith.select %gt3A_652, %select_n3A_649, %select_n3A_658 : vector<16xi1>, vector<16xi32>
        %select_n3A_660 = arith.select %gt3A_652, %get3A_651, %select_n3A_646 : vector<16xi1>, vector<16xf32>
        %jit3A_661 = arith.constant 13 : i32
        %broadcast_in_dim3A_662 = vector.broadcast %jit3A_661 : i32 to vector<16xi32>
        %select_n3A_663 = arith.select %gt3A_652, %broadcast_in_dim3A_662, %select_n3A_649 : vector<16xi1>, vector<16xi32>
        %get3A_664 = arith.constant 224 : index
        %get3A_665 = tpu.vector_load %arg16[%get3A_664] {strides = array<i32>} : memref<320xf32, #tpu.memory_space<vmem>>, vector<16xf32>,
        %gt3A_666 = arith.cmpf ogt, %get3A_665, %select_n3A_660 : vector<16xf32>
        %gt3A_667 = arith.cmpf ogt, %get3A_665, %select_n3A_655 : vector<16xf32>
        %select_n3A_668 = arith.select %gt3A_667, %get3A_665, %select_n3A_655 : vector<16xi1>, vector<16xf32>
        %select_n3A_669 = arith.select %gt3A_666, %select_n3A_660, %select_n3A_668 : vector<16xi1>, vector<16xf32>
        %jit3A_670 = arith.constant 14 : i32
        %broadcast_in_dim3A_671 = vector.broadcast %jit3A_670 : i32 to vector<16xi32>
        %select_n3A_672 = arith.select %gt3A_667, %broadcast_in_dim3A_671, %select_n3A_659 : vector<16xi1>, vector<16xi32>
        %select_n3A_673 = arith.select %gt3A_666, %select_n3A_663, %select_n3A_672 : vector<16xi1>, vector<16xi32>
        %select_n3A_674 = arith.select %gt3A_666, %get3A_665, %select_n3A_660 : vector<16xi1>, vector<16xf32>
        %jit3A_675 = arith.constant 14 : i32
        %broadcast_in_dim3A_676 = vector.broadcast %jit3A_675 : i32 to vector<16xi32>
        %select_n3A_677 = arith.select %gt3A_666, %broadcast_in_dim3A_676, %select_n3A_663 : vector<16xi1>, vector<16xi32>
        %get3A_678 = arith.constant 240 : index
        %get3A_679 = tpu.vector_load %arg16[%get3A_678] {strides = array<i32>} : memref<320xf32, #tpu.memory_space<vmem>>, vector<16xf32>,
        %gt3A_680 = arith.cmpf ogt, %get3A_679, %select_n3A_674 : vector<16xf32>
        %gt3A_681 = arith.cmpf ogt, %get3A_679, %select_n3A_669 : vector<16xf32>
        %select_n3A_682 = arith.select %gt3A_681, %get3A_679, %select_n3A_669 : vector<16xi1>, vector<16xf32>
        %select_n3A_683 = arith.select %gt3A_680, %select_n3A_674, %select_n3A_682 : vector<16xi1>, vector<16xf32>
        %jit3A_684 = arith.constant 15 : i32
        %broadcast_in_dim3A_685 = vector.broadcast %jit3A_684 : i32 to vector<16xi32>
        %select_n3A_686 = arith.select %gt3A_681, %broadcast_in_dim3A_685, %select_n3A_673 : vector<16xi1>, vector<16xi32>
        %select_n3A_687 = arith.select %gt3A_680, %select_n3A_677, %select_n3A_686 : vector<16xi1>, vector<16xi32>
        %select_n3A_688 = arith.select %gt3A_680, %get3A_679, %select_n3A_674 : vector<16xi1>, vector<16xf32>
        %jit3A_689 = arith.constant 15 : i32
        %broadcast_in_dim3A_690 = vector.broadcast %jit3A_689 : i32 to vector<16xi32>
        %select_n3A_691 = arith.select %gt3A_680, %broadcast_in_dim3A_690, %select_n3A_677 : vector<16xi1>, vector<16xi32>
        %get3A_692 = arith.constant 256 : index
        %get3A_693 = tpu.vector_load %arg16[%get3A_692] {strides = array<i32>} : memref<320xf32, #tpu.memory_space<vmem>>, vector<16xf32>,
        %gt3A_694 = arith.cmpf ogt, %get3A_693, %select_n3A_688 : vector<16xf32>
        %gt3A_695 = arith.cmpf ogt, %get3A_693, %select_n3A_683 : vector<16xf32>
        %select_n3A_696 = arith.select %gt3A_695, %get3A_693, %select_n3A_683 : vector<16xi1>, vector<16xf32>
        %select_n3A_697 = arith.select %gt3A_694, %select_n3A_688, %select_n3A_696 : vector<16xi1>, vector<16xf32>
        %jit3A_698 = arith.constant 16 : i32
        %broadcast_in_dim3A_699 = vector.broadcast %jit3A_698 : i32 to vector<16xi32>
        %select_n3A_700 = arith.select %gt3A_695, %broadcast_in_dim3A_699, %select_n3A_687 : vector<16xi1>, vector<16xi32>
        %select_n3A_701 = arith.select %gt3A_694, %select_n3A_691, %select_n3A_700 : vector<16xi1>, vector<16xi32>
        %select_n3A_702 = arith.select %gt3A_694, %get3A_693, %select_n3A_688 : vector<16xi1>, vector<16xf32>
        %jit3A_703 = arith.constant 16 : i32
        %broadcast_in_dim3A_704 = vector.broadcast %jit3A_703 : i32 to vector<16xi32>
        %select_n3A_705 = arith.select %gt3A_694, %broadcast_in_dim3A_704, %select_n3A_691 : vector<16xi1>, vector<16xi32>
        %get3A_706 = arith.constant 272 : index
        %get3A_707 = tpu.vector_load %arg16[%get3A_706] {strides = array<i32>} : memref<320xf32, #tpu.memory_space<vmem>>, vector<16xf32>,
        %gt3A_708 = arith.cmpf ogt, %get3A_707, %select_n3A_702 : vector<16xf32>
        %gt3A_709 = arith.cmpf ogt, %get3A_707, %select_n3A_697 : vector<16xf32>
        %select_n3A_710 = arith.select %gt3A_709, %get3A_707, %select_n3A_697 : vector<16xi1>, vector<16xf32>
        %select_n3A_711 = arith.select %gt3A_708, %select_n3A_702, %select_n3A_710 : vector<16xi1>, vector<16xf32>
        %jit3A_712 = arith.constant 17 : i32
        %broadcast_in_dim3A_713 = vector.broadcast %jit3A_712 : i32 to vector<16xi32>
        %select_n3A_714 = arith.select %gt3A_709, %broadcast_in_dim3A_713, %select_n3A_701 : vector<16xi1>, vector<16xi32>
        %select_n3A_715 = arith.select %gt3A_708, %select_n3A_705, %select_n3A_714 : vector<16xi1>, vector<16xi32>
        %select_n3A_716 = arith.select %gt3A_708, %get3A_707, %select_n3A_702 : vector<16xi1>, vector<16xf32>
        %jit3A_717 = arith.constant 17 : i32
        %broadcast_in_dim3A_718 = vector.broadcast %jit3A_717 : i32 to vector<16xi32>
        %select_n3A_719 = arith.select %gt3A_708, %broadcast_in_dim3A_718, %select_n3A_705 : vector<16xi1>, vector<16xi32>
        %get3A_720 = arith.constant 288 : index
        %get3A_721 = tpu.vector_load %arg16[%get3A_720] {strides = array<i32>} : memref<320xf32, #tpu.memory_space<vmem>>, vector<16xf32>,
        %gt3A_722 = arith.cmpf ogt, %get3A_721, %select_n3A_716 : vector<16xf32>
        %gt3A_723 = arith.cmpf ogt, %get3A_721, %select_n3A_711 : vector<16xf32>
        %select_n3A_724 = arith.select %gt3A_723, %get3A_721, %select_n3A_711 : vector<16xi1>, vector<16xf32>
        %select_n3A_725 = arith.select %gt3A_722, %select_n3A_716, %select_n3A_724 : vector<16xi1>, vector<16xf32>
        %jit3A_726 = arith.constant 18 : i32
        %broadcast_in_dim3A_727 = vector.broadcast %jit3A_726 : i32 to vector<16xi32>
        %select_n3A_728 = arith.select %gt3A_723, %broadcast_in_dim3A_727, %select_n3A_715 : vector<16xi1>, vector<16xi32>
        %select_n3A_729 = arith.select %gt3A_722, %select_n3A_719, %select_n3A_728 : vector<16xi1>, vector<16xi32>
        %select_n3A_730 = arith.select %gt3A_722, %get3A_721, %select_n3A_716 : vector<16xi1>, vector<16xf32>
        %jit3A_731 = arith.constant 18 : i32
        %broadcast_in_dim3A_732 = vector.broadcast %jit3A_731 : i32 to vector<16xi32>
        %select_n3A_733 = arith.select %gt3A_722, %broadcast_in_dim3A_732, %select_n3A_719 : vector<16xi1>, vector<16xi32>
        %get3A_734 = arith.constant 304 : index
        %get3A_735 = tpu.vector_load %arg16[%get3A_734] {strides = array<i32>} : memref<320xf32, #tpu.memory_space<vmem>>, vector<16xf32>,
        %gt3A_736 = arith.cmpf ogt, %get3A_735, %select_n3A_730 : vector<16xf32>
        %gt3A_737 = arith.cmpf ogt, %get3A_735, %select_n3A_725 : vector<16xf32>
        %select_n3A_738 = arith.select %gt3A_737, %get3A_735, %select_n3A_725 : vector<16xi1>, vector<16xf32>
        %select_n3A_739 = arith.select %gt3A_736, %select_n3A_730, %select_n3A_738 : vector<16xi1>, vector<16xf32>
        %jit3A_740 = arith.constant 19 : i32
        %broadcast_in_dim3A_741 = vector.broadcast %jit3A_740 : i32 to vector<16xi32>
        %select_n3A_742 = arith.select %gt3A_737, %broadcast_in_dim3A_741, %select_n3A_729 : vector<16xi1>, vector<16xi32>
        %select_n3A_743 = arith.select %gt3A_736, %select_n3A_733, %select_n3A_742 : vector<16xi1>, vector<16xi32>
        %select_n3A_744 = arith.select %gt3A_736, %get3A_735, %select_n3A_730 : vector<16xi1>, vector<16xf32>
        %jit3A_745 = arith.constant 19 : i32
        %broadcast_in_dim3A_746 = vector.broadcast %jit3A_745 : i32 to vector<16xi32>
        %select_n3A_747 = arith.select %gt3A_736, %broadcast_in_dim3A_746, %select_n3A_733 : vector<16xi1>, vector<16xi32>
        %mul3A_748 = arith.constant 16 : i32
        %mul3A_749 = vector.broadcast %mul3A_748 : i32 to vector<16xi32>
        %mul3A_750 = arith.muli %select_n3A_747, %mul3A_749 : vector<16xi32>
        %add3A = arith.addi %mul3A_750, %iota3A : vector<16xi32>
        %add3A_751 = vector.broadcast %mul3A_2 : i32 to vector<16xi32>
        %add3A_752 = arith.addi %add3A, %add3A_751 : vector<16xi32>
        %mul3A_753 = arith.constant 16 : i32
        %mul3A_754 = vector.broadcast %mul3A_753 : i32 to vector<16xi32>
        %mul3A_755 = arith.muli %select_n3A_743, %mul3A_754 : vector<16xi32>
        %add3A_756 = arith.addi %mul3A_755, %iota3A : vector<16xi32>
        %add3A_757 = vector.broadcast %mul3A_2 : i32 to vector<16xi32>
        %add3A_758 = arith.addi %add3A_756, %add3A_757 : vector<16xi32>
        %xor3A = arith.constant 8 : i32
        %xor3A_759 = vector.broadcast %xor3A : i32 to vector<16xi32>
        %xor3A_760 = arith.xori %iota3A, %xor3A_759 : vector<16xi32>
        %broadcast_in_dim3A_761 = vector.shape_cast %xor3A_760 : vector<16xi32> to vector<16x1xi32>
        %gather3A = vector.shape_cast %broadcast_in_dim3A_761 : vector<16x1xi32> to vector<16xi32>
        %gather3A_762 = tpu.dynamic_gather %select_n3A_744[%gather3A] in [0] : vector<16xf32>, vector<16xi32> -> vector<16xf32>
        %broadcast_in_dim3A_763 = vector.shape_cast %xor3A_760 : vector<16xi32> to vector<16x1xi32>
        %gather3A_764 = vector.shape_cast %broadcast_in_dim3A_763 : vector<16x1xi32> to vector<16xi32>
        %gather3A_765 = tpu.dynamic_gather %add3A_752[%gather3A_764] in [0] : vector<16xi32>, vector<16xi32> -> vector<16xi32>
        %broadcast_in_dim3A_766 = vector.shape_cast %xor3A_760 : vector<16xi32> to vector<16x1xi32>
        %gather3A_767 = vector.shape_cast %broadcast_in_dim3A_766 : vector<16x1xi32> to vector<16xi32>
        %gather3A_768 = tpu.dynamic_gather %select_n3A_739[%gather3A_767] in [0] : vector<16xf32>, vector<16xi32> -> vector<16xf32>
        %broadcast_in_dim3A_769 = vector.shape_cast %xor3A_760 : vector<16xi32> to vector<16x1xi32>
        %gather3A_770 = vector.shape_cast %broadcast_in_dim3A_769 : vector<16x1xi32> to vector<16xi32>
        %gather3A_771 = tpu.dynamic_gather %add3A_758[%gather3A_770] in [0] : vector<16xi32>, vector<16xi32> -> vector<16xi32>
        %gt3A_772 = arith.cmpf ogt, %gather3A_762, %select_n3A_744 : vector<16xf32>
        %eq3A_773 = arith.cmpf oeq, %gather3A_762, %select_n3A_744 : vector<16xf32>
        %lt3A = arith.cmpi slt, %gather3A_765, %add3A_752 : vector<16xi32>
        %and3A = arith.andi %eq3A_773, %lt3A : vector<16xi1>
        %or3A = arith.ori %gt3A_772, %and3A : vector<16xi1>
        %select_n3A_774 = arith.select %or3A, %gather3A_762, %select_n3A_744 : vector<16xi1>, vector<16xf32>
        %select_n3A_775 = arith.select %or3A, %gather3A_765, %add3A_752 : vector<16xi1>, vector<16xi32>
        %select_n3A_776 = arith.select %or3A, %select_n3A_744, %gather3A_762 : vector<16xi1>, vector<16xf32>
        %select_n3A_777 = arith.select %or3A, %add3A_752, %gather3A_765 : vector<16xi1>, vector<16xi32>
        %select_n3A_778 = arith.select %or3A, %gather3A_768, %select_n3A_739 : vector<16xi1>, vector<16xf32>
        %select_n3A_779 = arith.select %or3A, %gather3A_771, %add3A_758 : vector<16xi1>, vector<16xi32>
        %gt3A_780 = arith.cmpf ogt, %select_n3A_778, %select_n3A_776 : vector<16xf32>
        %eq3A_781 = arith.cmpf oeq, %select_n3A_778, %select_n3A_776 : vector<16xf32>
        %lt3A_782 = arith.cmpi slt, %select_n3A_779, %select_n3A_777 : vector<16xi32>
        %and3A_783 = arith.andi %eq3A_781, %lt3A_782 : vector<16xi1>
        %or3A_784 = arith.ori %gt3A_780, %and3A_783 : vector<16xi1>
        %select_n3A_785 = arith.select %or3A_784, %select_n3A_778, %select_n3A_776 : vector<16xi1>, vector<16xf32>
        %select_n3A_786 = arith.select %or3A_784, %select_n3A_779, %select_n3A_777 : vector<16xi1>, vector<16xi32>
        %xor3A_787 = arith.constant 4 : i32
        %xor3A_788 = vector.broadcast %xor3A_787 : i32 to vector<16xi32>
        %xor3A_789 = arith.xori %iota3A, %xor3A_788 : vector<16xi32>
        %broadcast_in_dim3A_790 = vector.shape_cast %xor3A_789 : vector<16xi32> to vector<16x1xi32>
        %gather3A_791 = vector.shape_cast %broadcast_in_dim3A_790 : vector<16x1xi32> to vector<16xi32>
        %gather3A_792 = tpu.dynamic_gather %select_n3A_774[%gather3A_791] in [0] : vector<16xf32>, vector<16xi32> -> vector<16xf32>
        %broadcast_in_dim3A_793 = vector.shape_cast %xor3A_789 : vector<16xi32> to vector<16x1xi32>
        %gather3A_794 = vector.shape_cast %broadcast_in_dim3A_793 : vector<16x1xi32> to vector<16xi32>
        %gather3A_795 = tpu.dynamic_gather %select_n3A_775[%gather3A_794] in [0] : vector<16xi32>, vector<16xi32> -> vector<16xi32>
        %broadcast_in_dim3A_796 = vector.shape_cast %xor3A_789 : vector<16xi32> to vector<16x1xi32>
        %gather3A_797 = vector.shape_cast %broadcast_in_dim3A_796 : vector<16x1xi32> to vector<16xi32>
        %gather3A_798 = tpu.dynamic_gather %select_n3A_785[%gather3A_797] in [0] : vector<16xf32>, vector<16xi32> -> vector<16xf32>
        %broadcast_in_dim3A_799 = vector.shape_cast %xor3A_789 : vector<16xi32> to vector<16x1xi32>
        %gather3A_800 = vector.shape_cast %broadcast_in_dim3A_799 : vector<16x1xi32> to vector<16xi32>
        %gather3A_801 = tpu.dynamic_gather %select_n3A_786[%gather3A_800] in [0] : vector<16xi32>, vector<16xi32> -> vector<16xi32>
        %gt3A_802 = arith.cmpf ogt, %gather3A_792, %select_n3A_774 : vector<16xf32>
        %eq3A_803 = arith.cmpf oeq, %gather3A_792, %select_n3A_774 : vector<16xf32>
        %lt3A_804 = arith.cmpi slt, %gather3A_795, %select_n3A_775 : vector<16xi32>
        %and3A_805 = arith.andi %eq3A_803, %lt3A_804 : vector<16xi1>
        %or3A_806 = arith.ori %gt3A_802, %and3A_805 : vector<16xi1>
        %select_n3A_807 = arith.select %or3A_806, %gather3A_792, %select_n3A_774 : vector<16xi1>, vector<16xf32>
        %select_n3A_808 = arith.select %or3A_806, %gather3A_795, %select_n3A_775 : vector<16xi1>, vector<16xi32>
        %select_n3A_809 = arith.select %or3A_806, %select_n3A_774, %gather3A_792 : vector<16xi1>, vector<16xf32>
        %select_n3A_810 = arith.select %or3A_806, %select_n3A_775, %gather3A_795 : vector<16xi1>, vector<16xi32>
        %select_n3A_811 = arith.select %or3A_806, %gather3A_798, %select_n3A_785 : vector<16xi1>, vector<16xf32>
        %select_n3A_812 = arith.select %or3A_806, %gather3A_801, %select_n3A_786 : vector<16xi1>, vector<16xi32>
        %gt3A_813 = arith.cmpf ogt, %select_n3A_811, %select_n3A_809 : vector<16xf32>
        %eq3A_814 = arith.cmpf oeq, %select_n3A_811, %select_n3A_809 : vector<16xf32>
        %lt3A_815 = arith.cmpi slt, %select_n3A_812, %select_n3A_810 : vector<16xi32>
        %and3A_816 = arith.andi %eq3A_814, %lt3A_815 : vector<16xi1>
        %or3A_817 = arith.ori %gt3A_813, %and3A_816 : vector<16xi1>
        %select_n3A_818 = arith.select %or3A_817, %select_n3A_811, %select_n3A_809 : vector<16xi1>, vector<16xf32>
        %select_n3A_819 = arith.select %or3A_817, %select_n3A_812, %select_n3A_810 : vector<16xi1>, vector<16xi32>
        %xor3A_820 = arith.constant 2 : i32
        %xor3A_821 = vector.broadcast %xor3A_820 : i32 to vector<16xi32>
        %xor3A_822 = arith.xori %iota3A, %xor3A_821 : vector<16xi32>
        %broadcast_in_dim3A_823 = vector.shape_cast %xor3A_822 : vector<16xi32> to vector<16x1xi32>
        %gather3A_824 = vector.shape_cast %broadcast_in_dim3A_823 : vector<16x1xi32> to vector<16xi32>
        %gather3A_825 = tpu.dynamic_gather %select_n3A_807[%gather3A_824] in [0] : vector<16xf32>, vector<16xi32> -> vector<16xf32>
        %broadcast_in_dim3A_826 = vector.shape_cast %xor3A_822 : vector<16xi32> to vector<16x1xi32>
        %gather3A_827 = vector.shape_cast %broadcast_in_dim3A_826 : vector<16x1xi32> to vector<16xi32>
        %gather3A_828 = tpu.dynamic_gather %select_n3A_808[%gather3A_827] in [0] : vector<16xi32>, vector<16xi32> -> vector<16xi32>
        %broadcast_in_dim3A_829 = vector.shape_cast %xor3A_822 : vector<16xi32> to vector<16x1xi32>
        %gather3A_830 = vector.shape_cast %broadcast_in_dim3A_829 : vector<16x1xi32> to vector<16xi32>
        %gather3A_831 = tpu.dynamic_gather %select_n3A_818[%gather3A_830] in [0] : vector<16xf32>, vector<16xi32> -> vector<16xf32>
        %broadcast_in_dim3A_832 = vector.shape_cast %xor3A_822 : vector<16xi32> to vector<16x1xi32>
        %gather3A_833 = vector.shape_cast %broadcast_in_dim3A_832 : vector<16x1xi32> to vector<16xi32>
        %gather3A_834 = tpu.dynamic_gather %select_n3A_819[%gather3A_833] in [0] : vector<16xi32>, vector<16xi32> -> vector<16xi32>
        %gt3A_835 = arith.cmpf ogt, %gather3A_825, %select_n3A_807 : vector<16xf32>
        %eq3A_836 = arith.cmpf oeq, %gather3A_825, %select_n3A_807 : vector<16xf32>
        %lt3A_837 = arith.cmpi slt, %gather3A_828, %select_n3A_808 : vector<16xi32>
        %and3A_838 = arith.andi %eq3A_836, %lt3A_837 : vector<16xi1>
        %or3A_839 = arith.ori %gt3A_835, %and3A_838 : vector<16xi1>
        %select_n3A_840 = arith.select %or3A_839, %gather3A_825, %select_n3A_807 : vector<16xi1>, vector<16xf32>
        %select_n3A_841 = arith.select %or3A_839, %gather3A_828, %select_n3A_808 : vector<16xi1>, vector<16xi32>
        %select_n3A_842 = arith.select %or3A_839, %select_n3A_807, %gather3A_825 : vector<16xi1>, vector<16xf32>
        %select_n3A_843 = arith.select %or3A_839, %select_n3A_808, %gather3A_828 : vector<16xi1>, vector<16xi32>
        %select_n3A_844 = arith.select %or3A_839, %gather3A_831, %select_n3A_818 : vector<16xi1>, vector<16xf32>
        %select_n3A_845 = arith.select %or3A_839, %gather3A_834, %select_n3A_819 : vector<16xi1>, vector<16xi32>
        %gt3A_846 = arith.cmpf ogt, %select_n3A_844, %select_n3A_842 : vector<16xf32>
        %eq3A_847 = arith.cmpf oeq, %select_n3A_844, %select_n3A_842 : vector<16xf32>
        %lt3A_848 = arith.cmpi slt, %select_n3A_845, %select_n3A_843 : vector<16xi32>
        %and3A_849 = arith.andi %eq3A_847, %lt3A_848 : vector<16xi1>
        %or3A_850 = arith.ori %gt3A_846, %and3A_849 : vector<16xi1>
        %select_n3A_851 = arith.select %or3A_850, %select_n3A_844, %select_n3A_842 : vector<16xi1>, vector<16xf32>
        %select_n3A_852 = arith.select %or3A_850, %select_n3A_845, %select_n3A_843 : vector<16xi1>, vector<16xi32>
        %xor3A_853 = arith.constant 1 : i32
        %xor3A_854 = vector.broadcast %xor3A_853 : i32 to vector<16xi32>
        %xor3A_855 = arith.xori %iota3A, %xor3A_854 : vector<16xi32>
        %broadcast_in_dim3A_856 = vector.shape_cast %xor3A_855 : vector<16xi32> to vector<16x1xi32>
        %gather3A_857 = vector.shape_cast %broadcast_in_dim3A_856 : vector<16x1xi32> to vector<16xi32>
        %gather3A_858 = tpu.dynamic_gather %select_n3A_840[%gather3A_857] in [0] : vector<16xf32>, vector<16xi32> -> vector<16xf32>
        %broadcast_in_dim3A_859 = vector.shape_cast %xor3A_855 : vector<16xi32> to vector<16x1xi32>
        %gather3A_860 = vector.shape_cast %broadcast_in_dim3A_859 : vector<16x1xi32> to vector<16xi32>
        %gather3A_861 = tpu.dynamic_gather %select_n3A_841[%gather3A_860] in [0] : vector<16xi32>, vector<16xi32> -> vector<16xi32>
        %broadcast_in_dim3A_862 = vector.shape_cast %xor3A_855 : vector<16xi32> to vector<16x1xi32>
        %gather3A_863 = vector.shape_cast %broadcast_in_dim3A_862 : vector<16x1xi32> to vector<16xi32>
        %gather3A_864 = tpu.dynamic_gather %select_n3A_851[%gather3A_863] in [0] : vector<16xf32>, vector<16xi32> -> vector<16xf32>
        %broadcast_in_dim3A_865 = vector.shape_cast %xor3A_855 : vector<16xi32> to vector<16x1xi32>
        %gather3A_866 = vector.shape_cast %broadcast_in_dim3A_865 : vector<16x1xi32> to vector<16xi32>
        %gather3A_867 = tpu.dynamic_gather %select_n3A_852[%gather3A_866] in [0] : vector<16xi32>, vector<16xi32> -> vector<16xi32>
        %gt3A_868 = arith.cmpf ogt, %gather3A_858, %select_n3A_840 : vector<16xf32>
        %eq3A_869 = arith.cmpf oeq, %gather3A_858, %select_n3A_840 : vector<16xf32>
        %lt3A_870 = arith.cmpi slt, %gather3A_861, %select_n3A_841 : vector<16xi32>
        %and3A_871 = arith.andi %eq3A_869, %lt3A_870 : vector<16xi1>
        %or3A_872 = arith.ori %gt3A_868, %and3A_871 : vector<16xi1>
        %select_n3A_873 = arith.select %or3A_872, %gather3A_858, %select_n3A_840 : vector<16xi1>, vector<16xf32>
        %select_n3A_874 = arith.select %or3A_872, %gather3A_861, %select_n3A_841 : vector<16xi1>, vector<16xi32>
        %select_n3A_875 = arith.select %or3A_872, %select_n3A_840, %gather3A_858 : vector<16xi1>, vector<16xf32>
        %select_n3A_876 = arith.select %or3A_872, %select_n3A_841, %gather3A_861 : vector<16xi1>, vector<16xi32>
        %select_n3A_877 = arith.select %or3A_872, %gather3A_864, %select_n3A_851 : vector<16xi1>, vector<16xf32>
        %select_n3A_878 = arith.select %or3A_872, %gather3A_867, %select_n3A_852 : vector<16xi1>, vector<16xi32>
        %gt3A_879 = arith.cmpf ogt, %select_n3A_877, %select_n3A_875 : vector<16xf32>
        %eq3A_880 = arith.cmpf oeq, %select_n3A_877, %select_n3A_875 : vector<16xf32>
        %lt3A_881 = arith.cmpi slt, %select_n3A_878, %select_n3A_876 : vector<16xi32>
        %and3A_882 = arith.andi %eq3A_880, %lt3A_881 : vector<16xi1>
        %or3A_883 = arith.ori %gt3A_879, %and3A_882 : vector<16xi1>
        %select_n3A_884 = arith.select %or3A_883, %select_n3A_877, %select_n3A_875 : vector<16xi1>, vector<16xf32>
        %select_n3A_885 = arith.select %or3A_883, %select_n3A_878, %select_n3A_876 : vector<16xi1>, vector<16xi32>
        %swap3A_886 = arith.constant 0 : index
        %swap3A_887 = tpu.vector_load %arg18[%swap3A_886] {strides = array<i32>} : memref<64xf32, #tpu.memory_space<vmem>>, vector<16xf32>,
        tpu.vector_store %arg18[%swap3A_886], %select_n3A_873 {strides = array<i32>} : memref<64xf32, #tpu.memory_space<vmem>>, vector<16xf32>,
        %bitcast3A = vector.bitcast %select_n3A_874 : vector<16xi32> to vector<16xf32>
        %swap3A_888 = arith.constant 16 : index
        %swap3A_889 = tpu.vector_load %arg18[%swap3A_888] {strides = array<i32>} : memref<64xf32, #tpu.memory_space<vmem>>, vector<16xf32>,
        tpu.vector_store %arg18[%swap3A_888], %bitcast3A {strides = array<i32>} : memref<64xf32, #tpu.memory_space<vmem>>, vector<16xf32>,
        %swap3A_890 = arith.constant 32 : index
        %swap3A_891 = tpu.vector_load %arg18[%swap3A_890] {strides = array<i32>} : memref<64xf32, #tpu.memory_space<vmem>>, vector<16xf32>,
        tpu.vector_store %arg18[%swap3A_890], %select_n3A_884 {strides = array<i32>} : memref<64xf32, #tpu.memory_space<vmem>>, vector<16xf32>,
        %bitcast3A_892 = vector.bitcast %select_n3A_885 : vector<16xi32> to vector<16xf32>
        %swap3A_893 = arith.constant 48 : index
        %swap3A_894 = tpu.vector_load %arg18[%swap3A_893] {strides = array<i32>} : memref<64xf32, #tpu.memory_space<vmem>>, vector<16xf32>,
        tpu.vector_store %arg18[%swap3A_893], %bitcast3A_892 {strides = array<i32>} : memref<64xf32, #tpu.memory_space<vmem>>, vector<16xf32>,
        %mul3A_895 = arith.constant 64 : i32
        %mul3A_896 = arith.muli %arg1, %mul3A_895 : i32
        "tpu.region"() ({
          %run_scoped3A = tpu.sem_alloc : memref<!tpu.dma_semaphore, #tpu.memory_space<semaphore_mem>>
          %dma_start3A = tpu.memref_slice %arg22[%mul3A_896] : memref<1024xf32, #tpu.memory_space<vmem_shared>> -> memref<64xf32, #tpu.memory_space<vmem_shared>>
          %dma_start3A_2381 = tpu.memref_slice %arg22[%mul3A_896] : memref<1024xf32, #tpu.memory_space<vmem_shared>> -> memref<64xf32, #tpu.memory_space<vmem_shared>>
          tpu.enqueue_dma source(%arg18 : memref<64xf32, #tpu.memory_space<vmem>>) target(%dma_start3A_2381 : memref<64xf32, #tpu.memory_space<vmem_shared>>) target_semaphore(%run_scoped3A : memref<!tpu.dma_semaphore, #tpu.memory_space<semaphore_mem>>)
          %dma_wait3A = tpu.memref_slice %arg22[%mul3A_896] : memref<1024xf32, #tpu.memory_space<vmem_shared>> -> memref<64xf32, #tpu.memory_space<vmem_shared>>
          %dma_wait3A_2382 = tpu.memref_slice %arg22[%mul3A_896] : memref<1024xf32, #tpu.memory_space<vmem_shared>> -> memref<64xf32, #tpu.memory_space<vmem_shared>>
          tpu.wait_dma2 semaphore(%run_scoped3A : memref<!tpu.dma_semaphore, #tpu.memory_space<semaphore_mem>>) src(%arg18 : memref<64xf32, #tpu.memory_space<vmem>>) dst(%dma_wait3A_2382 : memref<64xf32, #tpu.memory_space<vmem_shared>>)
          tpu.yield
        }) : () -> ()
        %barrier3A = arith.constant 0 : index
        tpu.barrier barrier_id(%barrier3A)
        %eq3A_897 = arith.constant 0 : i32
        %eq3A_898 = arith.cmpi eq, %arg1, %eq3A_897 : i32
        %convert_element_type3A_899 = arith.extui %eq3A_898 : i1 to i32
        %cond3A_900 = arith.constant 0 : i32
        %cond3A_901 = arith.cmpi ne, %convert_element_type3A_899, %cond3A_900 : i32
        scf.if %cond3A_901 {
          "tpu.region"() ({
            %run_scoped3A = tpu.sem_alloc : memref<!tpu.dma_semaphore, #tpu.memory_space<semaphore_mem>>
            tpu.enqueue_dma source(%arg22 : memref<1024xf32, #tpu.memory_space<vmem_shared>>) target(%arg19 : memref<1024xf32, #tpu.memory_space<vmem>>) target_semaphore(%run_scoped3A : memref<!tpu.dma_semaphore, #tpu.memory_space<semaphore_mem>>)
            tpu.wait_dma2 semaphore(%run_scoped3A : memref<!tpu.dma_semaphore, #tpu.memory_space<semaphore_mem>>) src(%arg22 : memref<1024xf32, #tpu.memory_space<vmem_shared>>) dst(%arg19 : memref<1024xf32, #tpu.memory_space<vmem>>)
            tpu.yield
          }) : () -> ()
          %get3A_2381 = arith.constant 0 : index
          %get3A_2382 = tpu.vector_load %arg19[%get3A_2381] {strides = array<i32>} : memref<1024xf32, #tpu.memory_space<vmem>>, vector<16xf32>,
          %get3A_2383 = arith.constant 16 : index
          %get3A_2384 = tpu.vector_load %arg19[%get3A_2383] {strides = array<i32>} : memref<1024xf32, #tpu.memory_space<vmem>>, vector<16xf32>,
          %bitcast3A_2385 = vector.bitcast %get3A_2384 : vector<16xf32> to vector<16xi32>
          %get3A_2386 = arith.constant 32 : index
          %get3A_2387 = tpu.vector_load %arg19[%get3A_2386] {strides = array<i32>} : memref<1024xf32, #tpu.memory_space<vmem>>, vector<16xf32>,
          %get3A_2388 = arith.constant 48 : index
          %get3A_2389 = tpu.vector_load %arg19[%get3A_2388] {strides = array<i32>} : memref<1024xf32, #tpu.memory_space<vmem>>, vector<16xf32>,
          %bitcast3A_2390 = vector.bitcast %get3A_2389 : vector<16xf32> to vector<16xi32>
          %get3A_2391 = arith.constant 64 : index
          %get3A_2392 = tpu.vector_load %arg19[%get3A_2391] {strides = array<i32>} : memref<1024xf32, #tpu.memory_space<vmem>>, vector<16xf32>,
          %get3A_2393 = arith.constant 80 : index
          %get3A_2394 = tpu.vector_load %arg19[%get3A_2393] {strides = array<i32>} : memref<1024xf32, #tpu.memory_space<vmem>>, vector<16xf32>,
          %bitcast3A_2395 = vector.bitcast %get3A_2394 : vector<16xf32> to vector<16xi32>
          %get3A_2396 = arith.constant 96 : index
          %get3A_2397 = tpu.vector_load %arg19[%get3A_2396] {strides = array<i32>} : memref<1024xf32, #tpu.memory_space<vmem>>, vector<16xf32>,
          %get3A_2398 = arith.constant 112 : index
          %get3A_2399 = tpu.vector_load %arg19[%get3A_2398] {strides = array<i32>} : memref<1024xf32, #tpu.memory_space<vmem>>, vector<16xf32>,
          %bitcast3A_2400 = vector.bitcast %get3A_2399 : vector<16xf32> to vector<16xi32>
          %gt3A_2401 = arith.cmpf ogt, %get3A_2392, %get3A_2382 : vector<16xf32>
          %eq3A_2402 = arith.cmpf oeq, %get3A_2392, %get3A_2382 : vector<16xf32>
          %lt3A_2403 = arith.cmpi slt, %bitcast3A_2395, %bitcast3A_2385 : vector<16xi32>
          %and3A_2404 = arith.andi %eq3A_2402, %lt3A_2403 : vector<16xi1>
          %or3A_2405 = arith.ori %gt3A_2401, %and3A_2404 : vector<16xi1>
          %select_n3A_2406 = arith.select %or3A_2405, %get3A_2392, %get3A_2382 : vector<16xi1>, vector<16xf32>
          %select_n3A_2407 = arith.select %or3A_2405, %bitcast3A_2395, %bitcast3A_2385 : vector<16xi1>, vector<16xi32>
          %select_n3A_2408 = arith.select %or3A_2405, %get3A_2382, %get3A_2392 : vector<16xi1>, vector<16xf32>
          %select_n3A_2409 = arith.select %or3A_2405, %bitcast3A_2385, %bitcast3A_2395 : vector<16xi1>, vector<16xi32>
          %select_n3A_2410 = arith.select %or3A_2405, %get3A_2397, %get3A_2387 : vector<16xi1>, vector<16xf32>
          %select_n3A_2411 = arith.select %or3A_2405, %bitcast3A_2400, %bitcast3A_2390 : vector<16xi1>, vector<16xi32>
          %gt3A_2412 = arith.cmpf ogt, %select_n3A_2410, %select_n3A_2408 : vector<16xf32>
          %eq3A_2413 = arith.cmpf oeq, %select_n3A_2410, %select_n3A_2408 : vector<16xf32>
          %lt3A_2414 = arith.cmpi slt, %select_n3A_2411, %select_n3A_2409 : vector<16xi32>
          %and3A_2415 = arith.andi %eq3A_2413, %lt3A_2414 : vector<16xi1>
          %or3A_2416 = arith.ori %gt3A_2412, %and3A_2415 : vector<16xi1>
          %select_n3A_2417 = arith.select %or3A_2416, %select_n3A_2410, %select_n3A_2408 : vector<16xi1>, vector<16xf32>
          %select_n3A_2418 = arith.select %or3A_2416, %select_n3A_2411, %select_n3A_2409 : vector<16xi1>, vector<16xi32>
          %get3A_2419 = arith.constant 128 : index
          %get3A_2420 = tpu.vector_load %arg19[%get3A_2419] {strides = array<i32>} : memref<1024xf32, #tpu.memory_space<vmem>>, vector<16xf32>,
          %get3A_2421 = arith.constant 144 : index
          %get3A_2422 = tpu.vector_load %arg19[%get3A_2421] {strides = array<i32>} : memref<1024xf32, #tpu.memory_space<vmem>>, vector<16xf32>,
          %bitcast3A_2423 = vector.bitcast %get3A_2422 : vector<16xf32> to vector<16xi32>
          %get3A_2424 = arith.constant 160 : index
          %get3A_2425 = tpu.vector_load %arg19[%get3A_2424] {strides = array<i32>} : memref<1024xf32, #tpu.memory_space<vmem>>, vector<16xf32>,
          %get3A_2426 = arith.constant 176 : index
          %get3A_2427 = tpu.vector_load %arg19[%get3A_2426] {strides = array<i32>} : memref<1024xf32, #tpu.memory_space<vmem>>, vector<16xf32>,
          %bitcast3A_2428 = vector.bitcast %get3A_2427 : vector<16xf32> to vector<16xi32>
          %gt3A_2429 = arith.cmpf ogt, %get3A_2420, %select_n3A_2406 : vector<16xf32>
          %eq3A_2430 = arith.cmpf oeq, %get3A_2420, %select_n3A_2406 : vector<16xf32>
          %lt3A_2431 = arith.cmpi slt, %bitcast3A_2423, %select_n3A_2407 : vector<16xi32>
          %and3A_2432 = arith.andi %eq3A_2430, %lt3A_2431 : vector<16xi1>
          %or3A_2433 = arith.ori %gt3A_2429, %and3A_2432 : vector<16xi1>
          %select_n3A_2434 = arith.select %or3A_2433, %get3A_2420, %select_n3A_2406 : vector<16xi1>, vector<16xf32>
          %select_n3A_2435 = arith.select %or3A_2433, %bitcast3A_2423, %select_n3A_2407 : vector<16xi1>, vector<16xi32>
          %select_n3A_2436 = arith.select %or3A_2433, %select_n3A_2406, %get3A_2420 : vector<16xi1>, vector<16xf32>
          %select_n3A_2437 = arith.select %or3A_2433, %select_n3A_2407, %bitcast3A_2423 : vector<16xi1>, vector<16xi32>
          %select_n3A_2438 = arith.select %or3A_2433, %get3A_2425, %select_n3A_2417 : vector<16xi1>, vector<16xf32>
          %select_n3A_2439 = arith.select %or3A_2433, %bitcast3A_2428, %select_n3A_2418 : vector<16xi1>, vector<16xi32>
          %gt3A_2440 = arith.cmpf ogt, %select_n3A_2438, %select_n3A_2436 : vector<16xf32>
          %eq3A_2441 = arith.cmpf oeq, %select_n3A_2438, %select_n3A_2436 : vector<16xf32>
          %lt3A_2442 = arith.cmpi slt, %select_n3A_2439, %select_n3A_2437 : vector<16xi32>
          %and3A_2443 = arith.andi %eq3A_2441, %lt3A_2442 : vector<16xi1>
          %or3A_2444 = arith.ori %gt3A_2440, %and3A_2443 : vector<16xi1>
          %select_n3A_2445 = arith.select %or3A_2444, %select_n3A_2438, %select_n3A_2436 : vector<16xi1>, vector<16xf32>
          %select_n3A_2446 = arith.select %or3A_2444, %select_n3A_2439, %select_n3A_2437 : vector<16xi1>, vector<16xi32>
          %get3A_2447 = arith.constant 192 : index
          %get3A_2448 = tpu.vector_load %arg19[%get3A_2447] {strides = array<i32>} : memref<1024xf32, #tpu.memory_space<vmem>>, vector<16xf32>,
          %get3A_2449 = arith.constant 208 : index
          %get3A_2450 = tpu.vector_load %arg19[%get3A_2449] {strides = array<i32>} : memref<1024xf32, #tpu.memory_space<vmem>>, vector<16xf32>,
          %bitcast3A_2451 = vector.bitcast %get3A_2450 : vector<16xf32> to vector<16xi32>
          %get3A_2452 = arith.constant 224 : index
          %get3A_2453 = tpu.vector_load %arg19[%get3A_2452] {strides = array<i32>} : memref<1024xf32, #tpu.memory_space<vmem>>, vector<16xf32>,
          %get3A_2454 = arith.constant 240 : index
          %get3A_2455 = tpu.vector_load %arg19[%get3A_2454] {strides = array<i32>} : memref<1024xf32, #tpu.memory_space<vmem>>, vector<16xf32>,
          %bitcast3A_2456 = vector.bitcast %get3A_2455 : vector<16xf32> to vector<16xi32>
          %gt3A_2457 = arith.cmpf ogt, %get3A_2448, %select_n3A_2434 : vector<16xf32>
          %eq3A_2458 = arith.cmpf oeq, %get3A_2448, %select_n3A_2434 : vector<16xf32>
          %lt3A_2459 = arith.cmpi slt, %bitcast3A_2451, %select_n3A_2435 : vector<16xi32>
          %and3A_2460 = arith.andi %eq3A_2458, %lt3A_2459 : vector<16xi1>
          %or3A_2461 = arith.ori %gt3A_2457, %and3A_2460 : vector<16xi1>
          %select_n3A_2462 = arith.select %or3A_2461, %get3A_2448, %select_n3A_2434 : vector<16xi1>, vector<16xf32>
          %select_n3A_2463 = arith.select %or3A_2461, %bitcast3A_2451, %select_n3A_2435 : vector<16xi1>, vector<16xi32>
          %select_n3A_2464 = arith.select %or3A_2461, %select_n3A_2434, %get3A_2448 : vector<16xi1>, vector<16xf32>
          %select_n3A_2465 = arith.select %or3A_2461, %select_n3A_2435, %bitcast3A_2451 : vector<16xi1>, vector<16xi32>
          %select_n3A_2466 = arith.select %or3A_2461, %get3A_2453, %select_n3A_2445 : vector<16xi1>, vector<16xf32>
          %select_n3A_2467 = arith.select %or3A_2461, %bitcast3A_2456, %select_n3A_2446 : vector<16xi1>, vector<16xi32>
          %gt3A_2468 = arith.cmpf ogt, %select_n3A_2466, %select_n3A_2464 : vector<16xf32>
          %eq3A_2469 = arith.cmpf oeq, %select_n3A_2466, %select_n3A_2464 : vector<16xf32>
          %lt3A_2470 = arith.cmpi slt, %select_n3A_2467, %select_n3A_2465 : vector<16xi32>
          %and3A_2471 = arith.andi %eq3A_2469, %lt3A_2470 : vector<16xi1>
          %or3A_2472 = arith.ori %gt3A_2468, %and3A_2471 : vector<16xi1>
          %select_n3A_2473 = arith.select %or3A_2472, %select_n3A_2466, %select_n3A_2464 : vector<16xi1>, vector<16xf32>
          %select_n3A_2474 = arith.select %or3A_2472, %select_n3A_2467, %select_n3A_2465 : vector<16xi1>, vector<16xi32>
          %get3A_2475 = arith.constant 256 : index
          %get3A_2476 = tpu.vector_load %arg19[%get3A_2475] {strides = array<i32>} : memref<1024xf32, #tpu.memory_space<vmem>>, vector<16xf32>,
          %get3A_2477 = arith.constant 272 : index
          %get3A_2478 = tpu.vector_load %arg19[%get3A_2477] {strides = array<i32>} : memref<1024xf32, #tpu.memory_space<vmem>>, vector<16xf32>,
          %bitcast3A_2479 = vector.bitcast %get3A_2478 : vector<16xf32> to vector<16xi32>
          %get3A_2480 = arith.constant 288 : index
          %get3A_2481 = tpu.vector_load %arg19[%get3A_2480] {strides = array<i32>} : memref<1024xf32, #tpu.memory_space<vmem>>, vector<16xf32>,
          %get3A_2482 = arith.constant 304 : index
          %get3A_2483 = tpu.vector_load %arg19[%get3A_2482] {strides = array<i32>} : memref<1024xf32, #tpu.memory_space<vmem>>, vector<16xf32>,
          %bitcast3A_2484 = vector.bitcast %get3A_2483 : vector<16xf32> to vector<16xi32>
          %gt3A_2485 = arith.cmpf ogt, %get3A_2476, %select_n3A_2462 : vector<16xf32>
          %eq3A_2486 = arith.cmpf oeq, %get3A_2476, %select_n3A_2462 : vector<16xf32>
          %lt3A_2487 = arith.cmpi slt, %bitcast3A_2479, %select_n3A_2463 : vector<16xi32>
          %and3A_2488 = arith.andi %eq3A_2486, %lt3A_2487 : vector<16xi1>
          %or3A_2489 = arith.ori %gt3A_2485, %and3A_2488 : vector<16xi1>
          %select_n3A_2490 = arith.select %or3A_2489, %get3A_2476, %select_n3A_2462 : vector<16xi1>, vector<16xf32>
          %select_n3A_2491 = arith.select %or3A_2489, %bitcast3A_2479, %select_n3A_2463 : vector<16xi1>, vector<16xi32>
          %select_n3A_2492 = arith.select %or3A_2489, %select_n3A_2462, %get3A_2476 : vector<16xi1>, vector<16xf32>
          %select_n3A_2493 = arith.select %or3A_2489, %select_n3A_2463, %bitcast3A_2479 : vector<16xi1>, vector<16xi32>
          %select_n3A_2494 = arith.select %or3A_2489, %get3A_2481, %select_n3A_2473 : vector<16xi1>, vector<16xf32>
          %select_n3A_2495 = arith.select %or3A_2489, %bitcast3A_2484, %select_n3A_2474 : vector<16xi1>, vector<16xi32>
          %gt3A_2496 = arith.cmpf ogt, %select_n3A_2494, %select_n3A_2492 : vector<16xf32>
          %eq3A_2497 = arith.cmpf oeq, %select_n3A_2494, %select_n3A_2492 : vector<16xf32>
          %lt3A_2498 = arith.cmpi slt, %select_n3A_2495, %select_n3A_2493 : vector<16xi32>
          %and3A_2499 = arith.andi %eq3A_2497, %lt3A_2498 : vector<16xi1>
          %or3A_2500 = arith.ori %gt3A_2496, %and3A_2499 : vector<16xi1>
          %select_n3A_2501 = arith.select %or3A_2500, %select_n3A_2494, %select_n3A_2492 : vector<16xi1>, vector<16xf32>
          %select_n3A_2502 = arith.select %or3A_2500, %select_n3A_2495, %select_n3A_2493 : vector<16xi1>, vector<16xi32>
          %get3A_2503 = arith.constant 320 : index
          %get3A_2504 = tpu.vector_load %arg19[%get3A_2503] {strides = array<i32>} : memref<1024xf32, #tpu.memory_space<vmem>>, vector<16xf32>,
          %get3A_2505 = arith.constant 336 : index
          %get3A_2506 = tpu.vector_load %arg19[%get3A_2505] {strides = array<i32>} : memref<1024xf32, #tpu.memory_space<vmem>>, vector<16xf32>,
          %bitcast3A_2507 = vector.bitcast %get3A_2506 : vector<16xf32> to vector<16xi32>
          %get3A_2508 = arith.constant 352 : index
          %get3A_2509 = tpu.vector_load %arg19[%get3A_2508] {strides = array<i32>} : memref<1024xf32, #tpu.memory_space<vmem>>, vector<16xf32>,
          %get3A_2510 = arith.constant 368 : index
          %get3A_2511 = tpu.vector_load %arg19[%get3A_2510] {strides = array<i32>} : memref<1024xf32, #tpu.memory_space<vmem>>, vector<16xf32>,
          %bitcast3A_2512 = vector.bitcast %get3A_2511 : vector<16xf32> to vector<16xi32>
          %gt3A_2513 = arith.cmpf ogt, %get3A_2504, %select_n3A_2490 : vector<16xf32>
          %eq3A_2514 = arith.cmpf oeq, %get3A_2504, %select_n3A_2490 : vector<16xf32>
          %lt3A_2515 = arith.cmpi slt, %bitcast3A_2507, %select_n3A_2491 : vector<16xi32>
          %and3A_2516 = arith.andi %eq3A_2514, %lt3A_2515 : vector<16xi1>
          %or3A_2517 = arith.ori %gt3A_2513, %and3A_2516 : vector<16xi1>
          %select_n3A_2518 = arith.select %or3A_2517, %get3A_2504, %select_n3A_2490 : vector<16xi1>, vector<16xf32>
          %select_n3A_2519 = arith.select %or3A_2517, %bitcast3A_2507, %select_n3A_2491 : vector<16xi1>, vector<16xi32>
          %select_n3A_2520 = arith.select %or3A_2517, %select_n3A_2490, %get3A_2504 : vector<16xi1>, vector<16xf32>
          %select_n3A_2521 = arith.select %or3A_2517, %select_n3A_2491, %bitcast3A_2507 : vector<16xi1>, vector<16xi32>
          %select_n3A_2522 = arith.select %or3A_2517, %get3A_2509, %select_n3A_2501 : vector<16xi1>, vector<16xf32>
          %select_n3A_2523 = arith.select %or3A_2517, %bitcast3A_2512, %select_n3A_2502 : vector<16xi1>, vector<16xi32>
          %gt3A_2524 = arith.cmpf ogt, %select_n3A_2522, %select_n3A_2520 : vector<16xf32>
          %eq3A_2525 = arith.cmpf oeq, %select_n3A_2522, %select_n3A_2520 : vector<16xf32>
          %lt3A_2526 = arith.cmpi slt, %select_n3A_2523, %select_n3A_2521 : vector<16xi32>
          %and3A_2527 = arith.andi %eq3A_2525, %lt3A_2526 : vector<16xi1>
          %or3A_2528 = arith.ori %gt3A_2524, %and3A_2527 : vector<16xi1>
          %select_n3A_2529 = arith.select %or3A_2528, %select_n3A_2522, %select_n3A_2520 : vector<16xi1>, vector<16xf32>
          %select_n3A_2530 = arith.select %or3A_2528, %select_n3A_2523, %select_n3A_2521 : vector<16xi1>, vector<16xi32>
          %get3A_2531 = arith.constant 384 : index
          %get3A_2532 = tpu.vector_load %arg19[%get3A_2531] {strides = array<i32>} : memref<1024xf32, #tpu.memory_space<vmem>>, vector<16xf32>,
          %get3A_2533 = arith.constant 400 : index
          %get3A_2534 = tpu.vector_load %arg19[%get3A_2533] {strides = array<i32>} : memref<1024xf32, #tpu.memory_space<vmem>>, vector<16xf32>,
          %bitcast3A_2535 = vector.bitcast %get3A_2534 : vector<16xf32> to vector<16xi32>
          %get3A_2536 = arith.constant 416 : index
          %get3A_2537 = tpu.vector_load %arg19[%get3A_2536] {strides = array<i32>} : memref<1024xf32, #tpu.memory_space<vmem>>, vector<16xf32>,
          %get3A_2538 = arith.constant 432 : index
          %get3A_2539 = tpu.vector_load %arg19[%get3A_2538] {strides = array<i32>} : memref<1024xf32, #tpu.memory_space<vmem>>, vector<16xf32>,
          %bitcast3A_2540 = vector.bitcast %get3A_2539 : vector<16xf32> to vector<16xi32>
          %gt3A_2541 = arith.cmpf ogt, %get3A_2532, %select_n3A_2518 : vector<16xf32>
          %eq3A_2542 = arith.cmpf oeq, %get3A_2532, %select_n3A_2518 : vector<16xf32>
          %lt3A_2543 = arith.cmpi slt, %bitcast3A_2535, %select_n3A_2519 : vector<16xi32>
          %and3A_2544 = arith.andi %eq3A_2542, %lt3A_2543 : vector<16xi1>
          %or3A_2545 = arith.ori %gt3A_2541, %and3A_2544 : vector<16xi1>
          %select_n3A_2546 = arith.select %or3A_2545, %get3A_2532, %select_n3A_2518 : vector<16xi1>, vector<16xf32>
          %select_n3A_2547 = arith.select %or3A_2545, %bitcast3A_2535, %select_n3A_2519 : vector<16xi1>, vector<16xi32>
          %select_n3A_2548 = arith.select %or3A_2545, %select_n3A_2518, %get3A_2532 : vector<16xi1>, vector<16xf32>
          %select_n3A_2549 = arith.select %or3A_2545, %select_n3A_2519, %bitcast3A_2535 : vector<16xi1>, vector<16xi32>
          %select_n3A_2550 = arith.select %or3A_2545, %get3A_2537, %select_n3A_2529 : vector<16xi1>, vector<16xf32>
          %select_n3A_2551 = arith.select %or3A_2545, %bitcast3A_2540, %select_n3A_2530 : vector<16xi1>, vector<16xi32>
          %gt3A_2552 = arith.cmpf ogt, %select_n3A_2550, %select_n3A_2548 : vector<16xf32>
          %eq3A_2553 = arith.cmpf oeq, %select_n3A_2550, %select_n3A_2548 : vector<16xf32>
          %lt3A_2554 = arith.cmpi slt, %select_n3A_2551, %select_n3A_2549 : vector<16xi32>
          %and3A_2555 = arith.andi %eq3A_2553, %lt3A_2554 : vector<16xi1>
          %or3A_2556 = arith.ori %gt3A_2552, %and3A_2555 : vector<16xi1>
          %select_n3A_2557 = arith.select %or3A_2556, %select_n3A_2550, %select_n3A_2548 : vector<16xi1>, vector<16xf32>
          %select_n3A_2558 = arith.select %or3A_2556, %select_n3A_2551, %select_n3A_2549 : vector<16xi1>, vector<16xi32>
          %get3A_2559 = arith.constant 448 : index
          %get3A_2560 = tpu.vector_load %arg19[%get3A_2559] {strides = array<i32>} : memref<1024xf32, #tpu.memory_space<vmem>>, vector<16xf32>,
          %get3A_2561 = arith.constant 464 : index
          %get3A_2562 = tpu.vector_load %arg19[%get3A_2561] {strides = array<i32>} : memref<1024xf32, #tpu.memory_space<vmem>>, vector<16xf32>,
          %bitcast3A_2563 = vector.bitcast %get3A_2562 : vector<16xf32> to vector<16xi32>
          %get3A_2564 = arith.constant 480 : index
          %get3A_2565 = tpu.vector_load %arg19[%get3A_2564] {strides = array<i32>} : memref<1024xf32, #tpu.memory_space<vmem>>, vector<16xf32>,
          %get3A_2566 = arith.constant 496 : index
          %get3A_2567 = tpu.vector_load %arg19[%get3A_2566] {strides = array<i32>} : memref<1024xf32, #tpu.memory_space<vmem>>, vector<16xf32>,
          %bitcast3A_2568 = vector.bitcast %get3A_2567 : vector<16xf32> to vector<16xi32>
          %gt3A_2569 = arith.cmpf ogt, %get3A_2560, %select_n3A_2546 : vector<16xf32>
          %eq3A_2570 = arith.cmpf oeq, %get3A_2560, %select_n3A_2546 : vector<16xf32>
          %lt3A_2571 = arith.cmpi slt, %bitcast3A_2563, %select_n3A_2547 : vector<16xi32>
          %and3A_2572 = arith.andi %eq3A_2570, %lt3A_2571 : vector<16xi1>
          %or3A_2573 = arith.ori %gt3A_2569, %and3A_2572 : vector<16xi1>
          %select_n3A_2574 = arith.select %or3A_2573, %get3A_2560, %select_n3A_2546 : vector<16xi1>, vector<16xf32>
          %select_n3A_2575 = arith.select %or3A_2573, %bitcast3A_2563, %select_n3A_2547 : vector<16xi1>, vector<16xi32>
          %select_n3A_2576 = arith.select %or3A_2573, %select_n3A_2546, %get3A_2560 : vector<16xi1>, vector<16xf32>
          %select_n3A_2577 = arith.select %or3A_2573, %select_n3A_2547, %bitcast3A_2563 : vector<16xi1>, vector<16xi32>
          %select_n3A_2578 = arith.select %or3A_2573, %get3A_2565, %select_n3A_2557 : vector<16xi1>, vector<16xf32>
          %select_n3A_2579 = arith.select %or3A_2573, %bitcast3A_2568, %select_n3A_2558 : vector<16xi1>, vector<16xi32>
          %gt3A_2580 = arith.cmpf ogt, %select_n3A_2578, %select_n3A_2576 : vector<16xf32>
          %eq3A_2581 = arith.cmpf oeq, %select_n3A_2578, %select_n3A_2576 : vector<16xf32>
          %lt3A_2582 = arith.cmpi slt, %select_n3A_2579, %select_n3A_2577 : vector<16xi32>
          %and3A_2583 = arith.andi %eq3A_2581, %lt3A_2582 : vector<16xi1>
          %or3A_2584 = arith.ori %gt3A_2580, %and3A_2583 : vector<16xi1>
          %select_n3A_2585 = arith.select %or3A_2584, %select_n3A_2578, %select_n3A_2576 : vector<16xi1>, vector<16xf32>
          %select_n3A_2586 = arith.select %or3A_2584, %select_n3A_2579, %select_n3A_2577 : vector<16xi1>, vector<16xi32>
          %get3A_2587 = arith.constant 512 : index
          %get3A_2588 = tpu.vector_load %arg19[%get3A_2587] {strides = array<i32>} : memref<1024xf32, #tpu.memory_space<vmem>>, vector<16xf32>,
          %get3A_2589 = arith.constant 528 : index
          %get3A_2590 = tpu.vector_load %arg19[%get3A_2589] {strides = array<i32>} : memref<1024xf32, #tpu.memory_space<vmem>>, vector<16xf32>,
          %bitcast3A_2591 = vector.bitcast %get3A_2590 : vector<16xf32> to vector<16xi32>
          %get3A_2592 = arith.constant 544 : index
          %get3A_2593 = tpu.vector_load %arg19[%get3A_2592] {strides = array<i32>} : memref<1024xf32, #tpu.memory_space<vmem>>, vector<16xf32>,
          %get3A_2594 = arith.constant 560 : index
          %get3A_2595 = tpu.vector_load %arg19[%get3A_2594] {strides = array<i32>} : memref<1024xf32, #tpu.memory_space<vmem>>, vector<16xf32>,
          %bitcast3A_2596 = vector.bitcast %get3A_2595 : vector<16xf32> to vector<16xi32>
          %gt3A_2597 = arith.cmpf ogt, %get3A_2588, %select_n3A_2574 : vector<16xf32>
          %eq3A_2598 = arith.cmpf oeq, %get3A_2588, %select_n3A_2574 : vector<16xf32>
          %lt3A_2599 = arith.cmpi slt, %bitcast3A_2591, %select_n3A_2575 : vector<16xi32>
          %and3A_2600 = arith.andi %eq3A_2598, %lt3A_2599 : vector<16xi1>
          %or3A_2601 = arith.ori %gt3A_2597, %and3A_2600 : vector<16xi1>
          %select_n3A_2602 = arith.select %or3A_2601, %get3A_2588, %select_n3A_2574 : vector<16xi1>, vector<16xf32>
          %select_n3A_2603 = arith.select %or3A_2601, %bitcast3A_2591, %select_n3A_2575 : vector<16xi1>, vector<16xi32>
          %select_n3A_2604 = arith.select %or3A_2601, %select_n3A_2574, %get3A_2588 : vector<16xi1>, vector<16xf32>
          %select_n3A_2605 = arith.select %or3A_2601, %select_n3A_2575, %bitcast3A_2591 : vector<16xi1>, vector<16xi32>
          %select_n3A_2606 = arith.select %or3A_2601, %get3A_2593, %select_n3A_2585 : vector<16xi1>, vector<16xf32>
          %select_n3A_2607 = arith.select %or3A_2601, %bitcast3A_2596, %select_n3A_2586 : vector<16xi1>, vector<16xi32>
          %gt3A_2608 = arith.cmpf ogt, %select_n3A_2606, %select_n3A_2604 : vector<16xf32>
          %eq3A_2609 = arith.cmpf oeq, %select_n3A_2606, %select_n3A_2604 : vector<16xf32>
          %lt3A_2610 = arith.cmpi slt, %select_n3A_2607, %select_n3A_2605 : vector<16xi32>
          %and3A_2611 = arith.andi %eq3A_2609, %lt3A_2610 : vector<16xi1>
          %or3A_2612 = arith.ori %gt3A_2608, %and3A_2611 : vector<16xi1>
          %select_n3A_2613 = arith.select %or3A_2612, %select_n3A_2606, %select_n3A_2604 : vector<16xi1>, vector<16xf32>
          %select_n3A_2614 = arith.select %or3A_2612, %select_n3A_2607, %select_n3A_2605 : vector<16xi1>, vector<16xi32>
          %get3A_2615 = arith.constant 576 : index
          %get3A_2616 = tpu.vector_load %arg19[%get3A_2615] {strides = array<i32>} : memref<1024xf32, #tpu.memory_space<vmem>>, vector<16xf32>,
          %get3A_2617 = arith.constant 592 : index
          %get3A_2618 = tpu.vector_load %arg19[%get3A_2617] {strides = array<i32>} : memref<1024xf32, #tpu.memory_space<vmem>>, vector<16xf32>,
          %bitcast3A_2619 = vector.bitcast %get3A_2618 : vector<16xf32> to vector<16xi32>
          %get3A_2620 = arith.constant 608 : index
          %get3A_2621 = tpu.vector_load %arg19[%get3A_2620] {strides = array<i32>} : memref<1024xf32, #tpu.memory_space<vmem>>, vector<16xf32>,
          %get3A_2622 = arith.constant 624 : index
          %get3A_2623 = tpu.vector_load %arg19[%get3A_2622] {strides = array<i32>} : memref<1024xf32, #tpu.memory_space<vmem>>, vector<16xf32>,
          %bitcast3A_2624 = vector.bitcast %get3A_2623 : vector<16xf32> to vector<16xi32>
          %gt3A_2625 = arith.cmpf ogt, %get3A_2616, %select_n3A_2602 : vector<16xf32>
          %eq3A_2626 = arith.cmpf oeq, %get3A_2616, %select_n3A_2602 : vector<16xf32>
          %lt3A_2627 = arith.cmpi slt, %bitcast3A_2619, %select_n3A_2603 : vector<16xi32>
          %and3A_2628 = arith.andi %eq3A_2626, %lt3A_2627 : vector<16xi1>
          %or3A_2629 = arith.ori %gt3A_2625, %and3A_2628 : vector<16xi1>
          %select_n3A_2630 = arith.select %or3A_2629, %get3A_2616, %select_n3A_2602 : vector<16xi1>, vector<16xf32>
          %select_n3A_2631 = arith.select %or3A_2629, %bitcast3A_2619, %select_n3A_2603 : vector<16xi1>, vector<16xi32>
          %select_n3A_2632 = arith.select %or3A_2629, %select_n3A_2602, %get3A_2616 : vector<16xi1>, vector<16xf32>
          %select_n3A_2633 = arith.select %or3A_2629, %select_n3A_2603, %bitcast3A_2619 : vector<16xi1>, vector<16xi32>
          %select_n3A_2634 = arith.select %or3A_2629, %get3A_2621, %select_n3A_2613 : vector<16xi1>, vector<16xf32>
          %select_n3A_2635 = arith.select %or3A_2629, %bitcast3A_2624, %select_n3A_2614 : vector<16xi1>, vector<16xi32>
          %gt3A_2636 = arith.cmpf ogt, %select_n3A_2634, %select_n3A_2632 : vector<16xf32>
          %eq3A_2637 = arith.cmpf oeq, %select_n3A_2634, %select_n3A_2632 : vector<16xf32>
          %lt3A_2638 = arith.cmpi slt, %select_n3A_2635, %select_n3A_2633 : vector<16xi32>
          %and3A_2639 = arith.andi %eq3A_2637, %lt3A_2638 : vector<16xi1>
          %or3A_2640 = arith.ori %gt3A_2636, %and3A_2639 : vector<16xi1>
          %select_n3A_2641 = arith.select %or3A_2640, %select_n3A_2634, %select_n3A_2632 : vector<16xi1>, vector<16xf32>
          %select_n3A_2642 = arith.select %or3A_2640, %select_n3A_2635, %select_n3A_2633 : vector<16xi1>, vector<16xi32>
          %get3A_2643 = arith.constant 640 : index
          %get3A_2644 = tpu.vector_load %arg19[%get3A_2643] {strides = array<i32>} : memref<1024xf32, #tpu.memory_space<vmem>>, vector<16xf32>,
          %get3A_2645 = arith.constant 656 : index
          %get3A_2646 = tpu.vector_load %arg19[%get3A_2645] {strides = array<i32>} : memref<1024xf32, #tpu.memory_space<vmem>>, vector<16xf32>,
          %bitcast3A_2647 = vector.bitcast %get3A_2646 : vector<16xf32> to vector<16xi32>
          %get3A_2648 = arith.constant 672 : index
          %get3A_2649 = tpu.vector_load %arg19[%get3A_2648] {strides = array<i32>} : memref<1024xf32, #tpu.memory_space<vmem>>, vector<16xf32>,
          %get3A_2650 = arith.constant 688 : index
          %get3A_2651 = tpu.vector_load %arg19[%get3A_2650] {strides = array<i32>} : memref<1024xf32, #tpu.memory_space<vmem>>, vector<16xf32>,
          %bitcast3A_2652 = vector.bitcast %get3A_2651 : vector<16xf32> to vector<16xi32>
          %gt3A_2653 = arith.cmpf ogt, %get3A_2644, %select_n3A_2630 : vector<16xf32>
          %eq3A_2654 = arith.cmpf oeq, %get3A_2644, %select_n3A_2630 : vector<16xf32>
          %lt3A_2655 = arith.cmpi slt, %bitcast3A_2647, %select_n3A_2631 : vector<16xi32>
          %and3A_2656 = arith.andi %eq3A_2654, %lt3A_2655 : vector<16xi1>
          %or3A_2657 = arith.ori %gt3A_2653, %and3A_2656 : vector<16xi1>
          %select_n3A_2658 = arith.select %or3A_2657, %get3A_2644, %select_n3A_2630 : vector<16xi1>, vector<16xf32>
          %select_n3A_2659 = arith.select %or3A_2657, %bitcast3A_2647, %select_n3A_2631 : vector<16xi1>, vector<16xi32>
          %select_n3A_2660 = arith.select %or3A_2657, %select_n3A_2630, %get3A_2644 : vector<16xi1>, vector<16xf32>
          %select_n3A_2661 = arith.select %or3A_2657, %select_n3A_2631, %bitcast3A_2647 : vector<16xi1>, vector<16xi32>
          %select_n3A_2662 = arith.select %or3A_2657, %get3A_2649, %select_n3A_2641 : vector<16xi1>, vector<16xf32>
          %select_n3A_2663 = arith.select %or3A_2657, %bitcast3A_2652, %select_n3A_2642 : vector<16xi1>, vector<16xi32>
          %gt3A_2664 = arith.cmpf ogt, %select_n3A_2662, %select_n3A_2660 : vector<16xf32>
          %eq3A_2665 = arith.cmpf oeq, %select_n3A_2662, %select_n3A_2660 : vector<16xf32>
          %lt3A_2666 = arith.cmpi slt, %select_n3A_2663, %select_n3A_2661 : vector<16xi32>
          %and3A_2667 = arith.andi %eq3A_2665, %lt3A_2666 : vector<16xi1>
          %or3A_2668 = arith.ori %gt3A_2664, %and3A_2667 : vector<16xi1>
          %select_n3A_2669 = arith.select %or3A_2668, %select_n3A_2662, %select_n3A_2660 : vector<16xi1>, vector<16xf32>
          %select_n3A_2670 = arith.select %or3A_2668, %select_n3A_2663, %select_n3A_2661 : vector<16xi1>, vector<16xi32>
          %get3A_2671 = arith.constant 704 : index
          %get3A_2672 = tpu.vector_load %arg19[%get3A_2671] {strides = array<i32>} : memref<1024xf32, #tpu.memory_space<vmem>>, vector<16xf32>,
          %get3A_2673 = arith.constant 720 : index
          %get3A_2674 = tpu.vector_load %arg19[%get3A_2673] {strides = array<i32>} : memref<1024xf32, #tpu.memory_space<vmem>>, vector<16xf32>,
          %bitcast3A_2675 = vector.bitcast %get3A_2674 : vector<16xf32> to vector<16xi32>
          %get3A_2676 = arith.constant 736 : index
          %get3A_2677 = tpu.vector_load %arg19[%get3A_2676] {strides = array<i32>} : memref<1024xf32, #tpu.memory_space<vmem>>, vector<16xf32>,
          %get3A_2678 = arith.constant 752 : index
          %get3A_2679 = tpu.vector_load %arg19[%get3A_2678] {strides = array<i32>} : memref<1024xf32, #tpu.memory_space<vmem>>, vector<16xf32>,
          %bitcast3A_2680 = vector.bitcast %get3A_2679 : vector<16xf32> to vector<16xi32>
          %gt3A_2681 = arith.cmpf ogt, %get3A_2672, %select_n3A_2658 : vector<16xf32>
          %eq3A_2682 = arith.cmpf oeq, %get3A_2672, %select_n3A_2658 : vector<16xf32>
          %lt3A_2683 = arith.cmpi slt, %bitcast3A_2675, %select_n3A_2659 : vector<16xi32>
          %and3A_2684 = arith.andi %eq3A_2682, %lt3A_2683 : vector<16xi1>
          %or3A_2685 = arith.ori %gt3A_2681, %and3A_2684 : vector<16xi1>
          %select_n3A_2686 = arith.select %or3A_2685, %get3A_2672, %select_n3A_2658 : vector<16xi1>, vector<16xf32>
          %select_n3A_2687 = arith.select %or3A_2685, %bitcast3A_2675, %select_n3A_2659 : vector<16xi1>, vector<16xi32>
          %select_n3A_2688 = arith.select %or3A_2685, %select_n3A_2658, %get3A_2672 : vector<16xi1>, vector<16xf32>
          %select_n3A_2689 = arith.select %or3A_2685, %select_n3A_2659, %bitcast3A_2675 : vector<16xi1>, vector<16xi32>
          %select_n3A_2690 = arith.select %or3A_2685, %get3A_2677, %select_n3A_2669 : vector<16xi1>, vector<16xf32>
          %select_n3A_2691 = arith.select %or3A_2685, %bitcast3A_2680, %select_n3A_2670 : vector<16xi1>, vector<16xi32>
          %gt3A_2692 = arith.cmpf ogt, %select_n3A_2690, %select_n3A_2688 : vector<16xf32>
          %eq3A_2693 = arith.cmpf oeq, %select_n3A_2690, %select_n3A_2688 : vector<16xf32>
          %lt3A_2694 = arith.cmpi slt, %select_n3A_2691, %select_n3A_2689 : vector<16xi32>
          %and3A_2695 = arith.andi %eq3A_2693, %lt3A_2694 : vector<16xi1>
          %or3A_2696 = arith.ori %gt3A_2692, %and3A_2695 : vector<16xi1>
          %select_n3A_2697 = arith.select %or3A_2696, %select_n3A_2690, %select_n3A_2688 : vector<16xi1>, vector<16xf32>
          %select_n3A_2698 = arith.select %or3A_2696, %select_n3A_2691, %select_n3A_2689 : vector<16xi1>, vector<16xi32>
          %get3A_2699 = arith.constant 768 : index
          %get3A_2700 = tpu.vector_load %arg19[%get3A_2699] {strides = array<i32>} : memref<1024xf32, #tpu.memory_space<vmem>>, vector<16xf32>,
          %get3A_2701 = arith.constant 784 : index
          %get3A_2702 = tpu.vector_load %arg19[%get3A_2701] {strides = array<i32>} : memref<1024xf32, #tpu.memory_space<vmem>>, vector<16xf32>,
          %bitcast3A_2703 = vector.bitcast %get3A_2702 : vector<16xf32> to vector<16xi32>
          %get3A_2704 = arith.constant 800 : index
          %get3A_2705 = tpu.vector_load %arg19[%get3A_2704] {strides = array<i32>} : memref<1024xf32, #tpu.memory_space<vmem>>, vector<16xf32>,
          %get3A_2706 = arith.constant 816 : index
          %get3A_2707 = tpu.vector_load %arg19[%get3A_2706] {strides = array<i32>} : memref<1024xf32, #tpu.memory_space<vmem>>, vector<16xf32>,
          %bitcast3A_2708 = vector.bitcast %get3A_2707 : vector<16xf32> to vector<16xi32>
          %gt3A_2709 = arith.cmpf ogt, %get3A_2700, %select_n3A_2686 : vector<16xf32>
          %eq3A_2710 = arith.cmpf oeq, %get3A_2700, %select_n3A_2686 : vector<16xf32>
          %lt3A_2711 = arith.cmpi slt, %bitcast3A_2703, %select_n3A_2687 : vector<16xi32>
          %and3A_2712 = arith.andi %eq3A_2710, %lt3A_2711 : vector<16xi1>
          %or3A_2713 = arith.ori %gt3A_2709, %and3A_2712 : vector<16xi1>
          %select_n3A_2714 = arith.select %or3A_2713, %get3A_2700, %select_n3A_2686 : vector<16xi1>, vector<16xf32>
          %select_n3A_2715 = arith.select %or3A_2713, %bitcast3A_2703, %select_n3A_2687 : vector<16xi1>, vector<16xi32>
          %select_n3A_2716 = arith.select %or3A_2713, %select_n3A_2686, %get3A_2700 : vector<16xi1>, vector<16xf32>
          %select_n3A_2717 = arith.select %or3A_2713, %select_n3A_2687, %bitcast3A_2703 : vector<16xi1>, vector<16xi32>
          %select_n3A_2718 = arith.select %or3A_2713, %get3A_2705, %select_n3A_2697 : vector<16xi1>, vector<16xf32>
          %select_n3A_2719 = arith.select %or3A_2713, %bitcast3A_2708, %select_n3A_2698 : vector<16xi1>, vector<16xi32>
          %gt3A_2720 = arith.cmpf ogt, %select_n3A_2718, %select_n3A_2716 : vector<16xf32>
          %eq3A_2721 = arith.cmpf oeq, %select_n3A_2718, %select_n3A_2716 : vector<16xf32>
          %lt3A_2722 = arith.cmpi slt, %select_n3A_2719, %select_n3A_2717 : vector<16xi32>
          %and3A_2723 = arith.andi %eq3A_2721, %lt3A_2722 : vector<16xi1>
          %or3A_2724 = arith.ori %gt3A_2720, %and3A_2723 : vector<16xi1>
          %select_n3A_2725 = arith.select %or3A_2724, %select_n3A_2718, %select_n3A_2716 : vector<16xi1>, vector<16xf32>
          %select_n3A_2726 = arith.select %or3A_2724, %select_n3A_2719, %select_n3A_2717 : vector<16xi1>, vector<16xi32>
          %get3A_2727 = arith.constant 832 : index
          %get3A_2728 = tpu.vector_load %arg19[%get3A_2727] {strides = array<i32>} : memref<1024xf32, #tpu.memory_space<vmem>>, vector<16xf32>,
          %get3A_2729 = arith.constant 848 : index
          %get3A_2730 = tpu.vector_load %arg19[%get3A_2729] {strides = array<i32>} : memref<1024xf32, #tpu.memory_space<vmem>>, vector<16xf32>,
          %bitcast3A_2731 = vector.bitcast %get3A_2730 : vector<16xf32> to vector<16xi32>
          %get3A_2732 = arith.constant 864 : index
          %get3A_2733 = tpu.vector_load %arg19[%get3A_2732] {strides = array<i32>} : memref<1024xf32, #tpu.memory_space<vmem>>, vector<16xf32>,
          %get3A_2734 = arith.constant 880 : index
          %get3A_2735 = tpu.vector_load %arg19[%get3A_2734] {strides = array<i32>} : memref<1024xf32, #tpu.memory_space<vmem>>, vector<16xf32>,
          %bitcast3A_2736 = vector.bitcast %get3A_2735 : vector<16xf32> to vector<16xi32>
          %gt3A_2737 = arith.cmpf ogt, %get3A_2728, %select_n3A_2714 : vector<16xf32>
          %eq3A_2738 = arith.cmpf oeq, %get3A_2728, %select_n3A_2714 : vector<16xf32>
          %lt3A_2739 = arith.cmpi slt, %bitcast3A_2731, %select_n3A_2715 : vector<16xi32>
          %and3A_2740 = arith.andi %eq3A_2738, %lt3A_2739 : vector<16xi1>
          %or3A_2741 = arith.ori %gt3A_2737, %and3A_2740 : vector<16xi1>
          %select_n3A_2742 = arith.select %or3A_2741, %get3A_2728, %select_n3A_2714 : vector<16xi1>, vector<16xf32>
          %select_n3A_2743 = arith.select %or3A_2741, %bitcast3A_2731, %select_n3A_2715 : vector<16xi1>, vector<16xi32>
          %select_n3A_2744 = arith.select %or3A_2741, %select_n3A_2714, %get3A_2728 : vector<16xi1>, vector<16xf32>
          %select_n3A_2745 = arith.select %or3A_2741, %select_n3A_2715, %bitcast3A_2731 : vector<16xi1>, vector<16xi32>
          %select_n3A_2746 = arith.select %or3A_2741, %get3A_2733, %select_n3A_2725 : vector<16xi1>, vector<16xf32>
          %select_n3A_2747 = arith.select %or3A_2741, %bitcast3A_2736, %select_n3A_2726 : vector<16xi1>, vector<16xi32>
          %gt3A_2748 = arith.cmpf ogt, %select_n3A_2746, %select_n3A_2744 : vector<16xf32>
          %eq3A_2749 = arith.cmpf oeq, %select_n3A_2746, %select_n3A_2744 : vector<16xf32>
          %lt3A_2750 = arith.cmpi slt, %select_n3A_2747, %select_n3A_2745 : vector<16xi32>
          %and3A_2751 = arith.andi %eq3A_2749, %lt3A_2750 : vector<16xi1>
          %or3A_2752 = arith.ori %gt3A_2748, %and3A_2751 : vector<16xi1>
          %select_n3A_2753 = arith.select %or3A_2752, %select_n3A_2746, %select_n3A_2744 : vector<16xi1>, vector<16xf32>
          %select_n3A_2754 = arith.select %or3A_2752, %select_n3A_2747, %select_n3A_2745 : vector<16xi1>, vector<16xi32>
          %get3A_2755 = arith.constant 896 : index
          %get3A_2756 = tpu.vector_load %arg19[%get3A_2755] {strides = array<i32>} : memref<1024xf32, #tpu.memory_space<vmem>>, vector<16xf32>,
          %get3A_2757 = arith.constant 912 : index
          %get3A_2758 = tpu.vector_load %arg19[%get3A_2757] {strides = array<i32>} : memref<1024xf32, #tpu.memory_space<vmem>>, vector<16xf32>,
          %bitcast3A_2759 = vector.bitcast %get3A_2758 : vector<16xf32> to vector<16xi32>
          %get3A_2760 = arith.constant 928 : index
          %get3A_2761 = tpu.vector_load %arg19[%get3A_2760] {strides = array<i32>} : memref<1024xf32, #tpu.memory_space<vmem>>, vector<16xf32>,
          %get3A_2762 = arith.constant 944 : index
          %get3A_2763 = tpu.vector_load %arg19[%get3A_2762] {strides = array<i32>} : memref<1024xf32, #tpu.memory_space<vmem>>, vector<16xf32>,
          %bitcast3A_2764 = vector.bitcast %get3A_2763 : vector<16xf32> to vector<16xi32>
          %gt3A_2765 = arith.cmpf ogt, %get3A_2756, %select_n3A_2742 : vector<16xf32>
          %eq3A_2766 = arith.cmpf oeq, %get3A_2756, %select_n3A_2742 : vector<16xf32>
          %lt3A_2767 = arith.cmpi slt, %bitcast3A_2759, %select_n3A_2743 : vector<16xi32>
          %and3A_2768 = arith.andi %eq3A_2766, %lt3A_2767 : vector<16xi1>
          %or3A_2769 = arith.ori %gt3A_2765, %and3A_2768 : vector<16xi1>
          %select_n3A_2770 = arith.select %or3A_2769, %get3A_2756, %select_n3A_2742 : vector<16xi1>, vector<16xf32>
          %select_n3A_2771 = arith.select %or3A_2769, %bitcast3A_2759, %select_n3A_2743 : vector<16xi1>, vector<16xi32>
          %select_n3A_2772 = arith.select %or3A_2769, %select_n3A_2742, %get3A_2756 : vector<16xi1>, vector<16xf32>
          %select_n3A_2773 = arith.select %or3A_2769, %select_n3A_2743, %bitcast3A_2759 : vector<16xi1>, vector<16xi32>
          %select_n3A_2774 = arith.select %or3A_2769, %get3A_2761, %select_n3A_2753 : vector<16xi1>, vector<16xf32>
          %select_n3A_2775 = arith.select %or3A_2769, %bitcast3A_2764, %select_n3A_2754 : vector<16xi1>, vector<16xi32>
          %gt3A_2776 = arith.cmpf ogt, %select_n3A_2774, %select_n3A_2772 : vector<16xf32>
          %eq3A_2777 = arith.cmpf oeq, %select_n3A_2774, %select_n3A_2772 : vector<16xf32>
          %lt3A_2778 = arith.cmpi slt, %select_n3A_2775, %select_n3A_2773 : vector<16xi32>
          %and3A_2779 = arith.andi %eq3A_2777, %lt3A_2778 : vector<16xi1>
          %or3A_2780 = arith.ori %gt3A_2776, %and3A_2779 : vector<16xi1>
          %select_n3A_2781 = arith.select %or3A_2780, %select_n3A_2774, %select_n3A_2772 : vector<16xi1>, vector<16xf32>
          %select_n3A_2782 = arith.select %or3A_2780, %select_n3A_2775, %select_n3A_2773 : vector<16xi1>, vector<16xi32>
          %get3A_2783 = arith.constant 960 : index
          %get3A_2784 = tpu.vector_load %arg19[%get3A_2783] {strides = array<i32>} : memref<1024xf32, #tpu.memory_space<vmem>>, vector<16xf32>,
          %get3A_2785 = arith.constant 976 : index
          %get3A_2786 = tpu.vector_load %arg19[%get3A_2785] {strides = array<i32>} : memref<1024xf32, #tpu.memory_space<vmem>>, vector<16xf32>,
          %bitcast3A_2787 = vector.bitcast %get3A_2786 : vector<16xf32> to vector<16xi32>
          %get3A_2788 = arith.constant 992 : index
          %get3A_2789 = tpu.vector_load %arg19[%get3A_2788] {strides = array<i32>} : memref<1024xf32, #tpu.memory_space<vmem>>, vector<16xf32>,
          %get3A_2790 = arith.constant 1008 : index
          %get3A_2791 = tpu.vector_load %arg19[%get3A_2790] {strides = array<i32>} : memref<1024xf32, #tpu.memory_space<vmem>>, vector<16xf32>,
          %bitcast3A_2792 = vector.bitcast %get3A_2791 : vector<16xf32> to vector<16xi32>
          %gt3A_2793 = arith.cmpf ogt, %get3A_2784, %select_n3A_2770 : vector<16xf32>
          %eq3A_2794 = arith.cmpf oeq, %get3A_2784, %select_n3A_2770 : vector<16xf32>
          %lt3A_2795 = arith.cmpi slt, %bitcast3A_2787, %select_n3A_2771 : vector<16xi32>
          %and3A_2796 = arith.andi %eq3A_2794, %lt3A_2795 : vector<16xi1>
          %or3A_2797 = arith.ori %gt3A_2793, %and3A_2796 : vector<16xi1>
          %select_n3A_2798 = arith.select %or3A_2797, %get3A_2784, %select_n3A_2770 : vector<16xi1>, vector<16xf32>
          %select_n3A_2799 = arith.select %or3A_2797, %bitcast3A_2787, %select_n3A_2771 : vector<16xi1>, vector<16xi32>
          %select_n3A_2800 = arith.select %or3A_2797, %select_n3A_2770, %get3A_2784 : vector<16xi1>, vector<16xf32>
          %select_n3A_2801 = arith.select %or3A_2797, %select_n3A_2771, %bitcast3A_2787 : vector<16xi1>, vector<16xi32>
          %select_n3A_2802 = arith.select %or3A_2797, %get3A_2789, %select_n3A_2781 : vector<16xi1>, vector<16xf32>
          %select_n3A_2803 = arith.select %or3A_2797, %bitcast3A_2792, %select_n3A_2782 : vector<16xi1>, vector<16xi32>
          %gt3A_2804 = arith.cmpf ogt, %select_n3A_2802, %select_n3A_2800 : vector<16xf32>
          %eq3A_2805 = arith.cmpf oeq, %select_n3A_2802, %select_n3A_2800 : vector<16xf32>
          %lt3A_2806 = arith.cmpi slt, %select_n3A_2803, %select_n3A_2801 : vector<16xi32>
          %and3A_2807 = arith.andi %eq3A_2805, %lt3A_2806 : vector<16xi1>
          %or3A_2808 = arith.ori %gt3A_2804, %and3A_2807 : vector<16xi1>
          %select_n3A_2809 = arith.select %or3A_2808, %select_n3A_2802, %select_n3A_2800 : vector<16xi1>, vector<16xf32>
          %select_n3A_2810 = arith.select %or3A_2808, %select_n3A_2803, %select_n3A_2801 : vector<16xi1>, vector<16xi32>
          %swap3A_2811 = arith.constant 0 : index
          %swap3A_2812 = tpu.vector_load %arg18[%swap3A_2811] {strides = array<i32>} : memref<64xf32, #tpu.memory_space<vmem>>, vector<16xf32>,
          tpu.vector_store %arg18[%swap3A_2811], %select_n3A_2798 {strides = array<i32>} : memref<64xf32, #tpu.memory_space<vmem>>, vector<16xf32>,
          %bitcast3A_2813 = vector.bitcast %select_n3A_2799 : vector<16xi32> to vector<16xf32>
          %swap3A_2814 = arith.constant 16 : index
          %swap3A_2815 = tpu.vector_load %arg18[%swap3A_2814] {strides = array<i32>} : memref<64xf32, #tpu.memory_space<vmem>>, vector<16xf32>,
          tpu.vector_store %arg18[%swap3A_2814], %bitcast3A_2813 {strides = array<i32>} : memref<64xf32, #tpu.memory_space<vmem>>, vector<16xf32>,
          %swap3A_2816 = arith.constant 32 : index
          %swap3A_2817 = tpu.vector_load %arg18[%swap3A_2816] {strides = array<i32>} : memref<64xf32, #tpu.memory_space<vmem>>, vector<16xf32>,
          tpu.vector_store %arg18[%swap3A_2816], %select_n3A_2809 {strides = array<i32>} : memref<64xf32, #tpu.memory_space<vmem>>, vector<16xf32>,
          %bitcast3A_2818 = vector.bitcast %select_n3A_2810 : vector<16xi32> to vector<16xf32>
          %swap3A_2819 = arith.constant 48 : index
          %swap3A_2820 = tpu.vector_load %arg18[%swap3A_2819] {strides = array<i32>} : memref<64xf32, #tpu.memory_space<vmem>>, vector<16xf32>,
          tpu.vector_store %arg18[%swap3A_2819], %bitcast3A_2818 {strides = array<i32>} : memref<64xf32, #tpu.memory_space<vmem>>, vector<16xf32>,
          "tpu.region"() ({
            %run_scoped3A = tpu.sem_alloc : memref<!tpu.dma_semaphore, #tpu.memory_space<semaphore_mem>>
            tpu.enqueue_dma source(%arg18 : memref<64xf32, #tpu.memory_space<vmem>>) target(%arg23 : memref<64xf32, #tpu.memory_space<vmem_shared>>) target_semaphore(%run_scoped3A : memref<!tpu.dma_semaphore, #tpu.memory_space<semaphore_mem>>)
            tpu.wait_dma2 semaphore(%run_scoped3A : memref<!tpu.dma_semaphore, #tpu.memory_space<semaphore_mem>>) src(%arg18 : memref<64xf32, #tpu.memory_space<vmem>>) dst(%arg23 : memref<64xf32, #tpu.memory_space<vmem_shared>>)
            tpu.yield
          }) : () -> ()
        } else {
        }
        %barrier3A_902 = arith.constant 0 : index
        tpu.barrier barrier_id(%barrier3A_902)
        "tpu.region"() ({
          %run_scoped3A = tpu.sem_alloc : memref<!tpu.dma_semaphore, #tpu.memory_space<semaphore_mem>>
          tpu.enqueue_dma source(%arg23 : memref<64xf32, #tpu.memory_space<vmem_shared>>) target(%arg20 : memref<64xf32, #tpu.memory_space<vmem>>) target_semaphore(%run_scoped3A : memref<!tpu.dma_semaphore, #tpu.memory_space<semaphore_mem>>)
          tpu.wait_dma2 semaphore(%run_scoped3A : memref<!tpu.dma_semaphore, #tpu.memory_space<semaphore_mem>>) src(%arg23 : memref<64xf32, #tpu.memory_space<vmem_shared>>) dst(%arg20 : memref<64xf32, #tpu.memory_space<vmem>>)
          tpu.yield
        }) : () -> ()
        %get3A_903 = arith.constant 0 : index
        %get3A_904 = tpu.vector_load %arg20[%get3A_903] {strides = array<i32>} : memref<64xf32, #tpu.memory_space<vmem>>, vector<16xf32>,
        %get3A_905 = arith.constant 16 : index
        %get3A_906 = tpu.vector_load %arg20[%get3A_905] {strides = array<i32>} : memref<64xf32, #tpu.memory_space<vmem>>, vector<16xf32>,
        %bitcast3A_907 = vector.bitcast %get3A_906 : vector<16xf32> to vector<16xi32>
        %get3A_908 = arith.constant 32 : index
        %get3A_909 = tpu.vector_load %arg20[%get3A_908] {strides = array<i32>} : memref<64xf32, #tpu.memory_space<vmem>>, vector<16xf32>,
        %get3A_910 = arith.constant 48 : index
        %get3A_911 = tpu.vector_load %arg20[%get3A_910] {strides = array<i32>} : memref<64xf32, #tpu.memory_space<vmem>>, vector<16xf32>,
        %bitcast3A_912 = vector.bitcast %get3A_911 : vector<16xf32> to vector<16xi32>
        %gather3A_913 = tpu.vector_load_idx %arg8[%bitcast3A_907] : memref<5120xf32, #tpu.memory_space<vmem>>[vector<16xi32>], vector<16xf32>,
        %gather3A_914 = tpu.vector_load_idx %arg9[%bitcast3A_907] : memref<5120xf32, #tpu.memory_space<vmem>>[vector<16xi32>], vector<16xf32>,
        %gather3A_915 = tpu.vector_load_idx %arg10[%bitcast3A_907] : memref<5120xf32, #tpu.memory_space<vmem>>[vector<16xi32>], vector<16xf32>,
        %gather3A_916 = tpu.vector_load_idx %arg11[%bitcast3A_907] : memref<5120xf32, #tpu.memory_space<vmem>>[vector<16xi32>], vector<16xf32>,
        %gather3A_917 = tpu.vector_load_idx %arg8[%bitcast3A_912] : memref<5120xf32, #tpu.memory_space<vmem>>[vector<16xi32>], vector<16xf32>,
        %gather3A_918 = tpu.vector_load_idx %arg9[%bitcast3A_912] : memref<5120xf32, #tpu.memory_space<vmem>>[vector<16xi32>], vector<16xf32>,
        %gather3A_919 = tpu.vector_load_idx %arg10[%bitcast3A_912] : memref<5120xf32, #tpu.memory_space<vmem>>[vector<16xi32>], vector<16xf32>,
        %gather3A_920 = tpu.vector_load_idx %arg11[%bitcast3A_912] : memref<5120xf32, #tpu.memory_space<vmem>>[vector<16xi32>], vector<16xf32>,
        %sub3A_921 = arith.subf %gather3A_915, %gather3A_913 : vector<16xf32>
        %sub3A_922 = arith.subf %gather3A_916, %gather3A_914 : vector<16xf32>
        %mul3A_923 = arith.mulf %sub3A_921, %sub3A_922 : vector<16xf32>
        %sub3A_924 = arith.subf %gather3A_919, %gather3A_917 : vector<16xf32>
        %sub3A_925 = arith.subf %gather3A_920, %gather3A_918 : vector<16xf32>
        %mul3A_926 = arith.mulf %sub3A_924, %sub3A_925 : vector<16xf32>
        %max3A = arith.maximumf %gather3A_913, %gather3A_917 : vector<16xf32>
        %max3A_927 = arith.maximumf %gather3A_914, %gather3A_918 : vector<16xf32>
        %min3A = arith.minimumf %gather3A_915, %gather3A_919 : vector<16xf32>
        %min3A_928 = arith.minimumf %gather3A_916, %gather3A_920 : vector<16xf32>
        %sub3A_929 = arith.subf %min3A, %max3A : vector<16xf32>
        %max3A_930 = arith.constant 0.000000e+00 : f32
        %max3A_931 = vector.broadcast %max3A_930 : f32 to vector<16xf32>
        %max3A_932 = arith.maximumf %sub3A_929, %max3A_931 : vector<16xf32>
        %sub3A_933 = arith.subf %min3A_928, %max3A_927 : vector<16xf32>
        %max3A_934 = arith.constant 0.000000e+00 : f32
        %max3A_935 = vector.broadcast %max3A_934 : f32 to vector<16xf32>
        %max3A_936 = arith.maximumf %sub3A_933, %max3A_935 : vector<16xf32>
        %mul3A_937 = arith.mulf %max3A_932, %max3A_936 : vector<16xf32>
        %add3A_938 = arith.addf %mul3A_923, %mul3A_926 : vector<16xf32>
        %sub3A_939 = arith.subf %add3A_938, %mul3A_937 : vector<16xf32>
        %add3A_940 = arith.constant 9.99999971E-10 : f32
        %add3A_941 = vector.broadcast %add3A_940 : f32 to vector<16xf32>
        %add3A_942 = arith.addf %sub3A_939, %add3A_941 : vector<16xf32>
        %div3A = arith.divf %mul3A_937, %add3A_942 : vector<16xf32>
        %gt3A_943 = arith.constant 5.000000e-01 : f32
        %gt3A_944 = vector.broadcast %gt3A_943 : f32 to vector<16xf32>
        %gt3A_945 = arith.cmpf ogt, %div3A, %gt3A_944 : vector<16xf32>
        %not3A = arith.constant dense<true> : vector<16xi1>
        %not3A_946 = arith.xori %gt3A_945, %not3A : vector<16xi1>
        %convert_element_type3A_947 = arith.extui %not3A_946 : vector<16xi1> to vector<16xi32>
        %slice3A = vector.extract_strided_slice %convert_element_type3A_947 {offsets = [0], sizes = [1], strides = [1]} : vector<16xi32> to vector<1xi32>
        %squeeze3A = vector.extract %slice3A[0] : i32 from vector<1xi32>
        %gt3A_948 = arith.constant 0 : i32
        %gt3A_949 = arith.cmpi sgt, %squeeze3A, %gt3A_948 : i32
        %get3A_950 = arith.constant 0 : index
        %get3A_951 = tpu.vector_load %arg12[%get3A_950] {strides = array<i32>} : memref<320xf32, #tpu.memory_space<vmem>>, vector<16xf32>,
        %get3A_952 = arith.constant 0 : index
        %get3A_953 = tpu.vector_load %arg13[%get3A_952] {strides = array<i32>} : memref<320xf32, #tpu.memory_space<vmem>>, vector<16xf32>,
        %get3A_954 = arith.constant 0 : index
        %get3A_955 = tpu.vector_load %arg14[%get3A_954] {strides = array<i32>} : memref<320xf32, #tpu.memory_space<vmem>>, vector<16xf32>,
        %get3A_956 = arith.constant 0 : index
        %get3A_957 = tpu.vector_load %arg15[%get3A_956] {strides = array<i32>} : memref<320xf32, #tpu.memory_space<vmem>>, vector<16xf32>,
        %get3A_958 = arith.constant 0 : index
        %get3A_959 = tpu.vector_load %arg17[%get3A_958] {strides = array<i32>} : memref<320xf32, #tpu.memory_space<vmem>>, vector<16xf32>,
        %add3A_960 = arith.constant 0 : i32
        %add3A_961 = arith.addi %mul3A_2, %add3A_960 : i32
        %broadcast_in_dim3A_962 = vector.broadcast %add3A_961 : i32 to vector<16xi32>
        %add3A_963 = arith.addi %broadcast_in_dim3A_962, %iota3A : vector<16xi32>
        %min3A_964 = arith.minimumf %gather3A_915, %get3A_955 : vector<16xf32>
        %max3A_965 = arith.maximumf %gather3A_913, %get3A_951 : vector<16xf32>
        %sub3A_966 = arith.subf %min3A_964, %max3A_965 : vector<16xf32>
        %max3A_967 = arith.constant 0.000000e+00 : f32
        %max3A_968 = vector.broadcast %max3A_967 : f32 to vector<16xf32>
        %max3A_969 = arith.maximumf %sub3A_966, %max3A_968 : vector<16xf32>
        %min3A_970 = arith.minimumf %gather3A_916, %get3A_957 : vector<16xf32>
        %max3A_971 = arith.maximumf %gather3A_914, %get3A_953 : vector<16xf32>
        %sub3A_972 = arith.subf %min3A_970, %max3A_971 : vector<16xf32>
        %max3A_973 = arith.constant 0.000000e+00 : f32
        %max3A_974 = vector.broadcast %max3A_973 : f32 to vector<16xf32>
        %max3A_975 = arith.maximumf %sub3A_972, %max3A_974 : vector<16xf32>
        %mul3A_976 = arith.mulf %max3A_969, %max3A_975 : vector<16xf32>
        %add3A_977 = arith.addf %mul3A_923, %get3A_959 : vector<16xf32>
        %sub3A_978 = arith.subf %add3A_977, %mul3A_976 : vector<16xf32>
        %add3A_979 = arith.constant 9.99999971E-10 : f32
        %add3A_980 = vector.broadcast %add3A_979 : f32 to vector<16xf32>
        %add3A_981 = arith.addf %sub3A_978, %add3A_980 : vector<16xf32>
        %div3A_982 = arith.divf %mul3A_976, %add3A_981 : vector<16xf32>
        %gt3A_983 = arith.constant 5.000000e-01 : f32
        %gt3A_984 = vector.broadcast %gt3A_983 : f32 to vector<16xf32>
        %gt3A_985 = arith.cmpf ogt, %div3A_982, %gt3A_984 : vector<16xf32>
        %eq3A_986 = arith.cmpi eq, %add3A_963, %bitcast3A_907 : vector<16xi32>
        %or3A_987 = arith.ori %gt3A_985, %eq3A_986 : vector<16xi1>
        %min3A_988 = arith.minimumf %gather3A_919, %get3A_955 : vector<16xf32>
        %max3A_989 = arith.maximumf %gather3A_917, %get3A_951 : vector<16xf32>
        %sub3A_990 = arith.subf %min3A_988, %max3A_989 : vector<16xf32>
        %max3A_991 = arith.constant 0.000000e+00 : f32
        %max3A_992 = vector.broadcast %max3A_991 : f32 to vector<16xf32>
        %max3A_993 = arith.maximumf %sub3A_990, %max3A_992 : vector<16xf32>
        %min3A_994 = arith.minimumf %gather3A_920, %get3A_957 : vector<16xf32>
        %max3A_995 = arith.maximumf %gather3A_918, %get3A_953 : vector<16xf32>
        %sub3A_996 = arith.subf %min3A_994, %max3A_995 : vector<16xf32>
        %max3A_997 = arith.constant 0.000000e+00 : f32
        %max3A_998 = vector.broadcast %max3A_997 : f32 to vector<16xf32>
        %max3A_999 = arith.maximumf %sub3A_996, %max3A_998 : vector<16xf32>
        %mul3A_1000 = arith.mulf %max3A_993, %max3A_999 : vector<16xf32>
        %add3A_1001 = arith.addf %mul3A_926, %get3A_959 : vector<16xf32>
        %sub3A_1002 = arith.subf %add3A_1001, %mul3A_1000 : vector<16xf32>
        %add3A_1003 = arith.constant 9.99999971E-10 : f32
        %add3A_1004 = vector.broadcast %add3A_1003 : f32 to vector<16xf32>
        %add3A_1005 = arith.addf %sub3A_1002, %add3A_1004 : vector<16xf32>
        %div3A_1006 = arith.divf %mul3A_1000, %add3A_1005 : vector<16xf32>
        %gt3A_1007 = arith.constant 5.000000e-01 : f32
        %gt3A_1008 = vector.broadcast %gt3A_1007 : f32 to vector<16xf32>
        %gt3A_1009 = arith.cmpf ogt, %div3A_1006, %gt3A_1008 : vector<16xf32>
        %eq3A_1010 = arith.cmpi eq, %add3A_963, %bitcast3A_912 : vector<16xi32>
        %or3A_1011 = arith.ori %gt3A_1009, %eq3A_1010 : vector<16xi1>
        %and3A_1012 = arith.andi %or3A_1011, %not3A_946 : vector<16xi1>
        %get3A_1013 = arith.constant 0 : index
        %get3A_1014 = tpu.vector_load %arg16[%get3A_1013] {strides = array<i32>} : memref<320xf32, #tpu.memory_space<vmem>>, vector<16xf32>,
        %or3A_1015 = arith.ori %or3A_987, %and3A_1012 : vector<16xi1>
        %jit3A_1016 = arith.constant 0xFF800000 : f32
        %broadcast_in_dim3A_1017 = vector.broadcast %jit3A_1016 : f32 to vector<16xf32>
        %select_n3A_1018 = arith.select %or3A_1015, %broadcast_in_dim3A_1017, %get3A_1014 : vector<16xi1>, vector<16xf32>
        %swap3A_1019 = arith.constant 0 : index
        %swap3A_1020 = tpu.vector_load %arg16[%swap3A_1019] {strides = array<i32>} : memref<320xf32, #tpu.memory_space<vmem>>, vector<16xf32>,
        tpu.vector_store %arg16[%swap3A_1019], %select_n3A_1018 {strides = array<i32>} : memref<320xf32, #tpu.memory_space<vmem>>, vector<16xf32>,
        %get3A_1021 = arith.constant 16 : index
        %get3A_1022 = tpu.vector_load %arg12[%get3A_1021] {strides = array<i32>} : memref<320xf32, #tpu.memory_space<vmem>>, vector<16xf32>,
        %get3A_1023 = arith.constant 16 : index
        %get3A_1024 = tpu.vector_load %arg13[%get3A_1023] {strides = array<i32>} : memref<320xf32, #tpu.memory_space<vmem>>, vector<16xf32>,
        %get3A_1025 = arith.constant 16 : index
        %get3A_1026 = tpu.vector_load %arg14[%get3A_1025] {strides = array<i32>} : memref<320xf32, #tpu.memory_space<vmem>>, vector<16xf32>,
        %get3A_1027 = arith.constant 16 : index
        %get3A_1028 = tpu.vector_load %arg15[%get3A_1027] {strides = array<i32>} : memref<320xf32, #tpu.memory_space<vmem>>, vector<16xf32>,
        %get3A_1029 = arith.constant 16 : index
        %get3A_1030 = tpu.vector_load %arg17[%get3A_1029] {strides = array<i32>} : memref<320xf32, #tpu.memory_space<vmem>>, vector<16xf32>,
        %add3A_1031 = arith.constant 16 : i32
        %add3A_1032 = arith.addi %mul3A_2, %add3A_1031 : i32
        %broadcast_in_dim3A_1033 = vector.broadcast %add3A_1032 : i32 to vector<16xi32>
        %add3A_1034 = arith.addi %broadcast_in_dim3A_1033, %iota3A : vector<16xi32>
        %min3A_1035 = arith.minimumf %gather3A_915, %get3A_1026 : vector<16xf32>
        %max3A_1036 = arith.maximumf %gather3A_913, %get3A_1022 : vector<16xf32>
        %sub3A_1037 = arith.subf %min3A_1035, %max3A_1036 : vector<16xf32>
        %max3A_1038 = arith.constant 0.000000e+00 : f32
        %max3A_1039 = vector.broadcast %max3A_1038 : f32 to vector<16xf32>
        %max3A_1040 = arith.maximumf %sub3A_1037, %max3A_1039 : vector<16xf32>
        %min3A_1041 = arith.minimumf %gather3A_916, %get3A_1028 : vector<16xf32>
        %max3A_1042 = arith.maximumf %gather3A_914, %get3A_1024 : vector<16xf32>
        %sub3A_1043 = arith.subf %min3A_1041, %max3A_1042 : vector<16xf32>
        %max3A_1044 = arith.constant 0.000000e+00 : f32
        %max3A_1045 = vector.broadcast %max3A_1044 : f32 to vector<16xf32>
        %max3A_1046 = arith.maximumf %sub3A_1043, %max3A_1045 : vector<16xf32>
        %mul3A_1047 = arith.mulf %max3A_1040, %max3A_1046 : vector<16xf32>
        %add3A_1048 = arith.addf %mul3A_923, %get3A_1030 : vector<16xf32>
        %sub3A_1049 = arith.subf %add3A_1048, %mul3A_1047 : vector<16xf32>
        %add3A_1050 = arith.constant 9.99999971E-10 : f32
        %add3A_1051 = vector.broadcast %add3A_1050 : f32 to vector<16xf32>
        %add3A_1052 = arith.addf %sub3A_1049, %add3A_1051 : vector<16xf32>
        %div3A_1053 = arith.divf %mul3A_1047, %add3A_1052 : vector<16xf32>
        %gt3A_1054 = arith.constant 5.000000e-01 : f32
        %gt3A_1055 = vector.broadcast %gt3A_1054 : f32 to vector<16xf32>
        %gt3A_1056 = arith.cmpf ogt, %div3A_1053, %gt3A_1055 : vector<16xf32>
        %eq3A_1057 = arith.cmpi eq, %add3A_1034, %bitcast3A_907 : vector<16xi32>
        %or3A_1058 = arith.ori %gt3A_1056, %eq3A_1057 : vector<16xi1>
        %min3A_1059 = arith.minimumf %gather3A_919, %get3A_1026 : vector<16xf32>
        %max3A_1060 = arith.maximumf %gather3A_917, %get3A_1022 : vector<16xf32>
        %sub3A_1061 = arith.subf %min3A_1059, %max3A_1060 : vector<16xf32>
        %max3A_1062 = arith.constant 0.000000e+00 : f32
        %max3A_1063 = vector.broadcast %max3A_1062 : f32 to vector<16xf32>
        %max3A_1064 = arith.maximumf %sub3A_1061, %max3A_1063 : vector<16xf32>
        %min3A_1065 = arith.minimumf %gather3A_920, %get3A_1028 : vector<16xf32>
        %max3A_1066 = arith.maximumf %gather3A_918, %get3A_1024 : vector<16xf32>
        %sub3A_1067 = arith.subf %min3A_1065, %max3A_1066 : vector<16xf32>
        %max3A_1068 = arith.constant 0.000000e+00 : f32
        %max3A_1069 = vector.broadcast %max3A_1068 : f32 to vector<16xf32>
        %max3A_1070 = arith.maximumf %sub3A_1067, %max3A_1069 : vector<16xf32>
        %mul3A_1071 = arith.mulf %max3A_1064, %max3A_1070 : vector<16xf32>
        %add3A_1072 = arith.addf %mul3A_926, %get3A_1030 : vector<16xf32>
        %sub3A_1073 = arith.subf %add3A_1072, %mul3A_1071 : vector<16xf32>
        %add3A_1074 = arith.constant 9.99999971E-10 : f32
        %add3A_1075 = vector.broadcast %add3A_1074 : f32 to vector<16xf32>
        %add3A_1076 = arith.addf %sub3A_1073, %add3A_1075 : vector<16xf32>
        %div3A_1077 = arith.divf %mul3A_1071, %add3A_1076 : vector<16xf32>
        %gt3A_1078 = arith.constant 5.000000e-01 : f32
        %gt3A_1079 = vector.broadcast %gt3A_1078 : f32 to vector<16xf32>
        %gt3A_1080 = arith.cmpf ogt, %div3A_1077, %gt3A_1079 : vector<16xf32>
        %eq3A_1081 = arith.cmpi eq, %add3A_1034, %bitcast3A_912 : vector<16xi32>
        %or3A_1082 = arith.ori %gt3A_1080, %eq3A_1081 : vector<16xi1>
        %and3A_1083 = arith.andi %or3A_1082, %not3A_946 : vector<16xi1>
        %get3A_1084 = arith.constant 16 : index
        %get3A_1085 = tpu.vector_load %arg16[%get3A_1084] {strides = array<i32>} : memref<320xf32, #tpu.memory_space<vmem>>, vector<16xf32>,
        %or3A_1086 = arith.ori %or3A_1058, %and3A_1083 : vector<16xi1>
        %jit3A_1087 = arith.constant 0xFF800000 : f32
        %broadcast_in_dim3A_1088 = vector.broadcast %jit3A_1087 : f32 to vector<16xf32>
        %select_n3A_1089 = arith.select %or3A_1086, %broadcast_in_dim3A_1088, %get3A_1085 : vector<16xi1>, vector<16xf32>
        %swap3A_1090 = arith.constant 16 : index
        %swap3A_1091 = tpu.vector_load %arg16[%swap3A_1090] {strides = array<i32>} : memref<320xf32, #tpu.memory_space<vmem>>, vector<16xf32>,
        tpu.vector_store %arg16[%swap3A_1090], %select_n3A_1089 {strides = array<i32>} : memref<320xf32, #tpu.memory_space<vmem>>, vector<16xf32>,
        %get3A_1092 = arith.constant 32 : index
        %get3A_1093 = tpu.vector_load %arg12[%get3A_1092] {strides = array<i32>} : memref<320xf32, #tpu.memory_space<vmem>>, vector<16xf32>,
        %get3A_1094 = arith.constant 32 : index
        %get3A_1095 = tpu.vector_load %arg13[%get3A_1094] {strides = array<i32>} : memref<320xf32, #tpu.memory_space<vmem>>, vector<16xf32>,
        %get3A_1096 = arith.constant 32 : index
        %get3A_1097 = tpu.vector_load %arg14[%get3A_1096] {strides = array<i32>} : memref<320xf32, #tpu.memory_space<vmem>>, vector<16xf32>,
        %get3A_1098 = arith.constant 32 : index
        %get3A_1099 = tpu.vector_load %arg15[%get3A_1098] {strides = array<i32>} : memref<320xf32, #tpu.memory_space<vmem>>, vector<16xf32>,
        %get3A_1100 = arith.constant 32 : index
        %get3A_1101 = tpu.vector_load %arg17[%get3A_1100] {strides = array<i32>} : memref<320xf32, #tpu.memory_space<vmem>>, vector<16xf32>,
        %add3A_1102 = arith.constant 32 : i32
        %add3A_1103 = arith.addi %mul3A_2, %add3A_1102 : i32
        %broadcast_in_dim3A_1104 = vector.broadcast %add3A_1103 : i32 to vector<16xi32>
        %add3A_1105 = arith.addi %broadcast_in_dim3A_1104, %iota3A : vector<16xi32>
        %min3A_1106 = arith.minimumf %gather3A_915, %get3A_1097 : vector<16xf32>
        %max3A_1107 = arith.maximumf %gather3A_913, %get3A_1093 : vector<16xf32>
        %sub3A_1108 = arith.subf %min3A_1106, %max3A_1107 : vector<16xf32>
        %max3A_1109 = arith.constant 0.000000e+00 : f32
        %max3A_1110 = vector.broadcast %max3A_1109 : f32 to vector<16xf32>
        %max3A_1111 = arith.maximumf %sub3A_1108, %max3A_1110 : vector<16xf32>
        %min3A_1112 = arith.minimumf %gather3A_916, %get3A_1099 : vector<16xf32>
        %max3A_1113 = arith.maximumf %gather3A_914, %get3A_1095 : vector<16xf32>
        %sub3A_1114 = arith.subf %min3A_1112, %max3A_1113 : vector<16xf32>
        %max3A_1115 = arith.constant 0.000000e+00 : f32
        %max3A_1116 = vector.broadcast %max3A_1115 : f32 to vector<16xf32>
        %max3A_1117 = arith.maximumf %sub3A_1114, %max3A_1116 : vector<16xf32>
        %mul3A_1118 = arith.mulf %max3A_1111, %max3A_1117 : vector<16xf32>
        %add3A_1119 = arith.addf %mul3A_923, %get3A_1101 : vector<16xf32>
        %sub3A_1120 = arith.subf %add3A_1119, %mul3A_1118 : vector<16xf32>
        %add3A_1121 = arith.constant 9.99999971E-10 : f32
        %add3A_1122 = vector.broadcast %add3A_1121 : f32 to vector<16xf32>
        %add3A_1123 = arith.addf %sub3A_1120, %add3A_1122 : vector<16xf32>
        %div3A_1124 = arith.divf %mul3A_1118, %add3A_1123 : vector<16xf32>
        %gt3A_1125 = arith.constant 5.000000e-01 : f32
        %gt3A_1126 = vector.broadcast %gt3A_1125 : f32 to vector<16xf32>
        %gt3A_1127 = arith.cmpf ogt, %div3A_1124, %gt3A_1126 : vector<16xf32>
        %eq3A_1128 = arith.cmpi eq, %add3A_1105, %bitcast3A_907 : vector<16xi32>
        %or3A_1129 = arith.ori %gt3A_1127, %eq3A_1128 : vector<16xi1>
        %min3A_1130 = arith.minimumf %gather3A_919, %get3A_1097 : vector<16xf32>
        %max3A_1131 = arith.maximumf %gather3A_917, %get3A_1093 : vector<16xf32>
        %sub3A_1132 = arith.subf %min3A_1130, %max3A_1131 : vector<16xf32>
        %max3A_1133 = arith.constant 0.000000e+00 : f32
        %max3A_1134 = vector.broadcast %max3A_1133 : f32 to vector<16xf32>
        %max3A_1135 = arith.maximumf %sub3A_1132, %max3A_1134 : vector<16xf32>
        %min3A_1136 = arith.minimumf %gather3A_920, %get3A_1099 : vector<16xf32>
        %max3A_1137 = arith.maximumf %gather3A_918, %get3A_1095 : vector<16xf32>
        %sub3A_1138 = arith.subf %min3A_1136, %max3A_1137 : vector<16xf32>
        %max3A_1139 = arith.constant 0.000000e+00 : f32
        %max3A_1140 = vector.broadcast %max3A_1139 : f32 to vector<16xf32>
        %max3A_1141 = arith.maximumf %sub3A_1138, %max3A_1140 : vector<16xf32>
        %mul3A_1142 = arith.mulf %max3A_1135, %max3A_1141 : vector<16xf32>
        %add3A_1143 = arith.addf %mul3A_926, %get3A_1101 : vector<16xf32>
        %sub3A_1144 = arith.subf %add3A_1143, %mul3A_1142 : vector<16xf32>
        %add3A_1145 = arith.constant 9.99999971E-10 : f32
        %add3A_1146 = vector.broadcast %add3A_1145 : f32 to vector<16xf32>
        %add3A_1147 = arith.addf %sub3A_1144, %add3A_1146 : vector<16xf32>
        %div3A_1148 = arith.divf %mul3A_1142, %add3A_1147 : vector<16xf32>
        %gt3A_1149 = arith.constant 5.000000e-01 : f32
        %gt3A_1150 = vector.broadcast %gt3A_1149 : f32 to vector<16xf32>
        %gt3A_1151 = arith.cmpf ogt, %div3A_1148, %gt3A_1150 : vector<16xf32>
        %eq3A_1152 = arith.cmpi eq, %add3A_1105, %bitcast3A_912 : vector<16xi32>
        %or3A_1153 = arith.ori %gt3A_1151, %eq3A_1152 : vector<16xi1>
        %and3A_1154 = arith.andi %or3A_1153, %not3A_946 : vector<16xi1>
        %get3A_1155 = arith.constant 32 : index
        %get3A_1156 = tpu.vector_load %arg16[%get3A_1155] {strides = array<i32>} : memref<320xf32, #tpu.memory_space<vmem>>, vector<16xf32>,
        %or3A_1157 = arith.ori %or3A_1129, %and3A_1154 : vector<16xi1>
        %jit3A_1158 = arith.constant 0xFF800000 : f32
        %broadcast_in_dim3A_1159 = vector.broadcast %jit3A_1158 : f32 to vector<16xf32>
        %select_n3A_1160 = arith.select %or3A_1157, %broadcast_in_dim3A_1159, %get3A_1156 : vector<16xi1>, vector<16xf32>
        %swap3A_1161 = arith.constant 32 : index
        %swap3A_1162 = tpu.vector_load %arg16[%swap3A_1161] {strides = array<i32>} : memref<320xf32, #tpu.memory_space<vmem>>, vector<16xf32>,
        tpu.vector_store %arg16[%swap3A_1161], %select_n3A_1160 {strides = array<i32>} : memref<320xf32, #tpu.memory_space<vmem>>, vector<16xf32>,
        %get3A_1163 = arith.constant 48 : index
        %get3A_1164 = tpu.vector_load %arg12[%get3A_1163] {strides = array<i32>} : memref<320xf32, #tpu.memory_space<vmem>>, vector<16xf32>,
        %get3A_1165 = arith.constant 48 : index
        %get3A_1166 = tpu.vector_load %arg13[%get3A_1165] {strides = array<i32>} : memref<320xf32, #tpu.memory_space<vmem>>, vector<16xf32>,
        %get3A_1167 = arith.constant 48 : index
        %get3A_1168 = tpu.vector_load %arg14[%get3A_1167] {strides = array<i32>} : memref<320xf32, #tpu.memory_space<vmem>>, vector<16xf32>,
        %get3A_1169 = arith.constant 48 : index
        %get3A_1170 = tpu.vector_load %arg15[%get3A_1169] {strides = array<i32>} : memref<320xf32, #tpu.memory_space<vmem>>, vector<16xf32>,
        %get3A_1171 = arith.constant 48 : index
        %get3A_1172 = tpu.vector_load %arg17[%get3A_1171] {strides = array<i32>} : memref<320xf32, #tpu.memory_space<vmem>>, vector<16xf32>,
        %add3A_1173 = arith.constant 48 : i32
        %add3A_1174 = arith.addi %mul3A_2, %add3A_1173 : i32
        %broadcast_in_dim3A_1175 = vector.broadcast %add3A_1174 : i32 to vector<16xi32>
        %add3A_1176 = arith.addi %broadcast_in_dim3A_1175, %iota3A : vector<16xi32>
        %min3A_1177 = arith.minimumf %gather3A_915, %get3A_1168 : vector<16xf32>
        %max3A_1178 = arith.maximumf %gather3A_913, %get3A_1164 : vector<16xf32>
        %sub3A_1179 = arith.subf %min3A_1177, %max3A_1178 : vector<16xf32>
        %max3A_1180 = arith.constant 0.000000e+00 : f32
        %max3A_1181 = vector.broadcast %max3A_1180 : f32 to vector<16xf32>
        %max3A_1182 = arith.maximumf %sub3A_1179, %max3A_1181 : vector<16xf32>
        %min3A_1183 = arith.minimumf %gather3A_916, %get3A_1170 : vector<16xf32>
        %max3A_1184 = arith.maximumf %gather3A_914, %get3A_1166 : vector<16xf32>
        %sub3A_1185 = arith.subf %min3A_1183, %max3A_1184 : vector<16xf32>
        %max3A_1186 = arith.constant 0.000000e+00 : f32
        %max3A_1187 = vector.broadcast %max3A_1186 : f32 to vector<16xf32>
        %max3A_1188 = arith.maximumf %sub3A_1185, %max3A_1187 : vector<16xf32>
        %mul3A_1189 = arith.mulf %max3A_1182, %max3A_1188 : vector<16xf32>
        %add3A_1190 = arith.addf %mul3A_923, %get3A_1172 : vector<16xf32>
        %sub3A_1191 = arith.subf %add3A_1190, %mul3A_1189 : vector<16xf32>
        %add3A_1192 = arith.constant 9.99999971E-10 : f32
        %add3A_1193 = vector.broadcast %add3A_1192 : f32 to vector<16xf32>
        %add3A_1194 = arith.addf %sub3A_1191, %add3A_1193 : vector<16xf32>
        %div3A_1195 = arith.divf %mul3A_1189, %add3A_1194 : vector<16xf32>
        %gt3A_1196 = arith.constant 5.000000e-01 : f32
        %gt3A_1197 = vector.broadcast %gt3A_1196 : f32 to vector<16xf32>
        %gt3A_1198 = arith.cmpf ogt, %div3A_1195, %gt3A_1197 : vector<16xf32>
        %eq3A_1199 = arith.cmpi eq, %add3A_1176, %bitcast3A_907 : vector<16xi32>
        %or3A_1200 = arith.ori %gt3A_1198, %eq3A_1199 : vector<16xi1>
        %min3A_1201 = arith.minimumf %gather3A_919, %get3A_1168 : vector<16xf32>
        %max3A_1202 = arith.maximumf %gather3A_917, %get3A_1164 : vector<16xf32>
        %sub3A_1203 = arith.subf %min3A_1201, %max3A_1202 : vector<16xf32>
        %max3A_1204 = arith.constant 0.000000e+00 : f32
        %max3A_1205 = vector.broadcast %max3A_1204 : f32 to vector<16xf32>
        %max3A_1206 = arith.maximumf %sub3A_1203, %max3A_1205 : vector<16xf32>
        %min3A_1207 = arith.minimumf %gather3A_920, %get3A_1170 : vector<16xf32>
        %max3A_1208 = arith.maximumf %gather3A_918, %get3A_1166 : vector<16xf32>
        %sub3A_1209 = arith.subf %min3A_1207, %max3A_1208 : vector<16xf32>
        %max3A_1210 = arith.constant 0.000000e+00 : f32
        %max3A_1211 = vector.broadcast %max3A_1210 : f32 to vector<16xf32>
        %max3A_1212 = arith.maximumf %sub3A_1209, %max3A_1211 : vector<16xf32>
        %mul3A_1213 = arith.mulf %max3A_1206, %max3A_1212 : vector<16xf32>
        %add3A_1214 = arith.addf %mul3A_926, %get3A_1172 : vector<16xf32>
        %sub3A_1215 = arith.subf %add3A_1214, %mul3A_1213 : vector<16xf32>
        %add3A_1216 = arith.constant 9.99999971E-10 : f32
        %add3A_1217 = vector.broadcast %add3A_1216 : f32 to vector<16xf32>
        %add3A_1218 = arith.addf %sub3A_1215, %add3A_1217 : vector<16xf32>
        %div3A_1219 = arith.divf %mul3A_1213, %add3A_1218 : vector<16xf32>
        %gt3A_1220 = arith.constant 5.000000e-01 : f32
        %gt3A_1221 = vector.broadcast %gt3A_1220 : f32 to vector<16xf32>
        %gt3A_1222 = arith.cmpf ogt, %div3A_1219, %gt3A_1221 : vector<16xf32>
        %eq3A_1223 = arith.cmpi eq, %add3A_1176, %bitcast3A_912 : vector<16xi32>
        %or3A_1224 = arith.ori %gt3A_1222, %eq3A_1223 : vector<16xi1>
        %and3A_1225 = arith.andi %or3A_1224, %not3A_946 : vector<16xi1>
        %get3A_1226 = arith.constant 48 : index
        %get3A_1227 = tpu.vector_load %arg16[%get3A_1226] {strides = array<i32>} : memref<320xf32, #tpu.memory_space<vmem>>, vector<16xf32>,
        %or3A_1228 = arith.ori %or3A_1200, %and3A_1225 : vector<16xi1>
        %jit3A_1229 = arith.constant 0xFF800000 : f32
        %broadcast_in_dim3A_1230 = vector.broadcast %jit3A_1229 : f32 to vector<16xf32>
        %select_n3A_1231 = arith.select %or3A_1228, %broadcast_in_dim3A_1230, %get3A_1227 : vector<16xi1>, vector<16xf32>
        %swap3A_1232 = arith.constant 48 : index
        %swap3A_1233 = tpu.vector_load %arg16[%swap3A_1232] {strides = array<i32>} : memref<320xf32, #tpu.memory_space<vmem>>, vector<16xf32>,
        tpu.vector_store %arg16[%swap3A_1232], %select_n3A_1231 {strides = array<i32>} : memref<320xf32, #tpu.memory_space<vmem>>, vector<16xf32>,
        %get3A_1234 = arith.constant 64 : index
        %get3A_1235 = tpu.vector_load %arg12[%get3A_1234] {strides = array<i32>} : memref<320xf32, #tpu.memory_space<vmem>>, vector<16xf32>,
        %get3A_1236 = arith.constant 64 : index
        %get3A_1237 = tpu.vector_load %arg13[%get3A_1236] {strides = array<i32>} : memref<320xf32, #tpu.memory_space<vmem>>, vector<16xf32>,
        %get3A_1238 = arith.constant 64 : index
        %get3A_1239 = tpu.vector_load %arg14[%get3A_1238] {strides = array<i32>} : memref<320xf32, #tpu.memory_space<vmem>>, vector<16xf32>,
        %get3A_1240 = arith.constant 64 : index
        %get3A_1241 = tpu.vector_load %arg15[%get3A_1240] {strides = array<i32>} : memref<320xf32, #tpu.memory_space<vmem>>, vector<16xf32>,
        %get3A_1242 = arith.constant 64 : index
        %get3A_1243 = tpu.vector_load %arg17[%get3A_1242] {strides = array<i32>} : memref<320xf32, #tpu.memory_space<vmem>>, vector<16xf32>,
        %add3A_1244 = arith.constant 64 : i32
        %add3A_1245 = arith.addi %mul3A_2, %add3A_1244 : i32
        %broadcast_in_dim3A_1246 = vector.broadcast %add3A_1245 : i32 to vector<16xi32>
        %add3A_1247 = arith.addi %broadcast_in_dim3A_1246, %iota3A : vector<16xi32>
        %min3A_1248 = arith.minimumf %gather3A_915, %get3A_1239 : vector<16xf32>
        %max3A_1249 = arith.maximumf %gather3A_913, %get3A_1235 : vector<16xf32>
        %sub3A_1250 = arith.subf %min3A_1248, %max3A_1249 : vector<16xf32>
        %max3A_1251 = arith.constant 0.000000e+00 : f32
        %max3A_1252 = vector.broadcast %max3A_1251 : f32 to vector<16xf32>
        %max3A_1253 = arith.maximumf %sub3A_1250, %max3A_1252 : vector<16xf32>
        %min3A_1254 = arith.minimumf %gather3A_916, %get3A_1241 : vector<16xf32>
        %max3A_1255 = arith.maximumf %gather3A_914, %get3A_1237 : vector<16xf32>
        %sub3A_1256 = arith.subf %min3A_1254, %max3A_1255 : vector<16xf32>
        %max3A_1257 = arith.constant 0.000000e+00 : f32
        %max3A_1258 = vector.broadcast %max3A_1257 : f32 to vector<16xf32>
        %max3A_1259 = arith.maximumf %sub3A_1256, %max3A_1258 : vector<16xf32>
        %mul3A_1260 = arith.mulf %max3A_1253, %max3A_1259 : vector<16xf32>
        %add3A_1261 = arith.addf %mul3A_923, %get3A_1243 : vector<16xf32>
        %sub3A_1262 = arith.subf %add3A_1261, %mul3A_1260 : vector<16xf32>
        %add3A_1263 = arith.constant 9.99999971E-10 : f32
        %add3A_1264 = vector.broadcast %add3A_1263 : f32 to vector<16xf32>
        %add3A_1265 = arith.addf %sub3A_1262, %add3A_1264 : vector<16xf32>
        %div3A_1266 = arith.divf %mul3A_1260, %add3A_1265 : vector<16xf32>
        %gt3A_1267 = arith.constant 5.000000e-01 : f32
        %gt3A_1268 = vector.broadcast %gt3A_1267 : f32 to vector<16xf32>
        %gt3A_1269 = arith.cmpf ogt, %div3A_1266, %gt3A_1268 : vector<16xf32>
        %eq3A_1270 = arith.cmpi eq, %add3A_1247, %bitcast3A_907 : vector<16xi32>
        %or3A_1271 = arith.ori %gt3A_1269, %eq3A_1270 : vector<16xi1>
        %min3A_1272 = arith.minimumf %gather3A_919, %get3A_1239 : vector<16xf32>
        %max3A_1273 = arith.maximumf %gather3A_917, %get3A_1235 : vector<16xf32>
        %sub3A_1274 = arith.subf %min3A_1272, %max3A_1273 : vector<16xf32>
        %max3A_1275 = arith.constant 0.000000e+00 : f32
        %max3A_1276 = vector.broadcast %max3A_1275 : f32 to vector<16xf32>
        %max3A_1277 = arith.maximumf %sub3A_1274, %max3A_1276 : vector<16xf32>
        %min3A_1278 = arith.minimumf %gather3A_920, %get3A_1241 : vector<16xf32>
        %max3A_1279 = arith.maximumf %gather3A_918, %get3A_1237 : vector<16xf32>
        %sub3A_1280 = arith.subf %min3A_1278, %max3A_1279 : vector<16xf32>
        %max3A_1281 = arith.constant 0.000000e+00 : f32
        %max3A_1282 = vector.broadcast %max3A_1281 : f32 to vector<16xf32>
        %max3A_1283 = arith.maximumf %sub3A_1280, %max3A_1282 : vector<16xf32>
        %mul3A_1284 = arith.mulf %max3A_1277, %max3A_1283 : vector<16xf32>
        %add3A_1285 = arith.addf %mul3A_926, %get3A_1243 : vector<16xf32>
        %sub3A_1286 = arith.subf %add3A_1285, %mul3A_1284 : vector<16xf32>
        %add3A_1287 = arith.constant 9.99999971E-10 : f32
        %add3A_1288 = vector.broadcast %add3A_1287 : f32 to vector<16xf32>
        %add3A_1289 = arith.addf %sub3A_1286, %add3A_1288 : vector<16xf32>
        %div3A_1290 = arith.divf %mul3A_1284, %add3A_1289 : vector<16xf32>
        %gt3A_1291 = arith.constant 5.000000e-01 : f32
        %gt3A_1292 = vector.broadcast %gt3A_1291 : f32 to vector<16xf32>
        %gt3A_1293 = arith.cmpf ogt, %div3A_1290, %gt3A_1292 : vector<16xf32>
        %eq3A_1294 = arith.cmpi eq, %add3A_1247, %bitcast3A_912 : vector<16xi32>
        %or3A_1295 = arith.ori %gt3A_1293, %eq3A_1294 : vector<16xi1>
        %and3A_1296 = arith.andi %or3A_1295, %not3A_946 : vector<16xi1>
        %get3A_1297 = arith.constant 64 : index
        %get3A_1298 = tpu.vector_load %arg16[%get3A_1297] {strides = array<i32>} : memref<320xf32, #tpu.memory_space<vmem>>, vector<16xf32>,
        %or3A_1299 = arith.ori %or3A_1271, %and3A_1296 : vector<16xi1>
        %jit3A_1300 = arith.constant 0xFF800000 : f32
        %broadcast_in_dim3A_1301 = vector.broadcast %jit3A_1300 : f32 to vector<16xf32>
        %select_n3A_1302 = arith.select %or3A_1299, %broadcast_in_dim3A_1301, %get3A_1298 : vector<16xi1>, vector<16xf32>
        %swap3A_1303 = arith.constant 64 : index
        %swap3A_1304 = tpu.vector_load %arg16[%swap3A_1303] {strides = array<i32>} : memref<320xf32, #tpu.memory_space<vmem>>, vector<16xf32>,
        tpu.vector_store %arg16[%swap3A_1303], %select_n3A_1302 {strides = array<i32>} : memref<320xf32, #tpu.memory_space<vmem>>, vector<16xf32>,
        %get3A_1305 = arith.constant 80 : index
        %get3A_1306 = tpu.vector_load %arg12[%get3A_1305] {strides = array<i32>} : memref<320xf32, #tpu.memory_space<vmem>>, vector<16xf32>,
        %get3A_1307 = arith.constant 80 : index
        %get3A_1308 = tpu.vector_load %arg13[%get3A_1307] {strides = array<i32>} : memref<320xf32, #tpu.memory_space<vmem>>, vector<16xf32>,
        %get3A_1309 = arith.constant 80 : index
        %get3A_1310 = tpu.vector_load %arg14[%get3A_1309] {strides = array<i32>} : memref<320xf32, #tpu.memory_space<vmem>>, vector<16xf32>,
        %get3A_1311 = arith.constant 80 : index
        %get3A_1312 = tpu.vector_load %arg15[%get3A_1311] {strides = array<i32>} : memref<320xf32, #tpu.memory_space<vmem>>, vector<16xf32>,
        %get3A_1313 = arith.constant 80 : index
        %get3A_1314 = tpu.vector_load %arg17[%get3A_1313] {strides = array<i32>} : memref<320xf32, #tpu.memory_space<vmem>>, vector<16xf32>,
        %add3A_1315 = arith.constant 80 : i32
        %add3A_1316 = arith.addi %mul3A_2, %add3A_1315 : i32
        %broadcast_in_dim3A_1317 = vector.broadcast %add3A_1316 : i32 to vector<16xi32>
        %add3A_1318 = arith.addi %broadcast_in_dim3A_1317, %iota3A : vector<16xi32>
        %min3A_1319 = arith.minimumf %gather3A_915, %get3A_1310 : vector<16xf32>
        %max3A_1320 = arith.maximumf %gather3A_913, %get3A_1306 : vector<16xf32>
        %sub3A_1321 = arith.subf %min3A_1319, %max3A_1320 : vector<16xf32>
        %max3A_1322 = arith.constant 0.000000e+00 : f32
        %max3A_1323 = vector.broadcast %max3A_1322 : f32 to vector<16xf32>
        %max3A_1324 = arith.maximumf %sub3A_1321, %max3A_1323 : vector<16xf32>
        %min3A_1325 = arith.minimumf %gather3A_916, %get3A_1312 : vector<16xf32>
        %max3A_1326 = arith.maximumf %gather3A_914, %get3A_1308 : vector<16xf32>
        %sub3A_1327 = arith.subf %min3A_1325, %max3A_1326 : vector<16xf32>
        %max3A_1328 = arith.constant 0.000000e+00 : f32
        %max3A_1329 = vector.broadcast %max3A_1328 : f32 to vector<16xf32>
        %max3A_1330 = arith.maximumf %sub3A_1327, %max3A_1329 : vector<16xf32>
        %mul3A_1331 = arith.mulf %max3A_1324, %max3A_1330 : vector<16xf32>
        %add3A_1332 = arith.addf %mul3A_923, %get3A_1314 : vector<16xf32>
        %sub3A_1333 = arith.subf %add3A_1332, %mul3A_1331 : vector<16xf32>
        %add3A_1334 = arith.constant 9.99999971E-10 : f32
        %add3A_1335 = vector.broadcast %add3A_1334 : f32 to vector<16xf32>
        %add3A_1336 = arith.addf %sub3A_1333, %add3A_1335 : vector<16xf32>
        %div3A_1337 = arith.divf %mul3A_1331, %add3A_1336 : vector<16xf32>
        %gt3A_1338 = arith.constant 5.000000e-01 : f32
        %gt3A_1339 = vector.broadcast %gt3A_1338 : f32 to vector<16xf32>
        %gt3A_1340 = arith.cmpf ogt, %div3A_1337, %gt3A_1339 : vector<16xf32>
        %eq3A_1341 = arith.cmpi eq, %add3A_1318, %bitcast3A_907 : vector<16xi32>
        %or3A_1342 = arith.ori %gt3A_1340, %eq3A_1341 : vector<16xi1>
        %min3A_1343 = arith.minimumf %gather3A_919, %get3A_1310 : vector<16xf32>
        %max3A_1344 = arith.maximumf %gather3A_917, %get3A_1306 : vector<16xf32>
        %sub3A_1345 = arith.subf %min3A_1343, %max3A_1344 : vector<16xf32>
        %max3A_1346 = arith.constant 0.000000e+00 : f32
        %max3A_1347 = vector.broadcast %max3A_1346 : f32 to vector<16xf32>
        %max3A_1348 = arith.maximumf %sub3A_1345, %max3A_1347 : vector<16xf32>
        %min3A_1349 = arith.minimumf %gather3A_920, %get3A_1312 : vector<16xf32>
        %max3A_1350 = arith.maximumf %gather3A_918, %get3A_1308 : vector<16xf32>
        %sub3A_1351 = arith.subf %min3A_1349, %max3A_1350 : vector<16xf32>
        %max3A_1352 = arith.constant 0.000000e+00 : f32
        %max3A_1353 = vector.broadcast %max3A_1352 : f32 to vector<16xf32>
        %max3A_1354 = arith.maximumf %sub3A_1351, %max3A_1353 : vector<16xf32>
        %mul3A_1355 = arith.mulf %max3A_1348, %max3A_1354 : vector<16xf32>
        %add3A_1356 = arith.addf %mul3A_926, %get3A_1314 : vector<16xf32>
        %sub3A_1357 = arith.subf %add3A_1356, %mul3A_1355 : vector<16xf32>
        %add3A_1358 = arith.constant 9.99999971E-10 : f32
        %add3A_1359 = vector.broadcast %add3A_1358 : f32 to vector<16xf32>
        %add3A_1360 = arith.addf %sub3A_1357, %add3A_1359 : vector<16xf32>
        %div3A_1361 = arith.divf %mul3A_1355, %add3A_1360 : vector<16xf32>
        %gt3A_1362 = arith.constant 5.000000e-01 : f32
        %gt3A_1363 = vector.broadcast %gt3A_1362 : f32 to vector<16xf32>
        %gt3A_1364 = arith.cmpf ogt, %div3A_1361, %gt3A_1363 : vector<16xf32>
        %eq3A_1365 = arith.cmpi eq, %add3A_1318, %bitcast3A_912 : vector<16xi32>
        %or3A_1366 = arith.ori %gt3A_1364, %eq3A_1365 : vector<16xi1>
        %and3A_1367 = arith.andi %or3A_1366, %not3A_946 : vector<16xi1>
        %get3A_1368 = arith.constant 80 : index
        %get3A_1369 = tpu.vector_load %arg16[%get3A_1368] {strides = array<i32>} : memref<320xf32, #tpu.memory_space<vmem>>, vector<16xf32>,
        %or3A_1370 = arith.ori %or3A_1342, %and3A_1367 : vector<16xi1>
        %jit3A_1371 = arith.constant 0xFF800000 : f32
        %broadcast_in_dim3A_1372 = vector.broadcast %jit3A_1371 : f32 to vector<16xf32>
        %select_n3A_1373 = arith.select %or3A_1370, %broadcast_in_dim3A_1372, %get3A_1369 : vector<16xi1>, vector<16xf32>
        %swap3A_1374 = arith.constant 80 : index
        %swap3A_1375 = tpu.vector_load %arg16[%swap3A_1374] {strides = array<i32>} : memref<320xf32, #tpu.memory_space<vmem>>, vector<16xf32>,
        tpu.vector_store %arg16[%swap3A_1374], %select_n3A_1373 {strides = array<i32>} : memref<320xf32, #tpu.memory_space<vmem>>, vector<16xf32>,
        %get3A_1376 = arith.constant 96 : index
        %get3A_1377 = tpu.vector_load %arg12[%get3A_1376] {strides = array<i32>} : memref<320xf32, #tpu.memory_space<vmem>>, vector<16xf32>,
        %get3A_1378 = arith.constant 96 : index
        %get3A_1379 = tpu.vector_load %arg13[%get3A_1378] {strides = array<i32>} : memref<320xf32, #tpu.memory_space<vmem>>, vector<16xf32>,
        %get3A_1380 = arith.constant 96 : index
        %get3A_1381 = tpu.vector_load %arg14[%get3A_1380] {strides = array<i32>} : memref<320xf32, #tpu.memory_space<vmem>>, vector<16xf32>,
        %get3A_1382 = arith.constant 96 : index
        %get3A_1383 = tpu.vector_load %arg15[%get3A_1382] {strides = array<i32>} : memref<320xf32, #tpu.memory_space<vmem>>, vector<16xf32>,
        %get3A_1384 = arith.constant 96 : index
        %get3A_1385 = tpu.vector_load %arg17[%get3A_1384] {strides = array<i32>} : memref<320xf32, #tpu.memory_space<vmem>>, vector<16xf32>,
        %add3A_1386 = arith.constant 96 : i32
        %add3A_1387 = arith.addi %mul3A_2, %add3A_1386 : i32
        %broadcast_in_dim3A_1388 = vector.broadcast %add3A_1387 : i32 to vector<16xi32>
        %add3A_1389 = arith.addi %broadcast_in_dim3A_1388, %iota3A : vector<16xi32>
        %min3A_1390 = arith.minimumf %gather3A_915, %get3A_1381 : vector<16xf32>
        %max3A_1391 = arith.maximumf %gather3A_913, %get3A_1377 : vector<16xf32>
        %sub3A_1392 = arith.subf %min3A_1390, %max3A_1391 : vector<16xf32>
        %max3A_1393 = arith.constant 0.000000e+00 : f32
        %max3A_1394 = vector.broadcast %max3A_1393 : f32 to vector<16xf32>
        %max3A_1395 = arith.maximumf %sub3A_1392, %max3A_1394 : vector<16xf32>
        %min3A_1396 = arith.minimumf %gather3A_916, %get3A_1383 : vector<16xf32>
        %max3A_1397 = arith.maximumf %gather3A_914, %get3A_1379 : vector<16xf32>
        %sub3A_1398 = arith.subf %min3A_1396, %max3A_1397 : vector<16xf32>
        %max3A_1399 = arith.constant 0.000000e+00 : f32
        %max3A_1400 = vector.broadcast %max3A_1399 : f32 to vector<16xf32>
        %max3A_1401 = arith.maximumf %sub3A_1398, %max3A_1400 : vector<16xf32>
        %mul3A_1402 = arith.mulf %max3A_1395, %max3A_1401 : vector<16xf32>
        %add3A_1403 = arith.addf %mul3A_923, %get3A_1385 : vector<16xf32>
        %sub3A_1404 = arith.subf %add3A_1403, %mul3A_1402 : vector<16xf32>
        %add3A_1405 = arith.constant 9.99999971E-10 : f32
        %add3A_1406 = vector.broadcast %add3A_1405 : f32 to vector<16xf32>
        %add3A_1407 = arith.addf %sub3A_1404, %add3A_1406 : vector<16xf32>
        %div3A_1408 = arith.divf %mul3A_1402, %add3A_1407 : vector<16xf32>
        %gt3A_1409 = arith.constant 5.000000e-01 : f32
        %gt3A_1410 = vector.broadcast %gt3A_1409 : f32 to vector<16xf32>
        %gt3A_1411 = arith.cmpf ogt, %div3A_1408, %gt3A_1410 : vector<16xf32>
        %eq3A_1412 = arith.cmpi eq, %add3A_1389, %bitcast3A_907 : vector<16xi32>
        %or3A_1413 = arith.ori %gt3A_1411, %eq3A_1412 : vector<16xi1>
        %min3A_1414 = arith.minimumf %gather3A_919, %get3A_1381 : vector<16xf32>
        %max3A_1415 = arith.maximumf %gather3A_917, %get3A_1377 : vector<16xf32>
        %sub3A_1416 = arith.subf %min3A_1414, %max3A_1415 : vector<16xf32>
        %max3A_1417 = arith.constant 0.000000e+00 : f32
        %max3A_1418 = vector.broadcast %max3A_1417 : f32 to vector<16xf32>
        %max3A_1419 = arith.maximumf %sub3A_1416, %max3A_1418 : vector<16xf32>
        %min3A_1420 = arith.minimumf %gather3A_920, %get3A_1383 : vector<16xf32>
        %max3A_1421 = arith.maximumf %gather3A_918, %get3A_1379 : vector<16xf32>
        %sub3A_1422 = arith.subf %min3A_1420, %max3A_1421 : vector<16xf32>
        %max3A_1423 = arith.constant 0.000000e+00 : f32
        %max3A_1424 = vector.broadcast %max3A_1423 : f32 to vector<16xf32>
        %max3A_1425 = arith.maximumf %sub3A_1422, %max3A_1424 : vector<16xf32>
        %mul3A_1426 = arith.mulf %max3A_1419, %max3A_1425 : vector<16xf32>
        %add3A_1427 = arith.addf %mul3A_926, %get3A_1385 : vector<16xf32>
        %sub3A_1428 = arith.subf %add3A_1427, %mul3A_1426 : vector<16xf32>
        %add3A_1429 = arith.constant 9.99999971E-10 : f32
        %add3A_1430 = vector.broadcast %add3A_1429 : f32 to vector<16xf32>
        %add3A_1431 = arith.addf %sub3A_1428, %add3A_1430 : vector<16xf32>
        %div3A_1432 = arith.divf %mul3A_1426, %add3A_1431 : vector<16xf32>
        %gt3A_1433 = arith.constant 5.000000e-01 : f32
        %gt3A_1434 = vector.broadcast %gt3A_1433 : f32 to vector<16xf32>
        %gt3A_1435 = arith.cmpf ogt, %div3A_1432, %gt3A_1434 : vector<16xf32>
        %eq3A_1436 = arith.cmpi eq, %add3A_1389, %bitcast3A_912 : vector<16xi32>
        %or3A_1437 = arith.ori %gt3A_1435, %eq3A_1436 : vector<16xi1>
        %and3A_1438 = arith.andi %or3A_1437, %not3A_946 : vector<16xi1>
        %get3A_1439 = arith.constant 96 : index
        %get3A_1440 = tpu.vector_load %arg16[%get3A_1439] {strides = array<i32>} : memref<320xf32, #tpu.memory_space<vmem>>, vector<16xf32>,
        %or3A_1441 = arith.ori %or3A_1413, %and3A_1438 : vector<16xi1>
        %jit3A_1442 = arith.constant 0xFF800000 : f32
        %broadcast_in_dim3A_1443 = vector.broadcast %jit3A_1442 : f32 to vector<16xf32>
        %select_n3A_1444 = arith.select %or3A_1441, %broadcast_in_dim3A_1443, %get3A_1440 : vector<16xi1>, vector<16xf32>
        %swap3A_1445 = arith.constant 96 : index
        %swap3A_1446 = tpu.vector_load %arg16[%swap3A_1445] {strides = array<i32>} : memref<320xf32, #tpu.memory_space<vmem>>, vector<16xf32>,
        tpu.vector_store %arg16[%swap3A_1445], %select_n3A_1444 {strides = array<i32>} : memref<320xf32, #tpu.memory_space<vmem>>, vector<16xf32>,
        %get3A_1447 = arith.constant 112 : index
        %get3A_1448 = tpu.vector_load %arg12[%get3A_1447] {strides = array<i32>} : memref<320xf32, #tpu.memory_space<vmem>>, vector<16xf32>,
        %get3A_1449 = arith.constant 112 : index
        %get3A_1450 = tpu.vector_load %arg13[%get3A_1449] {strides = array<i32>} : memref<320xf32, #tpu.memory_space<vmem>>, vector<16xf32>,
        %get3A_1451 = arith.constant 112 : index
        %get3A_1452 = tpu.vector_load %arg14[%get3A_1451] {strides = array<i32>} : memref<320xf32, #tpu.memory_space<vmem>>, vector<16xf32>,
        %get3A_1453 = arith.constant 112 : index
        %get3A_1454 = tpu.vector_load %arg15[%get3A_1453] {strides = array<i32>} : memref<320xf32, #tpu.memory_space<vmem>>, vector<16xf32>,
        %get3A_1455 = arith.constant 112 : index
        %get3A_1456 = tpu.vector_load %arg17[%get3A_1455] {strides = array<i32>} : memref<320xf32, #tpu.memory_space<vmem>>, vector<16xf32>,
        %add3A_1457 = arith.constant 112 : i32
        %add3A_1458 = arith.addi %mul3A_2, %add3A_1457 : i32
        %broadcast_in_dim3A_1459 = vector.broadcast %add3A_1458 : i32 to vector<16xi32>
        %add3A_1460 = arith.addi %broadcast_in_dim3A_1459, %iota3A : vector<16xi32>
        %min3A_1461 = arith.minimumf %gather3A_915, %get3A_1452 : vector<16xf32>
        %max3A_1462 = arith.maximumf %gather3A_913, %get3A_1448 : vector<16xf32>
        %sub3A_1463 = arith.subf %min3A_1461, %max3A_1462 : vector<16xf32>
        %max3A_1464 = arith.constant 0.000000e+00 : f32
        %max3A_1465 = vector.broadcast %max3A_1464 : f32 to vector<16xf32>
        %max3A_1466 = arith.maximumf %sub3A_1463, %max3A_1465 : vector<16xf32>
        %min3A_1467 = arith.minimumf %gather3A_916, %get3A_1454 : vector<16xf32>
        %max3A_1468 = arith.maximumf %gather3A_914, %get3A_1450 : vector<16xf32>
        %sub3A_1469 = arith.subf %min3A_1467, %max3A_1468 : vector<16xf32>
        %max3A_1470 = arith.constant 0.000000e+00 : f32
        %max3A_1471 = vector.broadcast %max3A_1470 : f32 to vector<16xf32>
        %max3A_1472 = arith.maximumf %sub3A_1469, %max3A_1471 : vector<16xf32>
        %mul3A_1473 = arith.mulf %max3A_1466, %max3A_1472 : vector<16xf32>
        %add3A_1474 = arith.addf %mul3A_923, %get3A_1456 : vector<16xf32>
        %sub3A_1475 = arith.subf %add3A_1474, %mul3A_1473 : vector<16xf32>
        %add3A_1476 = arith.constant 9.99999971E-10 : f32
        %add3A_1477 = vector.broadcast %add3A_1476 : f32 to vector<16xf32>
        %add3A_1478 = arith.addf %sub3A_1475, %add3A_1477 : vector<16xf32>
        %div3A_1479 = arith.divf %mul3A_1473, %add3A_1478 : vector<16xf32>
        %gt3A_1480 = arith.constant 5.000000e-01 : f32
        %gt3A_1481 = vector.broadcast %gt3A_1480 : f32 to vector<16xf32>
        %gt3A_1482 = arith.cmpf ogt, %div3A_1479, %gt3A_1481 : vector<16xf32>
        %eq3A_1483 = arith.cmpi eq, %add3A_1460, %bitcast3A_907 : vector<16xi32>
        %or3A_1484 = arith.ori %gt3A_1482, %eq3A_1483 : vector<16xi1>
        %min3A_1485 = arith.minimumf %gather3A_919, %get3A_1452 : vector<16xf32>
        %max3A_1486 = arith.maximumf %gather3A_917, %get3A_1448 : vector<16xf32>
        %sub3A_1487 = arith.subf %min3A_1485, %max3A_1486 : vector<16xf32>
        %max3A_1488 = arith.constant 0.000000e+00 : f32
        %max3A_1489 = vector.broadcast %max3A_1488 : f32 to vector<16xf32>
        %max3A_1490 = arith.maximumf %sub3A_1487, %max3A_1489 : vector<16xf32>
        %min3A_1491 = arith.minimumf %gather3A_920, %get3A_1454 : vector<16xf32>
        %max3A_1492 = arith.maximumf %gather3A_918, %get3A_1450 : vector<16xf32>
        %sub3A_1493 = arith.subf %min3A_1491, %max3A_1492 : vector<16xf32>
        %max3A_1494 = arith.constant 0.000000e+00 : f32
        %max3A_1495 = vector.broadcast %max3A_1494 : f32 to vector<16xf32>
        %max3A_1496 = arith.maximumf %sub3A_1493, %max3A_1495 : vector<16xf32>
        %mul3A_1497 = arith.mulf %max3A_1490, %max3A_1496 : vector<16xf32>
        %add3A_1498 = arith.addf %mul3A_926, %get3A_1456 : vector<16xf32>
        %sub3A_1499 = arith.subf %add3A_1498, %mul3A_1497 : vector<16xf32>
        %add3A_1500 = arith.constant 9.99999971E-10 : f32
        %add3A_1501 = vector.broadcast %add3A_1500 : f32 to vector<16xf32>
        %add3A_1502 = arith.addf %sub3A_1499, %add3A_1501 : vector<16xf32>
        %div3A_1503 = arith.divf %mul3A_1497, %add3A_1502 : vector<16xf32>
        %gt3A_1504 = arith.constant 5.000000e-01 : f32
        %gt3A_1505 = vector.broadcast %gt3A_1504 : f32 to vector<16xf32>
        %gt3A_1506 = arith.cmpf ogt, %div3A_1503, %gt3A_1505 : vector<16xf32>
        %eq3A_1507 = arith.cmpi eq, %add3A_1460, %bitcast3A_912 : vector<16xi32>
        %or3A_1508 = arith.ori %gt3A_1506, %eq3A_1507 : vector<16xi1>
        %and3A_1509 = arith.andi %or3A_1508, %not3A_946 : vector<16xi1>
        %get3A_1510 = arith.constant 112 : index
        %get3A_1511 = tpu.vector_load %arg16[%get3A_1510] {strides = array<i32>} : memref<320xf32, #tpu.memory_space<vmem>>, vector<16xf32>,
        %or3A_1512 = arith.ori %or3A_1484, %and3A_1509 : vector<16xi1>
        %jit3A_1513 = arith.constant 0xFF800000 : f32
        %broadcast_in_dim3A_1514 = vector.broadcast %jit3A_1513 : f32 to vector<16xf32>
        %select_n3A_1515 = arith.select %or3A_1512, %broadcast_in_dim3A_1514, %get3A_1511 : vector<16xi1>, vector<16xf32>
        %swap3A_1516 = arith.constant 112 : index
        %swap3A_1517 = tpu.vector_load %arg16[%swap3A_1516] {strides = array<i32>} : memref<320xf32, #tpu.memory_space<vmem>>, vector<16xf32>,
        tpu.vector_store %arg16[%swap3A_1516], %select_n3A_1515 {strides = array<i32>} : memref<320xf32, #tpu.memory_space<vmem>>, vector<16xf32>,
        %get3A_1518 = arith.constant 128 : index
        %get3A_1519 = tpu.vector_load %arg12[%get3A_1518] {strides = array<i32>} : memref<320xf32, #tpu.memory_space<vmem>>, vector<16xf32>,
        %get3A_1520 = arith.constant 128 : index
        %get3A_1521 = tpu.vector_load %arg13[%get3A_1520] {strides = array<i32>} : memref<320xf32, #tpu.memory_space<vmem>>, vector<16xf32>,
        %get3A_1522 = arith.constant 128 : index
        %get3A_1523 = tpu.vector_load %arg14[%get3A_1522] {strides = array<i32>} : memref<320xf32, #tpu.memory_space<vmem>>, vector<16xf32>,
        %get3A_1524 = arith.constant 128 : index
        %get3A_1525 = tpu.vector_load %arg15[%get3A_1524] {strides = array<i32>} : memref<320xf32, #tpu.memory_space<vmem>>, vector<16xf32>,
        %get3A_1526 = arith.constant 128 : index
        %get3A_1527 = tpu.vector_load %arg17[%get3A_1526] {strides = array<i32>} : memref<320xf32, #tpu.memory_space<vmem>>, vector<16xf32>,
        %add3A_1528 = arith.constant 128 : i32
        %add3A_1529 = arith.addi %mul3A_2, %add3A_1528 : i32
        %broadcast_in_dim3A_1530 = vector.broadcast %add3A_1529 : i32 to vector<16xi32>
        %add3A_1531 = arith.addi %broadcast_in_dim3A_1530, %iota3A : vector<16xi32>
        %min3A_1532 = arith.minimumf %gather3A_915, %get3A_1523 : vector<16xf32>
        %max3A_1533 = arith.maximumf %gather3A_913, %get3A_1519 : vector<16xf32>
        %sub3A_1534 = arith.subf %min3A_1532, %max3A_1533 : vector<16xf32>
        %max3A_1535 = arith.constant 0.000000e+00 : f32
        %max3A_1536 = vector.broadcast %max3A_1535 : f32 to vector<16xf32>
        %max3A_1537 = arith.maximumf %sub3A_1534, %max3A_1536 : vector<16xf32>
        %min3A_1538 = arith.minimumf %gather3A_916, %get3A_1525 : vector<16xf32>
        %max3A_1539 = arith.maximumf %gather3A_914, %get3A_1521 : vector<16xf32>
        %sub3A_1540 = arith.subf %min3A_1538, %max3A_1539 : vector<16xf32>
        %max3A_1541 = arith.constant 0.000000e+00 : f32
        %max3A_1542 = vector.broadcast %max3A_1541 : f32 to vector<16xf32>
        %max3A_1543 = arith.maximumf %sub3A_1540, %max3A_1542 : vector<16xf32>
        %mul3A_1544 = arith.mulf %max3A_1537, %max3A_1543 : vector<16xf32>
        %add3A_1545 = arith.addf %mul3A_923, %get3A_1527 : vector<16xf32>
        %sub3A_1546 = arith.subf %add3A_1545, %mul3A_1544 : vector<16xf32>
        %add3A_1547 = arith.constant 9.99999971E-10 : f32
        %add3A_1548 = vector.broadcast %add3A_1547 : f32 to vector<16xf32>
        %add3A_1549 = arith.addf %sub3A_1546, %add3A_1548 : vector<16xf32>
        %div3A_1550 = arith.divf %mul3A_1544, %add3A_1549 : vector<16xf32>
        %gt3A_1551 = arith.constant 5.000000e-01 : f32
        %gt3A_1552 = vector.broadcast %gt3A_1551 : f32 to vector<16xf32>
        %gt3A_1553 = arith.cmpf ogt, %div3A_1550, %gt3A_1552 : vector<16xf32>
        %eq3A_1554 = arith.cmpi eq, %add3A_1531, %bitcast3A_907 : vector<16xi32>
        %or3A_1555 = arith.ori %gt3A_1553, %eq3A_1554 : vector<16xi1>
        %min3A_1556 = arith.minimumf %gather3A_919, %get3A_1523 : vector<16xf32>
        %max3A_1557 = arith.maximumf %gather3A_917, %get3A_1519 : vector<16xf32>
        %sub3A_1558 = arith.subf %min3A_1556, %max3A_1557 : vector<16xf32>
        %max3A_1559 = arith.constant 0.000000e+00 : f32
        %max3A_1560 = vector.broadcast %max3A_1559 : f32 to vector<16xf32>
        %max3A_1561 = arith.maximumf %sub3A_1558, %max3A_1560 : vector<16xf32>
        %min3A_1562 = arith.minimumf %gather3A_920, %get3A_1525 : vector<16xf32>
        %max3A_1563 = arith.maximumf %gather3A_918, %get3A_1521 : vector<16xf32>
        %sub3A_1564 = arith.subf %min3A_1562, %max3A_1563 : vector<16xf32>
        %max3A_1565 = arith.constant 0.000000e+00 : f32
        %max3A_1566 = vector.broadcast %max3A_1565 : f32 to vector<16xf32>
        %max3A_1567 = arith.maximumf %sub3A_1564, %max3A_1566 : vector<16xf32>
        %mul3A_1568 = arith.mulf %max3A_1561, %max3A_1567 : vector<16xf32>
        %add3A_1569 = arith.addf %mul3A_926, %get3A_1527 : vector<16xf32>
        %sub3A_1570 = arith.subf %add3A_1569, %mul3A_1568 : vector<16xf32>
        %add3A_1571 = arith.constant 9.99999971E-10 : f32
        %add3A_1572 = vector.broadcast %add3A_1571 : f32 to vector<16xf32>
        %add3A_1573 = arith.addf %sub3A_1570, %add3A_1572 : vector<16xf32>
        %div3A_1574 = arith.divf %mul3A_1568, %add3A_1573 : vector<16xf32>
        %gt3A_1575 = arith.constant 5.000000e-01 : f32
        %gt3A_1576 = vector.broadcast %gt3A_1575 : f32 to vector<16xf32>
        %gt3A_1577 = arith.cmpf ogt, %div3A_1574, %gt3A_1576 : vector<16xf32>
        %eq3A_1578 = arith.cmpi eq, %add3A_1531, %bitcast3A_912 : vector<16xi32>
        %or3A_1579 = arith.ori %gt3A_1577, %eq3A_1578 : vector<16xi1>
        %and3A_1580 = arith.andi %or3A_1579, %not3A_946 : vector<16xi1>
        %get3A_1581 = arith.constant 128 : index
        %get3A_1582 = tpu.vector_load %arg16[%get3A_1581] {strides = array<i32>} : memref<320xf32, #tpu.memory_space<vmem>>, vector<16xf32>,
        %or3A_1583 = arith.ori %or3A_1555, %and3A_1580 : vector<16xi1>
        %jit3A_1584 = arith.constant 0xFF800000 : f32
        %broadcast_in_dim3A_1585 = vector.broadcast %jit3A_1584 : f32 to vector<16xf32>
        %select_n3A_1586 = arith.select %or3A_1583, %broadcast_in_dim3A_1585, %get3A_1582 : vector<16xi1>, vector<16xf32>
        %swap3A_1587 = arith.constant 128 : index
        %swap3A_1588 = tpu.vector_load %arg16[%swap3A_1587] {strides = array<i32>} : memref<320xf32, #tpu.memory_space<vmem>>, vector<16xf32>,
        tpu.vector_store %arg16[%swap3A_1587], %select_n3A_1586 {strides = array<i32>} : memref<320xf32, #tpu.memory_space<vmem>>, vector<16xf32>,
        %get3A_1589 = arith.constant 144 : index
        %get3A_1590 = tpu.vector_load %arg12[%get3A_1589] {strides = array<i32>} : memref<320xf32, #tpu.memory_space<vmem>>, vector<16xf32>,
        %get3A_1591 = arith.constant 144 : index
        %get3A_1592 = tpu.vector_load %arg13[%get3A_1591] {strides = array<i32>} : memref<320xf32, #tpu.memory_space<vmem>>, vector<16xf32>,
        %get3A_1593 = arith.constant 144 : index
        %get3A_1594 = tpu.vector_load %arg14[%get3A_1593] {strides = array<i32>} : memref<320xf32, #tpu.memory_space<vmem>>, vector<16xf32>,
        %get3A_1595 = arith.constant 144 : index
        %get3A_1596 = tpu.vector_load %arg15[%get3A_1595] {strides = array<i32>} : memref<320xf32, #tpu.memory_space<vmem>>, vector<16xf32>,
        %get3A_1597 = arith.constant 144 : index
        %get3A_1598 = tpu.vector_load %arg17[%get3A_1597] {strides = array<i32>} : memref<320xf32, #tpu.memory_space<vmem>>, vector<16xf32>,
        %add3A_1599 = arith.constant 144 : i32
        %add3A_1600 = arith.addi %mul3A_2, %add3A_1599 : i32
        %broadcast_in_dim3A_1601 = vector.broadcast %add3A_1600 : i32 to vector<16xi32>
        %add3A_1602 = arith.addi %broadcast_in_dim3A_1601, %iota3A : vector<16xi32>
        %min3A_1603 = arith.minimumf %gather3A_915, %get3A_1594 : vector<16xf32>
        %max3A_1604 = arith.maximumf %gather3A_913, %get3A_1590 : vector<16xf32>
        %sub3A_1605 = arith.subf %min3A_1603, %max3A_1604 : vector<16xf32>
        %max3A_1606 = arith.constant 0.000000e+00 : f32
        %max3A_1607 = vector.broadcast %max3A_1606 : f32 to vector<16xf32>
        %max3A_1608 = arith.maximumf %sub3A_1605, %max3A_1607 : vector<16xf32>
        %min3A_1609 = arith.minimumf %gather3A_916, %get3A_1596 : vector<16xf32>
        %max3A_1610 = arith.maximumf %gather3A_914, %get3A_1592 : vector<16xf32>
        %sub3A_1611 = arith.subf %min3A_1609, %max3A_1610 : vector<16xf32>
        %max3A_1612 = arith.constant 0.000000e+00 : f32
        %max3A_1613 = vector.broadcast %max3A_1612 : f32 to vector<16xf32>
        %max3A_1614 = arith.maximumf %sub3A_1611, %max3A_1613 : vector<16xf32>
        %mul3A_1615 = arith.mulf %max3A_1608, %max3A_1614 : vector<16xf32>
        %add3A_1616 = arith.addf %mul3A_923, %get3A_1598 : vector<16xf32>
        %sub3A_1617 = arith.subf %add3A_1616, %mul3A_1615 : vector<16xf32>
        %add3A_1618 = arith.constant 9.99999971E-10 : f32
        %add3A_1619 = vector.broadcast %add3A_1618 : f32 to vector<16xf32>
        %add3A_1620 = arith.addf %sub3A_1617, %add3A_1619 : vector<16xf32>
        %div3A_1621 = arith.divf %mul3A_1615, %add3A_1620 : vector<16xf32>
        %gt3A_1622 = arith.constant 5.000000e-01 : f32
        %gt3A_1623 = vector.broadcast %gt3A_1622 : f32 to vector<16xf32>
        %gt3A_1624 = arith.cmpf ogt, %div3A_1621, %gt3A_1623 : vector<16xf32>
        %eq3A_1625 = arith.cmpi eq, %add3A_1602, %bitcast3A_907 : vector<16xi32>
        %or3A_1626 = arith.ori %gt3A_1624, %eq3A_1625 : vector<16xi1>
        %min3A_1627 = arith.minimumf %gather3A_919, %get3A_1594 : vector<16xf32>
        %max3A_1628 = arith.maximumf %gather3A_917, %get3A_1590 : vector<16xf32>
        %sub3A_1629 = arith.subf %min3A_1627, %max3A_1628 : vector<16xf32>
        %max3A_1630 = arith.constant 0.000000e+00 : f32
        %max3A_1631 = vector.broadcast %max3A_1630 : f32 to vector<16xf32>
        %max3A_1632 = arith.maximumf %sub3A_1629, %max3A_1631 : vector<16xf32>
        %min3A_1633 = arith.minimumf %gather3A_920, %get3A_1596 : vector<16xf32>
        %max3A_1634 = arith.maximumf %gather3A_918, %get3A_1592 : vector<16xf32>
        %sub3A_1635 = arith.subf %min3A_1633, %max3A_1634 : vector<16xf32>
        %max3A_1636 = arith.constant 0.000000e+00 : f32
        %max3A_1637 = vector.broadcast %max3A_1636 : f32 to vector<16xf32>
        %max3A_1638 = arith.maximumf %sub3A_1635, %max3A_1637 : vector<16xf32>
        %mul3A_1639 = arith.mulf %max3A_1632, %max3A_1638 : vector<16xf32>
        %add3A_1640 = arith.addf %mul3A_926, %get3A_1598 : vector<16xf32>
        %sub3A_1641 = arith.subf %add3A_1640, %mul3A_1639 : vector<16xf32>
        %add3A_1642 = arith.constant 9.99999971E-10 : f32
        %add3A_1643 = vector.broadcast %add3A_1642 : f32 to vector<16xf32>
        %add3A_1644 = arith.addf %sub3A_1641, %add3A_1643 : vector<16xf32>
        %div3A_1645 = arith.divf %mul3A_1639, %add3A_1644 : vector<16xf32>
        %gt3A_1646 = arith.constant 5.000000e-01 : f32
        %gt3A_1647 = vector.broadcast %gt3A_1646 : f32 to vector<16xf32>
        %gt3A_1648 = arith.cmpf ogt, %div3A_1645, %gt3A_1647 : vector<16xf32>
        %eq3A_1649 = arith.cmpi eq, %add3A_1602, %bitcast3A_912 : vector<16xi32>
        %or3A_1650 = arith.ori %gt3A_1648, %eq3A_1649 : vector<16xi1>
        %and3A_1651 = arith.andi %or3A_1650, %not3A_946 : vector<16xi1>
        %get3A_1652 = arith.constant 144 : index
        %get3A_1653 = tpu.vector_load %arg16[%get3A_1652] {strides = array<i32>} : memref<320xf32, #tpu.memory_space<vmem>>, vector<16xf32>,
        %or3A_1654 = arith.ori %or3A_1626, %and3A_1651 : vector<16xi1>
        %jit3A_1655 = arith.constant 0xFF800000 : f32
        %broadcast_in_dim3A_1656 = vector.broadcast %jit3A_1655 : f32 to vector<16xf32>
        %select_n3A_1657 = arith.select %or3A_1654, %broadcast_in_dim3A_1656, %get3A_1653 : vector<16xi1>, vector<16xf32>
        %swap3A_1658 = arith.constant 144 : index
        %swap3A_1659 = tpu.vector_load %arg16[%swap3A_1658] {strides = array<i32>} : memref<320xf32, #tpu.memory_space<vmem>>, vector<16xf32>,
        tpu.vector_store %arg16[%swap3A_1658], %select_n3A_1657 {strides = array<i32>} : memref<320xf32, #tpu.memory_space<vmem>>, vector<16xf32>,
        %get3A_1660 = arith.constant 160 : index
        %get3A_1661 = tpu.vector_load %arg12[%get3A_1660] {strides = array<i32>} : memref<320xf32, #tpu.memory_space<vmem>>, vector<16xf32>,
        %get3A_1662 = arith.constant 160 : index
        %get3A_1663 = tpu.vector_load %arg13[%get3A_1662] {strides = array<i32>} : memref<320xf32, #tpu.memory_space<vmem>>, vector<16xf32>,
        %get3A_1664 = arith.constant 160 : index
        %get3A_1665 = tpu.vector_load %arg14[%get3A_1664] {strides = array<i32>} : memref<320xf32, #tpu.memory_space<vmem>>, vector<16xf32>,
        %get3A_1666 = arith.constant 160 : index
        %get3A_1667 = tpu.vector_load %arg15[%get3A_1666] {strides = array<i32>} : memref<320xf32, #tpu.memory_space<vmem>>, vector<16xf32>,
        %get3A_1668 = arith.constant 160 : index
        %get3A_1669 = tpu.vector_load %arg17[%get3A_1668] {strides = array<i32>} : memref<320xf32, #tpu.memory_space<vmem>>, vector<16xf32>,
        %add3A_1670 = arith.constant 160 : i32
        %add3A_1671 = arith.addi %mul3A_2, %add3A_1670 : i32
        %broadcast_in_dim3A_1672 = vector.broadcast %add3A_1671 : i32 to vector<16xi32>
        %add3A_1673 = arith.addi %broadcast_in_dim3A_1672, %iota3A : vector<16xi32>
        %min3A_1674 = arith.minimumf %gather3A_915, %get3A_1665 : vector<16xf32>
        %max3A_1675 = arith.maximumf %gather3A_913, %get3A_1661 : vector<16xf32>
        %sub3A_1676 = arith.subf %min3A_1674, %max3A_1675 : vector<16xf32>
        %max3A_1677 = arith.constant 0.000000e+00 : f32
        %max3A_1678 = vector.broadcast %max3A_1677 : f32 to vector<16xf32>
        %max3A_1679 = arith.maximumf %sub3A_1676, %max3A_1678 : vector<16xf32>
        %min3A_1680 = arith.minimumf %gather3A_916, %get3A_1667 : vector<16xf32>
        %max3A_1681 = arith.maximumf %gather3A_914, %get3A_1663 : vector<16xf32>
        %sub3A_1682 = arith.subf %min3A_1680, %max3A_1681 : vector<16xf32>
        %max3A_1683 = arith.constant 0.000000e+00 : f32
        %max3A_1684 = vector.broadcast %max3A_1683 : f32 to vector<16xf32>
        %max3A_1685 = arith.maximumf %sub3A_1682, %max3A_1684 : vector<16xf32>
        %mul3A_1686 = arith.mulf %max3A_1679, %max3A_1685 : vector<16xf32>
        %add3A_1687 = arith.addf %mul3A_923, %get3A_1669 : vector<16xf32>
        %sub3A_1688 = arith.subf %add3A_1687, %mul3A_1686 : vector<16xf32>
        %add3A_1689 = arith.constant 9.99999971E-10 : f32
        %add3A_1690 = vector.broadcast %add3A_1689 : f32 to vector<16xf32>
        %add3A_1691 = arith.addf %sub3A_1688, %add3A_1690 : vector<16xf32>
        %div3A_1692 = arith.divf %mul3A_1686, %add3A_1691 : vector<16xf32>
        %gt3A_1693 = arith.constant 5.000000e-01 : f32
        %gt3A_1694 = vector.broadcast %gt3A_1693 : f32 to vector<16xf32>
        %gt3A_1695 = arith.cmpf ogt, %div3A_1692, %gt3A_1694 : vector<16xf32>
        %eq3A_1696 = arith.cmpi eq, %add3A_1673, %bitcast3A_907 : vector<16xi32>
        %or3A_1697 = arith.ori %gt3A_1695, %eq3A_1696 : vector<16xi1>
        %min3A_1698 = arith.minimumf %gather3A_919, %get3A_1665 : vector<16xf32>
        %max3A_1699 = arith.maximumf %gather3A_917, %get3A_1661 : vector<16xf32>
        %sub3A_1700 = arith.subf %min3A_1698, %max3A_1699 : vector<16xf32>
        %max3A_1701 = arith.constant 0.000000e+00 : f32
        %max3A_1702 = vector.broadcast %max3A_1701 : f32 to vector<16xf32>
        %max3A_1703 = arith.maximumf %sub3A_1700, %max3A_1702 : vector<16xf32>
        %min3A_1704 = arith.minimumf %gather3A_920, %get3A_1667 : vector<16xf32>
        %max3A_1705 = arith.maximumf %gather3A_918, %get3A_1663 : vector<16xf32>
        %sub3A_1706 = arith.subf %min3A_1704, %max3A_1705 : vector<16xf32>
        %max3A_1707 = arith.constant 0.000000e+00 : f32
        %max3A_1708 = vector.broadcast %max3A_1707 : f32 to vector<16xf32>
        %max3A_1709 = arith.maximumf %sub3A_1706, %max3A_1708 : vector<16xf32>
        %mul3A_1710 = arith.mulf %max3A_1703, %max3A_1709 : vector<16xf32>
        %add3A_1711 = arith.addf %mul3A_926, %get3A_1669 : vector<16xf32>
        %sub3A_1712 = arith.subf %add3A_1711, %mul3A_1710 : vector<16xf32>
        %add3A_1713 = arith.constant 9.99999971E-10 : f32
        %add3A_1714 = vector.broadcast %add3A_1713 : f32 to vector<16xf32>
        %add3A_1715 = arith.addf %sub3A_1712, %add3A_1714 : vector<16xf32>
        %div3A_1716 = arith.divf %mul3A_1710, %add3A_1715 : vector<16xf32>
        %gt3A_1717 = arith.constant 5.000000e-01 : f32
        %gt3A_1718 = vector.broadcast %gt3A_1717 : f32 to vector<16xf32>
        %gt3A_1719 = arith.cmpf ogt, %div3A_1716, %gt3A_1718 : vector<16xf32>
        %eq3A_1720 = arith.cmpi eq, %add3A_1673, %bitcast3A_912 : vector<16xi32>
        %or3A_1721 = arith.ori %gt3A_1719, %eq3A_1720 : vector<16xi1>
        %and3A_1722 = arith.andi %or3A_1721, %not3A_946 : vector<16xi1>
        %get3A_1723 = arith.constant 160 : index
        %get3A_1724 = tpu.vector_load %arg16[%get3A_1723] {strides = array<i32>} : memref<320xf32, #tpu.memory_space<vmem>>, vector<16xf32>,
        %or3A_1725 = arith.ori %or3A_1697, %and3A_1722 : vector<16xi1>
        %jit3A_1726 = arith.constant 0xFF800000 : f32
        %broadcast_in_dim3A_1727 = vector.broadcast %jit3A_1726 : f32 to vector<16xf32>
        %select_n3A_1728 = arith.select %or3A_1725, %broadcast_in_dim3A_1727, %get3A_1724 : vector<16xi1>, vector<16xf32>
        %swap3A_1729 = arith.constant 160 : index
        %swap3A_1730 = tpu.vector_load %arg16[%swap3A_1729] {strides = array<i32>} : memref<320xf32, #tpu.memory_space<vmem>>, vector<16xf32>,
        tpu.vector_store %arg16[%swap3A_1729], %select_n3A_1728 {strides = array<i32>} : memref<320xf32, #tpu.memory_space<vmem>>, vector<16xf32>,
        %get3A_1731 = arith.constant 176 : index
        %get3A_1732 = tpu.vector_load %arg12[%get3A_1731] {strides = array<i32>} : memref<320xf32, #tpu.memory_space<vmem>>, vector<16xf32>,
        %get3A_1733 = arith.constant 176 : index
        %get3A_1734 = tpu.vector_load %arg13[%get3A_1733] {strides = array<i32>} : memref<320xf32, #tpu.memory_space<vmem>>, vector<16xf32>,
        %get3A_1735 = arith.constant 176 : index
        %get3A_1736 = tpu.vector_load %arg14[%get3A_1735] {strides = array<i32>} : memref<320xf32, #tpu.memory_space<vmem>>, vector<16xf32>,
        %get3A_1737 = arith.constant 176 : index
        %get3A_1738 = tpu.vector_load %arg15[%get3A_1737] {strides = array<i32>} : memref<320xf32, #tpu.memory_space<vmem>>, vector<16xf32>,
        %get3A_1739 = arith.constant 176 : index
        %get3A_1740 = tpu.vector_load %arg17[%get3A_1739] {strides = array<i32>} : memref<320xf32, #tpu.memory_space<vmem>>, vector<16xf32>,
        %add3A_1741 = arith.constant 176 : i32
        %add3A_1742 = arith.addi %mul3A_2, %add3A_1741 : i32
        %broadcast_in_dim3A_1743 = vector.broadcast %add3A_1742 : i32 to vector<16xi32>
        %add3A_1744 = arith.addi %broadcast_in_dim3A_1743, %iota3A : vector<16xi32>
        %min3A_1745 = arith.minimumf %gather3A_915, %get3A_1736 : vector<16xf32>
        %max3A_1746 = arith.maximumf %gather3A_913, %get3A_1732 : vector<16xf32>
        %sub3A_1747 = arith.subf %min3A_1745, %max3A_1746 : vector<16xf32>
        %max3A_1748 = arith.constant 0.000000e+00 : f32
        %max3A_1749 = vector.broadcast %max3A_1748 : f32 to vector<16xf32>
        %max3A_1750 = arith.maximumf %sub3A_1747, %max3A_1749 : vector<16xf32>
        %min3A_1751 = arith.minimumf %gather3A_916, %get3A_1738 : vector<16xf32>
        %max3A_1752 = arith.maximumf %gather3A_914, %get3A_1734 : vector<16xf32>
        %sub3A_1753 = arith.subf %min3A_1751, %max3A_1752 : vector<16xf32>
        %max3A_1754 = arith.constant 0.000000e+00 : f32
        %max3A_1755 = vector.broadcast %max3A_1754 : f32 to vector<16xf32>
        %max3A_1756 = arith.maximumf %sub3A_1753, %max3A_1755 : vector<16xf32>
        %mul3A_1757 = arith.mulf %max3A_1750, %max3A_1756 : vector<16xf32>
        %add3A_1758 = arith.addf %mul3A_923, %get3A_1740 : vector<16xf32>
        %sub3A_1759 = arith.subf %add3A_1758, %mul3A_1757 : vector<16xf32>
        %add3A_1760 = arith.constant 9.99999971E-10 : f32
        %add3A_1761 = vector.broadcast %add3A_1760 : f32 to vector<16xf32>
        %add3A_1762 = arith.addf %sub3A_1759, %add3A_1761 : vector<16xf32>
        %div3A_1763 = arith.divf %mul3A_1757, %add3A_1762 : vector<16xf32>
        %gt3A_1764 = arith.constant 5.000000e-01 : f32
        %gt3A_1765 = vector.broadcast %gt3A_1764 : f32 to vector<16xf32>
        %gt3A_1766 = arith.cmpf ogt, %div3A_1763, %gt3A_1765 : vector<16xf32>
        %eq3A_1767 = arith.cmpi eq, %add3A_1744, %bitcast3A_907 : vector<16xi32>
        %or3A_1768 = arith.ori %gt3A_1766, %eq3A_1767 : vector<16xi1>
        %min3A_1769 = arith.minimumf %gather3A_919, %get3A_1736 : vector<16xf32>
        %max3A_1770 = arith.maximumf %gather3A_917, %get3A_1732 : vector<16xf32>
        %sub3A_1771 = arith.subf %min3A_1769, %max3A_1770 : vector<16xf32>
        %max3A_1772 = arith.constant 0.000000e+00 : f32
        %max3A_1773 = vector.broadcast %max3A_1772 : f32 to vector<16xf32>
        %max3A_1774 = arith.maximumf %sub3A_1771, %max3A_1773 : vector<16xf32>
        %min3A_1775 = arith.minimumf %gather3A_920, %get3A_1738 : vector<16xf32>
        %max3A_1776 = arith.maximumf %gather3A_918, %get3A_1734 : vector<16xf32>
        %sub3A_1777 = arith.subf %min3A_1775, %max3A_1776 : vector<16xf32>
        %max3A_1778 = arith.constant 0.000000e+00 : f32
        %max3A_1779 = vector.broadcast %max3A_1778 : f32 to vector<16xf32>
        %max3A_1780 = arith.maximumf %sub3A_1777, %max3A_1779 : vector<16xf32>
        %mul3A_1781 = arith.mulf %max3A_1774, %max3A_1780 : vector<16xf32>
        %add3A_1782 = arith.addf %mul3A_926, %get3A_1740 : vector<16xf32>
        %sub3A_1783 = arith.subf %add3A_1782, %mul3A_1781 : vector<16xf32>
        %add3A_1784 = arith.constant 9.99999971E-10 : f32
        %add3A_1785 = vector.broadcast %add3A_1784 : f32 to vector<16xf32>
        %add3A_1786 = arith.addf %sub3A_1783, %add3A_1785 : vector<16xf32>
        %div3A_1787 = arith.divf %mul3A_1781, %add3A_1786 : vector<16xf32>
        %gt3A_1788 = arith.constant 5.000000e-01 : f32
        %gt3A_1789 = vector.broadcast %gt3A_1788 : f32 to vector<16xf32>
        %gt3A_1790 = arith.cmpf ogt, %div3A_1787, %gt3A_1789 : vector<16xf32>
        %eq3A_1791 = arith.cmpi eq, %add3A_1744, %bitcast3A_912 : vector<16xi32>
        %or3A_1792 = arith.ori %gt3A_1790, %eq3A_1791 : vector<16xi1>
        %and3A_1793 = arith.andi %or3A_1792, %not3A_946 : vector<16xi1>
        %get3A_1794 = arith.constant 176 : index
        %get3A_1795 = tpu.vector_load %arg16[%get3A_1794] {strides = array<i32>} : memref<320xf32, #tpu.memory_space<vmem>>, vector<16xf32>,
        %or3A_1796 = arith.ori %or3A_1768, %and3A_1793 : vector<16xi1>
        %jit3A_1797 = arith.constant 0xFF800000 : f32
        %broadcast_in_dim3A_1798 = vector.broadcast %jit3A_1797 : f32 to vector<16xf32>
        %select_n3A_1799 = arith.select %or3A_1796, %broadcast_in_dim3A_1798, %get3A_1795 : vector<16xi1>, vector<16xf32>
        %swap3A_1800 = arith.constant 176 : index
        %swap3A_1801 = tpu.vector_load %arg16[%swap3A_1800] {strides = array<i32>} : memref<320xf32, #tpu.memory_space<vmem>>, vector<16xf32>,
        tpu.vector_store %arg16[%swap3A_1800], %select_n3A_1799 {strides = array<i32>} : memref<320xf32, #tpu.memory_space<vmem>>, vector<16xf32>,
        %get3A_1802 = arith.constant 192 : index
        %get3A_1803 = tpu.vector_load %arg12[%get3A_1802] {strides = array<i32>} : memref<320xf32, #tpu.memory_space<vmem>>, vector<16xf32>,
        %get3A_1804 = arith.constant 192 : index
        %get3A_1805 = tpu.vector_load %arg13[%get3A_1804] {strides = array<i32>} : memref<320xf32, #tpu.memory_space<vmem>>, vector<16xf32>,
        %get3A_1806 = arith.constant 192 : index
        %get3A_1807 = tpu.vector_load %arg14[%get3A_1806] {strides = array<i32>} : memref<320xf32, #tpu.memory_space<vmem>>, vector<16xf32>,
        %get3A_1808 = arith.constant 192 : index
        %get3A_1809 = tpu.vector_load %arg15[%get3A_1808] {strides = array<i32>} : memref<320xf32, #tpu.memory_space<vmem>>, vector<16xf32>,
        %get3A_1810 = arith.constant 192 : index
        %get3A_1811 = tpu.vector_load %arg17[%get3A_1810] {strides = array<i32>} : memref<320xf32, #tpu.memory_space<vmem>>, vector<16xf32>,
        %add3A_1812 = arith.constant 192 : i32
        %add3A_1813 = arith.addi %mul3A_2, %add3A_1812 : i32
        %broadcast_in_dim3A_1814 = vector.broadcast %add3A_1813 : i32 to vector<16xi32>
        %add3A_1815 = arith.addi %broadcast_in_dim3A_1814, %iota3A : vector<16xi32>
        %min3A_1816 = arith.minimumf %gather3A_915, %get3A_1807 : vector<16xf32>
        %max3A_1817 = arith.maximumf %gather3A_913, %get3A_1803 : vector<16xf32>
        %sub3A_1818 = arith.subf %min3A_1816, %max3A_1817 : vector<16xf32>
        %max3A_1819 = arith.constant 0.000000e+00 : f32
        %max3A_1820 = vector.broadcast %max3A_1819 : f32 to vector<16xf32>
        %max3A_1821 = arith.maximumf %sub3A_1818, %max3A_1820 : vector<16xf32>
        %min3A_1822 = arith.minimumf %gather3A_916, %get3A_1809 : vector<16xf32>
        %max3A_1823 = arith.maximumf %gather3A_914, %get3A_1805 : vector<16xf32>
        %sub3A_1824 = arith.subf %min3A_1822, %max3A_1823 : vector<16xf32>
        %max3A_1825 = arith.constant 0.000000e+00 : f32
        %max3A_1826 = vector.broadcast %max3A_1825 : f32 to vector<16xf32>
        %max3A_1827 = arith.maximumf %sub3A_1824, %max3A_1826 : vector<16xf32>
        %mul3A_1828 = arith.mulf %max3A_1821, %max3A_1827 : vector<16xf32>
        %add3A_1829 = arith.addf %mul3A_923, %get3A_1811 : vector<16xf32>
        %sub3A_1830 = arith.subf %add3A_1829, %mul3A_1828 : vector<16xf32>
        %add3A_1831 = arith.constant 9.99999971E-10 : f32
        %add3A_1832 = vector.broadcast %add3A_1831 : f32 to vector<16xf32>
        %add3A_1833 = arith.addf %sub3A_1830, %add3A_1832 : vector<16xf32>
        %div3A_1834 = arith.divf %mul3A_1828, %add3A_1833 : vector<16xf32>
        %gt3A_1835 = arith.constant 5.000000e-01 : f32
        %gt3A_1836 = vector.broadcast %gt3A_1835 : f32 to vector<16xf32>
        %gt3A_1837 = arith.cmpf ogt, %div3A_1834, %gt3A_1836 : vector<16xf32>
        %eq3A_1838 = arith.cmpi eq, %add3A_1815, %bitcast3A_907 : vector<16xi32>
        %or3A_1839 = arith.ori %gt3A_1837, %eq3A_1838 : vector<16xi1>
        %min3A_1840 = arith.minimumf %gather3A_919, %get3A_1807 : vector<16xf32>
        %max3A_1841 = arith.maximumf %gather3A_917, %get3A_1803 : vector<16xf32>
        %sub3A_1842 = arith.subf %min3A_1840, %max3A_1841 : vector<16xf32>
        %max3A_1843 = arith.constant 0.000000e+00 : f32
        %max3A_1844 = vector.broadcast %max3A_1843 : f32 to vector<16xf32>
        %max3A_1845 = arith.maximumf %sub3A_1842, %max3A_1844 : vector<16xf32>
        %min3A_1846 = arith.minimumf %gather3A_920, %get3A_1809 : vector<16xf32>
        %max3A_1847 = arith.maximumf %gather3A_918, %get3A_1805 : vector<16xf32>
        %sub3A_1848 = arith.subf %min3A_1846, %max3A_1847 : vector<16xf32>
        %max3A_1849 = arith.constant 0.000000e+00 : f32
        %max3A_1850 = vector.broadcast %max3A_1849 : f32 to vector<16xf32>
        %max3A_1851 = arith.maximumf %sub3A_1848, %max3A_1850 : vector<16xf32>
        %mul3A_1852 = arith.mulf %max3A_1845, %max3A_1851 : vector<16xf32>
        %add3A_1853 = arith.addf %mul3A_926, %get3A_1811 : vector<16xf32>
        %sub3A_1854 = arith.subf %add3A_1853, %mul3A_1852 : vector<16xf32>
        %add3A_1855 = arith.constant 9.99999971E-10 : f32
        %add3A_1856 = vector.broadcast %add3A_1855 : f32 to vector<16xf32>
        %add3A_1857 = arith.addf %sub3A_1854, %add3A_1856 : vector<16xf32>
        %div3A_1858 = arith.divf %mul3A_1852, %add3A_1857 : vector<16xf32>
        %gt3A_1859 = arith.constant 5.000000e-01 : f32
        %gt3A_1860 = vector.broadcast %gt3A_1859 : f32 to vector<16xf32>
        %gt3A_1861 = arith.cmpf ogt, %div3A_1858, %gt3A_1860 : vector<16xf32>
        %eq3A_1862 = arith.cmpi eq, %add3A_1815, %bitcast3A_912 : vector<16xi32>
        %or3A_1863 = arith.ori %gt3A_1861, %eq3A_1862 : vector<16xi1>
        %and3A_1864 = arith.andi %or3A_1863, %not3A_946 : vector<16xi1>
        %get3A_1865 = arith.constant 192 : index
        %get3A_1866 = tpu.vector_load %arg16[%get3A_1865] {strides = array<i32>} : memref<320xf32, #tpu.memory_space<vmem>>, vector<16xf32>,
        %or3A_1867 = arith.ori %or3A_1839, %and3A_1864 : vector<16xi1>
        %jit3A_1868 = arith.constant 0xFF800000 : f32
        %broadcast_in_dim3A_1869 = vector.broadcast %jit3A_1868 : f32 to vector<16xf32>
        %select_n3A_1870 = arith.select %or3A_1867, %broadcast_in_dim3A_1869, %get3A_1866 : vector<16xi1>, vector<16xf32>
        %swap3A_1871 = arith.constant 192 : index
        %swap3A_1872 = tpu.vector_load %arg16[%swap3A_1871] {strides = array<i32>} : memref<320xf32, #tpu.memory_space<vmem>>, vector<16xf32>,
        tpu.vector_store %arg16[%swap3A_1871], %select_n3A_1870 {strides = array<i32>} : memref<320xf32, #tpu.memory_space<vmem>>, vector<16xf32>,
        %get3A_1873 = arith.constant 208 : index
        %get3A_1874 = tpu.vector_load %arg12[%get3A_1873] {strides = array<i32>} : memref<320xf32, #tpu.memory_space<vmem>>, vector<16xf32>,
        %get3A_1875 = arith.constant 208 : index
        %get3A_1876 = tpu.vector_load %arg13[%get3A_1875] {strides = array<i32>} : memref<320xf32, #tpu.memory_space<vmem>>, vector<16xf32>,
        %get3A_1877 = arith.constant 208 : index
        %get3A_1878 = tpu.vector_load %arg14[%get3A_1877] {strides = array<i32>} : memref<320xf32, #tpu.memory_space<vmem>>, vector<16xf32>,
        %get3A_1879 = arith.constant 208 : index
        %get3A_1880 = tpu.vector_load %arg15[%get3A_1879] {strides = array<i32>} : memref<320xf32, #tpu.memory_space<vmem>>, vector<16xf32>,
        %get3A_1881 = arith.constant 208 : index
        %get3A_1882 = tpu.vector_load %arg17[%get3A_1881] {strides = array<i32>} : memref<320xf32, #tpu.memory_space<vmem>>, vector<16xf32>,
        %add3A_1883 = arith.constant 208 : i32
        %add3A_1884 = arith.addi %mul3A_2, %add3A_1883 : i32
        %broadcast_in_dim3A_1885 = vector.broadcast %add3A_1884 : i32 to vector<16xi32>
        %add3A_1886 = arith.addi %broadcast_in_dim3A_1885, %iota3A : vector<16xi32>
        %min3A_1887 = arith.minimumf %gather3A_915, %get3A_1878 : vector<16xf32>
        %max3A_1888 = arith.maximumf %gather3A_913, %get3A_1874 : vector<16xf32>
        %sub3A_1889 = arith.subf %min3A_1887, %max3A_1888 : vector<16xf32>
        %max3A_1890 = arith.constant 0.000000e+00 : f32
        %max3A_1891 = vector.broadcast %max3A_1890 : f32 to vector<16xf32>
        %max3A_1892 = arith.maximumf %sub3A_1889, %max3A_1891 : vector<16xf32>
        %min3A_1893 = arith.minimumf %gather3A_916, %get3A_1880 : vector<16xf32>
        %max3A_1894 = arith.maximumf %gather3A_914, %get3A_1876 : vector<16xf32>
        %sub3A_1895 = arith.subf %min3A_1893, %max3A_1894 : vector<16xf32>
        %max3A_1896 = arith.constant 0.000000e+00 : f32
        %max3A_1897 = vector.broadcast %max3A_1896 : f32 to vector<16xf32>
        %max3A_1898 = arith.maximumf %sub3A_1895, %max3A_1897 : vector<16xf32>
        %mul3A_1899 = arith.mulf %max3A_1892, %max3A_1898 : vector<16xf32>
        %add3A_1900 = arith.addf %mul3A_923, %get3A_1882 : vector<16xf32>
        %sub3A_1901 = arith.subf %add3A_1900, %mul3A_1899 : vector<16xf32>
        %add3A_1902 = arith.constant 9.99999971E-10 : f32
        %add3A_1903 = vector.broadcast %add3A_1902 : f32 to vector<16xf32>
        %add3A_1904 = arith.addf %sub3A_1901, %add3A_1903 : vector<16xf32>
        %div3A_1905 = arith.divf %mul3A_1899, %add3A_1904 : vector<16xf32>
        %gt3A_1906 = arith.constant 5.000000e-01 : f32
        %gt3A_1907 = vector.broadcast %gt3A_1906 : f32 to vector<16xf32>
        %gt3A_1908 = arith.cmpf ogt, %div3A_1905, %gt3A_1907 : vector<16xf32>
        %eq3A_1909 = arith.cmpi eq, %add3A_1886, %bitcast3A_907 : vector<16xi32>
        %or3A_1910 = arith.ori %gt3A_1908, %eq3A_1909 : vector<16xi1>
        %min3A_1911 = arith.minimumf %gather3A_919, %get3A_1878 : vector<16xf32>
        %max3A_1912 = arith.maximumf %gather3A_917, %get3A_1874 : vector<16xf32>
        %sub3A_1913 = arith.subf %min3A_1911, %max3A_1912 : vector<16xf32>
        %max3A_1914 = arith.constant 0.000000e+00 : f32
        %max3A_1915 = vector.broadcast %max3A_1914 : f32 to vector<16xf32>
        %max3A_1916 = arith.maximumf %sub3A_1913, %max3A_1915 : vector<16xf32>
        %min3A_1917 = arith.minimumf %gather3A_920, %get3A_1880 : vector<16xf32>
        %max3A_1918 = arith.maximumf %gather3A_918, %get3A_1876 : vector<16xf32>
        %sub3A_1919 = arith.subf %min3A_1917, %max3A_1918 : vector<16xf32>
        %max3A_1920 = arith.constant 0.000000e+00 : f32
        %max3A_1921 = vector.broadcast %max3A_1920 : f32 to vector<16xf32>
        %max3A_1922 = arith.maximumf %sub3A_1919, %max3A_1921 : vector<16xf32>
        %mul3A_1923 = arith.mulf %max3A_1916, %max3A_1922 : vector<16xf32>
        %add3A_1924 = arith.addf %mul3A_926, %get3A_1882 : vector<16xf32>
        %sub3A_1925 = arith.subf %add3A_1924, %mul3A_1923 : vector<16xf32>
        %add3A_1926 = arith.constant 9.99999971E-10 : f32
        %add3A_1927 = vector.broadcast %add3A_1926 : f32 to vector<16xf32>
        %add3A_1928 = arith.addf %sub3A_1925, %add3A_1927 : vector<16xf32>
        %div3A_1929 = arith.divf %mul3A_1923, %add3A_1928 : vector<16xf32>
        %gt3A_1930 = arith.constant 5.000000e-01 : f32
        %gt3A_1931 = vector.broadcast %gt3A_1930 : f32 to vector<16xf32>
        %gt3A_1932 = arith.cmpf ogt, %div3A_1929, %gt3A_1931 : vector<16xf32>
        %eq3A_1933 = arith.cmpi eq, %add3A_1886, %bitcast3A_912 : vector<16xi32>
        %or3A_1934 = arith.ori %gt3A_1932, %eq3A_1933 : vector<16xi1>
        %and3A_1935 = arith.andi %or3A_1934, %not3A_946 : vector<16xi1>
        %get3A_1936 = arith.constant 208 : index
        %get3A_1937 = tpu.vector_load %arg16[%get3A_1936] {strides = array<i32>} : memref<320xf32, #tpu.memory_space<vmem>>, vector<16xf32>,
        %or3A_1938 = arith.ori %or3A_1910, %and3A_1935 : vector<16xi1>
        %jit3A_1939 = arith.constant 0xFF800000 : f32
        %broadcast_in_dim3A_1940 = vector.broadcast %jit3A_1939 : f32 to vector<16xf32>
        %select_n3A_1941 = arith.select %or3A_1938, %broadcast_in_dim3A_1940, %get3A_1937 : vector<16xi1>, vector<16xf32>
        %swap3A_1942 = arith.constant 208 : index
        %swap3A_1943 = tpu.vector_load %arg16[%swap3A_1942] {strides = array<i32>} : memref<320xf32, #tpu.memory_space<vmem>>, vector<16xf32>,
        tpu.vector_store %arg16[%swap3A_1942], %select_n3A_1941 {strides = array<i32>} : memref<320xf32, #tpu.memory_space<vmem>>, vector<16xf32>,
        %get3A_1944 = arith.constant 224 : index
        %get3A_1945 = tpu.vector_load %arg12[%get3A_1944] {strides = array<i32>} : memref<320xf32, #tpu.memory_space<vmem>>, vector<16xf32>,
        %get3A_1946 = arith.constant 224 : index
        %get3A_1947 = tpu.vector_load %arg13[%get3A_1946] {strides = array<i32>} : memref<320xf32, #tpu.memory_space<vmem>>, vector<16xf32>,
        %get3A_1948 = arith.constant 224 : index
        %get3A_1949 = tpu.vector_load %arg14[%get3A_1948] {strides = array<i32>} : memref<320xf32, #tpu.memory_space<vmem>>, vector<16xf32>,
        %get3A_1950 = arith.constant 224 : index
        %get3A_1951 = tpu.vector_load %arg15[%get3A_1950] {strides = array<i32>} : memref<320xf32, #tpu.memory_space<vmem>>, vector<16xf32>,
        %get3A_1952 = arith.constant 224 : index
        %get3A_1953 = tpu.vector_load %arg17[%get3A_1952] {strides = array<i32>} : memref<320xf32, #tpu.memory_space<vmem>>, vector<16xf32>,
        %add3A_1954 = arith.constant 224 : i32
        %add3A_1955 = arith.addi %mul3A_2, %add3A_1954 : i32
        %broadcast_in_dim3A_1956 = vector.broadcast %add3A_1955 : i32 to vector<16xi32>
        %add3A_1957 = arith.addi %broadcast_in_dim3A_1956, %iota3A : vector<16xi32>
        %min3A_1958 = arith.minimumf %gather3A_915, %get3A_1949 : vector<16xf32>
        %max3A_1959 = arith.maximumf %gather3A_913, %get3A_1945 : vector<16xf32>
        %sub3A_1960 = arith.subf %min3A_1958, %max3A_1959 : vector<16xf32>
        %max3A_1961 = arith.constant 0.000000e+00 : f32
        %max3A_1962 = vector.broadcast %max3A_1961 : f32 to vector<16xf32>
        %max3A_1963 = arith.maximumf %sub3A_1960, %max3A_1962 : vector<16xf32>
        %min3A_1964 = arith.minimumf %gather3A_916, %get3A_1951 : vector<16xf32>
        %max3A_1965 = arith.maximumf %gather3A_914, %get3A_1947 : vector<16xf32>
        %sub3A_1966 = arith.subf %min3A_1964, %max3A_1965 : vector<16xf32>
        %max3A_1967 = arith.constant 0.000000e+00 : f32
        %max3A_1968 = vector.broadcast %max3A_1967 : f32 to vector<16xf32>
        %max3A_1969 = arith.maximumf %sub3A_1966, %max3A_1968 : vector<16xf32>
        %mul3A_1970 = arith.mulf %max3A_1963, %max3A_1969 : vector<16xf32>
        %add3A_1971 = arith.addf %mul3A_923, %get3A_1953 : vector<16xf32>
        %sub3A_1972 = arith.subf %add3A_1971, %mul3A_1970 : vector<16xf32>
        %add3A_1973 = arith.constant 9.99999971E-10 : f32
        %add3A_1974 = vector.broadcast %add3A_1973 : f32 to vector<16xf32>
        %add3A_1975 = arith.addf %sub3A_1972, %add3A_1974 : vector<16xf32>
        %div3A_1976 = arith.divf %mul3A_1970, %add3A_1975 : vector<16xf32>
        %gt3A_1977 = arith.constant 5.000000e-01 : f32
        %gt3A_1978 = vector.broadcast %gt3A_1977 : f32 to vector<16xf32>
        %gt3A_1979 = arith.cmpf ogt, %div3A_1976, %gt3A_1978 : vector<16xf32>
        %eq3A_1980 = arith.cmpi eq, %add3A_1957, %bitcast3A_907 : vector<16xi32>
        %or3A_1981 = arith.ori %gt3A_1979, %eq3A_1980 : vector<16xi1>
        %min3A_1982 = arith.minimumf %gather3A_919, %get3A_1949 : vector<16xf32>
        %max3A_1983 = arith.maximumf %gather3A_917, %get3A_1945 : vector<16xf32>
        %sub3A_1984 = arith.subf %min3A_1982, %max3A_1983 : vector<16xf32>
        %max3A_1985 = arith.constant 0.000000e+00 : f32
        %max3A_1986 = vector.broadcast %max3A_1985 : f32 to vector<16xf32>
        %max3A_1987 = arith.maximumf %sub3A_1984, %max3A_1986 : vector<16xf32>
        %min3A_1988 = arith.minimumf %gather3A_920, %get3A_1951 : vector<16xf32>
        %max3A_1989 = arith.maximumf %gather3A_918, %get3A_1947 : vector<16xf32>
        %sub3A_1990 = arith.subf %min3A_1988, %max3A_1989 : vector<16xf32>
        %max3A_1991 = arith.constant 0.000000e+00 : f32
        %max3A_1992 = vector.broadcast %max3A_1991 : f32 to vector<16xf32>
        %max3A_1993 = arith.maximumf %sub3A_1990, %max3A_1992 : vector<16xf32>
        %mul3A_1994 = arith.mulf %max3A_1987, %max3A_1993 : vector<16xf32>
        %add3A_1995 = arith.addf %mul3A_926, %get3A_1953 : vector<16xf32>
        %sub3A_1996 = arith.subf %add3A_1995, %mul3A_1994 : vector<16xf32>
        %add3A_1997 = arith.constant 9.99999971E-10 : f32
        %add3A_1998 = vector.broadcast %add3A_1997 : f32 to vector<16xf32>
        %add3A_1999 = arith.addf %sub3A_1996, %add3A_1998 : vector<16xf32>
        %div3A_2000 = arith.divf %mul3A_1994, %add3A_1999 : vector<16xf32>
        %gt3A_2001 = arith.constant 5.000000e-01 : f32
        %gt3A_2002 = vector.broadcast %gt3A_2001 : f32 to vector<16xf32>
        %gt3A_2003 = arith.cmpf ogt, %div3A_2000, %gt3A_2002 : vector<16xf32>
        %eq3A_2004 = arith.cmpi eq, %add3A_1957, %bitcast3A_912 : vector<16xi32>
        %or3A_2005 = arith.ori %gt3A_2003, %eq3A_2004 : vector<16xi1>
        %and3A_2006 = arith.andi %or3A_2005, %not3A_946 : vector<16xi1>
        %get3A_2007 = arith.constant 224 : index
        %get3A_2008 = tpu.vector_load %arg16[%get3A_2007] {strides = array<i32>} : memref<320xf32, #tpu.memory_space<vmem>>, vector<16xf32>,
        %or3A_2009 = arith.ori %or3A_1981, %and3A_2006 : vector<16xi1>
        %jit3A_2010 = arith.constant 0xFF800000 : f32
        %broadcast_in_dim3A_2011 = vector.broadcast %jit3A_2010 : f32 to vector<16xf32>
        %select_n3A_2012 = arith.select %or3A_2009, %broadcast_in_dim3A_2011, %get3A_2008 : vector<16xi1>, vector<16xf32>
        %swap3A_2013 = arith.constant 224 : index
        %swap3A_2014 = tpu.vector_load %arg16[%swap3A_2013] {strides = array<i32>} : memref<320xf32, #tpu.memory_space<vmem>>, vector<16xf32>,
        tpu.vector_store %arg16[%swap3A_2013], %select_n3A_2012 {strides = array<i32>} : memref<320xf32, #tpu.memory_space<vmem>>, vector<16xf32>,
        %get3A_2015 = arith.constant 240 : index
        %get3A_2016 = tpu.vector_load %arg12[%get3A_2015] {strides = array<i32>} : memref<320xf32, #tpu.memory_space<vmem>>, vector<16xf32>,
        %get3A_2017 = arith.constant 240 : index
        %get3A_2018 = tpu.vector_load %arg13[%get3A_2017] {strides = array<i32>} : memref<320xf32, #tpu.memory_space<vmem>>, vector<16xf32>,
        %get3A_2019 = arith.constant 240 : index
        %get3A_2020 = tpu.vector_load %arg14[%get3A_2019] {strides = array<i32>} : memref<320xf32, #tpu.memory_space<vmem>>, vector<16xf32>,
        %get3A_2021 = arith.constant 240 : index
        %get3A_2022 = tpu.vector_load %arg15[%get3A_2021] {strides = array<i32>} : memref<320xf32, #tpu.memory_space<vmem>>, vector<16xf32>,
        %get3A_2023 = arith.constant 240 : index
        %get3A_2024 = tpu.vector_load %arg17[%get3A_2023] {strides = array<i32>} : memref<320xf32, #tpu.memory_space<vmem>>, vector<16xf32>,
        %add3A_2025 = arith.constant 240 : i32
        %add3A_2026 = arith.addi %mul3A_2, %add3A_2025 : i32
        %broadcast_in_dim3A_2027 = vector.broadcast %add3A_2026 : i32 to vector<16xi32>
        %add3A_2028 = arith.addi %broadcast_in_dim3A_2027, %iota3A : vector<16xi32>
        %min3A_2029 = arith.minimumf %gather3A_915, %get3A_2020 : vector<16xf32>
        %max3A_2030 = arith.maximumf %gather3A_913, %get3A_2016 : vector<16xf32>
        %sub3A_2031 = arith.subf %min3A_2029, %max3A_2030 : vector<16xf32>
        %max3A_2032 = arith.constant 0.000000e+00 : f32
        %max3A_2033 = vector.broadcast %max3A_2032 : f32 to vector<16xf32>
        %max3A_2034 = arith.maximumf %sub3A_2031, %max3A_2033 : vector<16xf32>
        %min3A_2035 = arith.minimumf %gather3A_916, %get3A_2022 : vector<16xf32>
        %max3A_2036 = arith.maximumf %gather3A_914, %get3A_2018 : vector<16xf32>
        %sub3A_2037 = arith.subf %min3A_2035, %max3A_2036 : vector<16xf32>
        %max3A_2038 = arith.constant 0.000000e+00 : f32
        %max3A_2039 = vector.broadcast %max3A_2038 : f32 to vector<16xf32>
        %max3A_2040 = arith.maximumf %sub3A_2037, %max3A_2039 : vector<16xf32>
        %mul3A_2041 = arith.mulf %max3A_2034, %max3A_2040 : vector<16xf32>
        %add3A_2042 = arith.addf %mul3A_923, %get3A_2024 : vector<16xf32>
        %sub3A_2043 = arith.subf %add3A_2042, %mul3A_2041 : vector<16xf32>
        %add3A_2044 = arith.constant 9.99999971E-10 : f32
        %add3A_2045 = vector.broadcast %add3A_2044 : f32 to vector<16xf32>
        %add3A_2046 = arith.addf %sub3A_2043, %add3A_2045 : vector<16xf32>
        %div3A_2047 = arith.divf %mul3A_2041, %add3A_2046 : vector<16xf32>
        %gt3A_2048 = arith.constant 5.000000e-01 : f32
        %gt3A_2049 = vector.broadcast %gt3A_2048 : f32 to vector<16xf32>
        %gt3A_2050 = arith.cmpf ogt, %div3A_2047, %gt3A_2049 : vector<16xf32>
        %eq3A_2051 = arith.cmpi eq, %add3A_2028, %bitcast3A_907 : vector<16xi32>
        %or3A_2052 = arith.ori %gt3A_2050, %eq3A_2051 : vector<16xi1>
        %min3A_2053 = arith.minimumf %gather3A_919, %get3A_2020 : vector<16xf32>
        %max3A_2054 = arith.maximumf %gather3A_917, %get3A_2016 : vector<16xf32>
        %sub3A_2055 = arith.subf %min3A_2053, %max3A_2054 : vector<16xf32>
        %max3A_2056 = arith.constant 0.000000e+00 : f32
        %max3A_2057 = vector.broadcast %max3A_2056 : f32 to vector<16xf32>
        %max3A_2058 = arith.maximumf %sub3A_2055, %max3A_2057 : vector<16xf32>
        %min3A_2059 = arith.minimumf %gather3A_920, %get3A_2022 : vector<16xf32>
        %max3A_2060 = arith.maximumf %gather3A_918, %get3A_2018 : vector<16xf32>
        %sub3A_2061 = arith.subf %min3A_2059, %max3A_2060 : vector<16xf32>
        %max3A_2062 = arith.constant 0.000000e+00 : f32
        %max3A_2063 = vector.broadcast %max3A_2062 : f32 to vector<16xf32>
        %max3A_2064 = arith.maximumf %sub3A_2061, %max3A_2063 : vector<16xf32>
        %mul3A_2065 = arith.mulf %max3A_2058, %max3A_2064 : vector<16xf32>
        %add3A_2066 = arith.addf %mul3A_926, %get3A_2024 : vector<16xf32>
        %sub3A_2067 = arith.subf %add3A_2066, %mul3A_2065 : vector<16xf32>
        %add3A_2068 = arith.constant 9.99999971E-10 : f32
        %add3A_2069 = vector.broadcast %add3A_2068 : f32 to vector<16xf32>
        %add3A_2070 = arith.addf %sub3A_2067, %add3A_2069 : vector<16xf32>
        %div3A_2071 = arith.divf %mul3A_2065, %add3A_2070 : vector<16xf32>
        %gt3A_2072 = arith.constant 5.000000e-01 : f32
        %gt3A_2073 = vector.broadcast %gt3A_2072 : f32 to vector<16xf32>
        %gt3A_2074 = arith.cmpf ogt, %div3A_2071, %gt3A_2073 : vector<16xf32>
        %eq3A_2075 = arith.cmpi eq, %add3A_2028, %bitcast3A_912 : vector<16xi32>
        %or3A_2076 = arith.ori %gt3A_2074, %eq3A_2075 : vector<16xi1>
        %and3A_2077 = arith.andi %or3A_2076, %not3A_946 : vector<16xi1>
        %get3A_2078 = arith.constant 240 : index
        %get3A_2079 = tpu.vector_load %arg16[%get3A_2078] {strides = array<i32>} : memref<320xf32, #tpu.memory_space<vmem>>, vector<16xf32>,
        %or3A_2080 = arith.ori %or3A_2052, %and3A_2077 : vector<16xi1>
        %jit3A_2081 = arith.constant 0xFF800000 : f32
        %broadcast_in_dim3A_2082 = vector.broadcast %jit3A_2081 : f32 to vector<16xf32>
        %select_n3A_2083 = arith.select %or3A_2080, %broadcast_in_dim3A_2082, %get3A_2079 : vector<16xi1>, vector<16xf32>
        %swap3A_2084 = arith.constant 240 : index
        %swap3A_2085 = tpu.vector_load %arg16[%swap3A_2084] {strides = array<i32>} : memref<320xf32, #tpu.memory_space<vmem>>, vector<16xf32>,
        tpu.vector_store %arg16[%swap3A_2084], %select_n3A_2083 {strides = array<i32>} : memref<320xf32, #tpu.memory_space<vmem>>, vector<16xf32>,
        %get3A_2086 = arith.constant 256 : index
        %get3A_2087 = tpu.vector_load %arg12[%get3A_2086] {strides = array<i32>} : memref<320xf32, #tpu.memory_space<vmem>>, vector<16xf32>,
        %get3A_2088 = arith.constant 256 : index
        %get3A_2089 = tpu.vector_load %arg13[%get3A_2088] {strides = array<i32>} : memref<320xf32, #tpu.memory_space<vmem>>, vector<16xf32>,
        %get3A_2090 = arith.constant 256 : index
        %get3A_2091 = tpu.vector_load %arg14[%get3A_2090] {strides = array<i32>} : memref<320xf32, #tpu.memory_space<vmem>>, vector<16xf32>,
        %get3A_2092 = arith.constant 256 : index
        %get3A_2093 = tpu.vector_load %arg15[%get3A_2092] {strides = array<i32>} : memref<320xf32, #tpu.memory_space<vmem>>, vector<16xf32>,
        %get3A_2094 = arith.constant 256 : index
        %get3A_2095 = tpu.vector_load %arg17[%get3A_2094] {strides = array<i32>} : memref<320xf32, #tpu.memory_space<vmem>>, vector<16xf32>,
        %add3A_2096 = arith.constant 256 : i32
        %add3A_2097 = arith.addi %mul3A_2, %add3A_2096 : i32
        %broadcast_in_dim3A_2098 = vector.broadcast %add3A_2097 : i32 to vector<16xi32>
        %add3A_2099 = arith.addi %broadcast_in_dim3A_2098, %iota3A : vector<16xi32>
        %min3A_2100 = arith.minimumf %gather3A_915, %get3A_2091 : vector<16xf32>
        %max3A_2101 = arith.maximumf %gather3A_913, %get3A_2087 : vector<16xf32>
        %sub3A_2102 = arith.subf %min3A_2100, %max3A_2101 : vector<16xf32>
        %max3A_2103 = arith.constant 0.000000e+00 : f32
        %max3A_2104 = vector.broadcast %max3A_2103 : f32 to vector<16xf32>
        %max3A_2105 = arith.maximumf %sub3A_2102, %max3A_2104 : vector<16xf32>
        %min3A_2106 = arith.minimumf %gather3A_916, %get3A_2093 : vector<16xf32>
        %max3A_2107 = arith.maximumf %gather3A_914, %get3A_2089 : vector<16xf32>
        %sub3A_2108 = arith.subf %min3A_2106, %max3A_2107 : vector<16xf32>
        %max3A_2109 = arith.constant 0.000000e+00 : f32
        %max3A_2110 = vector.broadcast %max3A_2109 : f32 to vector<16xf32>
        %max3A_2111 = arith.maximumf %sub3A_2108, %max3A_2110 : vector<16xf32>
        %mul3A_2112 = arith.mulf %max3A_2105, %max3A_2111 : vector<16xf32>
        %add3A_2113 = arith.addf %mul3A_923, %get3A_2095 : vector<16xf32>
        %sub3A_2114 = arith.subf %add3A_2113, %mul3A_2112 : vector<16xf32>
        %add3A_2115 = arith.constant 9.99999971E-10 : f32
        %add3A_2116 = vector.broadcast %add3A_2115 : f32 to vector<16xf32>
        %add3A_2117 = arith.addf %sub3A_2114, %add3A_2116 : vector<16xf32>
        %div3A_2118 = arith.divf %mul3A_2112, %add3A_2117 : vector<16xf32>
        %gt3A_2119 = arith.constant 5.000000e-01 : f32
        %gt3A_2120 = vector.broadcast %gt3A_2119 : f32 to vector<16xf32>
        %gt3A_2121 = arith.cmpf ogt, %div3A_2118, %gt3A_2120 : vector<16xf32>
        %eq3A_2122 = arith.cmpi eq, %add3A_2099, %bitcast3A_907 : vector<16xi32>
        %or3A_2123 = arith.ori %gt3A_2121, %eq3A_2122 : vector<16xi1>
        %min3A_2124 = arith.minimumf %gather3A_919, %get3A_2091 : vector<16xf32>
        %max3A_2125 = arith.maximumf %gather3A_917, %get3A_2087 : vector<16xf32>
        %sub3A_2126 = arith.subf %min3A_2124, %max3A_2125 : vector<16xf32>
        %max3A_2127 = arith.constant 0.000000e+00 : f32
        %max3A_2128 = vector.broadcast %max3A_2127 : f32 to vector<16xf32>
        %max3A_2129 = arith.maximumf %sub3A_2126, %max3A_2128 : vector<16xf32>
        %min3A_2130 = arith.minimumf %gather3A_920, %get3A_2093 : vector<16xf32>
        %max3A_2131 = arith.maximumf %gather3A_918, %get3A_2089 : vector<16xf32>
        %sub3A_2132 = arith.subf %min3A_2130, %max3A_2131 : vector<16xf32>
        %max3A_2133 = arith.constant 0.000000e+00 : f32
        %max3A_2134 = vector.broadcast %max3A_2133 : f32 to vector<16xf32>
        %max3A_2135 = arith.maximumf %sub3A_2132, %max3A_2134 : vector<16xf32>
        %mul3A_2136 = arith.mulf %max3A_2129, %max3A_2135 : vector<16xf32>
        %add3A_2137 = arith.addf %mul3A_926, %get3A_2095 : vector<16xf32>
        %sub3A_2138 = arith.subf %add3A_2137, %mul3A_2136 : vector<16xf32>
        %add3A_2139 = arith.constant 9.99999971E-10 : f32
        %add3A_2140 = vector.broadcast %add3A_2139 : f32 to vector<16xf32>
        %add3A_2141 = arith.addf %sub3A_2138, %add3A_2140 : vector<16xf32>
        %div3A_2142 = arith.divf %mul3A_2136, %add3A_2141 : vector<16xf32>
        %gt3A_2143 = arith.constant 5.000000e-01 : f32
        %gt3A_2144 = vector.broadcast %gt3A_2143 : f32 to vector<16xf32>
        %gt3A_2145 = arith.cmpf ogt, %div3A_2142, %gt3A_2144 : vector<16xf32>
        %eq3A_2146 = arith.cmpi eq, %add3A_2099, %bitcast3A_912 : vector<16xi32>
        %or3A_2147 = arith.ori %gt3A_2145, %eq3A_2146 : vector<16xi1>
        %and3A_2148 = arith.andi %or3A_2147, %not3A_946 : vector<16xi1>
        %get3A_2149 = arith.constant 256 : index
        %get3A_2150 = tpu.vector_load %arg16[%get3A_2149] {strides = array<i32>} : memref<320xf32, #tpu.memory_space<vmem>>, vector<16xf32>,
        %or3A_2151 = arith.ori %or3A_2123, %and3A_2148 : vector<16xi1>
        %jit3A_2152 = arith.constant 0xFF800000 : f32
        %broadcast_in_dim3A_2153 = vector.broadcast %jit3A_2152 : f32 to vector<16xf32>
        %select_n3A_2154 = arith.select %or3A_2151, %broadcast_in_dim3A_2153, %get3A_2150 : vector<16xi1>, vector<16xf32>
        %swap3A_2155 = arith.constant 256 : index
        %swap3A_2156 = tpu.vector_load %arg16[%swap3A_2155] {strides = array<i32>} : memref<320xf32, #tpu.memory_space<vmem>>, vector<16xf32>,
        tpu.vector_store %arg16[%swap3A_2155], %select_n3A_2154 {strides = array<i32>} : memref<320xf32, #tpu.memory_space<vmem>>, vector<16xf32>,
        %get3A_2157 = arith.constant 272 : index
        %get3A_2158 = tpu.vector_load %arg12[%get3A_2157] {strides = array<i32>} : memref<320xf32, #tpu.memory_space<vmem>>, vector<16xf32>,
        %get3A_2159 = arith.constant 272 : index
        %get3A_2160 = tpu.vector_load %arg13[%get3A_2159] {strides = array<i32>} : memref<320xf32, #tpu.memory_space<vmem>>, vector<16xf32>,
        %get3A_2161 = arith.constant 272 : index
        %get3A_2162 = tpu.vector_load %arg14[%get3A_2161] {strides = array<i32>} : memref<320xf32, #tpu.memory_space<vmem>>, vector<16xf32>,
        %get3A_2163 = arith.constant 272 : index
        %get3A_2164 = tpu.vector_load %arg15[%get3A_2163] {strides = array<i32>} : memref<320xf32, #tpu.memory_space<vmem>>, vector<16xf32>,
        %get3A_2165 = arith.constant 272 : index
        %get3A_2166 = tpu.vector_load %arg17[%get3A_2165] {strides = array<i32>} : memref<320xf32, #tpu.memory_space<vmem>>, vector<16xf32>,
        %add3A_2167 = arith.constant 272 : i32
        %add3A_2168 = arith.addi %mul3A_2, %add3A_2167 : i32
        %broadcast_in_dim3A_2169 = vector.broadcast %add3A_2168 : i32 to vector<16xi32>
        %add3A_2170 = arith.addi %broadcast_in_dim3A_2169, %iota3A : vector<16xi32>
        %min3A_2171 = arith.minimumf %gather3A_915, %get3A_2162 : vector<16xf32>
        %max3A_2172 = arith.maximumf %gather3A_913, %get3A_2158 : vector<16xf32>
        %sub3A_2173 = arith.subf %min3A_2171, %max3A_2172 : vector<16xf32>
        %max3A_2174 = arith.constant 0.000000e+00 : f32
        %max3A_2175 = vector.broadcast %max3A_2174 : f32 to vector<16xf32>
        %max3A_2176 = arith.maximumf %sub3A_2173, %max3A_2175 : vector<16xf32>
        %min3A_2177 = arith.minimumf %gather3A_916, %get3A_2164 : vector<16xf32>
        %max3A_2178 = arith.maximumf %gather3A_914, %get3A_2160 : vector<16xf32>
        %sub3A_2179 = arith.subf %min3A_2177, %max3A_2178 : vector<16xf32>
        %max3A_2180 = arith.constant 0.000000e+00 : f32
        %max3A_2181 = vector.broadcast %max3A_2180 : f32 to vector<16xf32>
        %max3A_2182 = arith.maximumf %sub3A_2179, %max3A_2181 : vector<16xf32>
        %mul3A_2183 = arith.mulf %max3A_2176, %max3A_2182 : vector<16xf32>
        %add3A_2184 = arith.addf %mul3A_923, %get3A_2166 : vector<16xf32>
        %sub3A_2185 = arith.subf %add3A_2184, %mul3A_2183 : vector<16xf32>
        %add3A_2186 = arith.constant 9.99999971E-10 : f32
        %add3A_2187 = vector.broadcast %add3A_2186 : f32 to vector<16xf32>
        %add3A_2188 = arith.addf %sub3A_2185, %add3A_2187 : vector<16xf32>
        %div3A_2189 = arith.divf %mul3A_2183, %add3A_2188 : vector<16xf32>
        %gt3A_2190 = arith.constant 5.000000e-01 : f32
        %gt3A_2191 = vector.broadcast %gt3A_2190 : f32 to vector<16xf32>
        %gt3A_2192 = arith.cmpf ogt, %div3A_2189, %gt3A_2191 : vector<16xf32>
        %eq3A_2193 = arith.cmpi eq, %add3A_2170, %bitcast3A_907 : vector<16xi32>
        %or3A_2194 = arith.ori %gt3A_2192, %eq3A_2193 : vector<16xi1>
        %min3A_2195 = arith.minimumf %gather3A_919, %get3A_2162 : vector<16xf32>
        %max3A_2196 = arith.maximumf %gather3A_917, %get3A_2158 : vector<16xf32>
        %sub3A_2197 = arith.subf %min3A_2195, %max3A_2196 : vector<16xf32>
        %max3A_2198 = arith.constant 0.000000e+00 : f32
        %max3A_2199 = vector.broadcast %max3A_2198 : f32 to vector<16xf32>
        %max3A_2200 = arith.maximumf %sub3A_2197, %max3A_2199 : vector<16xf32>
        %min3A_2201 = arith.minimumf %gather3A_920, %get3A_2164 : vector<16xf32>
        %max3A_2202 = arith.maximumf %gather3A_918, %get3A_2160 : vector<16xf32>
        %sub3A_2203 = arith.subf %min3A_2201, %max3A_2202 : vector<16xf32>
        %max3A_2204 = arith.constant 0.000000e+00 : f32
        %max3A_2205 = vector.broadcast %max3A_2204 : f32 to vector<16xf32>
        %max3A_2206 = arith.maximumf %sub3A_2203, %max3A_2205 : vector<16xf32>
        %mul3A_2207 = arith.mulf %max3A_2200, %max3A_2206 : vector<16xf32>
        %add3A_2208 = arith.addf %mul3A_926, %get3A_2166 : vector<16xf32>
        %sub3A_2209 = arith.subf %add3A_2208, %mul3A_2207 : vector<16xf32>
        %add3A_2210 = arith.constant 9.99999971E-10 : f32
        %add3A_2211 = vector.broadcast %add3A_2210 : f32 to vector<16xf32>
        %add3A_2212 = arith.addf %sub3A_2209, %add3A_2211 : vector<16xf32>
        %div3A_2213 = arith.divf %mul3A_2207, %add3A_2212 : vector<16xf32>
        %gt3A_2214 = arith.constant 5.000000e-01 : f32
        %gt3A_2215 = vector.broadcast %gt3A_2214 : f32 to vector<16xf32>
        %gt3A_2216 = arith.cmpf ogt, %div3A_2213, %gt3A_2215 : vector<16xf32>
        %eq3A_2217 = arith.cmpi eq, %add3A_2170, %bitcast3A_912 : vector<16xi32>
        %or3A_2218 = arith.ori %gt3A_2216, %eq3A_2217 : vector<16xi1>
        %and3A_2219 = arith.andi %or3A_2218, %not3A_946 : vector<16xi1>
        %get3A_2220 = arith.constant 272 : index
        %get3A_2221 = tpu.vector_load %arg16[%get3A_2220] {strides = array<i32>} : memref<320xf32, #tpu.memory_space<vmem>>, vector<16xf32>,
        %or3A_2222 = arith.ori %or3A_2194, %and3A_2219 : vector<16xi1>
        %jit3A_2223 = arith.constant 0xFF800000 : f32
        %broadcast_in_dim3A_2224 = vector.broadcast %jit3A_2223 : f32 to vector<16xf32>
        %select_n3A_2225 = arith.select %or3A_2222, %broadcast_in_dim3A_2224, %get3A_2221 : vector<16xi1>, vector<16xf32>
        %swap3A_2226 = arith.constant 272 : index
        %swap3A_2227 = tpu.vector_load %arg16[%swap3A_2226] {strides = array<i32>} : memref<320xf32, #tpu.memory_space<vmem>>, vector<16xf32>,
        tpu.vector_store %arg16[%swap3A_2226], %select_n3A_2225 {strides = array<i32>} : memref<320xf32, #tpu.memory_space<vmem>>, vector<16xf32>,
        %get3A_2228 = arith.constant 288 : index
        %get3A_2229 = tpu.vector_load %arg12[%get3A_2228] {strides = array<i32>} : memref<320xf32, #tpu.memory_space<vmem>>, vector<16xf32>,
        %get3A_2230 = arith.constant 288 : index
        %get3A_2231 = tpu.vector_load %arg13[%get3A_2230] {strides = array<i32>} : memref<320xf32, #tpu.memory_space<vmem>>, vector<16xf32>,
        %get3A_2232 = arith.constant 288 : index
        %get3A_2233 = tpu.vector_load %arg14[%get3A_2232] {strides = array<i32>} : memref<320xf32, #tpu.memory_space<vmem>>, vector<16xf32>,
        %get3A_2234 = arith.constant 288 : index
        %get3A_2235 = tpu.vector_load %arg15[%get3A_2234] {strides = array<i32>} : memref<320xf32, #tpu.memory_space<vmem>>, vector<16xf32>,
        %get3A_2236 = arith.constant 288 : index
        %get3A_2237 = tpu.vector_load %arg17[%get3A_2236] {strides = array<i32>} : memref<320xf32, #tpu.memory_space<vmem>>, vector<16xf32>,
        %add3A_2238 = arith.constant 288 : i32
        %add3A_2239 = arith.addi %mul3A_2, %add3A_2238 : i32
        %broadcast_in_dim3A_2240 = vector.broadcast %add3A_2239 : i32 to vector<16xi32>
        %add3A_2241 = arith.addi %broadcast_in_dim3A_2240, %iota3A : vector<16xi32>
        %min3A_2242 = arith.minimumf %gather3A_915, %get3A_2233 : vector<16xf32>
        %max3A_2243 = arith.maximumf %gather3A_913, %get3A_2229 : vector<16xf32>
        %sub3A_2244 = arith.subf %min3A_2242, %max3A_2243 : vector<16xf32>
        %max3A_2245 = arith.constant 0.000000e+00 : f32
        %max3A_2246 = vector.broadcast %max3A_2245 : f32 to vector<16xf32>
        %max3A_2247 = arith.maximumf %sub3A_2244, %max3A_2246 : vector<16xf32>
        %min3A_2248 = arith.minimumf %gather3A_916, %get3A_2235 : vector<16xf32>
        %max3A_2249 = arith.maximumf %gather3A_914, %get3A_2231 : vector<16xf32>
        %sub3A_2250 = arith.subf %min3A_2248, %max3A_2249 : vector<16xf32>
        %max3A_2251 = arith.constant 0.000000e+00 : f32
        %max3A_2252 = vector.broadcast %max3A_2251 : f32 to vector<16xf32>
        %max3A_2253 = arith.maximumf %sub3A_2250, %max3A_2252 : vector<16xf32>
        %mul3A_2254 = arith.mulf %max3A_2247, %max3A_2253 : vector<16xf32>
        %add3A_2255 = arith.addf %mul3A_923, %get3A_2237 : vector<16xf32>
        %sub3A_2256 = arith.subf %add3A_2255, %mul3A_2254 : vector<16xf32>
        %add3A_2257 = arith.constant 9.99999971E-10 : f32
        %add3A_2258 = vector.broadcast %add3A_2257 : f32 to vector<16xf32>
        %add3A_2259 = arith.addf %sub3A_2256, %add3A_2258 : vector<16xf32>
        %div3A_2260 = arith.divf %mul3A_2254, %add3A_2259 : vector<16xf32>
        %gt3A_2261 = arith.constant 5.000000e-01 : f32
        %gt3A_2262 = vector.broadcast %gt3A_2261 : f32 to vector<16xf32>
        %gt3A_2263 = arith.cmpf ogt, %div3A_2260, %gt3A_2262 : vector<16xf32>
        %eq3A_2264 = arith.cmpi eq, %add3A_2241, %bitcast3A_907 : vector<16xi32>
        %or3A_2265 = arith.ori %gt3A_2263, %eq3A_2264 : vector<16xi1>
        %min3A_2266 = arith.minimumf %gather3A_919, %get3A_2233 : vector<16xf32>
        %max3A_2267 = arith.maximumf %gather3A_917, %get3A_2229 : vector<16xf32>
        %sub3A_2268 = arith.subf %min3A_2266, %max3A_2267 : vector<16xf32>
        %max3A_2269 = arith.constant 0.000000e+00 : f32
        %max3A_2270 = vector.broadcast %max3A_2269 : f32 to vector<16xf32>
        %max3A_2271 = arith.maximumf %sub3A_2268, %max3A_2270 : vector<16xf32>
        %min3A_2272 = arith.minimumf %gather3A_920, %get3A_2235 : vector<16xf32>
        %max3A_2273 = arith.maximumf %gather3A_918, %get3A_2231 : vector<16xf32>
        %sub3A_2274 = arith.subf %min3A_2272, %max3A_2273 : vector<16xf32>
        %max3A_2275 = arith.constant 0.000000e+00 : f32
        %max3A_2276 = vector.broadcast %max3A_2275 : f32 to vector<16xf32>
        %max3A_2277 = arith.maximumf %sub3A_2274, %max3A_2276 : vector<16xf32>
        %mul3A_2278 = arith.mulf %max3A_2271, %max3A_2277 : vector<16xf32>
        %add3A_2279 = arith.addf %mul3A_926, %get3A_2237 : vector<16xf32>
        %sub3A_2280 = arith.subf %add3A_2279, %mul3A_2278 : vector<16xf32>
        %add3A_2281 = arith.constant 9.99999971E-10 : f32
        %add3A_2282 = vector.broadcast %add3A_2281 : f32 to vector<16xf32>
        %add3A_2283 = arith.addf %sub3A_2280, %add3A_2282 : vector<16xf32>
        %div3A_2284 = arith.divf %mul3A_2278, %add3A_2283 : vector<16xf32>
        %gt3A_2285 = arith.constant 5.000000e-01 : f32
        %gt3A_2286 = vector.broadcast %gt3A_2285 : f32 to vector<16xf32>
        %gt3A_2287 = arith.cmpf ogt, %div3A_2284, %gt3A_2286 : vector<16xf32>
        %eq3A_2288 = arith.cmpi eq, %add3A_2241, %bitcast3A_912 : vector<16xi32>
        %or3A_2289 = arith.ori %gt3A_2287, %eq3A_2288 : vector<16xi1>
        %and3A_2290 = arith.andi %or3A_2289, %not3A_946 : vector<16xi1>
        %get3A_2291 = arith.constant 288 : index
        %get3A_2292 = tpu.vector_load %arg16[%get3A_2291] {strides = array<i32>} : memref<320xf32, #tpu.memory_space<vmem>>, vector<16xf32>,
        %or3A_2293 = arith.ori %or3A_2265, %and3A_2290 : vector<16xi1>
        %jit3A_2294 = arith.constant 0xFF800000 : f32
        %broadcast_in_dim3A_2295 = vector.broadcast %jit3A_2294 : f32 to vector<16xf32>
        %select_n3A_2296 = arith.select %or3A_2293, %broadcast_in_dim3A_2295, %get3A_2292 : vector<16xi1>, vector<16xf32>
        %swap3A_2297 = arith.constant 288 : index
        %swap3A_2298 = tpu.vector_load %arg16[%swap3A_2297] {strides = array<i32>} : memref<320xf32, #tpu.memory_space<vmem>>, vector<16xf32>,
        tpu.vector_store %arg16[%swap3A_2297], %select_n3A_2296 {strides = array<i32>} : memref<320xf32, #tpu.memory_space<vmem>>, vector<16xf32>,
        %get3A_2299 = arith.constant 304 : index
        %get3A_2300 = tpu.vector_load %arg12[%get3A_2299] {strides = array<i32>} : memref<320xf32, #tpu.memory_space<vmem>>, vector<16xf32>,
        %get3A_2301 = arith.constant 304 : index
        %get3A_2302 = tpu.vector_load %arg13[%get3A_2301] {strides = array<i32>} : memref<320xf32, #tpu.memory_space<vmem>>, vector<16xf32>,
        %get3A_2303 = arith.constant 304 : index
        %get3A_2304 = tpu.vector_load %arg14[%get3A_2303] {strides = array<i32>} : memref<320xf32, #tpu.memory_space<vmem>>, vector<16xf32>,
        %get3A_2305 = arith.constant 304 : index
        %get3A_2306 = tpu.vector_load %arg15[%get3A_2305] {strides = array<i32>} : memref<320xf32, #tpu.memory_space<vmem>>, vector<16xf32>,
        %get3A_2307 = arith.constant 304 : index
        %get3A_2308 = tpu.vector_load %arg17[%get3A_2307] {strides = array<i32>} : memref<320xf32, #tpu.memory_space<vmem>>, vector<16xf32>,
        %add3A_2309 = arith.constant 304 : i32
        %add3A_2310 = arith.addi %mul3A_2, %add3A_2309 : i32
        %broadcast_in_dim3A_2311 = vector.broadcast %add3A_2310 : i32 to vector<16xi32>
        %add3A_2312 = arith.addi %broadcast_in_dim3A_2311, %iota3A : vector<16xi32>
        %min3A_2313 = arith.minimumf %gather3A_915, %get3A_2304 : vector<16xf32>
        %max3A_2314 = arith.maximumf %gather3A_913, %get3A_2300 : vector<16xf32>
        %sub3A_2315 = arith.subf %min3A_2313, %max3A_2314 : vector<16xf32>
        %max3A_2316 = arith.constant 0.000000e+00 : f32
        %max3A_2317 = vector.broadcast %max3A_2316 : f32 to vector<16xf32>
        %max3A_2318 = arith.maximumf %sub3A_2315, %max3A_2317 : vector<16xf32>
        %min3A_2319 = arith.minimumf %gather3A_916, %get3A_2306 : vector<16xf32>
        %max3A_2320 = arith.maximumf %gather3A_914, %get3A_2302 : vector<16xf32>
        %sub3A_2321 = arith.subf %min3A_2319, %max3A_2320 : vector<16xf32>
        %max3A_2322 = arith.constant 0.000000e+00 : f32
        %max3A_2323 = vector.broadcast %max3A_2322 : f32 to vector<16xf32>
        %max3A_2324 = arith.maximumf %sub3A_2321, %max3A_2323 : vector<16xf32>
        %mul3A_2325 = arith.mulf %max3A_2318, %max3A_2324 : vector<16xf32>
        %add3A_2326 = arith.addf %mul3A_923, %get3A_2308 : vector<16xf32>
        %sub3A_2327 = arith.subf %add3A_2326, %mul3A_2325 : vector<16xf32>
        %add3A_2328 = arith.constant 9.99999971E-10 : f32
        %add3A_2329 = vector.broadcast %add3A_2328 : f32 to vector<16xf32>
        %add3A_2330 = arith.addf %sub3A_2327, %add3A_2329 : vector<16xf32>
        %div3A_2331 = arith.divf %mul3A_2325, %add3A_2330 : vector<16xf32>
        %gt3A_2332 = arith.constant 5.000000e-01 : f32
        %gt3A_2333 = vector.broadcast %gt3A_2332 : f32 to vector<16xf32>
        %gt3A_2334 = arith.cmpf ogt, %div3A_2331, %gt3A_2333 : vector<16xf32>
        %eq3A_2335 = arith.cmpi eq, %add3A_2312, %bitcast3A_907 : vector<16xi32>
        %or3A_2336 = arith.ori %gt3A_2334, %eq3A_2335 : vector<16xi1>
        %min3A_2337 = arith.minimumf %gather3A_919, %get3A_2304 : vector<16xf32>
        %max3A_2338 = arith.maximumf %gather3A_917, %get3A_2300 : vector<16xf32>
        %sub3A_2339 = arith.subf %min3A_2337, %max3A_2338 : vector<16xf32>
        %max3A_2340 = arith.constant 0.000000e+00 : f32
        %max3A_2341 = vector.broadcast %max3A_2340 : f32 to vector<16xf32>
        %max3A_2342 = arith.maximumf %sub3A_2339, %max3A_2341 : vector<16xf32>
        %min3A_2343 = arith.minimumf %gather3A_920, %get3A_2306 : vector<16xf32>
        %max3A_2344 = arith.maximumf %gather3A_918, %get3A_2302 : vector<16xf32>
        %sub3A_2345 = arith.subf %min3A_2343, %max3A_2344 : vector<16xf32>
        %max3A_2346 = arith.constant 0.000000e+00 : f32
        %max3A_2347 = vector.broadcast %max3A_2346 : f32 to vector<16xf32>
        %max3A_2348 = arith.maximumf %sub3A_2345, %max3A_2347 : vector<16xf32>
        %mul3A_2349 = arith.mulf %max3A_2342, %max3A_2348 : vector<16xf32>
        %add3A_2350 = arith.addf %mul3A_926, %get3A_2308 : vector<16xf32>
        %sub3A_2351 = arith.subf %add3A_2350, %mul3A_2349 : vector<16xf32>
        %add3A_2352 = arith.constant 9.99999971E-10 : f32
        %add3A_2353 = vector.broadcast %add3A_2352 : f32 to vector<16xf32>
        %add3A_2354 = arith.addf %sub3A_2351, %add3A_2353 : vector<16xf32>
        %div3A_2355 = arith.divf %mul3A_2349, %add3A_2354 : vector<16xf32>
        %gt3A_2356 = arith.constant 5.000000e-01 : f32
        %gt3A_2357 = vector.broadcast %gt3A_2356 : f32 to vector<16xf32>
        %gt3A_2358 = arith.cmpf ogt, %div3A_2355, %gt3A_2357 : vector<16xf32>
        %eq3A_2359 = arith.cmpi eq, %add3A_2312, %bitcast3A_912 : vector<16xi32>
        %or3A_2360 = arith.ori %gt3A_2358, %eq3A_2359 : vector<16xi1>
        %and3A_2361 = arith.andi %or3A_2360, %not3A_946 : vector<16xi1>
        %get3A_2362 = arith.constant 304 : index
        %get3A_2363 = tpu.vector_load %arg16[%get3A_2362] {strides = array<i32>} : memref<320xf32, #tpu.memory_space<vmem>>, vector<16xf32>,
        %or3A_2364 = arith.ori %or3A_2336, %and3A_2361 : vector<16xi1>
        %jit3A_2365 = arith.constant 0xFF800000 : f32
        %broadcast_in_dim3A_2366 = vector.broadcast %jit3A_2365 : f32 to vector<16xf32>
        %select_n3A_2367 = arith.select %or3A_2364, %broadcast_in_dim3A_2366, %get3A_2363 : vector<16xi1>, vector<16xf32>
        %swap3A_2368 = arith.constant 304 : index
        %swap3A_2369 = tpu.vector_load %arg16[%swap3A_2368] {strides = array<i32>} : memref<320xf32, #tpu.memory_space<vmem>>, vector<16xf32>,
        tpu.vector_store %arg16[%swap3A_2368], %select_n3A_2367 {strides = array<i32>} : memref<320xf32, #tpu.memory_space<vmem>>, vector<16xf32>,
        %eq3A_2370 = arith.constant 0 : i32
        %eq3A_2371 = arith.cmpi eq, %arg1, %eq3A_2370 : i32
        %convert_element_type3A_2372 = arith.extui %eq3A_2371 : i1 to i32
        %cond3A_2373 = arith.constant 0 : i32
        %cond3A_2374 = arith.cmpi ne, %convert_element_type3A_2372, %cond3A_2373 : i32
        scf.if %cond3A_2374 {
          %gt3A_2381 = arith.constant 0xFF800000 : f32
          %gt3A_2382 = vector.broadcast %gt3A_2381 : f32 to vector<16xf32>
          %gt3A_2383 = arith.cmpf ogt, %get3A_904, %gt3A_2382 : vector<16xf32>
          %eq3A_2384 = arith.constant 0 : i32
          %eq3A_2385 = vector.broadcast %eq3A_2384 : i32 to vector<16xi32>
          %eq3A_2386 = arith.cmpi eq, %iota3A, %eq3A_2385 : vector<16xi32>
          %eq3A_2387 = arith.constant 1 : i32
          %eq3A_2388 = vector.broadcast %eq3A_2387 : i32 to vector<16xi32>
          %eq3A_2389 = arith.cmpi eq, %iota3A, %eq3A_2388 : vector<16xi32>
          %eq3A_2390 = arith.constant 2 : i32
          %eq3A_2391 = vector.broadcast %eq3A_2390 : i32 to vector<16xi32>
          %eq3A_2392 = arith.cmpi eq, %iota3A, %eq3A_2391 : vector<16xi32>
          %eq3A_2393 = arith.constant 3 : i32
          %eq3A_2394 = vector.broadcast %eq3A_2393 : i32 to vector<16xi32>
          %eq3A_2395 = arith.cmpi eq, %iota3A, %eq3A_2394 : vector<16xi32>
          %eq3A_2396 = arith.constant 4 : i32
          %eq3A_2397 = vector.broadcast %eq3A_2396 : i32 to vector<16xi32>
          %eq3A_2398 = arith.cmpi eq, %iota3A, %eq3A_2397 : vector<16xi32>
          %jit3A_2399 = arith.constant 0.000000e+00 : f32
          %broadcast_in_dim3A_2400 = vector.broadcast %jit3A_2399 : f32 to vector<16xf32>
          %select_n3A_2401 = arith.select %eq3A_2398, %get3A_904, %broadcast_in_dim3A_2400 : vector<16xi1>, vector<16xf32>
          %select_n3A_2402 = arith.select %eq3A_2395, %gather3A_916, %select_n3A_2401 : vector<16xi1>, vector<16xf32>
          %select_n3A_2403 = arith.select %eq3A_2392, %gather3A_915, %select_n3A_2402 : vector<16xi1>, vector<16xf32>
          %select_n3A_2404 = arith.select %eq3A_2389, %gather3A_914, %select_n3A_2403 : vector<16xi1>, vector<16xf32>
          %select_n3A_2405 = arith.select %eq3A_2386, %gather3A_913, %select_n3A_2404 : vector<16xi1>, vector<16xf32>
          %jit3A_2406 = arith.constant 0.000000e+00 : f32
          %broadcast_in_dim3A_2407 = vector.broadcast %jit3A_2406 : f32 to vector<16xf32>
          %select_n3A_2408 = arith.select %gt3A_2383, %select_n3A_2405, %broadcast_in_dim3A_2407 : vector<16xi1>, vector<16xf32>
          %swap3A_2409 = arith.constant 0 : index
          %swap3A_2410 = tpu.vector_load %arg21[%swap3A_2409] {strides = array<i32>} : memref<16xf32, #tpu.memory_space<vmem>>, vector<16xf32>,
          tpu.vector_store %arg21[%swap3A_2409], %select_n3A_2408 {strides = array<i32>} : memref<16xf32, #tpu.memory_space<vmem>>, vector<16xf32>,
          "tpu.region"() ({
            %run_scoped3A = tpu.sem_alloc : memref<!tpu.dma_semaphore, #tpu.memory_space<semaphore_mem>>
            %dma_start3A = arith.constant 0 : i32
            %dma_start3A_2419 = tpu.memref_slice %arg7[%while3A_458, %dma_start3A] : memref<100x16xf32, #tpu.memory_space<hbm>> -> memref<1x16xf32, #tpu.memory_space<hbm>>
            %dma_start3A_2420 = tpu.memref_squeeze %dma_start3A_2419 : memref<1x16xf32, #tpu.memory_space<hbm>> -> memref<16xf32, #tpu.memory_space<hbm>>
            %dma_start3A_2421 = arith.constant 0 : i32
            %dma_start3A_2422 = tpu.memref_slice %arg7[%while3A_458, %dma_start3A_2421] : memref<100x16xf32, #tpu.memory_space<hbm>> -> memref<1x16xf32, #tpu.memory_space<hbm>>
            %dma_start3A_2423 = tpu.memref_squeeze %dma_start3A_2422 : memref<1x16xf32, #tpu.memory_space<hbm>> -> memref<16xf32, #tpu.memory_space<hbm>>
            tpu.enqueue_dma source(%arg21 : memref<16xf32, #tpu.memory_space<vmem>>) target(%dma_start3A_2423 : memref<16xf32, #tpu.memory_space<hbm>>) target_semaphore(%run_scoped3A : memref<!tpu.dma_semaphore, #tpu.memory_space<semaphore_mem>>)
            %dma_wait3A = arith.constant 0 : i32
            %dma_wait3A_2424 = tpu.memref_slice %arg7[%while3A_458, %dma_wait3A] : memref<100x16xf32, #tpu.memory_space<hbm>> -> memref<1x16xf32, #tpu.memory_space<hbm>>
            %dma_wait3A_2425 = tpu.memref_squeeze %dma_wait3A_2424 : memref<1x16xf32, #tpu.memory_space<hbm>> -> memref<16xf32, #tpu.memory_space<hbm>>
            %dma_wait3A_2426 = arith.constant 0 : i32
            %dma_wait3A_2427 = tpu.memref_slice %arg7[%while3A_458, %dma_wait3A_2426] : memref<100x16xf32, #tpu.memory_space<hbm>> -> memref<1x16xf32, #tpu.memory_space<hbm>>
            %dma_wait3A_2428 = tpu.memref_squeeze %dma_wait3A_2427 : memref<1x16xf32, #tpu.memory_space<hbm>> -> memref<16xf32, #tpu.memory_space<hbm>>
            tpu.wait_dma2 semaphore(%run_scoped3A : memref<!tpu.dma_semaphore, #tpu.memory_space<semaphore_mem>>) src(%arg21 : memref<16xf32, #tpu.memory_space<vmem>>) dst(%dma_wait3A_2428 : memref<16xf32, #tpu.memory_space<hbm>>)
            tpu.yield
          }) : () -> ()
          %add3A_2411 = arith.constant 1 : i32
          %add3A_2412 = arith.addi %while3A_458, %add3A_2411 : i32
          %lt3A_2413 = arith.constant 100 : i32
          %lt3A_2414 = arith.cmpi slt, %add3A_2412, %lt3A_2413 : i32
          %and3A_2415 = arith.andi %gt3A_949, %lt3A_2414 : i1
          %convert_element_type3A_2416 = arith.extui %and3A_2415 : i1 to i32
          %cond3A_2417 = arith.constant 0 : i32
          %cond3A_2418 = arith.cmpi ne, %convert_element_type3A_2416, %cond3A_2417 : i32
          scf.if %cond3A_2418 {
            %gt3A_2419 = arith.constant 0xFF800000 : f32
            %gt3A_2420 = vector.broadcast %gt3A_2419 : f32 to vector<16xf32>
            %gt3A_2421 = arith.cmpf ogt, %get3A_909, %gt3A_2420 : vector<16xf32>
            %eq3A_2422 = arith.constant 0 : i32
            %eq3A_2423 = vector.broadcast %eq3A_2422 : i32 to vector<16xi32>
            %eq3A_2424 = arith.cmpi eq, %iota3A, %eq3A_2423 : vector<16xi32>
            %eq3A_2425 = arith.constant 1 : i32
            %eq3A_2426 = vector.broadcast %eq3A_2425 : i32 to vector<16xi32>
            %eq3A_2427 = arith.cmpi eq, %iota3A, %eq3A_2426 : vector<16xi32>
            %eq3A_2428 = arith.constant 2 : i32
            %eq3A_2429 = vector.broadcast %eq3A_2428 : i32 to vector<16xi32>
            %eq3A_2430 = arith.cmpi eq, %iota3A, %eq3A_2429 : vector<16xi32>
            %eq3A_2431 = arith.constant 3 : i32
            %eq3A_2432 = vector.broadcast %eq3A_2431 : i32 to vector<16xi32>
            %eq3A_2433 = arith.cmpi eq, %iota3A, %eq3A_2432 : vector<16xi32>
            %eq3A_2434 = arith.constant 4 : i32
            %eq3A_2435 = vector.broadcast %eq3A_2434 : i32 to vector<16xi32>
            %eq3A_2436 = arith.cmpi eq, %iota3A, %eq3A_2435 : vector<16xi32>
            %jit3A_2437 = arith.constant 0.000000e+00 : f32
            %broadcast_in_dim3A_2438 = vector.broadcast %jit3A_2437 : f32 to vector<16xf32>
            %select_n3A_2439 = arith.select %eq3A_2436, %get3A_909, %broadcast_in_dim3A_2438 : vector<16xi1>, vector<16xf32>
            %select_n3A_2440 = arith.select %eq3A_2433, %gather3A_920, %select_n3A_2439 : vector<16xi1>, vector<16xf32>
            %select_n3A_2441 = arith.select %eq3A_2430, %gather3A_919, %select_n3A_2440 : vector<16xi1>, vector<16xf32>
            %select_n3A_2442 = arith.select %eq3A_2427, %gather3A_918, %select_n3A_2441 : vector<16xi1>, vector<16xf32>
            %select_n3A_2443 = arith.select %eq3A_2424, %gather3A_917, %select_n3A_2442 : vector<16xi1>, vector<16xf32>
            %jit3A_2444 = arith.constant 0.000000e+00 : f32
            %broadcast_in_dim3A_2445 = vector.broadcast %jit3A_2444 : f32 to vector<16xf32>
            %select_n3A_2446 = arith.select %gt3A_2421, %select_n3A_2443, %broadcast_in_dim3A_2445 : vector<16xi1>, vector<16xf32>
            %swap3A_2447 = arith.constant 0 : index
            %swap3A_2448 = tpu.vector_load %arg21[%swap3A_2447] {strides = array<i32>} : memref<16xf32, #tpu.memory_space<vmem>>, vector<16xf32>,
            tpu.vector_store %arg21[%swap3A_2447], %select_n3A_2446 {strides = array<i32>} : memref<16xf32, #tpu.memory_space<vmem>>, vector<16xf32>,
            %add3A_2449 = arith.constant 1 : i32
            %add3A_2450 = arith.addi %while3A_458, %add3A_2449 : i32
            "tpu.region"() ({
              %run_scoped3A = tpu.sem_alloc : memref<!tpu.dma_semaphore, #tpu.memory_space<semaphore_mem>>
              %dma_start3A = arith.constant 0 : i32
              %dma_start3A_2451 = tpu.memref_slice %arg7[%add3A_2450, %dma_start3A] : memref<100x16xf32, #tpu.memory_space<hbm>> -> memref<1x16xf32, #tpu.memory_space<hbm>>
              %dma_start3A_2452 = tpu.memref_squeeze %dma_start3A_2451 : memref<1x16xf32, #tpu.memory_space<hbm>> -> memref<16xf32, #tpu.memory_space<hbm>>
              %dma_start3A_2453 = arith.constant 0 : i32
              %dma_start3A_2454 = tpu.memref_slice %arg7[%add3A_2450, %dma_start3A_2453] : memref<100x16xf32, #tpu.memory_space<hbm>> -> memref<1x16xf32, #tpu.memory_space<hbm>>
              %dma_start3A_2455 = tpu.memref_squeeze %dma_start3A_2454 : memref<1x16xf32, #tpu.memory_space<hbm>> -> memref<16xf32, #tpu.memory_space<hbm>>
              tpu.enqueue_dma source(%arg21 : memref<16xf32, #tpu.memory_space<vmem>>) target(%dma_start3A_2455 : memref<16xf32, #tpu.memory_space<hbm>>) target_semaphore(%run_scoped3A : memref<!tpu.dma_semaphore, #tpu.memory_space<semaphore_mem>>)
              %dma_wait3A = arith.constant 0 : i32
              %dma_wait3A_2456 = tpu.memref_slice %arg7[%add3A_2450, %dma_wait3A] : memref<100x16xf32, #tpu.memory_space<hbm>> -> memref<1x16xf32, #tpu.memory_space<hbm>>
              %dma_wait3A_2457 = tpu.memref_squeeze %dma_wait3A_2456 : memref<1x16xf32, #tpu.memory_space<hbm>> -> memref<16xf32, #tpu.memory_space<hbm>>
              %dma_wait3A_2458 = arith.constant 0 : i32
              %dma_wait3A_2459 = tpu.memref_slice %arg7[%add3A_2450, %dma_wait3A_2458] : memref<100x16xf32, #tpu.memory_space<hbm>> -> memref<1x16xf32, #tpu.memory_space<hbm>>
              %dma_wait3A_2460 = tpu.memref_squeeze %dma_wait3A_2459 : memref<1x16xf32, #tpu.memory_space<hbm>> -> memref<16xf32, #tpu.memory_space<hbm>>
              tpu.wait_dma2 semaphore(%run_scoped3A : memref<!tpu.dma_semaphore, #tpu.memory_space<semaphore_mem>>) src(%arg21 : memref<16xf32, #tpu.memory_space<vmem>>) dst(%dma_wait3A_2460 : memref<16xf32, #tpu.memory_space<hbm>>)
              tpu.yield
            }) : () -> ()
          } else {
          }
        } else {
        }
        %jit3A_2375 = arith.constant 2 : i32
        %jit3A_2376 = arith.constant 1 : i32
        %select_n3A_2377 = arith.select %gt3A_949, %jit3A_2375, %jit3A_2376 : i32
        %add3A_2378 = arith.addi %while3A_458, %select_n3A_2377 : i32
        %add3A_2379 = arith.constant 1 : i32
        %add3A_2380 = arith.addi %while3A_459, %add3A_2379 : i32
        scf.yield %add3A_2378, %add3A_2380 : i32, i32
      }
    } else {
    }
    return
  }
}

</mosaic_0001>

<sc_bundles>
// kernel: kernel.3.cloned.1.call-start
scs
__scs_entry_jumppad:
0x0: {  	(pc) =	sbr.rel $0x88, $3  }
0x1: {  	(tag) =	ssettag $0x0;
	lr =	simm.s32 $0x1  }
0x2: {  	[smem:$0x3F9F] =	sst lr;
	_ =	strace $0xD0000000  }
0x3: {  	_ = 	snop  }
0x4: {  	_ = 	snop  }
0x5: {  	_ = 	snop  }
0x6: {  	_ = 	snop  }
0x7: {  	_ = 	snop  }
__scs_overlays_trampoline_lowered:
0x8: {  	[smem:$0x3FAE] =	sst s0  }
0x9: {  	[smem:$0x3FAF] =	sst s1  }
0xa: {  	[smem:$0x3FB0] =	sst s2  }
0xb: {  	[smem:$0x3FB1] =	sst s3  }
0xc: {  	[smem:$0x3FB2] =	sst s4  }
0xd: {  	[smem:$0x3FB3] =	sst s5  }
0xe: {  	[smem:$0x3FB4] =	sst s6  }
0xf: {  	[smem:$0x3FB5] =	sst s7  }
0x10: {  	[smem:$0x3FB6] =	sst s8  }
0x11: {  	[smem:$0x3FB7] =	sst s9;
	s0 =	simm.s32 @!p0 $0x0  }
0x12: {  	s1 =	sld [smem:$0x3F9D];
	s0 =	simm.s32 @p0 $0x1  }
0x13: {  	[smem:$0x3FB8] =	sst s0;
	s0 =	simm.s32 @!p1 $0x0  }
0x14: {  	s2 =	sld [smem:$0x3F9C];
	s0 =	simm.s32 @p1 $0x1  }
0x15: {  	[smem:$0x3FB9] =	sst s0;
	s0 =	simm.s32 @!p2 $0x0  }
0x16: {  	s3 =	sld [smem:$0x3FDB];
	s0 =	simm.s32 @p2 $0x1  }
0x17: {  	s4 =	simm.s32 $0x1BF5;
	[smem:$0x3FBB] =	sst s0  }
0x18: {  	s0 =	sld [smem:$0x3F9E];
	_ =	swait.ge [sflag:s4], $0x0  }
0x19: {  	s7 =	sld [smem:$0x3F9F]  }
0x1a: {  	s8 =	sadd.s32 $0xFFFFE003, lr  }
0x1b: {  	s9 =	sadd.s32 $0xFFFFFEF7, lr;
	s5 =	simm.s32 $0xFFFFFFFF;
	p2 =	slt.u32 s8, $0xFFFFF086  }
0x1c: {  	p1 =	slt.u32 s9, $0xF7A;
	s5 =	simm.s32 @!p2 $0x0  }
0x1d: {  	s5 =	simm.s32 @p1 $0x1;
	p0 =	seq.s32 s7, s2  }
0x1e: {  	s7 =	smul.u32 @!p0 $0xF7A, s2;
	p2 =	seq.s32 @!p0 s5, $0x0  }
0x1f: {  	s9 =	smul.u32 $0xF7A, s1;
	s8 =	simm.s32 @!p0 $0x1BF5;
	p2 =	por !p2, p0  }
0x20: {  	[sflag:s8] =	ssyncset.s32 @!p0 $0xFFFFF086;
	s6 =	sadd.s32 @!p0 s3, s7;
	s7 =	simm.s32 @!p0 $0x108  }
0x21: {  	s3 =	sadd.s32 s3, s9;
	s6 =	sadd.s32 @!p0 $0x88, s6;
	s7 =	simm.s32 @p2 $0x1082  }
0x22: {  	[simem:s7], [sflag:s8] =	dma.local @!p0 [hbm:s6], $0xF7A  }
0x23: {  	s9 =	sor.u32 $0xD0000000, s2;
	s6 =	simm.s32 $0x108;
	_ =	swait.ge @!p0 [sflag:s8], $0x0  }
0x24: {  	s3 =	sadd.s32 $0x88, s3;
	s6 =	simm.s32 @!p1 $0x1082;
	[sflag:s4] =	ssyncset.s32 $0xFFFFF086  }
0x25: {  	[simem:s6], [sflag:s4] =	dma.local [hbm:s3], $0xF7A  }
0x26: {  	[smem:$0x3F9F] =	sst s1;
	(tag) =	ssettag s2;
	_ =	strace s9  }
0x27: {  	s1 =	sld [smem:$0x3FAF]  }
0x28: {  	s2 =	sld [smem:$0x3FB0]  }
0x29: {  	s4 =	sld [smem:$0x3FB2]  }
0x2a: {  	p0 =	seq.s32 s5, $0x0;
	s5 =	sld [smem:$0x3FB3]  }
0x2b: {  	s6 =	sld [smem:$0x3FB4]  }
0x2c: {  	s7 =	sld [smem:$0x3FB5]  }
0x2d: {  	s3 =	simm.s32 $0x108;
	s8 =	sld [smem:$0x3FB6]  }
0x2e: {  	s3 =	simm.s32 @!p0 $0x1082;
	s9 =	sld [smem:$0x3FB7]  }
0x2f: {  	lr =	sadd.s32 s0, s3;
	s0 =	sld [smem:$0x3FAE]  }
0x30: {  	s3 =	sld [smem:$0x3FB1]  }
0x31: {  	[smem:$0x3FBA] =	sst s10  }
0x32: {  	s10 =	sld [smem:$0x3FB8];
	_ =	sdelay $0x3  }
0x33: {  	p0 =	seq.s32 s10, $0x1;
	s10 =	sld [smem:$0x3FBA];
	_ =	sdelay $0x3  }
0x34: {  	[smem:$0x3FBA] =	sst s10  }
0x35: {  	s10 =	sld [smem:$0x3FB9];
	_ =	sdelay $0x3  }
0x36: {  	p1 =	seq.s32 s10, $0x1;
	s10 =	sld [smem:$0x3FBA];
	_ =	sdelay $0x3  }
0x37: {  	[smem:$0x3FBA] =	sst s10  }
0x38: {  	s10 =	sld [smem:$0x3FBB]  }
0x39: {  	_ = 	snop;
	(pc) =	sbr.ind lr, $3  }
0x3a: {  	_ = 	snop  }
0x3b: {  	_ = 	snop  }
0x3c: {  	p2 =	seq.s32 s10, $0x1;
	s10 =	sld [smem:$0x3FBA]  }
0x3d: {  	_ =	shalt  }
0x3e: {  	_ =	shalt  }
0x3f: {  	_ =	shalt  }
0x40: {  	_ =	shalt  }
0x41: {  	_ =	shalt  }
0x42: {  	_ =	shalt  }
0x43: {  	_ =	shalt  }
0x44: {  	_ =	shalt  }
0x45: {  	_ =	shalt  }
0x46: {  	_ =	shalt  }
0x47: {  	_ =	shalt  }
0x48: {  	_ =	shalt  }
0x49: {  	_ =	shalt  }
0x4a: {  	_ =	shalt  }
0x4b: {  	_ =	shalt  }
0x4c: {  	_ =	shalt  }
0x4d: {  	_ =	shalt  }
0x4e: {  	_ =	shalt  }
0x4f: {  	_ =	shalt  }
0x50: {  	_ =	shalt  }
0x51: {  	_ =	shalt  }
0x52: {  	_ =	shalt  }
0x53: {  	_ =	shalt  }
0x54: {  	_ =	shalt  }
0x55: {  	_ =	shalt  }
0x56: {  	_ =	shalt  }
0x57: {  	_ =	shalt  }
0x58: {  	_ =	shalt  }
0x59: {  	_ =	shalt  }
0x5a: {  	_ =	shalt  }
0x5b: {  	_ =	shalt  }
0x5c: {  	_ =	shalt  }
0x5d: {  	_ =	shalt  }
0x5e: {  	_ =	shalt  }
0x5f: {  	_ =	shalt  }
0x60: {  	_ =	shalt  }
0x61: {  	_ =	shalt  }
0x62: {  	_ =	shalt  }
0x63: {  	_ =	shalt  }
0x64: {  	_ =	shalt  }
0x65: {  	_ =	shalt  }
0x66: {  	_ =	shalt  }
0x67: {  	_ =	shalt  }
0x68: {  	_ =	shalt  }
0x69: {  	_ =	shalt  }
0x6a: {  	_ =	shalt  }
0x6b: {  	_ =	shalt  }
0x6c: {  	_ =	shalt  }
0x6d: {  	_ =	shalt  }
0x6e: {  	_ =	shalt  }
0x6f: {  	_ =	shalt  }
0x70: {  	_ =	shalt  }
0x71: {  	_ =	shalt  }
0x72: {  	_ =	shalt  }
0x73: {  	_ =	shalt  }
0x74: {  	_ =	shalt  }
0x75: {  	_ =	shalt  }
0x76: {  	_ =	shalt  }
0x77: {  	_ =	shalt  }
0x78: {  	_ =	shalt  }
0x79: {  	_ =	shalt  }
0x7a: {  	_ =	shalt  }
0x7b: {  	_ =	shalt  }
0x7c: {  	_ =	shalt  }
0x7d: {  	_ =	shalt  }
0x7e: {  	_ =	shalt  }
0x7f: {  	_ =	shalt  }
0x80: {  	_ =	shalt  }
0x81: {  	_ =	shalt  }
0x82: {  	_ =	shalt  }
0x83: {  	_ =	shalt  }
0x84: {  	_ =	shalt  }
0x85: {  	_ =	shalt  }
0x86: {  	_ =	shalt  }
0x87: {  	_ =	shalt  }
.Lfunc_end0:
.L_simem_size_0:
called_computation_lowered:
.L_overlay_start_0:
0x88: {  	s2 =	sld [smem:$0x3FD9]  }
0x89: {  	s3 =	sld [smem:$0x3FFE];
	_ =	sdelay $0x1  }
0x8a: {  	s1 =	srdreg.scid  }
0x8b: {  	s0 =	sand.u32 $0x1, s1  }
0x8c: {  	s16 =	sshll.u32 s0, $0xA;
	s2 =	sadd.s32 s3, s2  }
0x8d: {  	s2 =	sadd.s32 s2, s16  }
0x8e: {  	[smem:$0x3FC6] =	sst s2  }
0x8f: {  	_ = 	snop  }
0x90: {  	(tm) =	ssettm $0x1  }
0x91: {  	s17 =	sld [smem:$0x3FFB];
	_ =	sdelay $0x3  }
0x92: {  	_ =	strace s17  }
0x93: {  	s2 =	sld [smem:$0x3FFC];
	_ =	sdelay $0x3  }
0x94: {  	_ =	strace s2  }
0x95: {  	s2 =	sld [smem:$0x3FFD];
	_ =	sdelay $0x3  }
0x96: {  	_ =	strace s2  }
0x97: {  	_ =	strace $0x8FFFFFFF  }
0x98: {  	s18 =	sld [smem:$0x3FDB];
	_ =	sdelay $0x1  }
0x99: {  	s19 =	simm.s32 $_scs_section_size  }
0x9a: {  	s4 =	simm.s32 $_size__tile_overlayer_lowered;
	s5 =	simm.s32 $_tile_overlayer_lowered  }
0x9b: {  	s22 =	simm.s32 $0x1BFF;
	s21 =	sshll.u32 s5, $0x1;
	s2 =	sadd.s32 s19, s18  }
0x9c: {  	s6 =	simm.s32 $0x0;
	s20 =	sshll.u32 s4, $0x1;
	s4 =	sadd.s32 s21, s2  }
0x9d: {  	[timem:s6], [sflag:s22] =	dma.local [hbm:s4], s20  }
0x9e: {  	_ =	swait.ge [sflag:s22], s20  }
0x9f: {  	s3 =	ssub.s32 $0x0, s20;
	[sflag:s22] =	ssyncset.done $0x0  }
0xa0: {  	[sflag:s22] =	ssyncadd.s32 s3;
	_ =	sdelay $0x1  }
0xa1: {  	s23 =	simm.s32 $0x1B8B  }
0xa2: {  	_ =	swait.ge [sflag:s23], $0x1  }
0xa3: {  	[sflag:s23] =	ssyncset.done $0x0  }
0xa4: {  	s25 =	simm.s32 $0x1B8E;
	s24 =	sld [smem:$0x3FFE];
	[sflag:s23] =	ssyncadd.s32 $0xFFFFFFFF  }
0xa5: {  	s26 =	simm.s32 $execute0_lowered;
	[smem:$0x3FD2] =	sst s25  }
0xa6: {  	s4 =	sshll.u32 s26, $0x1;
	_ =	strace $0x80000046;
	[dreg:$0x1] =	wrdreg $0xFFFFFFFF  }
0xa7: {  	s28 =	simm.s32 $_size_execute0_lowered;
	s2 =	sadd.s32 s2, s4;
	[dreg:$0x0] =	wrdreg $0x0  }
0xa8: {  	s4 =	sshll.u32 s28, $0x1;
	[dreg:$0x2] =	wrdreg s2  }
0xa9: {  	[dreg:$0x3] =	wrdreg s4  }
0xaa: {  	[dreg:$0x4] =	wrdreg $0xC0  }
0xab: {  	_ =	task [dreg:s6], $0x5FFFF  }
0xac: {  	[dreg:$0x1] =	wrdreg $0xFFFFFFFF  }
0xad: {  	[dreg:$0x0] =	wrdreg $0x60  }
0xae: {  	[dreg:$0x2] =	wrdreg s24  }
0xaf: {  	[dreg:$0x3] =	wrdreg $0x5E800  }
0xb0: {  	[dreg:$0x4] =	wrdreg $0x5EC00  }
0xb1: {  	[dreg:$0x5] =	wrdreg $0x9  }
0xb2: {  	_ =	task.clear_ibuf [dreg:s6], $0x6FFFF;
	_ =	strace $0x90000046  }
0xb3: {  	s29 =	simm.s32 $0x9;
	_ =	strace $0x80000048  }
0xb4: {  	_ =	swait.ge [sflag:s29], $0x1  }
0xb5: {  	[sflag:s29] =	ssyncadd.s32 $0xFFFFFFFF  }
0xb6: {  	_ =	strace $0x90000048  }
0xb7: {  	_ =	sfence  }
0xb8: {  	s30 =	sld [smem:$0x0];
	_ =	sdelay $0x2  }
0xb9: {  	s31 =	sshll.u32 s1, $0xD;
	s1 =	sshrl.u32 s1, $0x2  }
0xba: {  	s3 =	sand.u32 $0x4000, s31;
	s1 =	sadd.s32 s1, s30  }
0xbb: {  	s0 =	sor.u32 s3, s0;
	s1 =	sshll.u32 s1, $0x11  }
0xbc: {  	s0 =	sor.u32 s1, s0  }
0xbd: {  	s0 =	sadd.s32 $0x8F2B, s0  }
0xbe: {  	[sflag:s0] =	ssyncadd.remote.s32 $0x1  }
0xbf: {  	_ =	sfence.sel $0xFFFF  }
0xc0: {  	[dreg:$0x0] =	wrdreg $0xFFFFFFFF;
	(pc) =	sbr.abs _section_cstart, $3  }
0xc1: {  	[dreg:$0x1] =	wrdreg $0xFFFFFFFF  }
0xc2: {  	_ =	task.clear_ibuf [dreg:s6], $0x2FFFF;
	_ =	strace $0x9FFFFFFF  }
0xc3: {  	(tm) =	ssettm $0x7FFFFFFF  }
tec
execute0_lowered:
.L_overlay_start_1:
0x0: {  	(tag) =	ssettag $0x1  }
0x1: {  	s4 =	srdreg.scid  }
0x2: {  	s4 =	sand.u32 $0x1, s4  }
0x3: {  	p0 =	seq.s32 s4, $0x1  }
.Ltmp0:
0x4: {  	s11 =	rddreg [dreg:$0x0];
	(pc) =	sbr.rel @p0 .LBB2_5-.Ltmp0, $4  }
0x5: {  	s1 =	rddreg [dreg:$0x1]  }
0x6: {  	s2 =	rddreg [dreg:$0x2];
	s3 =	simm.s32 $0x0  }
0x7: {  	[smem:$0x7FF] =	sst s3  }
0x8: {  	s0 =	rddreg [dreg:$0x3];
	_ =	strace $0x80000047;
	s4 =	stileid.u32  }
0x9: {  	s10 =	sadd.s32 $0x1400, s11;
	s5 =	simm.s32 $0x1  }
0xa: {  	[tilespmem:s3], [sflag:$0x1] =	stream.linear.gather [hbm4b:s10+s3], $0x1400, $0x38;
	[tilespmem:$0x5EC8] =	vst v63  }
0xb: {  	_ =	swait.ge [sflag:s5], $0x1400  }
0xc: {  	[sflag:s5] =	ssyncset.done $0x0  }
0xd: {  	s12 =	sadd.s32 $0xC00, s11;
	s6 =	simm.s32 $0x1400;
	[sflag:s5] =	ssyncadd.s32 $0xFFFFEC00  }
0xe: {  	[tilespmem:s6], [sflag:$0x1] =	stream.linear.gather [hbm4b:s12+s3], $0x1400, $0x38;
	[tilespmem:$0x5EC8] =	vst v63  }
0xf: {  	_ =	swait.ge [sflag:s5], $0x1400  }
0x10: {  	[sflag:s5] =	ssyncset.done $0x0  }
0x11: {  	s13 =	sadd.s32 $0x1000, s11;
	s7 =	simm.s32 $0x2800;
	[sflag:s5] =	ssyncadd.s32 $0xFFFFEC00  }
0x12: {  	[tilespmem:s7], [sflag:$0x1] =	stream.linear.gather [hbm4b:s13+s3], $0x1400, $0x38;
	[tilespmem:$0x5EC8] =	vst v63  }
0x13: {  	_ =	swait.ge [sflag:s5], $0x1400  }
0x14: {  	s14 =	sadd.s32 $0x800, s11;
	[sflag:s5] =	ssyncset.done $0x0  }
0x15: {  	s9 =	smul.u32 $0x140, s4;
	s8 =	simm.s32 $0x3C00;
	[sflag:s5] =	ssyncadd.s32 $0xFFFFEC00  }
0x16: {  	[tilespmem:s8], [sflag:$0x1] =	stream.linear.gather [hbm4b:s14+s3], $0x1400, $0x38;
	[tilespmem:$0x5EC8] =	vst v63  }
0x17: {  	_ =	swait.ge [sflag:s5], $0x1400  }
0x18: {  	s15 =	sshrl.u32 s9, $0x3;
	[sflag:s5] =	ssyncset.done $0x0  }
0x19: {  	s16 =	simm.s32 $0x5000;
	s10 =	sadd.s32 s10, s15;
	[sflag:s5] =	ssyncadd.s32 $0xFFFFEC00  }
0x1a: {  	[tilespmem:s16], [sflag:$0x1] =	stream.linear.gather [hbm4b:s10+s3], $0x140, $0x38;
	[tilespmem:$0x5EC8] =	vst v63  }
0x1b: {  	_ =	swait.ge [sflag:s5], $0x140  }
0x1c: {  	[sflag:s5] =	ssyncset.done $0x0  }
0x1d: {  	s23 =	simm.s32 $0x5180;
	s22 =	sadd.s32 s12, s15;
	[sflag:s5] =	ssyncadd.s32 $0xFFFFFEC0  }
0x1e: {  	[tilespmem:s23], [sflag:$0x1] =	stream.linear.gather [hbm4b:s22+s3], $0x140, $0x38;
	[tilespmem:$0x5EC8] =	vst v63  }
0x1f: {  	_ =	swait.ge [sflag:s5], $0x140  }
0x20: {  	[sflag:s5] =	ssyncset.done $0x0  }
0x21: {  	s25 =	simm.s32 $0x5300;
	s24 =	sadd.s32 s13, s15;
	[sflag:s5] =	ssyncadd.s32 $0xFFFFFEC0  }
0x22: {  	[tilespmem:s25], [sflag:$0x1] =	stream.linear.gather [hbm4b:s24+s3], $0x140, $0x38;
	[tilespmem:$0x5EC8] =	vst v63  }
0x23: {  	_ =	swait.ge [sflag:s5], $0x140  }
0x24: {  	[sflag:s5] =	ssyncset.done $0x0  }
0x25: {  	s28 =	simm.s32 $0x5480;
	s26 =	sadd.s32 s14, s15;
	[sflag:s5] =	ssyncadd.s32 $0xFFFFFEC0  }
0x26: {  	[tilespmem:s28], [sflag:$0x1] =	stream.linear.gather [hbm4b:s26+s3], $0x140, $0x38;
	[tilespmem:$0x5EC8] =	vst v63  }
0x27: {  	_ =	swait.ge [sflag:s5], $0x140  }
0x28: {  	s29 =	sadd.s32 $0x1800, s11;
	[sflag:s5] =	ssyncset.done $0x0  }
0x29: {  	s30 =	simm.s32 $0x5600;
	s10 =	sadd.s32 s29, s15;
	[sflag:s5] =	ssyncadd.s32 $0xFFFFFEC0  }
0x2a: {  	[tilespmem:s30], [sflag:$0x1] =	stream.linear.gather [hbm4b:s10+s3], $0x140, $0x38;
	[tilespmem:$0x5EC8] =	vst v63  }
0x2b: {  	_ =	swait.ge [sflag:s5], $0x140  }
0x2c: {  	[sflag:s5] =	ssyncset.done $0x0  }
0x2d: {  	[sflag:s5] =	ssyncadd.s32 $0xFFFFFEC0  }
0x2e: {  	v1 =	vld [tilespmem:$0x5600]  }
0x2f: {  	v0 =	vld [tilespmem:$0x5300]  }
0x30: {  	v2 =	vld [tilespmem:$0x5000]  }
0x31: {  	v3 =	vld [tilespmem:$0x5480]  }
0x32: {  	v4 =	vld [tilespmem:$0x5180]  }
0x33: {  	v5 =	vld [tilespmem:$0x5610]  }
0x34: {  	v6 =	vld [tilespmem:$0x5310]  }
0x35: {  	v7 =	vld [tilespmem:$0x5010]  }
0x36: {  	v8 =	vld [tilespmem:$0x5490]  }
0x37: {  	v10 =	vld [tilespmem:$0x5190]  }
0x38: {  	v20 =	vld [tilespmem:$0x5620]  }
0x39: {  	v21 =	vld [tilespmem:$0x5320]  }
0x3a: {  	v22 =	vld [tilespmem:$0x5020]  }
0x3b: {  	v23 =	vld [tilespmem:$0x54A0]  }
0x3c: {  	v24 =	vld [tilespmem:$0x51A0]  }
0x3d: {  	v25 =	vld [tilespmem:$0x5630]  }
0x3e: {  	v26 =	vld [tilespmem:$0x5330]  }
0x3f: {  	v27 =	vld [tilespmem:$0x5030]  }
0x40: {  	v28 =	vld [tilespmem:$0x54B0]  }
0x41: {  	v29 =	vld [tilespmem:$0x51B0]  }
0x42: {  	v9 =	vld [tilespmem:$0x5640]  }
0x43: {  	v30 =	vld [tilespmem:$0x5340]  }
0x44: {  	v31 =	vld [tilespmem:$0x5040]  }
0x45: {  	v32 =	vld [tilespmem:$0x54C0]  }
0x46: {  	v33 =	vld [tilespmem:$0x51C0]  }
0x47: {  	v11 =	vld [tilespmem:$0x5650]  }
0x48: {  	v34 =	vld [tilespmem:$0x5350]  }
0x49: {  	v35 =	vld [tilespmem:$0x5050]  }
0x4a: {  	v36 =	vld [tilespmem:$0x54D0]  }
0x4b: {  	v37 =	vld [tilespmem:$0x51D0]  }
0x4c: {  	v12 =	vld [tilespmem:$0x5660]  }
0x4d: {  	v38 =	vld [tilespmem:$0x5360]  }
0x4e: {  	v39 =	vld [tilespmem:$0x5060]  }
0x4f: {  	v40 =	vld [tilespmem:$0x54E0]  }
0x50: {  	v41 =	vld [tilespmem:$0x51E0]  }
0x51: {  	v13 =	vld [tilespmem:$0x5670]  }
0x52: {  	v42 =	vld [tilespmem:$0x5370]  }
0x53: {  	v43 =	vld [tilespmem:$0x5070]  }
0x54: {  	v44 =	vld [tilespmem:$0x54F0]  }
0x55: {  	v45 =	vld [tilespmem:$0x51F0]  }
0x56: {  	v14 =	vld [tilespmem:$0x5680]  }
0x57: {  	v46 =	vld [tilespmem:$0x5380]  }
0x58: {  	v47 =	vld [tilespmem:$0x5080]  }
0x59: {  	v48 =	vld [tilespmem:$0x5500]  }
0x5a: {  	v49 =	vld [tilespmem:$0x5200]  }
0x5b: {  	v15 =	vld [tilespmem:$0x5690]  }
0x5c: {  	v50 =	vld [tilespmem:$0x5390]  }
0x5d: {  	v51 =	vld [tilespmem:$0x5090]  }
0x5e: {  	v52 =	vld [tilespmem:$0x5510]  }
0x5f: {  	v53 =	vld [tilespmem:$0x5210]  }
0x60: {  	v16 =	vld [tilespmem:$0x56A0]  }
0x61: {  	v54 =	vld [tilespmem:$0x53A0]  }
0x62: {  	v55 =	vld [tilespmem:$0x50A0]  }
0x63: {  	v56 =	vld [tilespmem:$0x5520]  }
0x64: {  	v57 =	vld [tilespmem:$0x5220]  }
0x65: {  	v17 =	vld [tilespmem:$0x56B0]  }
0x66: {  	v58 =	vld [tilespmem:$0x53B0]  }
0x67: {  	v59 =	vld [tilespmem:$0x50B0]  }
0x68: {  	v60 =	vld [tilespmem:$0x5530]  }
0x69: {  	v61 =	vld [tilespmem:$0x5230]  }
0x6a: {  	v19 =	vld [tilespmem:$0x5540]  }
0x6b: {  	v18 =	vld [tilespmem:$0x56C0]  }
0x6c: {  	v62 =	vld [tilespmem:$0x53C0]  }
0x6d: {  	v63 =	vld [tilespmem:$0x50C0]  }
0x6e: {  	v0 =	vsub.f32 v0, v2;
	v2 =	vsub.f32 v3, v4;
	v3 =	vld [tilespmem:$0x5240]  }
0x6f: {  	[tilespmem:$0x1FFD0] =	vst v19;
	v4 =	vsub.f32 v8, v10;
	v19 =	vld [tilespmem:$0x56D0]  }
0x70: {  	v10 =	vld [tilespmem:$0x53D0];
	v8 =	vsub.f32 v28, v29;
	vm0 =	vgt.f32 v1, $5.000000070e-02;
	vm4 =	vgt.f32 v14, $5.000000070e-02  }
0x71: {  	v28 =	vld [tilespmem:$0x56E0];
	vm12 =	vgt.f32 v9, $5.000000070e-02;
	vm13 =	vgt.f32 v11, $5.000000070e-02;
	v14 =	vnsel vm4, $0xFF800000, v14  }
0x72: {  	vm7 =	vgt.f32 v17, $5.000000070e-02;
	v2 =	vmul.f32 v2, v0;
	v0 =	vsub.f32 v26, v27;
	v26 =	vld [tilespmem:$0x5250];
	[tilespmem:$0x5680] =	vst v14  }
0x73: {  	vm14 =	vgt.f32 v12, $5.000000070e-02;
	v14 =	vnsel vm7, $0xFF800000, v17;
	v17 =	vld [tilespmem:$0x5120];
	[tilespmem:$0x1FFE0] =	vst v3;
	v3 =	vsub.f32 v6, v7  }
0x74: {  	v1 =	vnsel vm0, $0xFF800000, v1;
	v6 =	vsub.f32 v21, v22;
	v7 =	vsub.f32 v23, v24;
	v21 =	vld [tilespmem:$0x50D0]  }
0x75: {  	v9 =	vnsel vm12, $0xFF800000, v9;
	v27 =	vsub.f32 v40, v41;
	v22 =	vsub.f32 v32, v33;
	v23 =	vld [tilespmem:$0x5550]  }
0x76: {  	v24 =	vsub.f32 v36, v37;
	v32 =	vld [tilespmem:$0x50E0];
	v6 =	vmul.f32 v7, v6;
	v7 =	vsub.f32 v34, v35  }
0x77: {  	v8 =	vmul.f32 v8, v0;
	v4 =	vmul.f32 v4, v3;
	v3 =	vsub.f32 v30, v31;
	v30 =	vld [tilespmem:$0x53E0]  }
0x78: {  	[tilespmem:$0x5600] =	vst v1;
	v0 =	vsub.f32 v38, v39;
	v34 =	vld [tilespmem:$0x56F0];
	v24 =	vmul.f32 v24, v7;
	v7 =	vsub.f32 v46, v47  }
0x79: {  	v11 =	vnsel vm13, $0xFF800000, v11;
	[tilespmem:$0x5640] =	vst v9;
	v47 =	vsub.f32 v48, v49;
	v48 =	vsub.f32 v50, v51;
	v50 =	vld [tilespmem:$0x5560]  }
0x7a: {  	v29 =	vsub.f32 v44, v45;
	vm15 =	vgt.f32 v13, $5.000000070e-02;
	v12 =	vnsel vm14, $0xFF800000, v12;
	[tilespmem:$0x5650] =	vst v11;
	v51 =	vld [tilespmem:$0x5260]  }
0x7b: {  	[tilespmem:$0x5660] =	vst v12;
	v27 =	vmul.f32 v27, v0;
	v0 =	vmov s9;
	v49 =	vsub.f32 v52, v53;
	v52 =	vld [tilespmem:$0x53F0]  }
0x7c: {  	s31 =	sor.u32 $0x10, s9;
	v12 =	vnsel vm15, $0xFF800000, v13;
	[tilespmem:$0x1FFB0] =	vst v0;
	v0 =	vlaneseq.u32;
	v53 =	vsub.f32 v56, v57;
	v56 =	vld [tilespmem:$0x5570]  }
0x7d: {  	vm9 =	vgt.f32 v5, $5.000000070e-02;
	vm10 =	vgt.f32 v20, $5.000000070e-02;
	[tilespmem:$0x5670] =	vst v12;
	v1 =	vor.u32 s31, v0;
	v57 =	vld [tilespmem:$0x5270]  }
0x7e: {  	vm11 =	vgt.f32 v25, $5.000000070e-02;
	v22 =	vmul.f32 v22, v3;
	v3 =	vsub.f32 v42, v43;
	[tilespmem:$0x1FFC0] =	vst v1;
	v1 =	vld [tilespmem:$0x1FFD0]  }
0x7f: {  	vm5 =	vgt.f32 v15, $5.000000070e-02;
	[tilespmem:$0x56B0] =	vst v14;
	v31 =	vmul.f32 v47, v7;
	v7 =	vsub.f32 v54, v55;
	v54 =	vld [tilespmem:$0x50F0]  }
0x80: {  	vm6 =	vgt.f32 v16, $5.000000070e-02;
	[tilespmem:$0x5780] =	vst v2;
	v29 =	vmul.f32 v29, v3;
	v55 =	vsub.f32 v58, v59;
	v58 =	vld [tilespmem:$0x5700]  }
0x81: {  	[tilespmem:$0x57B0] =	vst v8;
	v3 =	vnsel vm9, $0xFF800000, v5;
	v5 =	vnsel vm10, $0xFF800000, v20;
	v20 =	vsub.f32 v60, v61;
	v60 =	vld [tilespmem:$0x5100]  }
0x82: {  	s16 =	sadd.s32 $0x60, s9;
	vm8 =	vgt.f32 v18, $5.000000070e-02;
	v16 =	vnsel vm6, $0xFF800000, v16;
	[tilespmem:$0x57E0] =	vst v27;
	v59 =	vsub.f32 v62, v63;
	v62 =	vld [tilespmem:$0x5580]  }
0x83: {  	s17 =	sadd.s32 $0x70, s9;
	s19 =	sadd.s32 $0x90, s9;
	v12 =	vnsel vm5, $0xFF800000, v15;
	v2 =	vor.u32 s9, v0;
	v8 =	vor.u32 s16, v0;
	[tilespmem:$0x5790] =	vst v4;
	v63 =	vld [tilespmem:$0x5280]  }
0x84: {  	s12 =	sor.u32 $0x20, s9;
	s22 =	sadd.s32 $0xC0, s9;
	v9 =	vor.u32 s17, v0;
	v11 =	vor.u32 s19, v0;
	[tilespmem:$0x57C0] =	vst v22;
	v22 =	vsub.f32 v23, v26;
	v23 =	vld [tilespmem:$0x5710]  }
0x85: {  	s18 =	sadd.s32 $0x80, s9;
	s14 =	sadd.s32 $0x40, s9;
	v14 =	vor.u32 s22, v0;
	v4 =	vor.u32 s12, v0;
	[tilespmem:$0x57A0] =	vst v6;
	v33 =	vmul.f32 v49, v48;
	v48 =	vld [tilespmem:$0x5410]  }
0x86: {  	s13 =	sor.u32 $0x30, s9;
	v6 =	vor.u32 s14, v0;
	v21 =	vsub.f32 v10, v21;
	v10 =	vor.u32 s18, v0;
	[tilespmem:$0x57D0] =	vst v24;
	v24 =	vld [tilespmem:$0x5590]  }
0x87: {  	v49 =	vld [tilespmem:$0x5290];
	vm9 =	vgt.f32 v19, $5.000000070e-02;
	vm10 =	vgt.f32 v28, $5.000000070e-02;
	[tilespmem:$0x5620] =	vst v5;
	v5 =	vor.u32 s13, v0  }
0x88: {  	[tilespmem:$0x5610] =	vst v3;
	v3 =	vld [tilespmem:$0x1FFE0];
	v13 =	vsub.f32 v30, v32;
	v19 =	vnsel vm9, $0xFF800000, v19;
	v28 =	vnsel vm10, $0xFF800000, v28  }
0x89: {  	s15 =	sadd.s32 $0x50, s9;
	v38 =	vmul.f32 v53, v7;
	v7 =	vnsel vm11, $0xFF800000, v25;
	v20 =	vmul.f32 v20, v55;
	v25 =	vld [tilespmem:$0x5400];
	[tilespmem:$0x57F0] =	vst v29  }
0x8a: {  	v21 =	vmul.f32 v22, v21;
	v22 =	vld [tilespmem:$0x5110];
	vm11 =	vgt.f32 v34, $5.000000070e-02;
	[tilespmem:$0x56D0] =	vst v19;
	v19 =	vimm.s32 $0xBA98FEDC  }
0x8b: {  	s28 =	sadd.s32 $0x110, s9;
	v55 =	vld [tilespmem:$0x55B0];
	[tilespmem:$0x5630] =	vst v7;
	v7 =	vor.u32 s15, v0;
	v27 =	vsub.f32 v50, v51;
	v29 =	vsub.f32 v56, v57  }
0x8c: {  	[tilespmem:$0x56E0] =	vst v28;
	v50 =	vld [tilespmem:$0x5720];
	v53 =	vnsel vm11, $0xFF800000, v34;
	v28 =	vunpack.c.l.s4.s8 v19;
	v19 =	vor.u32 s28, v0  }
0x8d: {  	v51 =	vld [tilespmem:$0x5420];
	v15 =	vsub.f32 v52, v54;
	v27 =	vmul.f32 v27, v13;
	v13 =	vnsel vm8, $0xFF800000, v18  }
0x8e: {  	[tilespmem:$0x56A0] =	vst v16;
	v57 =	vld [tilespmem:$0x52B0];
	vm12 =	vgt.f32 v58, $5.000000070e-02;
	vm13 =	vgt.f32 v23, $5.000000070e-02;
	v24 =	vsub.f32 v24, v49  }
0x8f: {  	s21 =	sadd.s32 $0xB0, s9;
	[tilespmem:$0x5690] =	vst v12;
	v61 =	vsub.f32 v1, v3;
	v54 =	vnsel vm12, $0xFF800000, v58;
	v23 =	vnsel vm13, $0xFF800000, v23  }
0x90: {  	[tilespmem:$0x56C0] =	vst v13;
	v13 =	vor.u32 s21, v0;
	v1 =	vimm.s32 $0x0;
	v12 =	vsub.f32 v25, v60  }
0x91: {  	s25 =	sadd.s32 $0xF0, s9;
	[tilespmem:$0x5800] =	vst v31;
	v52 =	vld [tilespmem:$0x5430];
	v29 =	vmul.f32 v29, v15;
	v15 =	vsub.f32 v62, v63;
	v16 =	vsub.f32 v48, v22  }
0x92: {  	[tilespmem:$0x5810] =	vst v33;
	v22 =	vld [tilespmem:$0x5130];
	v60 =	vimm.s32 $0xEFCDAB89;
	v26 =	vmul.f32 v61, v59;
	vm14 =	vgt.f32 v50, $5.000000070e-02  }
0x93: {  	s20 =	sadd.s32 $0xA0, s9;
	[tilespmem:$0x5850] =	vst v21;
	v58 =	vld [tilespmem:$0x5730];
	v35 =	vsub.f32 v51, v17;
	v17 =	vor.u32 s25, v0;
	v21 =	vsub.f32 v55, v57  }
0x94: {  	[tilespmem:$0x5820] =	vst v38;
	v18 =	vld [tilespmem:$0x55A0];
	v59 =	vimm.s32 $0xDCFE98BA;
	v61 =	vimm.s32 $0x67452301;
	v31 =	vunpack.c.l.s4.s8 v60  }
0x95: {  	[tilespmem:$0x5830] =	vst v20;
	v25 =	vld [tilespmem:$0x52A0];
	v56 =	vmul.f32 v15, v12;
	v20 =	vmul.f32 v24, v16;
	v12 =	vor.u32 s20, v0  }
0x96: {  	s23 =	sadd.s32 $0xD0, s9;
	v24 =	vnsel vm14, $0xFF800000, v50;
	v32 =	vunpack.c.l.s4.s8 v61;
	[tilespmem:$0x5840] =	vst v26;
	v26 =	vimm.s32 $0x32107654  }
0x97: {  	s24 =	sadd.s32 $0xE0, s9;
	[tilespmem:$0x56F0] =	vst v53;
	v15 =	vor.u32 s23, v0;
	v26 =	vunpack.c.l.s4.s8 v26;
	v22 =	vsub.f32 v52, v22  }
0x98: {  	[tilespmem:$0x5860] =	vst v27;
	v16 =	vor.u32 s24, v0;
	vm15 =	vgt.f32 v58, $5.000000070e-02;
	v62 =	vunpack.c.0.s8.s32 v32  }
0x99: {  	[tilespmem:$0x5700] =	vst v54;
	v30 =	vmul.f32 v21, v22;
	v21 =	vunpack.c.0.s8.s32 v28;
	v22 =	vunpack.c.0.s8.s32 v26  }
0x9a: {  	[tilespmem:$0x5710] =	vst v23;
	v25 =	vsub.f32 v18, v25;
	v27 =	vnsel vm15, $0xFF800000, v58;
	v28 =	vimm.s32 $0xFEDCBA98  }
0x9b: {  	[tilespmem:$0x5870] =	vst v29;
	v28 =	vunpack.c.l.s4.s8 v28;
	v29 =	vcombine.low v22, v21;
	v22 =	vimm.s32 $0x54761032  }
0x9c: {  	[tilespmem:$0x5720] =	vst v24;
	v26 =	vimm.s32 $0x76543210;
	v21 =	vunpack.c.l.s4.s8 v59;
	v22 =	vunpack.c.l.s4.s8 v22  }
0x9d: {  	[tilespmem:$0x5880] =	vst v56;
	v25 =	vmul.f32 v25, v35;
	v23 =	vunpack.c.l.s4.s8 v26;
	v26 =	vunpack.c.0.s8.s32 v28  }
.Ltmp1:
0x9e: {  	s29 =	sadd.s32 $0x120, s9;
	s26 =	sadd.s32 $0x100, s9;
	[tilespmem:$0x5890] =	vst v20;
	v28 =	vunpack.c.0.s8.s32 v31;
	v21 =	vunpack.c.0.s8.s32 v21;
	v22 =	vunpack.c.0.s8.s32 v22;
	(pc) =	sbr.rel .LBB2_2-.Ltmp1, $4  }
0x9f: {  	p0 =	sne.s32 s4, $0x0;
	s30 =	sshll.u32 s4, $0x6;
	v20 =	vor.u32 s29, v0;
	v18 =	vor.u32 s26, v0;
	[tilespmem:$0x5730] =	vst v27;
	v23 =	vunpack.c.0.s8.s32 v23  }
0xa0: {  	s10 =	sadd.s32 s30, s1;
	s31 =	sadd.s32 $0x130, s9;
	s9 =	sadd.s32 $0x1C00, s11;
	[tilespmem:$0x58A0] =	vst v25;
	v25 =	vand.u32 $0xF, v29;
	v28 =	vcombine.low v62, v28;
	v63 =	vcombine.low v22, v21  }
0xa1: {  	s11 =	sadd.s32 $0x1C10, s11;
	s16 =	simm.s32 $0x0;
	s12 =	simm.s32 $0x5900;
	[tilespmem:$0x58B0] =	vst v30;
	v24 =	vand.u32 $0xF, v26;
	v21 =	vor.u32 s31, v0;
	v0 =	vor.u32 $0x130, v0  }
0xa2: {  	s14 =	simm.s32 $0x5D80;
	s13 =	simm.s32 $0x5980;
	s15 =	simm.s32 $0x0;
	v23 =	vcombine.low v24, v23;
	v27 =	vand.u32 $0xF, v28;
	[tilespmem:$0x1FFF0] =	vst v0;
	v26 =	vand.u32 $0xF, v63  }
.LBB2_4:
0xa3: {  	[bflag:$0x0] =	sbarrier.arrive $0xFFFF  }
0xa4: {  	[tilespmem:s14], [sflag:$0x1] =	stream.linear.gather [spmem:s2], $0x80, $0x38;
	[tilespmem:$0x5EC8] =	vst v63  }
0xa5: {  	_ =	swait.ge [sflag:s5], $0x80  }
0xa6: {  	[sflag:s5] =	ssyncset.done $0x0  }
0xa7: {  	[sflag:s5] =	ssyncadd.s32 $0xFFFFFF80  }
0xa8: {  	v37 =	vld [tilespmem:$0x5D90];
	_ =	sdelay $0x3  }
0xa9: {  	v36 =	vld [tilespmem:$0x5DB0];
	_ =	sdelay $0x2  }
0xaa: {  	v40 =	vld [tilespmem:$0x5000]  }
0xab: {  	v32 =	vld.idx.msk [tilespmem:v37+s3+$0x0], $0xffff  }
0xac: {  	v33 =	vld.idx.msk [tilespmem:v37+s6+$0x0], $0xffff  }
0xad: {  	v34 =	vld.idx.msk [tilespmem:v37+s7+$0x0], $0xffff  }
0xae: {  	v35 =	vld.idx.msk [tilespmem:v37+s8+$0x0], $0xffff  }
0xaf: {  	v28 =	vld.idx.msk [tilespmem:v36+s3+$0x0], $0xffff  }
0xb0: {  	v29 =	vld.idx.msk [tilespmem:v36+s6+$0x0], $0xffff  }
0xb1: {  	v30 =	vld.idx.msk [tilespmem:v36+s7+$0x0], $0xffff  }
0xb2: {  	v31 =	vld.idx.msk [tilespmem:v36+s8+$0x0], $0xffff  }
0xb3: {  	v43 =	vld [tilespmem:$0x5300]  }
0xb4: {  	v47 =	vld [tilespmem:$0x5480]  }
0xb5: {  	v41 =	vld [tilespmem:$0x5180]  }
0xb6: {  	vm2 =	veq.s32 v2, v37;
	v38 =	vsub.f32 v34, v32;
	v39 =	vsub.f32 v35, v33  }
0xb7: {  	v42 =	vsub.f32 v30, v28;
	v44 =	vsub.f32 v31, v29;
	v45 =	vmax.f32 v32, v28  }
0xb8: {  	v46 =	vmin.f32 v34, v30;
	v48 =	vmax.f32 v33, v29;
	v49 =	vmin.f32 v35, v31  }
0xb9: {  	v59 =	vmin.f32 v34, v43;
	v60 =	vmax.f32 v32, v40;
	v50 =	vmin.f32 v35, v47  }
0xba: {  	v51 =	vmax.f32 v33, v41;
	v43 =	vmin.f32 v30, v43;
	v40 =	vmax.f32 v28, v40  }
0xbb: {  	v53 =	vmin.f32 v31, v47;
	v45 =	vsub.f32 v46, v45;
	v55 =	vsub.f32 v49, v48  }
0xbc: {  	v58 =	vld [tilespmem:$0x5780];
	v41 =	vmax.f32 v29, v41;
	v61 =	vsub.f32 v59, v60;
	v62 =	vsub.f32 v50, v51  }
0xbd: {  	v40 =	vsub.f32 v43, v40;
	v39 =	vmul.f32 v39, v38;
	v38 =	vmul.f32 v44, v42  }
0xbe: {  	v0 =	vld [tilespmem:$0x1FFC0];
	v41 =	vsub.f32 v53, v41;
	v56 =	vmax.f32 v45, $0.0e+00;
	v42 =	vmax.f32 v55, $0.0e+00  }
0xbf: {  	v44 =	vmax.f32 v61, $0.0e+00;
	v57 =	vadd.f32 v38, v39;
	v42 =	vmul.f32 v42, v56  }
0xc0: {  	v48 =	vmax.f32 v62, $0.0e+00;
	v40 =	vmax.f32 v40, $0.0e+00;
	v41 =	vmax.f32 v41, $0.0e+00;
	v55 =	vld [tilespmem:$0x5010]  }
0xc1: {  	v62 =	vld [tilespmem:$0x5320];
	v44 =	vmul.f32 v48, v44;
	v63 =	vadd.f32 v58, v39;
	v45 =	vsub.f32 v57, v42  }
0xc2: {  	vm4 =	veq.s32 v2, v36;
	v40 =	vmul.f32 v41, v40;
	v56 =	vadd.f32 v58, v38;
	v57 =	vld [tilespmem:$0x5190]  }
0xc3: {  	vm8 =	veq.s32 v0, v36;
	v48 =	vsub.f32 v63, v44;
	v63 =	vld [tilespmem:$0x5310];
	v45 =	vadd.f32 $9.999999710e-10, v45  }
0xc4: {  	vm5 =	veq.s32 v0, v37;
	vm13 =	veq.s32 v4, v37;
	v41 =	vsub.f32 v56, v40  }
0xc5: {  	vm6 =	veq.s32 v5, v37;
	v56 =	vld [tilespmem:$0x54A0];
	v52 =	vadd.f32 $9.999999710e-10, v48;
	(erf) = vrcp.f32 v45  }
0xc6: {  	vm7 =	veq.s32 v11, v36;
	v41 =	vadd.f32 $9.999999710e-10, v41;
	v59 =	vmax.f32 v32, v55;
	v48 =	vld [tilespmem:$0x5020]  }
0xc7: {  	v50 =	vmin.f32 v30, v62;
	v45 =	vmax.f32 v28, v55;
	(erf) = vrcp.f32 v52;
	v52 =	vld [tilespmem:$0x5490]  }
0xc8: {  	v58 =	vmin.f32 v34, v63;
	v61 =	vmax.f32 v33, v57;
	v46 =	vmin.f32 v30, v63;
	v63 =	vld [tilespmem:$0x51A0]  }
0xc9: {  	v43 =	vmax.f32 v29, v57;
	(erf) = vrcp.f32 v41;
	v41 =	vsub.f32 v58, v59  }
0xca: {  	v47 =	vmin.f32 v31, v56;
	v45 =	vsub.f32 v46, v45;
	v58 =	vmin.f32 v34, v62  }
0xcb: {  	v59 =	vmax.f32 v32, v48;
	v48 =	vmax.f32 v28, v48;
	v41 =	vmax.f32 v41, $0.0e+00  }
0xcc: {  	v45 =	vmax.f32 v45, $0.0e+00;
	v46 =	vsub.f32 v58, v59;
	v55 =	vmin.f32 v31, v52  }
0xcd: {  	v48 =	vsub.f32 v50, v48;
	v49 =	vmax.f32 v29, v63;
	v43 =	vsub.f32 v55, v43  }
0xce: {  	v60 =	vmin.f32 v35, v52;
	v52 =	vmax.f32 v33, v63;
	v63 =	vld [tilespmem:$0x54B0];
	v47 =	vsub.f32 v47, v49;
	v54 =	vpop (erf)  }
0xcf: {  	v46 =	vmax.f32 v46, $0.0e+00;
	v43 =	vmax.f32 v43, $0.0e+00;
	v42 =	vmul.f32 v54, v42  }
0xd0: {  	v48 =	vmax.f32 v48, $0.0e+00;
	v47 =	vmax.f32 v47, $0.0e+00;
	v51 =	vpop (erf);
	v54 =	vld [tilespmem:$0x5790];
	v43 =	vmul.f32 v43, v45  }
0xd1: {  	v47 =	vmul.f32 v47, v48;
	vm0 =	vgt.f32 v42, $5.000000000e-01;
	v42 =	vmul.f32 v51, v44  }
0xd2: {  	v44 =	vsub.f32 v60, v61;
	v60 =	vld [tilespmem:$0x57A0];
	v61 =	vmin.f32 v35, v56;
	vm0 =	vmneg vm0  }
0xd3: {  	v55 =	vmin.f32 v35, v63;
	v51 =	vsub.f32 v61, v52;
	v53 =	vsel vm0, $0x1, v1  }
0xd4: {  	v49 =	vld [tilespmem:$0x5330];
	vm1 =	vgt.f32 v42, $5.000000000e-01;
	v44 =	vmax.f32 v44, $0.0e+00;
	(v2sf) =	vpush v53, $0x0  }
0xd5: {  	v52 =	vld [tilespmem:$0x5030];
	v41 =	vmul.f32 v44, v41;
	v57 =	vadd.f32 v54, v39;
	v51 =	vmax.f32 v51, $0.0e+00  }
0xd6: {  	v42 =	vadd.f32 v54, v38;
	v53 =	vld [tilespmem:$0x51B0];
	v54 =	vpop (erf);
	vm1 =	vmor vm2, vm1;
	v46 =	vmul.f32 v51, v46  }
0xd7: {  	v40 =	vmul.f32 v54, v40;
	v44 =	vsub.f32 v57, v41;
	v62 =	vadd.f32 v60, v39  }
0xd8: {  	v51 =	vmin.f32 v31, v63;
	v42 =	vsub.f32 v42, v43;
	v45 =	vadd.f32 v60, v38  }
0xd9: {  	v60 =	vmin.f32 v34, v49;
	v44 =	vadd.f32 $9.999999710e-10, v44;
	v50 =	vsub.f32 v62, v46  }
0xda: {  	v49 =	vmin.f32 v30, v49;
	v61 =	vmax.f32 v32, v52;
	v45 =	vsub.f32 v45, v47  }
0xdb: {  	v56 =	vmax.f32 v33, v53;
	(erf) = vrcp.f32 v44;
	v44 =	vadd.f32 $9.999999710e-10, v50;
	v50 =	vld [tilespmem:$0x57B0]  }
0xdc: {  	v52 =	vmax.f32 v28, v52;
	v48 =	vsub.f32 v60, v61;
	v62 =	vsub.f32 v55, v56;
	v55 =	vld [tilespmem:$0x5040]  }
0xdd: {  	v42 =	vadd.f32 $9.999999710e-10, v42;
	v63 =	vsub.f32 v49, v52;
	v53 =	vmax.f32 v29, v53;
	v56 =	vld [tilespmem:$0x5340]  }
0xde: {  	v57 =	vsub.f32 v51, v53;
	v58 =	vadd.f32 $9.999999710e-10, v45;
	v59 =	vmax.f32 v48, $0.0e+00;
	v48 =	vld [tilespmem:$0x54C0]  }
0xdf: {  	(erf) = vrcp.f32 v42;
	v42 =	vmax.f32 v63, $0.0e+00;
	v60 =	vmax.f32 v62, $0.0e+00  }
0xe0: {  	v51 =	vld [tilespmem:$0x51C0];
	(erf) = vrcp.f32 v44;
	v49 =	vmax.f32 v57, $0.0e+00;
	v45 =	vmul.f32 v60, v59  }
0xe1: {  	vm3 =	vgt.f32 v40, $5.000000000e-01;
	v42 =	vmul.f32 v49, v42;
	(erf) = vrcp.f32 v58  }
0xe2: {  	v59 =	vld [tilespmem:$0x57C0];
	v61 =	vadd.f32 v50, v39;
	v62 =	vadd.f32 v50, v38;
	v63 =	vmin.f32 v34, v56  }
0xe3: {  	v57 =	vmax.f32 v32, v55;
	v60 =	vmin.f32 v35, v48;
	v55 =	vmax.f32 v28, v55  }
0xe4: {  	v48 =	vmin.f32 v31, v48;
	v50 =	vsub.f32 v63, v57;
	v58 =	vsub.f32 v61, v45  }
0xe5: {  	v49 =	vsub.f32 v62, v42;
	v61 =	vmax.f32 v33, v51;
	v62 =	vmin.f32 v30, v56  }
0xe6: {  	v51 =	vmax.f32 v29, v51;
	v53 =	vsub.f32 v60, v61;
	v54 =	vsub.f32 v62, v55  }
0xe7: {  	vm14 =	vmor vm4, vm3;
	v48 =	vsub.f32 v48, v51;
	v63 =	vadd.f32 v59, v39  }
0xe8: {  	v50 =	vmax.f32 v50, $0.0e+00;
	v57 =	vadd.f32 v59, v38;
	v44 =	vadd.f32 $9.999999710e-10, v58  }
0xe9: {  	v61 =	vld [tilespmem:$0x5600];
	v49 =	vadd.f32 $9.999999710e-10, v49;
	v59 =	vpop (erf);
	v53 =	vmax.f32 v53, $0.0e+00;
	v56 =	vmax.f32 v54, $0.0e+00  }
0xea: {  	v48 =	vmax.f32 v48, $0.0e+00;
	v40 =	vmul.f32 v59, v41;
	v50 =	vmul.f32 v53, v50  }
0xeb: {  	vm2 =	vmand vm0, vm14;
	v60 =	vpop (erf);
	(erf) = vrcp.f32 v44;
	v44 =	vmul.f32 v48, v56  }
0xec: {  	vm1 =	vmor vm1, vm2;
	v43 =	vmul.f32 v60, v43;
	(erf) = vrcp.f32 v49  }
0xed: {  	vm9 =	vgt.f32 v40, $5.000000000e-01;
	v58 =	vsub.f32 v63, v50;
	v48 =	vsub.f32 v57, v44  }
0xee: {  	vm15 =	vgt.f32 v43, $5.000000000e-01;
	v63 =	vpop (erf);
	vm10 =	vmor vm5, vm9;
	v40 =	vsel vm1, $0xFF800000, v61  }
0xef: {  	v62 =	vld [tilespmem:$0x5610];
	vm5 =	veq.s32 v11, v37;
	vm2 =	vmor vm8, vm15;
	v53 =	vpop (erf);
	v49 =	vadd.f32 $9.999999710e-10, v58  }
0xf0: {  	v55 =	vld [tilespmem:$0x5620];
	v43 =	vmul.f32 v63, v46;
	v48 =	vadd.f32 $9.999999710e-10, v48;
	v54 =	vmul.f32 v53, v47  }
0xf1: {  	v61 =	vld [tilespmem:$0x54D0];
	vm15 =	veq.s32 v4, v36;
	vm2 =	vmand vm0, vm2;
	(erf) = vrcp.f32 v49  }
0xf2: {  	v46 =	vld [tilespmem:$0x5050];
	vm11 =	vmor vm10, vm2;
	vm14 =	vgt.f32 v54, $5.000000000e-01;
	(erf) = vrcp.f32 v48  }
0xf3: {  	vm12 =	vgt.f32 v43, $5.000000000e-01;
	vm10 =	veq.s32 v5, v36;
	vm8 =	vmor vm15, vm14;
	v48 =	vld [tilespmem:$0x5350]  }
0xf4: {  	v41 =	vsel vm11, $0xFF800000, v62;
	vm1 =	vmor vm13, vm12;
	vm2 =	vmand vm0, vm8;
	v56 =	vpop (erf)  }
0xf5: {  	vm15 =	veq.s32 v6, v37;
	vm1 =	vmor vm1, vm2;
	v57 =	vpop (erf);
	v59 =	vmul.f32 v56, v45;
	v45 =	vld [tilespmem:$0x51D0]  }
0xf6: {  	v51 =	vmin.f32 v31, v61;
	v43 =	vsel vm1, $0xFF800000, v55;
	v42 =	vmul.f32 v57, v42  }
0xf7: {  	v58 =	vld [tilespmem:$0x5630];
	v57 =	vmax.f32 v32, v46;
	v46 =	vmax.f32 v28, v46;
	vm11 =	vgt.f32 v59, $5.000000000e-01  }
0xf8: {  	v56 =	vld [tilespmem:$0x57D0];
	v63 =	vmin.f32 v34, v48;
	v48 =	vmin.f32 v30, v48;
	vm9 =	vgt.f32 v42, $5.000000000e-01  }
0xf9: {  	vm12 =	vmor vm6, vm11;
	v46 =	vsub.f32 v48, v46;
	vm3 =	vmor vm10, vm9  }
0xfa: {  	v52 =	vld [tilespmem:$0x5360];
	vm9 =	veq.s32 v6, v36;
	v60 =	vpop (erf);
	vm3 =	vmand vm0, vm3;
	v59 =	vmax.f32 v33, v45  }
0xfb: {  	v45 =	vmax.f32 v29, v45;
	v46 =	vmax.f32 v46, $0.0e+00;
	v50 =	vmul.f32 v60, v50;
	v62 =	vpop (erf)  }
0xfc: {  	vm13 =	vmor vm12, vm3;
	v45 =	vsub.f32 v51, v45;
	v44 =	vmul.f32 v62, v44  }
0xfd: {  	v42 =	vsel vm13, $0xFF800000, v58;
	v58 =	vmin.f32 v35, v61;
	v61 =	vadd.f32 v56, v39  }
0xfe: {  	v48 =	vld [tilespmem:$0x51E0];
	v62 =	vadd.f32 v56, v38;
	vm14 =	vgt.f32 v50, $5.000000000e-01;
	v60 =	vsub.f32 v58, v59  }
0xff: {  	v50 =	vld [tilespmem:$0x5060];
	v45 =	vmax.f32 v45, $0.0e+00;
	v59 =	vmin.f32 v34, v52;
	v52 =	vmin.f32 v30, v52  }
0x100: {  	v51 =	vld [tilespmem:$0x54E0];
	vm8 =	vgt.f32 v44, $5.000000000e-01;
	v44 =	vsub.f32 v63, v57;
	v45 =	vmul.f32 v45, v46  }
0x101: {  	v58 =	vld [tilespmem:$0x54F0];
	vm1 =	vmor vm15, vm14;
	vm10 =	vmor vm9, vm8;
	v49 =	vmax.f32 v60, $0.0e+00  }
0x102: {  	v63 =	vld [tilespmem:$0x57E0];
	v44 =	vmax.f32 v44, $0.0e+00;
	vm2 =	vmand vm0, vm10;
	v46 =	vsub.f32 v62, v45  }
0x103: {  	v57 =	vld [tilespmem:$0x51F0];
	v62 =	vmax.f32 v33, v48;
	v48 =	vmax.f32 v29, v48;
	v49 =	vmul.f32 v49, v44  }
0x104: {  	vm1 =	vmor vm1, vm2;
	v60 =	vmax.f32 v32, v50;
	v46 =	vadd.f32 $9.999999710e-10, v46  }
0x105: {  	v50 =	vmax.f32 v28, v50;
	v44 =	vsub.f32 v61, v49;
	v53 =	vsub.f32 v59, v60  }
0x106: {  	v54 =	vld [tilespmem:$0x5070];
	v61 =	vmin.f32 v35, v51;
	v51 =	vmin.f32 v31, v51;
	v50 =	vsub.f32 v52, v50  }
0x107: {  	v56 =	vld [tilespmem:$0x5370];
	v52 =	vadd.f32 v63, v39;
	v47 =	vadd.f32 v63, v38;
	v59 =	vmin.f32 v35, v58  }
0x108: {  	v60 =	vmax.f32 v33, v57;
	v58 =	vmin.f32 v31, v58;
	v55 =	vsub.f32 v61, v62  }
0x109: {  	v57 =	vmax.f32 v29, v57;
	v48 =	vsub.f32 v51, v48;
	v60 =	vsub.f32 v59, v60  }
0x10a: {  	v53 =	vmax.f32 v53, $0.0e+00;
	v44 =	vadd.f32 $9.999999710e-10, v44;
	v55 =	vmax.f32 v55, $0.0e+00  }
0x10b: {  	v61 =	vld [tilespmem:$0x5640];
	v50 =	vmax.f32 v50, $0.0e+00;
	v48 =	vmax.f32 v48, $0.0e+00;
	v51 =	vmul.f32 v55, v53  }
0x10c: {  	v59 =	vld [tilespmem:$0x5380];
	v48 =	vmul.f32 v48, v50;
	v50 =	vmin.f32 v34, v56;
	v55 =	vmax.f32 v32, v54  }
0x10d: {  	v58 =	vsub.f32 v58, v57;
	v53 =	vld [tilespmem:$0x57F0];
	(erf) = vrcp.f32 v44;
	v63 =	vsub.f32 v50, v55  }
0x10e: {  	(erf) = vrcp.f32 v46;
	v55 =	vld [tilespmem:$0x5200];
	v62 =	vsub.f32 v52, v51;
	v47 =	vsub.f32 v47, v48  }
0x10f: {  	v54 =	vmax.f32 v28, v54;
	v50 =	vmax.f32 v60, $0.0e+00;
	v52 =	vld [tilespmem:$0x5080];
	v44 =	vmax.f32 v63, $0.0e+00  }
0x110: {  	v63 =	vmin.f32 v30, v56;
	v56 =	vld [tilespmem:$0x5500];
	v46 =	vadd.f32 $9.999999710e-10, v62;
	v47 =	vadd.f32 $9.999999710e-10, v47  }
0x111: {  	v50 =	vmul.f32 v50, v44;
	v54 =	vsub.f32 v63, v54;
	v44 =	vsel vm1, $0xFF800000, v61  }
0x112: {  	v60 =	vadd.f32 v53, v39;
	v53 =	vadd.f32 v53, v38;
	(erf) = vrcp.f32 v46  }
0x113: {  	v54 =	vmax.f32 v54, $0.0e+00;
	v46 =	vmax.f32 v58, $0.0e+00;
	v58 =	vmin.f32 v34, v59  }
0x114: {  	v57 =	vld [tilespmem:$0x5800];
	v63 =	vmax.f32 v33, v55;
	(erf) = vrcp.f32 v47;
	v47 =	vsub.f32 v60, v50  }
0x115: {  	v61 =	vmax.f32 v32, v52;
	v46 =	vmul.f32 v46, v54;
	v62 =	vmin.f32 v35, v56  }
0x116: {  	vm12 =	veq.s32 v7, v37;
	v54 =	vsub.f32 v58, v61;
	v60 =	vpop (erf);
	v58 =	vsub.f32 v62, v63  }
0x117: {  	vm14 =	veq.s32 v7, v36;
	v61 =	vadd.f32 $9.999999710e-10, v47;
	v62 =	vsub.f32 v53, v46;
	v1 =	vpop (erf)  }
0x118: {  	v49 =	vmul.f32 v60, v49;
	v63 =	vmax.f32 v54, $0.0e+00;
	v1 =	vmul.f32 v1, v45  }
0x119: {  	v60 =	vmax.f32 v58, $0.0e+00;
	(erf) = vrcp.f32 v61;
	v61 =	vadd.f32 v57, v39  }
0x11a: {  	v47 =	vadd.f32 $9.999999710e-10, v62;
	v58 =	vmax.f32 v28, v52;
	v53 =	vmul.f32 v60, v63  }
0x11b: {  	vm11 =	vgt.f32 v49, $5.000000000e-01;
	v63 =	vmin.f32 v30, v59;
	v59 =	vmin.f32 v31, v56  }
0x11c: {  	v60 =	vmax.f32 v29, v55;
	vm13 =	vgt.f32 v1, $5.000000000e-01;
	vm1 =	vmor vm12, vm11  }
0x11d: {  	vm11 =	veq.s32 v8, v36;
	vm12 =	veq.s32 v8, v37;
	v45 =	vsub.f32 v61, v53  }
0x11e: {  	vm3 =	vmor vm14, vm13;
	v61 =	vsub.f32 v63, v58;
	v1 =	vpop (erf);
	(erf) = vrcp.f32 v47  }
0x11f: {  	vm15 =	vmand vm0, vm3;
	v1 =	vmul.f32 v1, v51;
	v62 =	vpop (erf);
	v45 =	vadd.f32 $9.999999710e-10, v45  }
0x120: {  	v54 =	vld [tilespmem:$0x5510];
	vm1 =	vmor vm1, vm15;
	v47 =	vmul.f32 v62, v48;
	v62 =	vsub.f32 v59, v60  }
0x121: {  	v51 =	vld [tilespmem:$0x5090];
	vm15 =	veq.s32 v9, v37;
	v60 =	vadd.f32 v57, v38;
	(erf) = vrcp.f32 v45  }
0x122: {  	vm9 =	vgt.f32 v1, $5.000000000e-01;
	v1 =	vld [tilespmem:$0x5660];
	v45 =	vmax.f32 v61, $0.0e+00;
	v58 =	vmax.f32 v62, $0.0e+00  }
0x123: {  	v52 =	vld [tilespmem:$0x5390];
	vm10 =	vgt.f32 v47, $5.000000000e-01;
	vm3 =	vmor vm12, vm9;
	v47 =	vmul.f32 v58, v45  }
0x124: {  	v63 =	vld [tilespmem:$0x5650];
	vm12 =	veq.s32 v10, v37;
	v59 =	vpop (erf);
	vm4 =	vmor vm11, vm10;
	vm10 =	veq.s32 v9, v36  }
0x125: {  	v48 =	vmul.f32 v59, v50;
	vm4 =	vmand vm0, vm4;
	v45 =	vsub.f32 v60, v47  }
0x126: {  	v50 =	vld [tilespmem:$0x5210];
	vm13 =	vmor vm3, vm4;
	v60 =	vmax.f32 v32, v51;
	v51 =	vmax.f32 v28, v51  }
0x127: {  	v56 =	vld [tilespmem:$0x53A0];
	vm14 =	vgt.f32 v48, $5.000000000e-01;
	v61 =	vpop (erf);
	v62 =	vadd.f32 $9.999999710e-10, v45;
	v45 =	vsel vm13, $0xFF800000, v1  }
0x128: {  	v58 =	vld [tilespmem:$0x5220];
	vm8 =	vmor vm15, vm14;
	vm14 =	veq.s32 v10, v36;
	v48 =	vmul.f32 v61, v46  }
0x129: {  	v46 =	vsel vm1, $0xFF800000, v63;
	v63 =	vmin.f32 v34, v52;
	v61 =	vmin.f32 v35, v54  }
0x12a: {  	v52 =	vmin.f32 v30, v52;
	v54 =	vmin.f32 v31, v54;
	(erf) = vrcp.f32 v62  }
0x12b: {  	v62 =	vmax.f32 v33, v50;
	v49 =	vsub.f32 v63, v60;
	v50 =	vmax.f32 v29, v50  }
0x12c: {  	v51 =	vsub.f32 v52, v51;
	vm9 =	vgt.f32 v48, $5.000000000e-01;
	v63 =	vsub.f32 v61, v62  }
0x12d: {  	v52 =	vld [tilespmem:$0x5820];
	v1 =	vpop (erf);
	v50 =	vsub.f32 v54, v50;
	v54 =	vmin.f32 v34, v56;
	v61 =	vmax.f32 v33, v58  }
0x12e: {  	v48 =	vld [tilespmem:$0x5810];
	v56 =	vmin.f32 v30, v56;
	v58 =	vmax.f32 v29, v58;
	v1 =	vmul.f32 v1, v53  }
0x12f: {  	vm2 =	vmor vm10, vm9;
	v53 =	vld [tilespmem:$0x50A0];
	v49 =	vmax.f32 v49, $0.0e+00;
	v51 =	vmax.f32 v51, $0.0e+00  }
0x130: {  	vm10 =	veq.s32 v12, v36;
	vm2 =	vmand vm0, vm2;
	vm11 =	vgt.f32 v1, $5.000000000e-01;
	v1 =	vld [tilespmem:$0x5520]  }
0x131: {  	v55 =	vmax.f32 v63, $0.0e+00;
	v50 =	vmax.f32 v50, $0.0e+00;
	vm1 =	vmor vm8, vm2  }
0x132: {  	v49 =	vmul.f32 v55, v49;
	v50 =	vmul.f32 v50, v51;
	vm2 =	vmor vm12, vm11  }
0x133: {  	v63 =	vadd.f32 v52, v39;
	vm11 =	veq.s32 v12, v37;
	v55 =	vadd.f32 v48, v39  }
0x134: {  	v48 =	vadd.f32 v48, v38;
	v59 =	vmax.f32 v32, v53;
	v53 =	vmax.f32 v28, v53  }
0x135: {  	v54 =	vsub.f32 v54, v59;
	v55 =	vsub.f32 v55, v49;
	v60 =	vmin.f32 v35, v1  }
0x136: {  	v53 =	vsub.f32 v56, v53;
	v57 =	vpop (erf);
	v1 =	vmin.f32 v31, v1;
	v60 =	vsub.f32 v60, v61  }
0x137: {  	v48 =	vsub.f32 v48, v50;
	v59 =	vld [tilespmem:$0x53B0];
	v47 =	vmul.f32 v57, v47;
	v1 =	vsub.f32 v1, v58  }
0x138: {  	v61 =	vmax.f32 v54, $0.0e+00;
	v57 =	vld [tilespmem:$0x50B0];
	v58 =	vmax.f32 v53, $0.0e+00;
	v62 =	vmax.f32 v60, $0.0e+00  }
0x139: {  	vm13 =	vgt.f32 v47, $5.000000000e-01;
	v47 =	vadd.f32 $9.999999710e-10, v55;
	v55 =	vld [tilespmem:$0x5230];
	v1 =	vmax.f32 v1, $0.0e+00  }
0x13a: {  	v60 =	vld [tilespmem:$0x5530];
	v51 =	vmul.f32 v62, v61;
	vm3 =	vmor vm14, vm13;
	v1 =	vmul.f32 v1, v58  }
0x13b: {  	vm13 =	veq.s32 v13, v37;
	(erf) = vrcp.f32 v47;
	v47 =	vadd.f32 $9.999999710e-10, v48  }
0x13c: {  	vm3 =	vmand vm0, vm3;
	v48 =	vadd.f32 v52, v38;
	v54 =	vsub.f32 v63, v51  }
0x13d: {  	v52 =	vmin.f32 v34, v59;
	v56 =	vmax.f32 v32, v57;
	v57 =	vmax.f32 v28, v57  }
0x13e: {  	v62 =	vld [tilespmem:$0x5830];
	vm15 =	vmor vm2, vm3;
	v52 =	vsub.f32 v52, v56;
	v54 =	vadd.f32 $9.999999710e-10, v54  }
0x13f: {  	v58 =	vmin.f32 v35, v60;
	v61 =	vmax.f32 v33, v55;
	v60 =	vmin.f32 v31, v60  }
0x140: {  	v53 =	vld [tilespmem:$0x5670];
	v55 =	vmax.f32 v29, v55;
	v56 =	vsub.f32 v58, v61;
	v58 =	vmin.f32 v30, v59  }
0x141: {  	(erf) = vrcp.f32 v47;
	v59 =	vld [tilespmem:$0x5680];
	v55 =	vsub.f32 v60, v55;
	v47 =	vsub.f32 v58, v57  }
0x142: {  	v61 =	vmax.f32 v52, $0.0e+00;
	v58 =	vsub.f32 v48, v1;
	v63 =	vmax.f32 v56, $0.0e+00;
	v56 =	vld [tilespmem:$0x5240]  }
0x143: {  	v60 =	vadd.f32 v62, v39;
	v48 =	vmax.f32 v55, $0.0e+00;
	v55 =	vld [tilespmem:$0x53C0];
	v47 =	vmax.f32 v47, $0.0e+00  }
0x144: {  	v57 =	vld [tilespmem:$0x50C0];
	v52 =	vmul.f32 v63, v61;
	v61 =	vmul.f32 v48, v47;
	v47 =	vadd.f32 v62, v38  }
0x145: {  	(erf) = vrcp.f32 v54;
	v62 =	vld [tilespmem:$0x5540];
	v48 =	vsel vm1, $0xFF800000, v53;
	v53 =	vadd.f32 $9.999999710e-10, v58  }
0x146: {  	v58 =	vpop (erf);
	v54 =	vsub.f32 v60, v52;
	v60 =	vsub.f32 v47, v61;
	v47 =	vsel vm15, $0xFF800000, v59  }
0x147: {  	v49 =	vmul.f32 v58, v49;
	(erf) = vrcp.f32 v53;
	vm15 =	veq.s32 v13, v36  }
0x148: {  	v53 =	vadd.f32 $9.999999710e-10, v54;
	v59 =	vmin.f32 v34, v55;
	v0 =	vmax.f32 v33, v56  }
0x149: {  	v58 =	vld [tilespmem:$0x5840];
	v56 =	vmax.f32 v29, v56;
	v54 =	vadd.f32 $9.999999710e-10, v60;
	v60 =	vmax.f32 v32, v57  }
0x14a: {  	vm4 =	vgt.f32 v49, $5.000000000e-01;
	v63 =	vmin.f32 v35, v62;
	v59 =	vsub.f32 v59, v60  }
0x14b: {  	(erf) = vrcp.f32 v53;
	v53 =	vmin.f32 v30, v55;
	v60 =	vmax.f32 v28, v57  }
0x14c: {  	vm1 =	vmor vm5, vm4;
	v49 =	vpop (erf);
	v0 =	vsub.f32 v63, v0;
	(erf) = vrcp.f32 v54  }
0x14d: {  	v63 =	vmin.f32 v31, v62;
	v53 =	vsub.f32 v53, v60;
	v49 =	vmul.f32 v49, v50  }
0x14e: {  	v59 =	vmax.f32 v59, $0.0e+00;
	v50 =	vadd.f32 v58, v39;
	v0 =	vmax.f32 v0, $0.0e+00  }
0x14f: {  	v55 =	vld [tilespmem:$0x5690];
	v0 =	vmul.f32 v0, v59;
	v59 =	vsub.f32 v63, v56;
	vm6 =	vgt.f32 v49, $5.000000000e-01  }
0x150: {  	v62 =	vpop (erf);
	v58 =	vadd.f32 v58, v38;
	v53 =	vmax.f32 v53, $0.0e+00;
	vm2 =	vmor vm7, vm6  }
0x151: {  	v60 =	vsub.f32 v50, v0;
	v54 =	vmax.f32 v59, $0.0e+00;
	v63 =	vpop (erf);
	v50 =	vmul.f32 v62, v51  }
0x152: {  	v56 =	vld [tilespmem:$0x53D0];
	vm2 =	vmand vm0, vm2;
	v53 =	vmul.f32 v54, v53;
	v1 =	vmul.f32 v63, v1  }
0x153: {  	v57 =	vld [tilespmem:$0x5550];
	vm1 =	vmor vm1, vm2;
	v49 =	vadd.f32 $9.999999710e-10, v60;
	vm8 =	vgt.f32 v50, $5.000000000e-01  }
0x154: {  	v54 =	vld [tilespmem:$0x50D0];
	v50 =	vsel vm1, $0xFF800000, v55;
	v59 =	vsub.f32 v58, v53;
	vm9 =	vgt.f32 v1, $5.000000000e-01  }
0x155: {  	v51 =	vld [tilespmem:$0x56A0];
	vm2 =	vmor vm11, vm8;
	vm11 =	veq.s32 v14, v36;
	(erf) = vrcp.f32 v49  }
0x156: {  	vm3 =	vmor vm10, vm9;
	v60 =	vpop (erf);
	vm9 =	veq.s32 v14, v37;
	v49 =	vadd.f32 $9.999999710e-10, v59  }
0x157: {  	v1 =	vld [tilespmem:$0x5250];
	vm3 =	vmand vm0, vm3;
	v52 =	vmul.f32 v60, v52;
	v62 =	vpop (erf);
	v59 =	vmin.f32 v34, v56  }
0x158: {  	v56 =	vmin.f32 v30, v56;
	vm2 =	vmor vm2, vm3;
	v63 =	vmul.f32 v62, v61  }
0x159: {  	v60 =	vmax.f32 v32, v54;
	v61 =	vmin.f32 v35, v57;
	v54 =	vmax.f32 v28, v54  }
0x15a: {  	v57 =	vmin.f32 v31, v57;
	(erf) = vrcp.f32 v49;
	v49 =	vsel vm2, $0xFF800000, v51  }
0x15b: {  	vm12 =	vgt.f32 v52, $5.000000000e-01;
	v51 =	vld [tilespmem:$0x5850];
	v52 =	vsub.f32 v59, v60;
	v56 =	vsub.f32 v56, v54  }
0x15c: {  	v58 =	vld [tilespmem:$0x50E0];
	vm14 =	vgt.f32 v63, $5.000000000e-01;
	v62 =	vmax.f32 v33, v1;
	vm1 =	vmor vm13, vm12  }
0x15d: {  	v1 =	vmax.f32 v29, v1;
	vm3 =	vmor vm15, vm14;
	v55 =	vsub.f32 v61, v62;
	v61 =	vld [tilespmem:$0x53E0]  }
0x15e: {  	v52 =	vmax.f32 v52, $0.0e+00;
	v62 =	vld [tilespmem:$0x5560];
	v1 =	vsub.f32 v57, v1;
	vm7 =	vmand vm0, vm3  }
0x15f: {  	vm14 =	veq.s32 v15, v37;
	vm1 =	vmor vm1, vm7;
	v55 =	vmax.f32 v55, $0.0e+00  }
0x160: {  	v1 =	vmax.f32 v1, $0.0e+00;
	vm7 =	veq.s32 v15, v36;
	v60 =	vadd.f32 v51, v39  }
0x161: {  	v59 =	vld [tilespmem:$0x5260];
	v55 =	vmul.f32 v55, v52;
	v52 =	vmax.f32 v56, $0.0e+00;
	v51 =	vadd.f32 v51, v38  }
0x162: {  	v56 =	vmax.f32 v32, v58;
	v58 =	vmax.f32 v28, v58;
	v63 =	vpop (erf);
	v1 =	vmul.f32 v1, v52  }
0x163: {  	v0 =	vmul.f32 v63, v0;
	v52 =	vmin.f32 v34, v61;
	v57 =	vmin.f32 v35, v62  }
0x164: {  	v61 =	vmin.f32 v30, v61;
	v52 =	vsub.f32 v52, v56;
	v51 =	vsub.f32 v51, v1;
	v63 =	vpop (erf)  }
0x165: {  	v54 =	vld [tilespmem:$0x5860];
	vm8 =	vgt.f32 v0, $5.000000000e-01;
	v0 =	vmul.f32 v63, v53;
	v53 =	vsub.f32 v60, v55  }
0x166: {  	v60 =	vmax.f32 v33, v59;
	vm2 =	vmor vm9, vm8;
	v52 =	vmax.f32 v52, $0.0e+00  }
0x167: {  	v60 =	vsub.f32 v57, v60;
	v57 =	vld [tilespmem:$0x50F0];
	vm10 =	vgt.f32 v0, $5.000000000e-01;
	v0 =	vadd.f32 $9.999999710e-10, v53  }
0x168: {  	v63 =	vmin.f32 v31, v62;
	v59 =	vmax.f32 v29, v59;
	vm9 =	veq.s32 v16, v37;
	v53 =	vld [tilespmem:$0x5270]  }
0x169: {  	v56 =	vmax.f32 v60, $0.0e+00;
	v60 =	vld [tilespmem:$0x53F0];
	(erf) = vrcp.f32 v0;
	v0 =	vadd.f32 $9.999999710e-10, v51  }
0x16a: {  	vm3 =	vmor vm11, vm10;
	v56 =	vmul.f32 v56, v52;
	v52 =	vld [tilespmem:$0x5570];
	v51 =	vadd.f32 v54, v39  }
0x16b: {  	vm3 =	vmand vm0, vm3;
	(erf) = vrcp.f32 v0;
	v0 =	vsub.f32 v61, v58  }
0x16c: {  	vm12 =	vmor vm2, vm3;
	v51 =	vsub.f32 v51, v56;
	v58 =	vsub.f32 v63, v59  }
0x16d: {  	v63 =	vmax.f32 v32, v57;
	v57 =	vmax.f32 v28, v57;
	v22 =	vmax.f32 v33, v53  }
0x16e: {  	v59 =	vld [tilespmem:$0x5870];
	v53 =	vmax.f32 v29, v53;
	v0 =	vmax.f32 v0, $0.0e+00;
	v61 =	vmin.f32 v34, v60  }
0x16f: {  	v62 =	vld [tilespmem:$0x56B0];
	v58 =	vmax.f32 v58, $0.0e+00;
	v24 =	vmin.f32 v35, v52;
	v61 =	vsub.f32 v61, v63  }
0x170: {  	v0 =	vmul.f32 v58, v0;
	v22 =	vsub.f32 v24, v22;
	v24 =	vadd.f32 v54, v38;
	v54 =	vld [tilespmem:$0x56C0]  }
0x171: {  	v60 =	vmin.f32 v30, v60;
	v58 =	vadd.f32 $9.999999710e-10, v51;
	v63 =	vmin.f32 v31, v52  }
0x172: {  	v3 =	vld [tilespmem:$0x5400];
	v61 =	vmax.f32 v61, $0.0e+00;
	v22 =	vmax.f32 v22, $0.0e+00;
	v24 =	vsub.f32 v24, v0  }
0x173: {  	(erf) = vrcp.f32 v58;
	v58 =	vld [tilespmem:$0x5100];
	v22 =	vmul.f32 v22, v61;
	v61 =	vadd.f32 v59, v39  }
0x174: {  	v51 =	vsel vm1, $0xFF800000, v62;
	v53 =	vsub.f32 v63, v53;
	v24 =	vadd.f32 $9.999999710e-10, v24  }
0x175: {  	v62 =	vld [tilespmem:$0x5280];
	v61 =	vsub.f32 v61, v22;
	v52 =	vsel vm12, $0xFF800000, v54;
	v54 =	vsub.f32 v60, v57;
	v57 =	vpop (erf)  }
0x176: {  	v53 =	vmax.f32 v53, $0.0e+00;
	v60 =	vld [tilespmem:$0x5580];
	v55 =	vmul.f32 v57, v55;
	v63 =	vpop (erf);
	(erf) = vrcp.f32 v24  }
0x177: {  	v24 =	vadd.f32 $9.999999710e-10, v61;
	v1 =	vmul.f32 v63, v1;
	v54 =	vmax.f32 v54, $0.0e+00  }
0x178: {  	v61 =	vmin.f32 v34, v3;
	v63 =	vmax.f32 v32, v58;
	v3 =	vmin.f32 v30, v3  }
0x179: {  	v58 =	vmax.f32 v28, v58;
	vm13 =	vgt.f32 v55, $5.000000000e-01;
	v55 =	vsub.f32 v61, v63  }
0x17a: {  	(erf) = vrcp.f32 v24;
	v24 =	vmul.f32 v53, v54;
	v53 =	vadd.f32 v59, v38;
	v54 =	vld [tilespmem:$0x5880]  }
0x17b: {  	v3 =	vsub.f32 v3, v58;
	v59 =	vmax.f32 v33, v62;
	v57 =	vmin.f32 v35, v60  }
0x17c: {  	vm10 =	veq.s32 v16, v36;
	v53 =	vsub.f32 v53, v24;
	v57 =	vsub.f32 v57, v59  }
0x17d: {  	vm15 =	vgt.f32 v1, $5.000000000e-01;
	v61 =	vpop (erf);
	v55 =	vmax.f32 v55, $0.0e+00;
	v60 =	vmin.f32 v31, v60  }
0x17e: {  	v1 =	vmul.f32 v61, v56;
	v53 =	vadd.f32 $9.999999710e-10, v53;
	v61 =	vmax.f32 v57, $0.0e+00;
	v57 =	vld [tilespmem:$0x5110]  }
0x17f: {  	v55 =	vmul.f32 v61, v55;
	v56 =	vadd.f32 v54, v39;
	v61 =	vmax.f32 v29, v62;
	v62 =	vld [tilespmem:$0x5410];
	v59 =	vpop (erf)  }
0x180: {  	v63 =	vsub.f32 v60, v61;
	(erf) = vrcp.f32 v53;
	v53 =	vld [tilespmem:$0x5590];
	v0 =	vmul.f32 v59, v0  }
0x181: {  	vm11 =	veq.s32 v17, v36;
	vm3 =	vgt.f32 v1, $5.000000000e-01;
	v1 =	vsub.f32 v56, v55  }
0x182: {  	v3 =	vmax.f32 v3, $0.0e+00;
	v59 =	vld [tilespmem:$0x5290];
	v60 =	vmax.f32 v63, $0.0e+00;
	vm2 =	vgt.f32 v0, $5.000000000e-01  }
0x183: {  	v1 =	vadd.f32 $9.999999710e-10, v1;
	v3 =	vmul.f32 v60, v3;
	v63 =	vmax.f32 v32, v57  }
0x184: {  	v57 =	vmax.f32 v28, v57;
	v61 =	vmin.f32 v34, v62;
	v56 =	vmin.f32 v30, v62  }
0x185: {  	v0 =	vpop (erf);
	(erf) = vrcp.f32 v1;
	v1 =	vsub.f32 v61, v63;
	v60 =	vmin.f32 v35, v53  }
0x186: {  	v53 =	vmin.f32 v31, v53;
	v0 =	vmul.f32 v0, v22;
	v22 =	vadd.f32 v54, v38  }
0x187: {  	v56 =	vsub.f32 v56, v57;
	v57 =	vld [tilespmem:$0x55A0];
	v61 =	vmax.f32 v33, v59;
	v59 =	vmax.f32 v29, v59  }
0x188: {  	v54 =	vsub.f32 v60, v61;
	vm1 =	vgt.f32 v0, $5.000000000e-01;
	v0 =	vld [tilespmem:$0x5890];
	v22 =	vsub.f32 v22, v3  }
0x189: {  	vm8 =	vmor vm14, vm13;
	v1 =	vmax.f32 v1, $0.0e+00;
	v61 =	vld [tilespmem:$0x5420];
	v53 =	vsub.f32 v53, v59  }
0x18a: {  	v58 =	vld [tilespmem:$0x5120];
	v56 =	vmax.f32 v56, $0.0e+00;
	v54 =	vmax.f32 v54, $0.0e+00;
	v63 =	vpop (erf);
	v22 =	vadd.f32 $9.999999710e-10, v22  }
0x18b: {  	v60 =	vld [tilespmem:$0x52A0];
	v53 =	vmax.f32 v53, $0.0e+00;
	v1 =	vmul.f32 v54, v1;
	v24 =	vmul.f32 v63, v24  }
0x18c: {  	vm12 =	vmor vm7, vm15;
	v59 =	vld [tilespmem:$0x58A0];
	v53 =	vmul.f32 v53, v56;
	(erf) = vrcp.f32 v22  }
0x18d: {  	v56 =	vmin.f32 v35, v57;
	v57 =	vmin.f32 v31, v57;
	v62 =	vadd.f32 v0, v39  }
0x18e: {  	v63 =	vmin.f32 v34, v61;
	vm13 =	vgt.f32 v24, $5.000000000e-01;
	v0 =	vadd.f32 v0, v38  }
0x18f: {  	v61 =	vmin.f32 v30, v61;
	v22 =	vsub.f32 v62, v1;
	v62 =	vmax.f32 v32, v58  }
0x190: {  	v24 =	vpop (erf);
	v0 =	vsub.f32 v0, v53;
	v54 =	vsub.f32 v63, v62;
	v62 =	vmax.f32 v33, v60  }
0x191: {  	v24 =	vmul.f32 v24, v55;
	v55 =	vadd.f32 v59, v39;
	v56 =	vsub.f32 v56, v62  }
0x192: {  	v58 =	vmax.f32 v28, v58;
	v60 =	vmax.f32 v29, v60;
	v22 =	vadd.f32 $9.999999710e-10, v22;
	v62 =	vld [tilespmem:$0x5430]  }
0x193: {  	v58 =	vsub.f32 v61, v58;
	v54 =	vmax.f32 v54, $0.0e+00;
	v63 =	vmax.f32 v56, $0.0e+00;
	v56 =	vld [tilespmem:$0x5130]  }
0x194: {  	v61 =	vld [tilespmem:$0x55B0];
	v57 =	vsub.f32 v57, v60;
	(erf) = vrcp.f32 v22;
	v22 =	vmul.f32 v63, v54  }
0x195: {  	v0 =	vadd.f32 $9.999999710e-10, v0;
	vm5 =	vgt.f32 v24, $5.000000000e-01;
	v24 =	vmax.f32 v58, $0.0e+00;
	v54 =	vld [tilespmem:$0x52B0];
	v60 =	vpop (erf)  }
0x196: {  	v55 =	vsub.f32 v55, v22;
	v3 =	vmul.f32 v60, v3;
	v60 =	vmax.f32 v57, $0.0e+00  }
0x197: {  	(erf) = vrcp.f32 v0;
	v57 =	vmin.f32 v34, v62;
	v24 =	vmul.f32 v60, v24  }
0x198: {  	v0 =	vadd.f32 $9.999999710e-10, v55;
	v55 =	vadd.f32 v59, v38;
	v58 =	vmax.f32 v32, v56  }
0x199: {  	v59 =	vmin.f32 v35, v61;
	vm15 =	vgt.f32 v3, $5.000000000e-01;
	v56 =	vmax.f32 v28, v56  }
0x19a: {  	v3 =	vld [tilespmem:$0x58B0];
	v60 =	vmax.f32 v33, v54;
	v57 =	vsub.f32 v57, v58;
	v58 =	vmin.f32 v30, v62  }
0x19b: {  	v54 =	vmax.f32 v29, v54;
	v63 =	vsub.f32 v59, v60;
	(erf) = vrcp.f32 v0  }
0x19c: {  	v0 =	vsub.f32 v55, v24;
	v60 =	vmin.f32 v31, v61;
	v56 =	vsub.f32 v58, v56  }
0x19d: {  	vm6 =	vmand vm0, vm12;
	v55 =	vmax.f32 v57, $0.0e+00;
	v54 =	vsub.f32 v60, v54  }
0x19e: {  	v57 =	vmax.f32 v63, $0.0e+00;
	v0 =	vadd.f32 $9.999999710e-10, v0;
	v56 =	vmax.f32 v56, $0.0e+00  }
0x19f: {  	v55 =	vmul.f32 v57, v55;
	v39 =	vadd.f32 v3, v39;
	v54 =	vmax.f32 v54, $0.0e+00  }
0x1a0: {  	v3 =	vadd.f32 v3, v38;
	v54 =	vmul.f32 v54, v56;
	(erf) = vrcp.f32 v0  }
0x1a1: {  	vm12 =	veq.s32 v17, v37;
	vm14 =	vmor vm8, vm6;
	v60 =	vsub.f32 v39, v55  }
0x1a2: {  	vm3 =	vmor vm9, vm3;
	vm2 =	vmor vm10, vm2;
	v3 =	vsub.f32 v3, v54  }
0x1a3: {  	vm10 =	veq.s32 v19, v37;
	vm2 =	vmand vm0, vm2;
	v59 =	vld [tilespmem:$0x56D0];
	v0 =	vpop (erf);
	v38 =	vadd.f32 $9.999999710e-10, v60  }
0x1a4: {  	vm2 =	vmor vm3, vm2;
	v0 =	vmul.f32 v0, v1;
	v1 =	vpop (erf);
	v3 =	vadd.f32 $9.999999710e-10, v3  }
0x1a5: {  	vm3 =	vmor vm11, vm13;
	v1 =	vmul.f32 v1, v53;
	(erf) = vrcp.f32 v38  }
0x1a6: {  	[tilespmem:$0x5600] =	vst v40;
	vm1 =	vmor vm12, vm1;
	vm3 =	vmand vm0, vm3;
	v62 =	vld [tilespmem:$0x56F0];
	(erf) = vrcp.f32 v3  }
0x1a7: {  	[tilespmem:$0x5610] =	vst v41;
	vm13 =	veq.s32 v18, v36;
	vm11 =	veq.s32 v19, v36;
	vm1 =	vmor vm1, vm3;
	v61 =	vld [tilespmem:$0x56E0]  }
0x1a8: {  	[tilespmem:$0x5620] =	vst v43;
	vm3 =	vmor vm13, vm15;
	v57 =	vsel vm14, $0xFF800000, v59;
	vm14 =	vgt.f32 v0, $5.000000000e-01;
	v0 =	vpop (erf)  }
0x1a9: {  	[tilespmem:$0x5630] =	vst v42;
	vm15 =	veq.s32 v18, v37;
	vm13 =	veq.s32 v20, v37;
	vm7 =	vgt.f32 v1, $5.000000000e-01;
	v1 =	vpop (erf)  }
0x1aa: {  	[tilespmem:$0x5640] =	vst v44;
	vm5 =	vmor vm15, vm5;
	vm3 =	vmand vm0, vm3;
	v3 =	vld [tilespmem:$0x5700];
	v1 =	vmul.f32 v1, v24  }
0x1ab: {  	[tilespmem:$0x5660] =	vst v45;
	vm15 =	veq.s32 v20, v36;
	vm9 =	vmor vm5, vm3;
	v0 =	vmul.f32 v0, v22  }
0x1ac: {  	[tilespmem:$0x5650] =	vst v46;
	v38 =	vsel vm1, $0xFF800000, v62;
	v22 =	vsel vm2, $0xFF800000, v61;
	vm2 =	vmor vm11, vm7  }
0x1ad: {  	[tilespmem:$0x5670] =	vst v48;
	vm1 =	vmor vm10, vm14;
	vm2 =	vmand vm0, vm2;
	v24 =	vld [tilespmem:$0x5710];
	vm12 =	vgt.f32 v0, $5.000000000e-01  }
0x1ae: {  	[tilespmem:$0x5680] =	vst v47;
	v0 =	vld [tilespmem:$0x5720];
	vm1 =	vmor vm1, vm2;
	vm2 =	vcmask @!p0 $0x3F10;
	vm14 =	vgt.f32 v1, $5.000000000e-01;
	v1 =	vpop (erf)  }
0x1af: {  	[tilespmem:$0x5690] =	vst v50;
	v39 =	vld [tilespmem:$0x5D80];
	v3 =	vsel vm9, $0xFF800000, v3;
	vm3 =	vmor vm13, vm12;
	vm9 =	vmor vm15, vm14;
	v63 =	vpop (erf)  }
0x1b0: {  	[tilespmem:$0x56A0] =	vst v49;
	vm12 =	veq.s32 v21, v37;
	vm4 =	vmand vm0, vm9;
	v40 =	vmul.f32 v63, v54  }
0x1b1: {  	[tilespmem:$0x56B0] =	vst v51;
	vm14 =	veq.s32 v21, v36;
	v1 =	vmul.f32 v1, v55;
	vm10 =	vmor vm3, vm4  }
0x1b2: {  	[tilespmem:$0x56C0] =	vst v52;
	v24 =	vsel vm1, $0xFF800000, v24;
	vm3 =	vcmask @!p0 $0x3F14;
	vm13 =	vgt.f32 v40, $5.000000000e-01  }
0x1b3: {  	[tilespmem:$0x56D0] =	vst v57;
	v0 =	vsel vm10, $0xFF800000, v0;
	vm11 =	vgt.f32 v1, $5.000000000e-01;
	v1 =	vld [tilespmem:$0x5730];
	vm15 =	vmor vm14, vm13  }
0x1b4: {  	s17 =	spop (v2sf);
	[tilespmem:$0x56E0] =	vst v22;
	v22 =	vsel @!p0 vm3, $0x0, v39;
	vm1 =	vmor vm12, vm11;
	vm0 =	vmand vm0, vm15  }
0x1b5: {  	p1 =	sne.s32 s17, $0x0;
	[tilespmem:$0x56F0] =	vst v38;
	v36 =	vld [tilespmem:$0x5DA0];
	v22 =	vsel @!p0 vm2, v22, v35;
	vm0 =	vmor vm1, vm0;
	vm1 =	vcmask @!p0 $0x3F0C  }
0x1b6: {  	p2 =	sgt.u32 @!p0 s15, $0x62;
	p3 =	por @!p0 !p1, !p1;
	[tilespmem:$0x5700] =	vst v3;
	vm3 =	vgt.f32 @!p0 v39, $-Inf;
	v3 =	vsel @!p0 vm1, v22, v34;
	vm1 =	vcmask @!p0 $0x3F08  }
0x1b7: {  	p2 =	por @!p0 p2, p3;
	[tilespmem:$0x5710] =	vst v24;
	vm2 =	vlt.f32 @!p0 v39, $-Inf;
	v3 =	vsel @!p0 vm1, v3, v33;
	vm1 =	vmmov @!p0 $0x1  }
0x1b8: {  	p2 =	por p2, p0;
	[tilespmem:$0x5720] =	vst v0;
	v0 =	vsel vm0, $0xFF800000, v1;
	vm0 =	vmor @!p0 vm3, vm2;
	v1 =	vsel @!p0 vm1, v32, v3  }
0x1b9: {  	s17 =	sshll.u32 @!p0 s15, $0x4;
	[tilespmem:$0x5730] =	vst v0;
	v0 =	vnsel @!p0 vm0, $0x0, v1;
	vm0 =	vcmask @!p2 $0x3F14  }
0x1ba: {  	s19 =	simm.s32 @!p0 $0x0;
	s20 =	simm.s32 @!p0 $0x5E00;
	s18 =	sadd.s32 @!p0 s9, s17;
	[tilespmem:$0x5E00] =	vst @!p0 v0;
	v0 =	vsel @!p2 vm0, $0x0, v36;
	vm0 =	vcmask @!p2 $0x3F10  }
0x1bb: {  	[hbm4b:s18+s19] =	stream.linear.scatter @!p0 [tilespmem:s20], [sflag:$0x1], $0x80, $0x38;
	v0 =	vsel @!p2 vm0, v0, v31;
	vm0 =	vcmask @!p2 $0x3F0C;
	[tilespmem:$0x5EC8] =	vst v63  }
0x1bc: {  	vm2 =	vgt.f32 @!p2 v36, $-Inf;
	s18 =	simm.s32 @!p0 $0x1;
	v0 =	vsel @!p2 vm0, v0, v30;
	vm0 =	vcmask @!p2 $0x3F08  }
0x1bd: {  	vm1 =	vlt.f32 @!p2 v36, $-Inf;
	_ =	swait.ge @!p0 [sflag:s18], $0x80;
	v0 =	vsel @!p2 vm0, v0, v29;
	vm0 =	vmmov @!p2 $0x1  }
0x1be: {  	vm1 =	vmor @!p2 vm2, vm1;
	[sflag:s18] =	ssyncset.done @!p0 $0x0;
	v0 =	vsel @!p2 vm0, v28, v0  }
0x1bf: {  	[sflag:s18] =	ssyncadd.s32 @!p0 $0xFFFFFF80;
	v0 =	vnsel @!p2 vm1, $0x0, v0  }
0x1c0: {  	s17 =	sadd.s32 @!p2 s17, s11;
	s19 =	simm.s32 @!p2 $0x5E00;
	s18 =	simm.s32 @!p2 $0x0;
	[tilespmem:$0x5E00] =	vst @!p2 v0  }
0x1c1: {  	[hbm4b:s17+s18] =	stream.linear.scatter @!p2 [tilespmem:s19], [sflag:$0x1], $0x80, $0x38;
	[tilespmem:$0x5EC8] =	vst v63  }
0x1c2: {  	s17 =	simm.s32 $0x2  }
0x1c3: {  	s17 =	simm.s32 @!p1 $0x1  }
0x1c4: {  	s15 =	sadd.s32 s15, s17  }
0x1c5: {  	p1 =	sgt.u32 s15, $0x63  }
0x1c6: {  	p3 =	slt.u32 @!p1 s16, $0x63  }
0x1c7: {  	p1 =	por p1, !p3  }
.Ltmp2:
0x1c8: {  	_ = 	snop;
	(pc) =	sbr.rel @p1 .LBB2_5-.Ltmp2, $4  }
0x1c9: {  	s17 =	simm.s32 @!p2 $0x1  }
0x1ca: {  	_ =	swait.ge @!p2 [sflag:s17], $0x80  }
0x1cb: {  	[sflag:s17] =	ssyncset.done @!p2 $0x0  }
0x1cc: {  	v1 =	vimm.s32 $0x0;
	s16 =	sadd.s32 $0x1, s16;
	[sflag:s17] =	ssyncadd.s32 @!p2 $0xFFFFFF80  }
.LBB2_2:
0x1cd: {  	v28 =	vld [tilespmem:$0x5600]  }
0x1ce: {  	v29 =	vld [tilespmem:$0x5610];
	_ =	sdelay $0x3  }
0x1cf: {  	v30 =	vld [tilespmem:$0x5620];
	vm0 =	vgt.f32 v28, $-Inf  }
0x1d0: {  	vm14 =	vlt.f32 v29, $-Inf;
	vm1 =	vgt.f32 v29, $-Inf;
	v28 =	vnsel vm0, $0xFF800000, v28  }
0x1d1: {  	vm0 =	vmor vm1, vm14;
	vm2 =	vgt.f32 v29, v28  }
0x1d2: {  	v32 =	vld [tilespmem:$0x5630];
	v31 =	vnsel vm0, $0xFF800000, v29;
	vm15 =	vmneg vm2  }
0x1d3: {  	v31 =	vsel vm15, v31, v28  }
0x1d4: {  	v28 =	vsel vm15, v28, v29;
	vm3 =	vgt.f32 v30, v31  }
0x1d5: {  	v54 =	vld [tilespmem:$0x5640];
	vm4 =	vgt.f32 v30, v28;
	v29 =	vsel vm3, v30, v31  }
0x1d6: {  	v29 =	vsel vm4, v28, v29  }
0x1d7: {  	v28 =	vsel vm4, v30, v28;
	vm5 =	vgt.f32 v32, v29  }
0x1d8: {  	v56 =	vld [tilespmem:$0x5650];
	vm6 =	vgt.f32 v32, v28;
	v29 =	vsel vm5, v32, v29  }
0x1d9: {  	v34 =	vsel vm2, $0x1, v1;
	vm0 =	vmand vm0, vm15;
	v29 =	vsel vm6, v28, v29  }
0x1da: {  	v33 =	vsel vm0, $0x1, v1;
	v28 =	vsel vm6, v32, v28;
	vm7 =	vgt.f32 v54, v29  }
0x1db: {  	v57 =	vld [tilespmem:$0x5660];
	v55 =	vsel vm3, $0x2, v33;
	vm8 =	vgt.f32 v54, v28;
	v29 =	vsel vm7, v54, v29  }
0x1dc: {  	v30 =	vsel vm4, v34, v55;
	v29 =	vsel vm8, v28, v29  }
0x1dd: {  	v34 =	vsel vm4, $0x2, v34;
	v28 =	vsel vm8, v54, v28;
	vm9 =	vgt.f32 v56, v29  }
0x1de: {  	v58 =	vld [tilespmem:$0x5670];
	v30 =	vsel vm5, $0x3, v30;
	vm10 =	vgt.f32 v56, v28;
	v29 =	vsel vm9, v56, v29  }
0x1df: {  	v30 =	vsel vm6, v34, v30;
	v29 =	vsel vm10, v28, v29  }
0x1e0: {  	v34 =	vsel vm6, $0x3, v34;
	v28 =	vsel vm10, v56, v28;
	vm11 =	vgt.f32 v57, v29  }
0x1e1: {  	v59 =	vld [tilespmem:$0x5680];
	v30 =	vsel vm7, $0x4, v30;
	vm12 =	vgt.f32 v57, v28;
	v29 =	vsel vm11, v57, v29  }
0x1e2: {  	v30 =	vsel vm8, v34, v30;
	v29 =	vsel vm12, v28, v29  }
0x1e3: {  	v34 =	vsel vm8, $0x4, v34;
	v28 =	vsel vm12, v57, v28;
	vm13 =	vgt.f32 v58, v29  }
0x1e4: {  	v60 =	vld [tilespmem:$0x5690];
	v30 =	vsel vm9, $0x5, v30;
	vm14 =	vgt.f32 v58, v28;
	v29 =	vsel vm13, v58, v29  }
0x1e5: {  	v30 =	vsel vm10, v34, v30;
	v29 =	vsel vm14, v28, v29  }
0x1e6: {  	v34 =	vsel vm10, $0x5, v34;
	v28 =	vsel vm14, v58, v28;
	vm15 =	vgt.f32 v59, v29  }
0x1e7: {  	v61 =	vld [tilespmem:$0x56A0];
	v30 =	vsel vm11, $0x6, v30;
	vm4 =	vgt.f32 v59, v28;
	v29 =	vsel vm15, v59, v29  }
0x1e8: {  	v30 =	vsel vm12, v34, v30;
	v29 =	vsel vm4, v28, v29  }
0x1e9: {  	v34 =	vsel vm12, $0x6, v34;
	v28 =	vsel vm4, v59, v28;
	vm5 =	vgt.f32 v60, v29  }
0x1ea: {  	v62 =	vld [tilespmem:$0x56B0];
	v30 =	vsel vm13, $0x7, v30;
	vm6 =	vgt.f32 v60, v28;
	v29 =	vsel vm5, v60, v29  }
0x1eb: {  	v30 =	vsel vm14, v34, v30;
	v29 =	vsel vm6, v28, v29  }
0x1ec: {  	v34 =	vsel vm14, $0x7, v34;
	v28 =	vsel vm6, v60, v28;
	vm7 =	vgt.f32 v61, v29  }
0x1ed: {  	v63 =	vld [tilespmem:$0x56C0];
	v30 =	vsel vm15, $0x8, v30;
	vm8 =	vgt.f32 v61, v28;
	v29 =	vsel vm7, v61, v29  }
0x1ee: {  	v30 =	vsel vm4, v34, v30;
	v29 =	vsel vm8, v28, v29  }
0x1ef: {  	v34 =	vsel vm4, $0x8, v34;
	v28 =	vsel vm8, v61, v28;
	vm9 =	vgt.f32 v62, v29  }
0x1f0: {  	v36 =	vld [tilespmem:$0x56D0];
	v30 =	vsel vm5, $0x9, v30;
	vm10 =	vgt.f32 v62, v28;
	v29 =	vsel vm9, v62, v29  }
0x1f1: {  	v30 =	vsel vm6, v34, v30;
	v29 =	vsel vm10, v28, v29  }
0x1f2: {  	v34 =	vsel vm6, $0x9, v34;
	v28 =	vsel vm10, v62, v28;
	vm11 =	vgt.f32 v63, v29  }
0x1f3: {  	v37 =	vld [tilespmem:$0x56E0];
	v30 =	vsel vm7, $0xA, v30;
	vm12 =	vgt.f32 v63, v28;
	v29 =	vsel vm11, v63, v29  }
0x1f4: {  	v30 =	vsel vm8, v34, v30;
	v29 =	vsel vm12, v28, v29  }
0x1f5: {  	v34 =	vsel vm8, $0xA, v34;
	v28 =	vsel vm12, v63, v28;
	vm13 =	vgt.f32 v36, v29  }
0x1f6: {  	v38 =	vld [tilespmem:$0x56F0];
	v30 =	vsel vm9, $0xB, v30;
	vm14 =	vgt.f32 v36, v28;
	v29 =	vsel vm13, v36, v29  }
0x1f7: {  	v30 =	vsel vm10, v34, v30;
	v29 =	vsel vm14, v28, v29  }
0x1f8: {  	v34 =	vsel vm10, $0xB, v34;
	v28 =	vsel vm14, v36, v28;
	vm15 =	vgt.f32 v37, v29  }
0x1f9: {  	v39 =	vld [tilespmem:$0x5700];
	v30 =	vsel vm11, $0xC, v30;
	vm4 =	vgt.f32 v37, v28;
	v29 =	vsel vm15, v37, v29  }
0x1fa: {  	v30 =	vsel vm12, v34, v30;
	v29 =	vsel vm4, v28, v29  }
0x1fb: {  	v34 =	vsel vm12, $0xC, v34;
	v28 =	vsel vm4, v37, v28;
	vm5 =	vgt.f32 v38, v29  }
0x1fc: {  	v40 =	vld [tilespmem:$0x5710];
	v30 =	vsel vm13, $0xD, v30;
	vm6 =	vgt.f32 v38, v28;
	v29 =	vsel vm5, v38, v29  }
0x1fd: {  	v30 =	vsel vm14, v34, v30;
	v34 =	vsel vm14, $0xD, v34;
	v29 =	vsel vm6, v28, v29  }
0x1fe: {  	v30 =	vsel vm15, $0xE, v30;
	v28 =	vsel vm6, v38, v28;
	vm7 =	vgt.f32 v39, v29  }
0x1ff: {  	v41 =	vld [tilespmem:$0x5720];
	v30 =	vsel vm4, v34, v30;
	vm8 =	vgt.f32 v39, v28;
	v29 =	vsel vm7, v39, v29  }
0x200: {  	v34 =	vsel vm4, $0xE, v34;
	v30 =	vsel vm5, $0xF, v30;
	v29 =	vsel vm8, v28, v29  }
0x201: {  	v30 =	vsel vm6, v34, v30;
	v28 =	vsel vm8, v39, v28;
	vm9 =	vgt.f32 v40, v29  }
0x202: {  	v34 =	vsel vm6, $0xF, v34;
	vm10 =	vgt.f32 v40, v28;
	v29 =	vsel vm9, v40, v29  }
0x203: {  	v42 =	vsel vm8, $0x10, v34;
	v29 =	vsel vm10, v28, v29;
	v28 =	vsel vm10, v40, v28  }
0x204: {  	v44 =	vsel vm10, $0x11, v42;
	vm11 =	vgt.f32 v41, v28  }
0x205: {  	v45 =	vsel vm11, $0x12, v44  }
0x206: {  	v43 =	vld [tilespmem:$0x5730];
	v0 =	vlaneseq.u32;
	v46 =	vshll.u32 v45, $0x4  }
0x207: {  	v32 =	vor.u32 v0, v46;
	v0 =	vld [tilespmem:$0x1FFF0]  }
0x208: {  	vm12 =	vgt.f32 v41, v29  }
0x209: {  	v29 =	vsel vm12, v41, v29  }
0x20a: {  	v29 =	vsel vm11, v28, v29;
	v28 =	vsel vm11, v41, v28  }
0x20b: {  	v30 =	vsel vm7, $0x10, v30;
	vm13 =	vgt.f32 v43, v28  }
0x20c: {  	v30 =	vsel vm8, v34, v30;
	v32 =	vsel vm13, v0, v32;
	v0 =	vld [tilespmem:$0x1FFB0]  }
0x20d: {  	v30 =	vsel vm9, $0x11, v30  }
0x20e: {  	v30 =	vsel vm10, v42, v30  }
0x20f: {  	v30 =	vsel vm12, $0x12, v30  }
0x210: {  	v30 =	vsel vm11, v44, v30  }
0x211: {  	vm14 =	vgt.f32 v43, v29;
	v47 =	vsel vm13, v43, v28;
	v32 =	vadd.s32 v0, v32  }
0x212: {  	v29 =	vsel vm14, v43, v29;
	v34 =	vperm.xlane v47, v23;
	v35 =	vperm.xlane v32, v23  }
0x213: {  	v30 =	vsel vm14, $0x13, v30;
	v28 =	vsel vm13, v28, v29  }
0x214: {  	v29 =	vsel vm13, v45, v30;
	vm15 =	veq.f32 v34, v47;
	vm4 =	vlt.s32 v35, v32  }
0x215: {  	v29 =	vshll.u32 v29, $0x4;
	vm5 =	vgt.f32 v34, v47;
	vm0 =	vmand vm15, vm4  }
0x216: {  	v48 =	vperm.xlane v28, v23;
	v29 =	vadd.s32 v29, v2;
	vm0 =	vmor vm5, vm0  }
0x217: {  	v49 =	vperm.xlane v29, v23;
	v36 =	vsel vm0, v34, v47  }
0x218: {  	v37 =	vsel vm0, v35, v32;
	v33 =	vsel vm0, v47, v34;
	v28 =	vsel vm0, v48, v28  }
0x219: {  	v32 =	vsel vm0, v32, v35;
	v29 =	vsel vm0, v49, v29;
	vm7 =	veq.f32 v28, v33  }
0x21a: {  	vm8 =	vlt.s32 v29, v32;
	v50 =	vperm.xlane v36, v25;
	v51 =	vperm.xlane v37, v25  }
0x21b: {  	vm6 =	vgt.f32 v28, v33;
	vm1 =	vmand vm7, vm8  }
0x21c: {  	vm0 =	vmor vm6, vm1;
	vm9 =	veq.f32 v50, v36;
	vm10 =	vlt.s32 v51, v37  }
0x21d: {  	vm11 =	vgt.f32 v50, v36;
	v28 =	vsel vm0, v28, v33;
	vm1 =	vmand vm9, vm10  }
0x21e: {  	v29 =	vsel vm0, v29, v32;
	v52 =	vperm.xlane v28, v25;
	vm0 =	vmor vm11, vm1  }
0x21f: {  	v53 =	vperm.xlane v29, v25;
	v54 =	vsel vm0, v50, v36;
	v55 =	vsel vm0, v51, v37  }
0x220: {  	v30 =	vsel vm0, v36, v50;
	v31 =	vsel vm0, v37, v51;
	v28 =	vsel vm0, v52, v28  }
0x221: {  	v29 =	vsel vm0, v53, v29;
	v56 =	vperm.xlane v54, v26;
	v57 =	vperm.xlane v55, v26  }
0x222: {  	vm12 =	vgt.f32 v28, v30;
	vm13 =	veq.f32 v28, v30;
	vm14 =	vlt.s32 v29, v31  }
0x223: {  	vm1 =	vmand vm13, vm14;
	vm15 =	veq.f32 v56, v54;
	vm4 =	vlt.s32 v57, v55  }
0x224: {  	vm5 =	vgt.f32 v56, v54;
	vm0 =	vmor vm12, vm1;
	vm1 =	vmand vm15, vm4  }
0x225: {  	v28 =	vsel vm0, v28, v30;
	v29 =	vsel vm0, v29, v31;
	vm0 =	vmor vm5, vm1  }
0x226: {  	v30 =	vperm.xlane v28, v26;
	v31 =	vperm.xlane v29, v26;
	v58 =	vsel vm0, v56, v54  }
0x227: {  	v59 =	vsel vm0, v57, v55;
	v32 =	vsel vm0, v54, v56;
	v33 =	vsel vm0, v55, v57  }
0x228: {  	v60 =	vperm.xlane v58, v27;
	v28 =	vsel vm0, v30, v28;
	v29 =	vsel vm0, v31, v29  }
0x229: {  	v61 =	vperm.xlane v59, v27;
	vm7 =	veq.f32 v28, v32;
	vm8 =	vlt.s32 v29, v33  }
0x22a: {  	vm6 =	vgt.f32 v28, v32;
	vm9 =	veq.f32 v60, v58;
	vm1 =	vmand vm7, vm8  }
0x22b: {  	vm10 =	vlt.s32 v61, v59;
	vm11 =	vgt.f32 v60, v58;
	vm0 =	vmor vm6, vm1  }
0x22c: {  	vm1 =	vmand vm9, vm10;
	v28 =	vsel vm0, v28, v32;
	v29 =	vsel vm0, v29, v33  }
0x22d: {  	vm0 =	vmor vm11, vm1;
	v32 =	vperm.xlane v28, v27;
	v33 =	vperm.xlane v29, v27  }
0x22e: {  	v62 =	vsel vm0, v58, v60  }
0x22f: {  	v63 =	vsel vm0, v59, v61;
	v28 =	vsel vm0, v32, v28;
	v29 =	vsel vm0, v33, v29  }
0x230: {  	vm12 =	veq.f32 v28, v62;
	vm13 =	vlt.s32 v29, v63  }
0x231: {  	v30 =	vsel vm0, v60, v58;
	vm14 =	vgt.f32 v28, v62;
	vm1 =	vmand vm12, vm13  }
0x232: {  	v31 =	vsel vm0, v61, v59;
	[tilespmem:$0x5900] =	vst v30;
	vm15 =	vmor vm14, vm1  }
0x233: {  	[tilespmem:$0x5910] =	vst v31;
	v28 =	vsel vm15, v28, v62  }
0x234: {  	v29 =	vsel vm15, v29, v63;
	[tilespmem:$0x5920] =	vst v28  }
0x235: {  	[tilespmem:$0x5930] =	vst v29  }
0x236: {  	[spmem:s10] =	stream.linear.scatter [tilespmem:s12], [sflag:$0x1], $0x40, $0x38;
	[tilespmem:$0x5EC8] =	vst v63  }
.Ltmp3:
0x237: {  	_ =	swait.ge [sflag:s5], $0x40;
	(pc) =	sbr.rel @p0 .LBB2_4-.Ltmp3, $3  }
0x238: {  	[sflag:s5] =	ssyncset.done $0x0  }
0x239: {  	[sflag:s5] =	ssyncadd.s32 $0xFFFFFFC0  }
0x23a: {  	[bflag:$0x0] =	sbarrier.arrive $0xFFFF;
	_ =	sdelay $0x1  }
0x23b: {  	[tilespmem:s13], [sflag:$0x1] =	stream.linear.gather [spmem:s1], $0x400, $0x38;
	[tilespmem:$0x5EC8] =	vst v63  }
0x23c: {  	_ =	swait.ge [sflag:s5], $0x400  }
0x23d: {  	[sflag:s5] =	ssyncset.done $0x0  }
0x23e: {  	[sflag:s5] =	ssyncadd.s32 $0xFFFFFC00  }
0x23f: {  	v28 =	vld [tilespmem:$0x5980]  }
0x240: {  	v29 =	vld [tilespmem:$0x5990]  }
0x241: {  	v30 =	vld [tilespmem:$0x59C0]  }
0x242: {  	v31 =	vld [tilespmem:$0x59D0]  }
0x243: {  	v32 =	vld [tilespmem:$0x59A0]  }
0x244: {  	v33 =	vld [tilespmem:$0x59B0]  }
0x245: {  	v34 =	vld [tilespmem:$0x59E0]  }
0x246: {  	v35 =	vld [tilespmem:$0x59F0]  }
0x247: {  	v36 =	vld [tilespmem:$0x5A00];
	vm0 =	veq.f32 v30, v28;
	vm1 =	vlt.s32 v31, v29  }
0x248: {  	v37 =	vld [tilespmem:$0x5A10];
	vm2 =	vgt.f32 v30, v28;
	vm0 =	vmand vm0, vm1  }
0x249: {  	vm0 =	vmor vm2, vm0  }
0x24a: {  	v45 =	vld [tilespmem:$0x5A20];
	v38 =	vsel vm0, v30, v28;
	v39 =	vsel vm0, v31, v29;
	v28 =	vsel vm0, v28, v30  }
0x24b: {  	v46 =	vld [tilespmem:$0x5A30];
	v29 =	vsel vm0, v29, v31;
	v43 =	vsel vm0, v34, v32;
	v44 =	vsel vm0, v35, v33  }
0x24c: {  	v47 =	vld [tilespmem:$0x5A40];
	vm12 =	vgt.f32 v43, v28;
	vm13 =	veq.f32 v43, v28;
	vm14 =	vlt.s32 v44, v29  }
0x24d: {  	v48 =	vld [tilespmem:$0x5A50];
	vm15 =	veq.f32 v36, v38;
	vm3 =	vlt.s32 v37, v39;
	vm1 =	vmand vm13, vm14  }
0x24e: {  	vm6 =	vgt.f32 v36, v38;
	vm2 =	vmand vm15, vm3;
	vm0 =	vmor vm12, vm1  }
0x24f: {  	vm7 =	vmor vm6, vm2;
	v28 =	vsel vm0, v43, v28;
	v29 =	vsel vm0, v44, v29  }
0x250: {  	v51 =	vld [tilespmem:$0x5A60];
	v49 =	vsel vm7, v36, v38;
	v50 =	vsel vm7, v37, v39;
	v36 =	vsel vm7, v38, v36  }
0x251: {  	v53 =	vld [tilespmem:$0x5A80];
	v37 =	vsel vm7, v39, v37;
	v28 =	vsel vm7, v45, v28;
	v29 =	vsel vm7, v46, v29  }
0x252: {  	v54 =	vld [tilespmem:$0x5A90];
	vm11 =	veq.f32 v47, v49;
	vm12 =	vlt.s32 v48, v50;
	vm13 =	vgt.f32 v47, v49  }
0x253: {  	v52 =	vld [tilespmem:$0x5A70];
	vm9 =	veq.f32 v28, v36;
	vm10 =	vlt.s32 v29, v37;
	vm2 =	vmand vm11, vm12  }
0x254: {  	vm8 =	vgt.f32 v28, v36;
	vm1 =	vmand vm9, vm10;
	vm14 =	vmor vm13, vm2  }
0x255: {  	vm0 =	vmor vm8, vm1;
	v55 =	vsel vm14, v47, v49;
	v56 =	vsel vm14, v48, v50  }
0x256: {  	v30 =	vsel vm14, v49, v47;
	v31 =	vsel vm14, v50, v48;
	v28 =	vsel vm0, v28, v36  }
0x257: {  	v59 =	vld [tilespmem:$0x5AC0];
	v29 =	vsel vm0, v29, v37;
	vm7 =	veq.f32 v53, v55;
	vm8 =	vlt.s32 v54, v56  }
0x258: {  	v60 =	vld [tilespmem:$0x5AD0];
	vm9 =	vgt.f32 v53, v55;
	v28 =	vsel vm14, v51, v28;
	v29 =	vsel vm14, v52, v29  }
0x259: {  	v57 =	vld [tilespmem:$0x5AA0];
	vm2 =	vmand vm7, vm8;
	vm5 =	veq.f32 v28, v30;
	vm6 =	vlt.s32 v29, v31  }
0x25a: {  	v58 =	vld [tilespmem:$0x5AB0];
	vm15 =	vgt.f32 v28, v30;
	vm10 =	vmor vm9, vm2;
	vm1 =	vmand vm5, vm6  }
0x25b: {  	v61 =	vsel vm10, v53, v55;
	v62 =	vsel vm10, v54, v56;
	v36 =	vsel vm10, v55, v53  }
0x25c: {  	v37 =	vsel vm10, v56, v54;
	vm0 =	vmor vm15, vm1;
	vm14 =	veq.f32 v59, v61  }
0x25d: {  	v44 =	vld [tilespmem:$0x5B10];
	vm15 =	vlt.s32 v60, v62;
	vm6 =	vgt.f32 v59, v61;
	v28 =	vsel vm0, v28, v30  }
0x25e: {  	v43 =	vld [tilespmem:$0x5B00];
	v29 =	vsel vm0, v29, v31;
	vm2 =	vmand vm14, vm15;
	v28 =	vsel vm10, v57, v28  }
0x25f: {  	v63 =	vld [tilespmem:$0x5AE0];
	v29 =	vsel vm10, v58, v29;
	vm7 =	vmor vm6, vm2;
	vm11 =	vgt.f32 v28, v36  }
0x260: {  	v42 =	vld [tilespmem:$0x5AF0];
	vm12 =	veq.f32 v28, v36;
	vm13 =	vlt.s32 v29, v37;
	v45 =	vsel vm7, v59, v61  }
0x261: {  	v46 =	vsel vm7, v60, v62;
	v30 =	vsel vm7, v61, v59;
	vm1 =	vmand vm12, vm13  }
0x262: {  	v31 =	vsel vm7, v62, v60;
	vm12 =	vlt.s32 v44, v46;
	vm0 =	vmor vm11, vm1  }
0x263: {  	v49 =	vld [tilespmem:$0x5B40];
	vm13 =	vgt.f32 v43, v45;
	vm11 =	veq.f32 v43, v45;
	v28 =	vsel vm0, v28, v36  }
0x264: {  	v50 =	vld [tilespmem:$0x5B50];
	v29 =	vsel vm0, v29, v37;
	vm2 =	vmand vm11, vm12;
	v28 =	vsel vm7, v63, v28  }
0x265: {  	v47 =	vld [tilespmem:$0x5B20];
	v29 =	vsel vm7, v42, v29;
	vm14 =	vmor vm13, vm2;
	vm8 =	vgt.f32 v28, v30  }
0x266: {  	v48 =	vld [tilespmem:$0x5B30];
	vm9 =	veq.f32 v28, v30;
	vm10 =	vlt.s32 v29, v31;
	v51 =	vsel vm14, v43, v45  }
0x267: {  	v52 =	vsel vm14, v44, v46;
	v36 =	vsel vm14, v45, v43;
	vm1 =	vmand vm9, vm10  }
0x268: {  	v37 =	vsel vm14, v46, v44;
	vm7 =	veq.f32 v49, v51;
	vm0 =	vmor vm8, vm1  }
0x269: {  	v55 =	vld [tilespmem:$0x5B80];
	vm9 =	vgt.f32 v49, v51;
	vm8 =	vlt.s32 v50, v52;
	v28 =	vsel vm0, v28, v30  }
0x26a: {  	v56 =	vld [tilespmem:$0x5B90];
	v29 =	vsel vm0, v29, v31;
	vm2 =	vmand vm7, vm8;
	v28 =	vsel vm14, v47, v28  }
0x26b: {  	v53 =	vld [tilespmem:$0x5B60];
	v29 =	vsel vm14, v48, v29;
	vm10 =	vmor vm9, vm2;
	vm15 =	vgt.f32 v28, v36  }
0x26c: {  	v54 =	vld [tilespmem:$0x5B70];
	vm5 =	veq.f32 v28, v36;
	vm6 =	vlt.s32 v29, v37;
	v57 =	vsel vm10, v49, v51  }
0x26d: {  	v58 =	vsel vm10, v50, v52;
	v30 =	vsel vm10, v51, v49;
	vm1 =	vmand vm5, vm6  }
0x26e: {  	v31 =	vsel vm10, v52, v50;
	vm14 =	veq.f32 v55, v57;
	vm0 =	vmor vm15, vm1  }
0x26f: {  	v62 =	vld [tilespmem:$0x5BD0];
	vm6 =	vgt.f32 v55, v57;
	vm15 =	vlt.s32 v56, v58;
	v28 =	vsel vm0, v28, v36  }
0x270: {  	v61 =	vld [tilespmem:$0x5BC0];
	v29 =	vsel vm0, v29, v37;
	vm2 =	vmand vm14, vm15;
	v28 =	vsel vm10, v53, v28  }
0x271: {  	v59 =	vld [tilespmem:$0x5BA0];
	v29 =	vsel vm10, v54, v29;
	vm7 =	vmor vm6, vm2;
	vm11 =	vgt.f32 v28, v30  }
0x272: {  	v60 =	vld [tilespmem:$0x5BB0];
	vm12 =	veq.f32 v28, v30;
	vm13 =	vlt.s32 v29, v31;
	v63 =	vsel vm7, v55, v57  }
0x273: {  	v42 =	vsel vm7, v56, v58;
	v36 =	vsel vm7, v57, v55;
	vm1 =	vmand vm12, vm13  }
0x274: {  	v37 =	vsel vm7, v58, v56;
	vm12 =	vlt.s32 v62, v42;
	vm0 =	vmor vm11, vm1  }
0x275: {  	v45 =	vld [tilespmem:$0x5C00];
	vm13 =	vgt.f32 v61, v63;
	vm11 =	veq.f32 v61, v63;
	v28 =	vsel vm0, v28, v30  }
0x276: {  	v46 =	vld [tilespmem:$0x5C10];
	v29 =	vsel vm0, v29, v31;
	vm2 =	vmand vm11, vm12;
	v28 =	vsel vm7, v59, v28  }
0x277: {  	v43 =	vld [tilespmem:$0x5BE0];
	v29 =	vsel vm7, v60, v29;
	vm14 =	vmor vm13, vm2;
	vm8 =	vgt.f32 v28, v36  }
0x278: {  	v44 =	vld [tilespmem:$0x5BF0];
	vm9 =	veq.f32 v28, v36;
	vm10 =	vlt.s32 v29, v37;
	v47 =	vsel vm14, v61, v63  }
0x279: {  	v48 =	vsel vm14, v62, v42;
	v30 =	vsel vm14, v63, v61;
	vm1 =	vmand vm9, vm10  }
0x27a: {  	v31 =	vsel vm14, v42, v62;
	vm7 =	veq.f32 v45, v47;
	vm0 =	vmor vm8, vm1  }
0x27b: {  	v51 =	vld [tilespmem:$0x5C40];
	vm9 =	vgt.f32 v45, v47;
	vm8 =	vlt.s32 v46, v48;
	v28 =	vsel vm0, v28, v36  }
0x27c: {  	v52 =	vld [tilespmem:$0x5C50];
	v29 =	vsel vm0, v29, v37;
	vm2 =	vmand vm7, vm8;
	v28 =	vsel vm14, v43, v28  }
0x27d: {  	v49 =	vld [tilespmem:$0x5C20];
	v29 =	vsel vm14, v44, v29;
	vm10 =	vmor vm9, vm2;
	vm15 =	vgt.f32 v28, v30  }
0x27e: {  	v50 =	vld [tilespmem:$0x5C30];
	vm5 =	veq.f32 v28, v30;
	vm6 =	vlt.s32 v29, v31;
	v53 =	vsel vm10, v45, v47  }
0x27f: {  	v54 =	vsel vm10, v46, v48;
	v36 =	vsel vm10, v47, v45;
	vm1 =	vmand vm5, vm6  }
0x280: {  	v37 =	vsel vm10, v48, v46;
	vm14 =	veq.f32 v51, v53;
	vm0 =	vmor vm15, vm1  }
0x281: {  	v58 =	vld [tilespmem:$0x5C90];
	vm6 =	vgt.f32 v51, v53;
	vm15 =	vlt.s32 v52, v54;
	v28 =	vsel vm0, v28, v30  }
0x282: {  	v57 =	vld [tilespmem:$0x5C80];
	v29 =	vsel vm0, v29, v31;
	vm2 =	vmand vm14, vm15;
	v28 =	vsel vm10, v49, v28  }
0x283: {  	v55 =	vld [tilespmem:$0x5C60];
	v29 =	vsel vm10, v50, v29;
	vm7 =	vmor vm6, vm2;
	vm11 =	vgt.f32 v28, v36  }
0x284: {  	v56 =	vld [tilespmem:$0x5C70];
	vm12 =	veq.f32 v28, v36;
	vm13 =	vlt.s32 v29, v37;
	v59 =	vsel vm7, v51, v53  }
0x285: {  	v60 =	vsel vm7, v52, v54;
	v30 =	vsel vm7, v53, v51;
	vm1 =	vmand vm12, vm13  }
0x286: {  	v61 =	vld [tilespmem:$0x5CA0];
	v31 =	vsel vm7, v54, v52;
	vm12 =	vlt.s32 v58, v60;
	vm0 =	vmor vm11, vm1  }
0x287: {  	v63 =	vld [tilespmem:$0x5CC0];
	vm13 =	vgt.f32 v57, v59;
	vm11 =	veq.f32 v57, v59;
	v28 =	vsel vm0, v28, v36  }
0x288: {  	v62 =	vld [tilespmem:$0x5CB0];
	v29 =	vsel vm0, v29, v37;
	vm2 =	vmand vm11, vm12;
	v28 =	vsel vm7, v55, v28  }
0x289: {  	v42 =	vld [tilespmem:$0x5CD0];
	v29 =	vsel vm7, v56, v29;
	vm14 =	vmor vm13, vm2;
	vm8 =	vgt.f32 v28, v30  }
0x28a: {  	vm9 =	veq.f32 v28, v30;
	vm10 =	vlt.s32 v29, v31;
	v43 =	vsel vm14, v57, v59  }
0x28b: {  	v44 =	vsel vm14, v58, v60;
	v36 =	vsel vm14, v59, v57;
	vm1 =	vmand vm9, vm10  }
0x28c: {  	v37 =	vsel vm14, v60, v58;
	vm7 =	veq.f32 v63, v43;
	vm0 =	vmor vm8, vm1  }
0x28d: {  	v45 =	vld [tilespmem:$0x5CE0];
	vm9 =	vgt.f32 v63, v43;
	v28 =	vsel vm0, v28, v30;
	v29 =	vsel vm0, v29, v31  }
0x28e: {  	v46 =	vld [tilespmem:$0x5CF0];
	vm8 =	vlt.s32 v42, v44;
	v28 =	vsel vm14, v61, v28;
	v29 =	vsel vm14, v62, v29  }
0x28f: {  	v47 =	vld [tilespmem:$0x5D00];
	vm2 =	vmand vm7, vm8;
	vm5 =	veq.f32 v28, v36;
	vm6 =	vlt.s32 v29, v37  }
0x290: {  	v48 =	vld [tilespmem:$0x5D10];
	vm10 =	vmor vm9, vm2;
	vm15 =	vgt.f32 v28, v36;
	vm1 =	vmand vm5, vm6  }
0x291: {  	v49 =	vsel vm10, v63, v43;
	v50 =	vsel vm10, v42, v44;
	vm0 =	vmor vm15, vm1  }
0x292: {  	v51 =	vld [tilespmem:$0x5D20];
	v30 =	vsel vm10, v43, v63;
	v28 =	vsel vm0, v28, v36;
	v29 =	vsel vm0, v29, v37  }
0x293: {  	v52 =	vld [tilespmem:$0x5D30];
	v31 =	vsel vm10, v44, v42;
	v28 =	vsel vm10, v45, v28;
	v29 =	vsel vm10, v46, v29  }
0x294: {  	v53 =	vld [tilespmem:$0x5D40];
	vm14 =	veq.f32 v47, v49;
	vm12 =	veq.f32 v28, v30;
	vm13 =	vlt.s32 v29, v31  }
0x295: {  	v54 =	vld [tilespmem:$0x5D50];
	vm15 =	vlt.s32 v48, v50;
	vm11 =	vgt.f32 v28, v30;
	vm1 =	vmand vm12, vm13  }
0x296: {  	vm6 =	vgt.f32 v47, v49;
	vm2 =	vmand vm14, vm15;
	vm0 =	vmor vm11, vm1  }
0x297: {  	vm1 =	vmor vm6, vm2;
	v28 =	vsel vm0, v28, v30  }
0x298: {  	v29 =	vsel vm0, v29, v31;
	v55 =	vsel vm1, v47, v49;
	v56 =	vsel vm1, v49, v47  }
0x299: {  	v58 =	vld [tilespmem:$0x5D60];
	v57 =	vsel vm1, v50, v48;
	v59 =	vsel vm1, v48, v50;
	v28 =	vsel vm1, v51, v28  }
0x29a: {  	v60 =	vld [tilespmem:$0x5D70];
	v29 =	vsel vm1, v52, v29;
	vm9 =	veq.f32 v53, v55;
	vm10 =	vlt.s32 v54, v59  }
0x29b: {  	vm12 =	vgt.f32 v53, v55;
	vm7 =	veq.f32 v28, v56;
	vm8 =	vlt.s32 v29, v57  }
0x29c: {  	vm11 =	vgt.f32 v28, v56;
	vm1 =	vmand vm9, vm10;
	vm0 =	vmand vm7, vm8  }
0x29d: {  	vm1 =	vmor vm12, vm1;
	vm0 =	vmor vm11, vm0  }
0x29e: {  	v61 =	vsel vm1, v55, v53;
	v28 =	vsel vm0, v28, v56;
	v29 =	vsel vm0, v29, v57  }
0x29f: {  	v62 =	vsel vm1, v59, v54;
	v28 =	vsel vm1, v58, v28;
	v29 =	vsel vm1, v60, v29  }
0x2a0: {  	vm13 =	veq.f32 v28, v61;
	vm14 =	vlt.s32 v29, v62  }
0x2a1: {  	v30 =	vsel vm1, v53, v55;
	vm15 =	vgt.f32 v28, v61;
	vm0 =	vmand vm13, vm14  }
0x2a2: {  	v63 =	vsel vm1, v54, v59;
	[tilespmem:$0x5900] =	vst v30;
	vm0 =	vmor vm15, vm0  }
0x2a3: {  	[tilespmem:$0x5910] =	vst v63;
	v28 =	vsel vm0, v28, v61  }
0x2a4: {  	v29 =	vsel vm0, v29, v62;
	[tilespmem:$0x5920] =	vst v28  }
.Ltmp4:
0x2a5: {  	[tilespmem:$0x5930] =	vst v29;
	(pc) =	sbr.rel .LBB2_4-.Ltmp4, $4  }
0x2a6: {  	[spmem:s2] =	stream.linear.scatter [tilespmem:s12], [sflag:$0x1], $0x80, $0x38;
	[tilespmem:$0x5EC8] =	vst v63  }
0x2a7: {  	_ =	swait.ge [sflag:s5], $0x80  }
0x2a8: {  	[sflag:s5] =	ssyncset.done $0x0  }
0x2a9: {  	[sflag:s5] =	ssyncadd.s32 $0xFFFFFF80  }
.LBB2_5:
0x2aa: {  	_ =	sfence.sel $0x180000  }
0x2ab: {  	[bflag:$0x0] =	sbarrier.arrive $0xFFFF  }
0x2ac: {  	p0 =	sne.s32 s4, $0x0;
	_ =	strace $0x90000047  }
0x2ad: {  	s0 =	sadd.s32 @!p0 $0x100000, s0;
	[bflag:$0x2] =	sbarrier.arrive $0xFFFF  }
0x2ae: {  	[sflag:s0] =	ssyncadd.tile.s32 @!p0 $0x1;
	_ =	shalt  }
.Lfunc_end2:
_tile_overlayer_lowered:
.L_overlay_start_2:
0x2af: {  	(tag) =	ssettag $0x2  }
0x2b0: {  	s0 =	rddreg [dreg:$0x0];
	s2 =	stileid.u32  }
0x2b1: {  	s1 =	rddreg [dreg:$0x1];
	p0 =	sne.s32 s2, $0x0  }
0x2b2: {  	s3 =	rddreg [dreg:$0x2];
	[bflag:$0x3] =	sbarrier.arrive $0xFFFF;
	s2 =	simm.s32 @!p0 $0x1C01  }
0x2b3: {  	[timem:s3], [sflag:s2] =	dma.local @!p0 [hbm:s0], s1  }
0x2b4: {  	s0 =	simm.s32 @!p0 $0x1  }
0x2b5: {  	_ =	swait.ge @!p0 [sflag:s0], s1  }
0x2b6: {  	s1 =	ssub.s32 @!p0 $0x0, s1;
	[sflag:s0] =	ssyncset.done @!p0 $0x0  }
0x2b7: {  	[sflag:s0] =	ssyncadd.s32 @!p0 s1  }
0x2b8: {  	[bflag:$0x3] =	sbarrier.arrive $0xFFFF  }
0x2b9: {  	_ =	shalt  }

</sc_bundles>
